<compile_context>
chip_gen: v7x
topology: tpu7x:2x2x1
jax: 0.10.2.dev20260603
libtpu: 0.0.44.dev20260713+nightly
codegen_flags: <defaults>
</compile_context>

<pallas_src>
import functools
import jax
import jax.numpy as jnp
from jax import lax
from jax.experimental import pallas as pl
from jax.experimental.pallas import tpu as pltpu
from jax.experimental.pallas import tpu_sc as plsc

N = 10000
Q = 5000
B = 16
DIN = 128
K = 16
H = 128
L = 256

N_PAD = 10240
Q_PAD = 5120
TQ = 256
TN = 1024
N_CHUNKS = N_PAD // TN
N_TILES = Q_PAD // TQ
AUGD = 256

_BIGV = 3e38
_BIGI = 1.0e9


def _sc_gather_body(n_rows, n_chunk, table_hbm, idx_hbm, out_hbm,
                    idx_v, rows_v, sem):
    info = plsc.get_sparse_core_info()
    nw = info.num_cores * info.num_subcores
    b_per_w = n_rows // nw
    wid = lax.axis_index("s") * info.num_cores + lax.axis_index("c")
    base = wid * b_per_w

    def step(g, _):
        off = base + g * n_chunk
        pltpu.sync_copy(idx_hbm.at[pl.ds(off, n_chunk)], idx_v)
        pltpu.async_copy(table_hbm.at[idx_v], rows_v, sem).wait()
        pltpu.sync_copy(rows_v, out_hbm.at[pl.ds(off, n_chunk)])
        return _

    lax.fori_loop(0, b_per_w // n_chunk, step, 0)


def _sc_gather(table, idx, n_chunk, out_dtype=jnp.float32):
    n_rows = idx.shape[0]
    d = table.shape[1]
    mesh = plsc.VectorSubcoreMesh(core_axis_name="c", subcore_axis_name="s")
    kfn = functools.partial(
        pl.kernel,
        mesh=mesh,
        out_type=jax.ShapeDtypeStruct((n_rows, d), out_dtype),
        scratch_types=[
            pltpu.VMEM((n_chunk,), jnp.int32),
            pltpu.VMEM((n_chunk, d), out_dtype),
            pltpu.SemaphoreType.DMA,
        ],
    )(functools.partial(_sc_gather_body, n_rows, n_chunk))
    return kfn(table, idx)


def _sc_scatter_body(n_rows, n_chunk, rows_hbm, idx_hbm, out_hbm,
                     idx_v, rows_v, sem):
    info = plsc.get_sparse_core_info()
    nw = info.num_cores * info.num_subcores
    b_per_w = n_rows // nw
    wid = lax.axis_index("s") * info.num_cores + lax.axis_index("c")
    base = wid * b_per_w

    def step(g, _):
        off = base + g * n_chunk
        pltpu.sync_copy(idx_hbm.at[pl.ds(off, n_chunk)], idx_v)
        pltpu.sync_copy(rows_hbm.at[pl.ds(off, n_chunk)], rows_v)
        pltpu.async_copy(rows_v, out_hbm.at[idx_v], sem).wait()
        return _

    lax.fori_loop(0, b_per_w // n_chunk, step, 0)


def _sc_scatter(rows, idx, n_chunk):
    n_rows, d = rows.shape
    mesh = plsc.VectorSubcoreMesh(core_axis_name="c", subcore_axis_name="s")
    kfn = functools.partial(
        pl.kernel,
        mesh=mesh,
        out_type=jax.ShapeDtypeStruct((n_rows, d), rows.dtype),
        scratch_types=[
            pltpu.VMEM((n_chunk,), jnp.int32),
            pltpu.VMEM((n_chunk, d), rows.dtype),
            pltpu.SemaphoreType.DMA,
        ],
    )(functools.partial(_sc_scatter_body, n_rows, n_chunk))
    return kfn(rows, idx)



def _rank_body(qaug_ref, qbrow_ref, bcol_ref, rank_ref, segs_ref):
    i = pl.program_id(0)

    @pl.when(i == 0)
    def _():
        bio16 = lax.broadcasted_iota(jnp.int32, (1, B), 1).astype(jnp.float32)
        onehot_nb = (bcol_ref[:, 0:1] == bio16).astype(jnp.float32)
        cnt = jnp.sum(onehot_nb, axis=0, keepdims=True)
        r16 = lax.broadcasted_iota(jnp.int32, (B, B), 0)
        c16 = lax.broadcasted_iota(jnp.int32, (B, B), 1)
        ltb = (r16 < c16).astype(jnp.float32)
        cum = jnp.dot(cnt, ltb, preferred_element_type=jnp.float32)
        pad = jnp.zeros((1, 128 - B), jnp.float32)
        cnt128 = jnp.concatenate([cnt, pad], axis=1)
        cum128 = jnp.concatenate([cum, pad], axis=1)
        rio = lax.broadcasted_iota(jnp.int32, (8, 128), 0)
        segs_ref[...] = jnp.where(rio == 0,
                                  jnp.broadcast_to(cnt128, (8, 128)),
                                  jnp.where(rio == 1,
                                            jnp.broadcast_to(cum128, (8, 128)),
                                            0.0))

    qb = qaug_ref[:, DIN + 3:DIN + 4]
    qrow = qbrow_ref[0:1, :]
    less = jnp.sum((qrow < qb).astype(jnp.float32), axis=1, keepdims=True)
    colidx = lax.broadcasted_iota(jnp.int32, (1, Q_PAD), 1)
    before = colidx < i * TQ
    eq_before = jnp.sum(
        jnp.where(jnp.logical_and(qrow == qb, before), 1.0, 0.0),
        axis=1, keepdims=True)
    rr = lax.broadcasted_iota(jnp.int32, (TQ, TQ), 0)
    cc = lax.broadcasted_iota(jnp.int32, (TQ, TQ), 1)
    ltq = (cc < rr).astype(jnp.float32)
    bio = lax.broadcasted_iota(jnp.int32, (1, B), 1).astype(jnp.float32)
    onehot = (qb == bio).astype(jnp.float32)
    pref = jnp.dot(ltq, onehot, preferred_element_type=jnp.float32)
    eq_tile = jnp.sum(onehot * pref, axis=1, keepdims=True)
    rank = less + eq_before + eq_tile
    rank_ref[...] = rank.astype(jnp.int32)


def _rank(qaug, qbrow, bcol):
    return pl.pallas_call(
        _rank_body,
        grid=(N_TILES,),
        in_specs=[
            pl.BlockSpec((TQ, AUGD), lambda i: (i, 0)),
            pl.BlockSpec((8, Q_PAD), lambda i: (0, 0)),
            pl.BlockSpec((N_PAD, 8), lambda i: (0, 0)),
        ],
        out_specs=[
            pl.BlockSpec((TQ, 1), lambda i: (i, 0)),
            pl.BlockSpec((8, 128), lambda i: (0, 0)),
        ],
        out_shape=[
            jax.ShapeDtypeStruct((Q_PAD, 1), jnp.int32),
            jax.ShapeDtypeStruct((8, 128), jnp.float32),
        ],
    )(qaug, qbrow, bcol)


def _knn_body(qaug_ref, xyzt_ref, brow_ref, segs_ref, idx_ref):
    qx = qaug_ref[:, DIN:DIN + 1]
    qy = qaug_ref[:, DIN + 1:DIN + 2]
    qz = qaug_ref[:, DIN + 2:DIN + 3]
    qb = qaug_ref[:, DIN + 3:DIN + 4]

    kcol = lax.broadcasted_iota(jnp.int32, (1, K), 1)
    brow = brow_ref[0:1, :]

    bmin = jnp.min(qb)
    bmax = jnp.max(qb)
    bio16 = lax.broadcasted_iota(jnp.int32, (1, B), 1).astype(jnp.float32)
    cnt = segs_ref[0:1, 0:B]
    cum = segs_ref[1:2, 0:B]
    inb = jnp.logical_and(bio16 >= bmin, bio16 <= bmax)
    minlen = jnp.min(jnp.where(inb, cnt, _BIGV))
    start = jnp.sum(jnp.where(bio16 == bmin, cum, 0.0)).astype(jnp.int32)
    end = jnp.sum(jnp.where(bio16 == bmax, cum + cnt, 0.0)).astype(jnp.int32)
    narrow = minlen >= jnp.float32(K)
    c0 = jnp.where(narrow, start // TN, 0)
    c1 = jnp.where(narrow, (end + TN - 1) // TN, N_CHUNKS)

    def chunk_body(c, carry):
        bestv, besti = carry
        off = c * TN
        sx = xyzt_ref[0:1, pl.ds(off, TN)]
        sy = xyzt_ref[1:2, pl.ds(off, TN)]
        sz = xyzt_ref[2:3, pl.ds(off, TN)]
        sb = brow_ref[0:1, pl.ds(off, TN)]
        dx = qx - sx
        dy = qy - sy
        dz = qz - sz
        d2 = dx * dx + dy * dy
        d2 = d2 + dz * dz
        d2 = d2 + jnp.where(qb != sb, 1e9, 0.0)
        gidx = (off + lax.broadcasted_iota(jnp.int32, (1, TN), 1)).astype(
            jnp.float32)
        wv = jnp.concatenate([bestv, d2], axis=1)
        wi = jnp.concatenate([besti, jnp.broadcast_to(gidx, (TQ, TN))], axis=1)

        bv = jnp.full((TQ, K), _BIGV, jnp.float32)
        bi = jnp.full((TQ, K), -1.0, jnp.float32)
        for k in range(K):
            m = jnp.min(wv, axis=1, keepdims=True)
            ji = jnp.min(jnp.where(wv == m, wi, _BIGI), axis=1, keepdims=True)
            wv = jnp.where(wi == ji, _BIGV, wv)
            sel = kcol == k
            bv = jnp.where(sel, m, bv)
            bi = jnp.where(sel, ji, bi)
        return bv, bi

    bestv0 = jnp.full((TQ, K), _BIGV, jnp.float32)
    besti0 = jnp.full((TQ, K), -1.0, jnp.float32)
    _, besti = lax.fori_loop(c0, c1, chunk_body, (bestv0, besti0))
    idx_ref[...] = besti.astype(jnp.int32)


def _knn(qaug, xyzt, brow, segs):
    nq = qaug.shape[0]
    return pl.pallas_call(
        _knn_body,
        grid=(nq // TQ,),
        in_specs=[
            pl.BlockSpec((TQ, AUGD), lambda i: (i, 0)),
            pl.BlockSpec((8, N_PAD), lambda i: (0, 0)),
            pl.BlockSpec((8, N_PAD), lambda i: (0, 0)),
            pl.BlockSpec((8, 128), lambda i: (0, 0)),
        ],
        out_specs=pl.BlockSpec((TQ, K), lambda i: (i, 0)),
        out_shape=jax.ShapeDtypeStruct((nq, K), jnp.int32),
    )(qaug, xyzt, brow, segs)


def _head_body(qaug_ref, xj_ref, lang_ref, wl1_ref, bl1_ref, bng_ref, bnb_ref,
               wl2_ref, bl2_ref, we_ref, be_ref, wv1_ref, bv1_ref, lng_ref,
               lnb_ref, wv2_ref, bv2_ref, out_ref):
    l = jnp.dot(lang_ref[...], wl1_ref[...],
                preferred_element_type=jnp.float32) + bl1_ref[...]
    l = l / jnp.sqrt(1.0 + 1e-5) * bng_ref[...] + bnb_ref[...]
    l = jnp.maximum(l, 0.0)
    l = jnp.dot(l, wl2_ref[...],
                preferred_element_type=jnp.float32) + bl2_ref[...]

    x_i = qaug_ref[:, 0:DIN]
    qb = qaug_ref[:, DIN + 3:DIN + 4]

    we = we_ref[...]
    be = be_ref[...]
    g = jnp.full((TQ, H), -_BIGV, jnp.float32)
    for k in range(K):
        xj = xj_ref[k]
        e = jnp.concatenate([x_i, xj - x_i], axis=1)
        h = jnp.dot(e, we, preferred_element_type=jnp.float32) + be
        g = jnp.maximum(g, jnp.maximum(h, 0.0))

    v = jnp.dot(g, wv1_ref[...],
                preferred_element_type=jnp.float32) + bv1_ref[...]
    mu = jnp.mean(v, axis=1, keepdims=True)
    var = jnp.mean((v - mu) * (v - mu), axis=1, keepdims=True)
    v = (v - mu) / jnp.sqrt(var + 1e-5) * lng_ref[...] + lnb_ref[...]
    v = jnp.maximum(v, 0.0)
    v = jnp.dot(v, wv2_ref[...],
                preferred_element_type=jnp.float32) + bv2_ref[...]

    bio = lax.broadcasted_iota(jnp.int32, (1, B), 1).astype(jnp.float32)
    onehot = (qb == bio).astype(jnp.float32)
    lq = jnp.dot(onehot, l, preferred_element_type=jnp.float32)

    num = jnp.sum(v * lq, axis=1, keepdims=True)
    nv = jnp.sqrt(jnp.sum(v * v, axis=1, keepdims=True))
    nl = jnp.sqrt(jnp.sum(lq * lq, axis=1, keepdims=True))
    den = jnp.maximum(nv * nl, 1e-8)
    out_ref[...] = jnp.broadcast_to(num / den, (TQ, 128))


def _head(qaug, xj3, lang, wl1, bl1, bng, bnb, wl2, bl2, we, be, wv1, bv1,
          lng, lnb, wv2, bv2):
    nq = qaug.shape[0]
    full = lambda shape: pl.BlockSpec(shape, lambda i: tuple(0 for _ in shape))
    return pl.pallas_call(
        _head_body,
        grid=(nq // TQ,),
        in_specs=[
            pl.BlockSpec((TQ, AUGD), lambda i: (i, 0)),
            pl.BlockSpec((K, TQ, DIN), lambda i: (0, i, 0)),
            full((B, L)),
            full((L, H)), full((1, H)), full((1, H)), full((1, H)),
            full((H, H)), full((1, H)),
            full((2 * DIN, H)), full((1, H)),
            full((H, H)), full((1, H)), full((1, H)), full((1, H)),
            full((H, H)), full((1, H)),
        ],
        out_specs=pl.BlockSpec((TQ, 128), lambda i: (i, 0)),
        out_shape=jax.ShapeDtypeStruct((nq, 128), jnp.float32),
    )(qaug, xj3, lang, wl1, bl1, bng, bnb, wl2, bl2, we, be, wv1, bv1,
      lng, lnb, wv2, bv2)


def kernel(support_xyz, batch_index, filtered_index, feats, lang_rel_feats,
           W_l1, b_l1, bn_g, bn_b, W_l2, b_l2,
           W_e, b_e, W_v1, b_v1, ln_g, ln_b, W_v2, b_v2):
    batch_index = batch_index.astype(jnp.int32)
    filtered_index = filtered_index.astype(jnp.int32)

    aug = jnp.concatenate([
        feats,
        support_xyz,
        batch_index[:, None].astype(jnp.float32),
        jnp.zeros((N, AUGD - DIN - 4), jnp.float32),
    ], axis=1)

    fi_pad = jnp.concatenate(
        [filtered_index, jnp.zeros((Q_PAD - Q,), jnp.int32)])

    qaug = _sc_gather(aug, fi_pad, 160)

    qbrow = jnp.broadcast_to(qaug[:, DIN + 3:DIN + 4].T, (8, Q_PAD))
    bcol = jnp.full((N_PAD, 8), 99.0, jnp.float32)
    bcol = bcol.at[0:N, 0].set(batch_index.astype(jnp.float32))
    rank, segs = _rank(qaug, qbrow, bcol)
    rank_flat = rank.reshape(-1)
    qaug_s = _sc_scatter(qaug, rank_flat, 80)

    xyzt = jnp.full((8, N_PAD), 1e5, jnp.float32)
    xyzt = xyzt.at[0:3, 0:N].set(support_xyz.T)
    brow = jnp.full((8, N_PAD), 99.0, jnp.float32)
    brow = brow.at[0, 0:N].set(batch_index.astype(jnp.float32))

    half = Q_PAD // 4
    scores_halves = []
    for hh in range(4):
        qh = qaug_s[hh * half:(hh + 1) * half]
        idx_h = _knn(qh, xyzt, brow, segs)
        idxf_h = idx_h.T.reshape(-1)
        xj_h = _sc_gather(feats, idxf_h, 320)
        xj3_h = xj_h.reshape(K, half, DIN)
        scores_halves.append(
            _head(qh, xj3_h, lang_rel_feats, W_l1, b_l1[None, :],
                  bn_g[None, :], bn_b[None, :], W_l2, b_l2[None, :],
                  W_e, b_e[None, :], W_v1, b_v1[None, :], ln_g[None, :],
                  ln_b[None, :], W_v2, b_v2[None, :]))
    scores_t = jnp.concatenate(scores_halves, axis=0)

    scores = _sc_gather(scores_t, rank_flat, 160)
    return scores[:Q, 0]

# --- scband reference (transcript-rebuilt; emitter-appended) ---
"""Pipeline reference for scband-relation-module-14594298871914 (READ-ONLY COPY).

The authoritative reference and input builder live on the scoring server;
editing this copy changes nothing except your own understanding.
"""

import jax, jax.numpy as jnp
import numpy as np

N = 10000
Q = 5000
B = 16
DIN = 128
K = 16
H = 128
L = 256


def setup_inputs(seed: int = 0) -> dict:
    key = jax.random.key(seed)
    ks = jax.random.split(key, 20)
    s = 0.05
    inp = {
        "support_xyz": jax.random.uniform(ks[0], (N, 3), dtype=jnp.float32),
        "batch_index": jnp.sort(jax.random.randint(ks[1], (N,), 0, B, dtype=jnp.int64)),
        "filtered_index": jax.random.randint(ks[2], (Q,), 0, N, dtype=jnp.int64),
        "feats": jax.random.normal(ks[3], (N, DIN), dtype=jnp.float32),
        "lang_rel_feats": jax.random.normal(ks[4], (B, L), dtype=jnp.float32),
        "W_l1": jax.random.normal(ks[5], (L, H), dtype=jnp.float32) * s,
        "b_l1": jnp.zeros((H,), jnp.float32),
        "bn_g": jnp.ones((H,), jnp.float32),
        "bn_b": jnp.zeros((H,), jnp.float32),
        "W_l2": jax.random.normal(ks[6], (H, H), dtype=jnp.float32) * s,
        "b_l2": jnp.zeros((H,), jnp.float32),
        "W_e": jax.random.normal(ks[7], (2 * DIN, H), dtype=jnp.float32) * s,
        "b_e": jnp.zeros((H,), jnp.float32),
        "W_v1": jax.random.normal(ks[8], (H, H), dtype=jnp.float32) * s,
        "b_v1": jnp.zeros((H,), jnp.float32),
        "ln_g": jnp.ones((H,), jnp.float32),
        "ln_b": jnp.zeros((H,), jnp.float32),
        "W_v2": jax.random.normal(ks[9], (H, H), dtype=jnp.float32) * s,
        "b_v2": jnp.zeros((H,), jnp.float32),
    }
    return inp


def reference(support_xyz, batch_index, filtered_index, feats, lang_rel_feats,
              W_l1, b_l1, bn_g, bn_b, W_l2, b_l2,
              W_e, b_e, W_v1, b_v1, ln_g, ln_b, W_v2, b_v2):
    # lang_emb_fc: Linear -> BatchNorm1d (eval, running mean 0 / var 1) -> ReLU -> Dropout(eval) -> Linear
    l = lang_rel_feats @ W_l1 + b_l1
    l = l / jnp.sqrt(1.0 + 1e-5) * bn_g + bn_b
    l = jax.nn.relu(l)
    l = l @ W_l2 + b_l2  # [B, H]

    # DynamicEdgeConv: batch-masked kNN on support_xyz for filtered query objects
    q_xyz = support_xyz[filtered_index]              # [Q, 3] gather
    d2 = jnp.sum((q_xyz[:, None, :] - support_xyz[None, :, :]) ** 2, axis=-1)  # [Q, N]
    qb = batch_index[filtered_index]                 # [Q] gather
    d2 = d2 + 1e9 * (qb[:, None] != batch_index[None, :]).astype(d2.dtype)
    _, idx = jax.lax.top_k(-d2, K)                   # [Q, K] nearest neighbors

    x_i = feats[filtered_index]                      # [Q, DIN] gather
    x_j = feats[idx]                                 # [Q, K, DIN] gather
    edge = jnp.concatenate(
        [jnp.broadcast_to(x_i[:, None, :], x_j.shape), x_j - x_i[:, None, :]], axis=-1)
    h = jax.nn.relu(edge @ W_e + b_e)                # [Q, K, H]
    g = jnp.max(h, axis=1)                           # [Q, H] max aggregation

    # vis_emb_fc: Linear -> LayerNorm -> ReLU -> Dropout(eval) -> Linear
    v = g @ W_v1 + b_v1
    mu = jnp.mean(v, axis=-1, keepdims=True)
    var = jnp.var(v, axis=-1, keepdims=True)
    v = (v - mu) / jnp.sqrt(var + 1e-5) * ln_g + ln_b
    v = jax.nn.relu(v)
    v = v @ W_v2 + b_v2                              # [Q, H]

    lq = l[qb]                                       # [Q, H] gather per-scene lang feat
    num = jnp.sum(v * lq, axis=-1)
    den = jnp.maximum(jnp.linalg.norm(v, axis=-1) * jnp.linalg.norm(lq, axis=-1), 1e-8)
    scores = num / den                               # [Q] cosine similarity
    return scores

if __name__ == "__main__":
    import jax
    _d = setup_inputs()
    print(jax.jit(kernel)(*tuple(_d.values())))

</pallas_src>

<mosaic_0001>
#map = affine_map<(d0, d1) -> (0, 0)>
#map1 = affine_map<(d0, d1) -> (0)>
module attributes {stable_mosaic.version = 14 : i64} {
  func.func @_sc_gather_body(%arg0: i32, %arg1: i32, %arg2: memref<10000x256xf32, #tpu.memory_space<hbm>>, %arg3: memref<5120xi32, #tpu.memory_space<hbm>>, %arg4: memref<5120x256xf32, #tpu.memory_space<hbm>>, %arg5: memref<160xi32, #tpu.memory_space<vmem>>, %arg6: memref<160x256xf32, #tpu.memory_space<vmem>>, %arg7: memref<!tpu.dma_semaphore, #tpu.memory_space<semaphore_mem>>) attributes {dimension_semantics = [#tpu.dimension_semantics<core_parallel>, #tpu.dimension_semantics<subcore_parallel>], iteration_bounds = array<i64: 2, 16>, scalar_prefetch = 0 : i64, scratch_operands = 3 : i64, tpu.core_type = #tpu.core_type<sc_vector_subcore>, window_params = [{transform_indices = #map}, {transform_indices = #map1}, {transform_indices = #map}]} {
    %mul3A = arith.constant 2 : i32
    %mul3A_0 = arith.muli %arg1, %mul3A : i32
    %add3A = arith.addi %mul3A_0, %arg0 : i32
    %mul3A_1 = arith.constant 160 : i32
    %mul3A_2 = arith.muli %add3A, %mul3A_1 : i32
    %scan3A = arith.constant 0 : i32
    %scan3A_3 = arith.constant 0 : i32
    %mul3A_4 = arith.constant 160 : i32
    %mul3A_5 = arith.muli %scan3A_3, %mul3A_4 : i32
    %add3A_6 = arith.addi %mul3A_2, %mul3A_5 : i32
    "tpu.region"() ({
      %run_scoped3A = tpu.sem_alloc : memref<!tpu.dma_semaphore, #tpu.memory_space<semaphore_mem>>
      %dma_start3A_12 = tpu.memref_slice %arg3[%add3A_6] : memref<5120xi32, #tpu.memory_space<hbm>> -> memref<160xi32, #tpu.memory_space<hbm>>
      %dma_start3A_13 = tpu.memref_slice %arg3[%add3A_6] : memref<5120xi32, #tpu.memory_space<hbm>> -> memref<160xi32, #tpu.memory_space<hbm>>
      tpu.enqueue_dma source(%dma_start3A_13 : memref<160xi32, #tpu.memory_space<hbm>>) target(%arg5 : memref<160xi32, #tpu.memory_space<vmem>>) target_semaphore(%run_scoped3A : memref<!tpu.dma_semaphore, #tpu.memory_space<semaphore_mem>>)
      %dma_wait3A_14 = tpu.memref_slice %arg3[%add3A_6] : memref<5120xi32, #tpu.memory_space<hbm>> -> memref<160xi32, #tpu.memory_space<hbm>>
      %dma_wait3A_15 = tpu.memref_slice %arg3[%add3A_6] : memref<5120xi32, #tpu.memory_space<hbm>> -> memref<160xi32, #tpu.memory_space<hbm>>
      tpu.wait_dma2 semaphore(%run_scoped3A : memref<!tpu.dma_semaphore, #tpu.memory_space<semaphore_mem>>) src(%dma_wait3A_15 : memref<160xi32, #tpu.memory_space<hbm>>) dst(%arg5 : memref<160xi32, #tpu.memory_space<vmem>>)
      tpu.yield
    }) : () -> ()
    %dma_start3A = arith.constant 0 : i32
    %dma_start3A_7 = arith.constant 0 : i32
    %dma_start3A_8 = tpu.memref_slice %arg2[%dma_start3A, %dma_start3A_7] : memref<10000x256xf32, #tpu.memory_space<hbm>> -> memref<10000x256xf32, #tpu.memory_space<hbm>>
    tpu.enqueue_indirect_dma source(%dma_start3A_8 : memref<10000x256xf32, #tpu.memory_space<hbm>>) target(%arg6 : memref<160x256xf32, #tpu.memory_space<vmem>>) offsets(%arg5 : memref<160xi32, #tpu.memory_space<vmem>>) semaphore(%arg7 : memref<!tpu.dma_semaphore, #tpu.memory_space<semaphore_mem>>)
    %dma_wait3A = arith.constant 0 : i32
    %dma_wait3A_9 = arith.constant 0 : i32
    %dma_wait3A_10 = tpu.memref_slice %arg2[%dma_wait3A, %dma_wait3A_9] : memref<10000x256xf32, #tpu.memory_space<hbm>> -> memref<10000x256xf32, #tpu.memory_space<hbm>>
    tpu.wait_indirect_dma semaphore(%arg7 : memref<!tpu.dma_semaphore, #tpu.memory_space<semaphore_mem>>) src(%dma_wait3A_10 : memref<10000x256xf32, #tpu.memory_space<hbm>>) dst(%arg6 : memref<160x256xf32, #tpu.memory_space<vmem>>)
    "tpu.region"() ({
      %run_scoped3A = tpu.sem_alloc : memref<!tpu.dma_semaphore, #tpu.memory_space<semaphore_mem>>
      %dma_start3A_12 = arith.constant 0 : i32
      %dma_start3A_13 = tpu.memref_slice %arg4[%add3A_6, %dma_start3A_12] : memref<5120x256xf32, #tpu.memory_space<hbm>> -> memref<160x256xf32, #tpu.memory_space<hbm>>
      %dma_start3A_14 = arith.constant 0 : i32
      %dma_start3A_15 = tpu.memref_slice %arg4[%add3A_6, %dma_start3A_14] : memref<5120x256xf32, #tpu.memory_space<hbm>> -> memref<160x256xf32, #tpu.memory_space<hbm>>
      tpu.enqueue_dma source(%arg6 : memref<160x256xf32, #tpu.memory_space<vmem>>) target(%dma_start3A_15 : memref<160x256xf32, #tpu.memory_space<hbm>>) target_semaphore(%run_scoped3A : memref<!tpu.dma_semaphore, #tpu.memory_space<semaphore_mem>>)
      %dma_wait3A_16 = arith.constant 0 : i32
      %dma_wait3A_17 = tpu.memref_slice %arg4[%add3A_6, %dma_wait3A_16] : memref<5120x256xf32, #tpu.memory_space<hbm>> -> memref<160x256xf32, #tpu.memory_space<hbm>>
      %dma_wait3A_18 = arith.constant 0 : i32
      %dma_wait3A_19 = tpu.memref_slice %arg4[%add3A_6, %dma_wait3A_18] : memref<5120x256xf32, #tpu.memory_space<hbm>> -> memref<160x256xf32, #tpu.memory_space<hbm>>
      tpu.wait_dma2 semaphore(%run_scoped3A : memref<!tpu.dma_semaphore, #tpu.memory_space<semaphore_mem>>) src(%arg6 : memref<160x256xf32, #tpu.memory_space<vmem>>) dst(%dma_wait3A_19 : memref<160x256xf32, #tpu.memory_space<hbm>>)
      tpu.yield
    }) : () -> ()
    %scan3A_11 = arith.constant 1 : i32
    return
  }
}

#map = affine_map<(d0, d1) -> (0, 0)>
#map1 = affine_map<(d0, d1) -> (0)>
module attributes {stable_mosaic.version = 14 : i64} {
  func.func @_sc_scatter_body(%arg0: i32, %arg1: i32, %arg2: memref<5120x256xf32, #tpu.memory_space<hbm>>, %arg3: memref<5120xi32, #tpu.memory_space<hbm>>, %arg4: memref<5120x256xf32, #tpu.memory_space<hbm>>, %arg5: memref<80xi32, #tpu.memory_space<vmem>>, %arg6: memref<80x256xf32, #tpu.memory_space<vmem>>, %arg7: memref<!tpu.dma_semaphore, #tpu.memory_space<semaphore_mem>>) attributes {dimension_semantics = [#tpu.dimension_semantics<core_parallel>, #tpu.dimension_semantics<subcore_parallel>], iteration_bounds = array<i64: 2, 16>, scalar_prefetch = 0 : i64, scratch_operands = 3 : i64, tpu.core_type = #tpu.core_type<sc_vector_subcore>, window_params = [{transform_indices = #map}, {transform_indices = #map1}, {transform_indices = #map}]} {
    %mul3A = arith.constant 2 : i32
    %mul3A_0 = arith.muli %arg1, %mul3A : i32
    %add3A = arith.addi %mul3A_0, %arg0 : i32
    %mul3A_1 = arith.constant 160 : i32
    %mul3A_2 = arith.muli %add3A, %mul3A_1 : i32
    %scan3A = arith.constant 0 : i32
    %scan3A_3 = arith.constant 0 : i32
    %scan3A_4 = arith.constant 2 : i32
    %scan3A_5 = arith.addi %scan3A_3, %scan3A_4 : i32
    %scan3A_6 = arith.constant 1 : i32
    scf.for %scan3A_8 = %scan3A_3 to %scan3A_5 step %scan3A_6  : i32 {
      %mul3A_9 = arith.constant 80 : i32
      %mul3A_10 = arith.muli %scan3A_8, %mul3A_9 : i32
      %add3A_11 = arith.addi %mul3A_2, %mul3A_10 : i32
      "tpu.region"() ({
        %run_scoped3A = tpu.sem_alloc : memref<!tpu.dma_semaphore, #tpu.memory_space<semaphore_mem>>
        %dma_start3A_16 = tpu.memref_slice %arg3[%add3A_11] : memref<5120xi32, #tpu.memory_space<hbm>> -> memref<80xi32, #tpu.memory_space<hbm>>
        %dma_start3A_17 = tpu.memref_slice %arg3[%add3A_11] : memref<5120xi32, #tpu.memory_space<hbm>> -> memref<80xi32, #tpu.memory_space<hbm>>
        tpu.enqueue_dma source(%dma_start3A_17 : memref<80xi32, #tpu.memory_space<hbm>>) target(%arg5 : memref<80xi32, #tpu.memory_space<vmem>>) target_semaphore(%run_scoped3A : memref<!tpu.dma_semaphore, #tpu.memory_space<semaphore_mem>>)
        %dma_wait3A_18 = tpu.memref_slice %arg3[%add3A_11] : memref<5120xi32, #tpu.memory_space<hbm>> -> memref<80xi32, #tpu.memory_space<hbm>>
        %dma_wait3A_19 = tpu.memref_slice %arg3[%add3A_11] : memref<5120xi32, #tpu.memory_space<hbm>> -> memref<80xi32, #tpu.memory_space<hbm>>
        tpu.wait_dma2 semaphore(%run_scoped3A : memref<!tpu.dma_semaphore, #tpu.memory_space<semaphore_mem>>) src(%dma_wait3A_19 : memref<80xi32, #tpu.memory_space<hbm>>) dst(%arg5 : memref<80xi32, #tpu.memory_space<vmem>>)
        tpu.yield
      }) : () -> ()
      "tpu.region"() ({
        %run_scoped3A = tpu.sem_alloc : memref<!tpu.dma_semaphore, #tpu.memory_space<semaphore_mem>>
        %dma_start3A_16 = arith.constant 0 : i32
        %dma_start3A_17 = tpu.memref_slice %arg2[%add3A_11, %dma_start3A_16] : memref<5120x256xf32, #tpu.memory_space<hbm>> -> memref<80x256xf32, #tpu.memory_space<hbm>>
        %dma_start3A_18 = arith.constant 0 : i32
        %dma_start3A_19 = tpu.memref_slice %arg2[%add3A_11, %dma_start3A_18] : memref<5120x256xf32, #tpu.memory_space<hbm>> -> memref<80x256xf32, #tpu.memory_space<hbm>>
        tpu.enqueue_dma source(%dma_start3A_19 : memref<80x256xf32, #tpu.memory_space<hbm>>) target(%arg6 : memref<80x256xf32, #tpu.memory_space<vmem>>) target_semaphore(%run_scoped3A : memref<!tpu.dma_semaphore, #tpu.memory_space<semaphore_mem>>)
        %dma_wait3A_20 = arith.constant 0 : i32
        %dma_wait3A_21 = tpu.memref_slice %arg2[%add3A_11, %dma_wait3A_20] : memref<5120x256xf32, #tpu.memory_space<hbm>> -> memref<80x256xf32, #tpu.memory_space<hbm>>
        %dma_wait3A_22 = arith.constant 0 : i32
        %dma_wait3A_23 = tpu.memref_slice %arg2[%add3A_11, %dma_wait3A_22] : memref<5120x256xf32, #tpu.memory_space<hbm>> -> memref<80x256xf32, #tpu.memory_space<hbm>>
        tpu.wait_dma2 semaphore(%run_scoped3A : memref<!tpu.dma_semaphore, #tpu.memory_space<semaphore_mem>>) src(%dma_wait3A_23 : memref<80x256xf32, #tpu.memory_space<hbm>>) dst(%arg6 : memref<80x256xf32, #tpu.memory_space<vmem>>)
        tpu.yield
      }) : () -> ()
      %dma_start3A = arith.constant 0 : i32
      %dma_start3A_12 = arith.constant 0 : i32
      %dma_start3A_13 = tpu.memref_slice %arg4[%dma_start3A, %dma_start3A_12] : memref<5120x256xf32, #tpu.memory_space<hbm>> -> memref<5120x256xf32, #tpu.memory_space<hbm>>
      tpu.enqueue_indirect_dma source(%arg6 : memref<80x256xf32, #tpu.memory_space<vmem>>) target(%dma_start3A_13 : memref<5120x256xf32, #tpu.memory_space<hbm>>) offsets(%arg5 : memref<80xi32, #tpu.memory_space<vmem>>) semaphore(%arg7 : memref<!tpu.dma_semaphore, #tpu.memory_space<semaphore_mem>>)
      %dma_wait3A = arith.constant 0 : i32
      %dma_wait3A_14 = arith.constant 0 : i32
      %dma_wait3A_15 = tpu.memref_slice %arg4[%dma_wait3A, %dma_wait3A_14] : memref<5120x256xf32, #tpu.memory_space<hbm>> -> memref<5120x256xf32, #tpu.memory_space<hbm>>
      tpu.wait_indirect_dma semaphore(%arg7 : memref<!tpu.dma_semaphore, #tpu.memory_space<semaphore_mem>>) src(%arg6 : memref<80x256xf32, #tpu.memory_space<vmem>>) dst(%dma_wait3A_15 : memref<5120x256xf32, #tpu.memory_space<hbm>>)
    }
    %scan3A_7 = arith.constant 2 : i32
    return
  }
}

#map = affine_map<(d0, d1) -> (0, 0)>
#map1 = affine_map<(d0, d1) -> (0)>
module attributes {stable_mosaic.version = 14 : i64} {
  func.func @_sc_gather_body(%arg0: i32, %arg1: i32, %arg2: memref<10000x128xf32, #tpu.memory_space<hbm>>, %arg3: memref<20480xi32, #tpu.memory_space<hbm>>, %arg4: memref<20480x128xf32, #tpu.memory_space<hbm>>, %arg5: memref<320xi32, #tpu.memory_space<vmem>>, %arg6: memref<320x128xf32, #tpu.memory_space<vmem>>, %arg7: memref<!tpu.dma_semaphore, #tpu.memory_space<semaphore_mem>>) attributes {dimension_semantics = [#tpu.dimension_semantics<core_parallel>, #tpu.dimension_semantics<subcore_parallel>], iteration_bounds = array<i64: 2, 16>, scalar_prefetch = 0 : i64, scratch_operands = 3 : i64, tpu.core_type = #tpu.core_type<sc_vector_subcore>, window_params = [{transform_indices = #map}, {transform_indices = #map1}, {transform_indices = #map}]} {
    %mul3A = arith.constant 2 : i32
    %mul3A_0 = arith.muli %arg1, %mul3A : i32
    %add3A = arith.addi %mul3A_0, %arg0 : i32
    %mul3A_1 = arith.constant 640 : i32
    %mul3A_2 = arith.muli %add3A, %mul3A_1 : i32
    %scan3A = arith.constant 0 : i32
    %scan3A_3 = arith.constant 0 : i32
    %scan3A_4 = arith.constant 2 : i32
    %scan3A_5 = arith.addi %scan3A_3, %scan3A_4 : i32
    %scan3A_6 = arith.constant 1 : i32
    scf.for %scan3A_8 = %scan3A_3 to %scan3A_5 step %scan3A_6  : i32 {
      %mul3A_9 = arith.constant 320 : i32
      %mul3A_10 = arith.muli %scan3A_8, %mul3A_9 : i32
      %add3A_11 = arith.addi %mul3A_2, %mul3A_10 : i32
      "tpu.region"() ({
        %run_scoped3A = tpu.sem_alloc : memref<!tpu.dma_semaphore, #tpu.memory_space<semaphore_mem>>
        %dma_start3A_16 = tpu.memref_slice %arg3[%add3A_11] : memref<20480xi32, #tpu.memory_space<hbm>> -> memref<320xi32, #tpu.memory_space<hbm>>
        %dma_start3A_17 = tpu.memref_slice %arg3[%add3A_11] : memref<20480xi32, #tpu.memory_space<hbm>> -> memref<320xi32, #tpu.memory_space<hbm>>
        tpu.enqueue_dma source(%dma_start3A_17 : memref<320xi32, #tpu.memory_space<hbm>>) target(%arg5 : memref<320xi32, #tpu.memory_space<vmem>>) target_semaphore(%run_scoped3A : memref<!tpu.dma_semaphore, #tpu.memory_space<semaphore_mem>>)
        %dma_wait3A_18 = tpu.memref_slice %arg3[%add3A_11] : memref<20480xi32, #tpu.memory_space<hbm>> -> memref<320xi32, #tpu.memory_space<hbm>>
        %dma_wait3A_19 = tpu.memref_slice %arg3[%add3A_11] : memref<20480xi32, #tpu.memory_space<hbm>> -> memref<320xi32, #tpu.memory_space<hbm>>
        tpu.wait_dma2 semaphore(%run_scoped3A : memref<!tpu.dma_semaphore, #tpu.memory_space<semaphore_mem>>) src(%dma_wait3A_19 : memref<320xi32, #tpu.memory_space<hbm>>) dst(%arg5 : memref<320xi32, #tpu.memory_space<vmem>>)
        tpu.yield
      }) : () -> ()
      %dma_start3A = arith.constant 0 : i32
      %dma_start3A_12 = arith.constant 0 : i32
      %dma_start3A_13 = tpu.memref_slice %arg2[%dma_start3A, %dma_start3A_12] : memref<10000x128xf32, #tpu.memory_space<hbm>> -> memref<10000x128xf32, #tpu.memory_space<hbm>>
      tpu.enqueue_indirect_dma source(%dma_start3A_13 : memref<10000x128xf32, #tpu.memory_space<hbm>>) target(%arg6 : memref<320x128xf32, #tpu.memory_space<vmem>>) offsets(%arg5 : memref<320xi32, #tpu.memory_space<vmem>>) semaphore(%arg7 : memref<!tpu.dma_semaphore, #tpu.memory_space<semaphore_mem>>)
      %dma_wait3A = arith.constant 0 : i32
      %dma_wait3A_14 = arith.constant 0 : i32
      %dma_wait3A_15 = tpu.memref_slice %arg2[%dma_wait3A, %dma_wait3A_14] : memref<10000x128xf32, #tpu.memory_space<hbm>> -> memref<10000x128xf32, #tpu.memory_space<hbm>>
      tpu.wait_indirect_dma semaphore(%arg7 : memref<!tpu.dma_semaphore, #tpu.memory_space<semaphore_mem>>) src(%dma_wait3A_15 : memref<10000x128xf32, #tpu.memory_space<hbm>>) dst(%arg6 : memref<320x128xf32, #tpu.memory_space<vmem>>)
      "tpu.region"() ({
        %run_scoped3A = tpu.sem_alloc : memref<!tpu.dma_semaphore, #tpu.memory_space<semaphore_mem>>
        %dma_start3A_16 = arith.constant 0 : i32
        %dma_start3A_17 = tpu.memref_slice %arg4[%add3A_11, %dma_start3A_16] : memref<20480x128xf32, #tpu.memory_space<hbm>> -> memref<320x128xf32, #tpu.memory_space<hbm>>
        %dma_start3A_18 = arith.constant 0 : i32
        %dma_start3A_19 = tpu.memref_slice %arg4[%add3A_11, %dma_start3A_18] : memref<20480x128xf32, #tpu.memory_space<hbm>> -> memref<320x128xf32, #tpu.memory_space<hbm>>
        tpu.enqueue_dma source(%arg6 : memref<320x128xf32, #tpu.memory_space<vmem>>) target(%dma_start3A_19 : memref<320x128xf32, #tpu.memory_space<hbm>>) target_semaphore(%run_scoped3A : memref<!tpu.dma_semaphore, #tpu.memory_space<semaphore_mem>>)
        %dma_wait3A_20 = arith.constant 0 : i32
        %dma_wait3A_21 = tpu.memref_slice %arg4[%add3A_11, %dma_wait3A_20] : memref<20480x128xf32, #tpu.memory_space<hbm>> -> memref<320x128xf32, #tpu.memory_space<hbm>>
        %dma_wait3A_22 = arith.constant 0 : i32
        %dma_wait3A_23 = tpu.memref_slice %arg4[%add3A_11, %dma_wait3A_22] : memref<20480x128xf32, #tpu.memory_space<hbm>> -> memref<320x128xf32, #tpu.memory_space<hbm>>
        tpu.wait_dma2 semaphore(%run_scoped3A : memref<!tpu.dma_semaphore, #tpu.memory_space<semaphore_mem>>) src(%arg6 : memref<320x128xf32, #tpu.memory_space<vmem>>) dst(%dma_wait3A_23 : memref<320x128xf32, #tpu.memory_space<hbm>>)
        tpu.yield
      }) : () -> ()
    }
    %scan3A_7 = arith.constant 2 : i32
    return
  }
}

#map = affine_map<(d0, d1) -> (0, 0)>
#map1 = affine_map<(d0, d1) -> (0)>
module attributes {stable_mosaic.version = 14 : i64} {
  func.func @_sc_gather_body(%arg0: i32, %arg1: i32, %arg2: memref<10000x128xf32, #tpu.memory_space<hbm>>, %arg3: memref<20480xi32, #tpu.memory_space<hbm>>, %arg4: memref<20480x128xf32, #tpu.memory_space<hbm>>, %arg5: memref<320xi32, #tpu.memory_space<vmem>>, %arg6: memref<320x128xf32, #tpu.memory_space<vmem>>, %arg7: memref<!tpu.dma_semaphore, #tpu.memory_space<semaphore_mem>>) attributes {dimension_semantics = [#tpu.dimension_semantics<core_parallel>, #tpu.dimension_semantics<subcore_parallel>], iteration_bounds = array<i64: 2, 16>, scalar_prefetch = 0 : i64, scratch_operands = 3 : i64, tpu.core_type = #tpu.core_type<sc_vector_subcore>, window_params = [{transform_indices = #map}, {transform_indices = #map1}, {transform_indices = #map}]} {
    %mul3A = arith.constant 2 : i32
    %mul3A_0 = arith.muli %arg1, %mul3A : i32
    %add3A = arith.addi %mul3A_0, %arg0 : i32
    %mul3A_1 = arith.constant 640 : i32
    %mul3A_2 = arith.muli %add3A, %mul3A_1 : i32
    %scan3A = arith.constant 0 : i32
    %scan3A_3 = arith.constant 0 : i32
    %scan3A_4 = arith.constant 2 : i32
    %scan3A_5 = arith.addi %scan3A_3, %scan3A_4 : i32
    %scan3A_6 = arith.constant 1 : i32
    scf.for %scan3A_8 = %scan3A_3 to %scan3A_5 step %scan3A_6  : i32 {
      %mul3A_9 = arith.constant 320 : i32
      %mul3A_10 = arith.muli %scan3A_8, %mul3A_9 : i32
      %add3A_11 = arith.addi %mul3A_2, %mul3A_10 : i32
      "tpu.region"() ({
        %run_scoped3A = tpu.sem_alloc : memref<!tpu.dma_semaphore, #tpu.memory_space<semaphore_mem>>
        %dma_start3A_16 = tpu.memref_slice %arg3[%add3A_11] : memref<20480xi32, #tpu.memory_space<hbm>> -> memref<320xi32, #tpu.memory_space<hbm>>
        %dma_start3A_17 = tpu.memref_slice %arg3[%add3A_11] : memref<20480xi32, #tpu.memory_space<hbm>> -> memref<320xi32, #tpu.memory_space<hbm>>
        tpu.enqueue_dma source(%dma_start3A_17 : memref<320xi32, #tpu.memory_space<hbm>>) target(%arg5 : memref<320xi32, #tpu.memory_space<vmem>>) target_semaphore(%run_scoped3A : memref<!tpu.dma_semaphore, #tpu.memory_space<semaphore_mem>>)
        %dma_wait3A_18 = tpu.memref_slice %arg3[%add3A_11] : memref<20480xi32, #tpu.memory_space<hbm>> -> memref<320xi32, #tpu.memory_space<hbm>>
        %dma_wait3A_19 = tpu.memref_slice %arg3[%add3A_11] : memref<20480xi32, #tpu.memory_space<hbm>> -> memref<320xi32, #tpu.memory_space<hbm>>
        tpu.wait_dma2 semaphore(%run_scoped3A : memref<!tpu.dma_semaphore, #tpu.memory_space<semaphore_mem>>) src(%dma_wait3A_19 : memref<320xi32, #tpu.memory_space<hbm>>) dst(%arg5 : memref<320xi32, #tpu.memory_space<vmem>>)
        tpu.yield
      }) : () -> ()
      %dma_start3A = arith.constant 0 : i32
      %dma_start3A_12 = arith.constant 0 : i32
      %dma_start3A_13 = tpu.memref_slice %arg2[%dma_start3A, %dma_start3A_12] : memref<10000x128xf32, #tpu.memory_space<hbm>> -> memref<10000x128xf32, #tpu.memory_space<hbm>>
      tpu.enqueue_indirect_dma source(%dma_start3A_13 : memref<10000x128xf32, #tpu.memory_space<hbm>>) target(%arg6 : memref<320x128xf32, #tpu.memory_space<vmem>>) offsets(%arg5 : memref<320xi32, #tpu.memory_space<vmem>>) semaphore(%arg7 : memref<!tpu.dma_semaphore, #tpu.memory_space<semaphore_mem>>)
      %dma_wait3A = arith.constant 0 : i32
      %dma_wait3A_14 = arith.constant 0 : i32
      %dma_wait3A_15 = tpu.memref_slice %arg2[%dma_wait3A, %dma_wait3A_14] : memref<10000x128xf32, #tpu.memory_space<hbm>> -> memref<10000x128xf32, #tpu.memory_space<hbm>>
      tpu.wait_indirect_dma semaphore(%arg7 : memref<!tpu.dma_semaphore, #tpu.memory_space<semaphore_mem>>) src(%dma_wait3A_15 : memref<10000x128xf32, #tpu.memory_space<hbm>>) dst(%arg6 : memref<320x128xf32, #tpu.memory_space<vmem>>)
      "tpu.region"() ({
        %run_scoped3A = tpu.sem_alloc : memref<!tpu.dma_semaphore, #tpu.memory_space<semaphore_mem>>
        %dma_start3A_16 = arith.constant 0 : i32
        %dma_start3A_17 = tpu.memref_slice %arg4[%add3A_11, %dma_start3A_16] : memref<20480x128xf32, #tpu.memory_space<hbm>> -> memref<320x128xf32, #tpu.memory_space<hbm>>
        %dma_start3A_18 = arith.constant 0 : i32
        %dma_start3A_19 = tpu.memref_slice %arg4[%add3A_11, %dma_start3A_18] : memref<20480x128xf32, #tpu.memory_space<hbm>> -> memref<320x128xf32, #tpu.memory_space<hbm>>
        tpu.enqueue_dma source(%arg6 : memref<320x128xf32, #tpu.memory_space<vmem>>) target(%dma_start3A_19 : memref<320x128xf32, #tpu.memory_space<hbm>>) target_semaphore(%run_scoped3A : memref<!tpu.dma_semaphore, #tpu.memory_space<semaphore_mem>>)
        %dma_wait3A_20 = arith.constant 0 : i32
        %dma_wait3A_21 = tpu.memref_slice %arg4[%add3A_11, %dma_wait3A_20] : memref<20480x128xf32, #tpu.memory_space<hbm>> -> memref<320x128xf32, #tpu.memory_space<hbm>>
        %dma_wait3A_22 = arith.constant 0 : i32
        %dma_wait3A_23 = tpu.memref_slice %arg4[%add3A_11, %dma_wait3A_22] : memref<20480x128xf32, #tpu.memory_space<hbm>> -> memref<320x128xf32, #tpu.memory_space<hbm>>
        tpu.wait_dma2 semaphore(%run_scoped3A : memref<!tpu.dma_semaphore, #tpu.memory_space<semaphore_mem>>) src(%arg6 : memref<320x128xf32, #tpu.memory_space<vmem>>) dst(%dma_wait3A_23 : memref<320x128xf32, #tpu.memory_space<hbm>>)
        tpu.yield
      }) : () -> ()
    }
    %scan3A_7 = arith.constant 2 : i32
    return
  }
}

#map = affine_map<(d0, d1) -> (0, 0)>
#map1 = affine_map<(d0, d1) -> (0)>
module attributes {stable_mosaic.version = 14 : i64} {
  func.func @_sc_gather_body(%arg0: i32, %arg1: i32, %arg2: memref<10000x128xf32, #tpu.memory_space<hbm>>, %arg3: memref<20480xi32, #tpu.memory_space<hbm>>, %arg4: memref<20480x128xf32, #tpu.memory_space<hbm>>, %arg5: memref<320xi32, #tpu.memory_space<vmem>>, %arg6: memref<320x128xf32, #tpu.memory_space<vmem>>, %arg7: memref<!tpu.dma_semaphore, #tpu.memory_space<semaphore_mem>>) attributes {dimension_semantics = [#tpu.dimension_semantics<core_parallel>, #tpu.dimension_semantics<subcore_parallel>], iteration_bounds = array<i64: 2, 16>, scalar_prefetch = 0 : i64, scratch_operands = 3 : i64, tpu.core_type = #tpu.core_type<sc_vector_subcore>, window_params = [{transform_indices = #map}, {transform_indices = #map1}, {transform_indices = #map}]} {
    %mul3A = arith.constant 2 : i32
    %mul3A_0 = arith.muli %arg1, %mul3A : i32
    %add3A = arith.addi %mul3A_0, %arg0 : i32
    %mul3A_1 = arith.constant 640 : i32
    %mul3A_2 = arith.muli %add3A, %mul3A_1 : i32
    %scan3A = arith.constant 0 : i32
    %scan3A_3 = arith.constant 0 : i32
    %scan3A_4 = arith.constant 2 : i32
    %scan3A_5 = arith.addi %scan3A_3, %scan3A_4 : i32
    %scan3A_6 = arith.constant 1 : i32
    scf.for %scan3A_8 = %scan3A_3 to %scan3A_5 step %scan3A_6  : i32 {
      %mul3A_9 = arith.constant 320 : i32
      %mul3A_10 = arith.muli %scan3A_8, %mul3A_9 : i32
      %add3A_11 = arith.addi %mul3A_2, %mul3A_10 : i32
      "tpu.region"() ({
        %run_scoped3A = tpu.sem_alloc : memref<!tpu.dma_semaphore, #tpu.memory_space<semaphore_mem>>
        %dma_start3A_16 = tpu.memref_slice %arg3[%add3A_11] : memref<20480xi32, #tpu.memory_space<hbm>> -> memref<320xi32, #tpu.memory_space<hbm>>
        %dma_start3A_17 = tpu.memref_slice %arg3[%add3A_11] : memref<20480xi32, #tpu.memory_space<hbm>> -> memref<320xi32, #tpu.memory_space<hbm>>
        tpu.enqueue_dma source(%dma_start3A_17 : memref<320xi32, #tpu.memory_space<hbm>>) target(%arg5 : memref<320xi32, #tpu.memory_space<vmem>>) target_semaphore(%run_scoped3A : memref<!tpu.dma_semaphore, #tpu.memory_space<semaphore_mem>>)
        %dma_wait3A_18 = tpu.memref_slice %arg3[%add3A_11] : memref<20480xi32, #tpu.memory_space<hbm>> -> memref<320xi32, #tpu.memory_space<hbm>>
        %dma_wait3A_19 = tpu.memref_slice %arg3[%add3A_11] : memref<20480xi32, #tpu.memory_space<hbm>> -> memref<320xi32, #tpu.memory_space<hbm>>
        tpu.wait_dma2 semaphore(%run_scoped3A : memref<!tpu.dma_semaphore, #tpu.memory_space<semaphore_mem>>) src(%dma_wait3A_19 : memref<320xi32, #tpu.memory_space<hbm>>) dst(%arg5 : memref<320xi32, #tpu.memory_space<vmem>>)
        tpu.yield
      }) : () -> ()
      %dma_start3A = arith.constant 0 : i32
      %dma_start3A_12 = arith.constant 0 : i32
      %dma_start3A_13 = tpu.memref_slice %arg2[%dma_start3A, %dma_start3A_12] : memref<10000x128xf32, #tpu.memory_space<hbm>> -> memref<10000x128xf32, #tpu.memory_space<hbm>>
      tpu.enqueue_indirect_dma source(%dma_start3A_13 : memref<10000x128xf32, #tpu.memory_space<hbm>>) target(%arg6 : memref<320x128xf32, #tpu.memory_space<vmem>>) offsets(%arg5 : memref<320xi32, #tpu.memory_space<vmem>>) semaphore(%arg7 : memref<!tpu.dma_semaphore, #tpu.memory_space<semaphore_mem>>)
      %dma_wait3A = arith.constant 0 : i32
      %dma_wait3A_14 = arith.constant 0 : i32
      %dma_wait3A_15 = tpu.memref_slice %arg2[%dma_wait3A, %dma_wait3A_14] : memref<10000x128xf32, #tpu.memory_space<hbm>> -> memref<10000x128xf32, #tpu.memory_space<hbm>>
      tpu.wait_indirect_dma semaphore(%arg7 : memref<!tpu.dma_semaphore, #tpu.memory_space<semaphore_mem>>) src(%dma_wait3A_15 : memref<10000x128xf32, #tpu.memory_space<hbm>>) dst(%arg6 : memref<320x128xf32, #tpu.memory_space<vmem>>)
      "tpu.region"() ({
        %run_scoped3A = tpu.sem_alloc : memref<!tpu.dma_semaphore, #tpu.memory_space<semaphore_mem>>
        %dma_start3A_16 = arith.constant 0 : i32
        %dma_start3A_17 = tpu.memref_slice %arg4[%add3A_11, %dma_start3A_16] : memref<20480x128xf32, #tpu.memory_space<hbm>> -> memref<320x128xf32, #tpu.memory_space<hbm>>
        %dma_start3A_18 = arith.constant 0 : i32
        %dma_start3A_19 = tpu.memref_slice %arg4[%add3A_11, %dma_start3A_18] : memref<20480x128xf32, #tpu.memory_space<hbm>> -> memref<320x128xf32, #tpu.memory_space<hbm>>
        tpu.enqueue_dma source(%arg6 : memref<320x128xf32, #tpu.memory_space<vmem>>) target(%dma_start3A_19 : memref<320x128xf32, #tpu.memory_space<hbm>>) target_semaphore(%run_scoped3A : memref<!tpu.dma_semaphore, #tpu.memory_space<semaphore_mem>>)
        %dma_wait3A_20 = arith.constant 0 : i32
        %dma_wait3A_21 = tpu.memref_slice %arg4[%add3A_11, %dma_wait3A_20] : memref<20480x128xf32, #tpu.memory_space<hbm>> -> memref<320x128xf32, #tpu.memory_space<hbm>>
        %dma_wait3A_22 = arith.constant 0 : i32
        %dma_wait3A_23 = tpu.memref_slice %arg4[%add3A_11, %dma_wait3A_22] : memref<20480x128xf32, #tpu.memory_space<hbm>> -> memref<320x128xf32, #tpu.memory_space<hbm>>
        tpu.wait_dma2 semaphore(%run_scoped3A : memref<!tpu.dma_semaphore, #tpu.memory_space<semaphore_mem>>) src(%arg6 : memref<320x128xf32, #tpu.memory_space<vmem>>) dst(%dma_wait3A_23 : memref<320x128xf32, #tpu.memory_space<hbm>>)
        tpu.yield
      }) : () -> ()
    }
    %scan3A_7 = arith.constant 2 : i32
    return
  }
}

#map = affine_map<(d0, d1) -> (0, 0)>
#map1 = affine_map<(d0, d1) -> (0)>
module attributes {stable_mosaic.version = 14 : i64} {
  func.func @_sc_gather_body(%arg0: i32, %arg1: i32, %arg2: memref<10000x128xf32, #tpu.memory_space<hbm>>, %arg3: memref<20480xi32, #tpu.memory_space<hbm>>, %arg4: memref<20480x128xf32, #tpu.memory_space<hbm>>, %arg5: memref<320xi32, #tpu.memory_space<vmem>>, %arg6: memref<320x128xf32, #tpu.memory_space<vmem>>, %arg7: memref<!tpu.dma_semaphore, #tpu.memory_space<semaphore_mem>>) attributes {dimension_semantics = [#tpu.dimension_semantics<core_parallel>, #tpu.dimension_semantics<subcore_parallel>], iteration_bounds = array<i64: 2, 16>, scalar_prefetch = 0 : i64, scratch_operands = 3 : i64, tpu.core_type = #tpu.core_type<sc_vector_subcore>, window_params = [{transform_indices = #map}, {transform_indices = #map1}, {transform_indices = #map}]} {
    %mul3A = arith.constant 2 : i32
    %mul3A_0 = arith.muli %arg1, %mul3A : i32
    %add3A = arith.addi %mul3A_0, %arg0 : i32
    %mul3A_1 = arith.constant 640 : i32
    %mul3A_2 = arith.muli %add3A, %mul3A_1 : i32
    %scan3A = arith.constant 0 : i32
    %scan3A_3 = arith.constant 0 : i32
    %scan3A_4 = arith.constant 2 : i32
    %scan3A_5 = arith.addi %scan3A_3, %scan3A_4 : i32
    %scan3A_6 = arith.constant 1 : i32
    scf.for %scan3A_8 = %scan3A_3 to %scan3A_5 step %scan3A_6  : i32 {
      %mul3A_9 = arith.constant 320 : i32
      %mul3A_10 = arith.muli %scan3A_8, %mul3A_9 : i32
      %add3A_11 = arith.addi %mul3A_2, %mul3A_10 : i32
      "tpu.region"() ({
        %run_scoped3A = tpu.sem_alloc : memref<!tpu.dma_semaphore, #tpu.memory_space<semaphore_mem>>
        %dma_start3A_16 = tpu.memref_slice %arg3[%add3A_11] : memref<20480xi32, #tpu.memory_space<hbm>> -> memref<320xi32, #tpu.memory_space<hbm>>
        %dma_start3A_17 = tpu.memref_slice %arg3[%add3A_11] : memref<20480xi32, #tpu.memory_space<hbm>> -> memref<320xi32, #tpu.memory_space<hbm>>
        tpu.enqueue_dma source(%dma_start3A_17 : memref<320xi32, #tpu.memory_space<hbm>>) target(%arg5 : memref<320xi32, #tpu.memory_space<vmem>>) target_semaphore(%run_scoped3A : memref<!tpu.dma_semaphore, #tpu.memory_space<semaphore_mem>>)
        %dma_wait3A_18 = tpu.memref_slice %arg3[%add3A_11] : memref<20480xi32, #tpu.memory_space<hbm>> -> memref<320xi32, #tpu.memory_space<hbm>>
        %dma_wait3A_19 = tpu.memref_slice %arg3[%add3A_11] : memref<20480xi32, #tpu.memory_space<hbm>> -> memref<320xi32, #tpu.memory_space<hbm>>
        tpu.wait_dma2 semaphore(%run_scoped3A : memref<!tpu.dma_semaphore, #tpu.memory_space<semaphore_mem>>) src(%dma_wait3A_19 : memref<320xi32, #tpu.memory_space<hbm>>) dst(%arg5 : memref<320xi32, #tpu.memory_space<vmem>>)
        tpu.yield
      }) : () -> ()
      %dma_start3A = arith.constant 0 : i32
      %dma_start3A_12 = arith.constant 0 : i32
      %dma_start3A_13 = tpu.memref_slice %arg2[%dma_start3A, %dma_start3A_12] : memref<10000x128xf32, #tpu.memory_space<hbm>> -> memref<10000x128xf32, #tpu.memory_space<hbm>>
      tpu.enqueue_indirect_dma source(%dma_start3A_13 : memref<10000x128xf32, #tpu.memory_space<hbm>>) target(%arg6 : memref<320x128xf32, #tpu.memory_space<vmem>>) offsets(%arg5 : memref<320xi32, #tpu.memory_space<vmem>>) semaphore(%arg7 : memref<!tpu.dma_semaphore, #tpu.memory_space<semaphore_mem>>)
      %dma_wait3A = arith.constant 0 : i32
      %dma_wait3A_14 = arith.constant 0 : i32
      %dma_wait3A_15 = tpu.memref_slice %arg2[%dma_wait3A, %dma_wait3A_14] : memref<10000x128xf32, #tpu.memory_space<hbm>> -> memref<10000x128xf32, #tpu.memory_space<hbm>>
      tpu.wait_indirect_dma semaphore(%arg7 : memref<!tpu.dma_semaphore, #tpu.memory_space<semaphore_mem>>) src(%dma_wait3A_15 : memref<10000x128xf32, #tpu.memory_space<hbm>>) dst(%arg6 : memref<320x128xf32, #tpu.memory_space<vmem>>)
      "tpu.region"() ({
        %run_scoped3A = tpu.sem_alloc : memref<!tpu.dma_semaphore, #tpu.memory_space<semaphore_mem>>
        %dma_start3A_16 = arith.constant 0 : i32
        %dma_start3A_17 = tpu.memref_slice %arg4[%add3A_11, %dma_start3A_16] : memref<20480x128xf32, #tpu.memory_space<hbm>> -> memref<320x128xf32, #tpu.memory_space<hbm>>
        %dma_start3A_18 = arith.constant 0 : i32
        %dma_start3A_19 = tpu.memref_slice %arg4[%add3A_11, %dma_start3A_18] : memref<20480x128xf32, #tpu.memory_space<hbm>> -> memref<320x128xf32, #tpu.memory_space<hbm>>
        tpu.enqueue_dma source(%arg6 : memref<320x128xf32, #tpu.memory_space<vmem>>) target(%dma_start3A_19 : memref<320x128xf32, #tpu.memory_space<hbm>>) target_semaphore(%run_scoped3A : memref<!tpu.dma_semaphore, #tpu.memory_space<semaphore_mem>>)
        %dma_wait3A_20 = arith.constant 0 : i32
        %dma_wait3A_21 = tpu.memref_slice %arg4[%add3A_11, %dma_wait3A_20] : memref<20480x128xf32, #tpu.memory_space<hbm>> -> memref<320x128xf32, #tpu.memory_space<hbm>>
        %dma_wait3A_22 = arith.constant 0 : i32
        %dma_wait3A_23 = tpu.memref_slice %arg4[%add3A_11, %dma_wait3A_22] : memref<20480x128xf32, #tpu.memory_space<hbm>> -> memref<320x128xf32, #tpu.memory_space<hbm>>
        tpu.wait_dma2 semaphore(%run_scoped3A : memref<!tpu.dma_semaphore, #tpu.memory_space<semaphore_mem>>) src(%arg6 : memref<320x128xf32, #tpu.memory_space<vmem>>) dst(%dma_wait3A_23 : memref<320x128xf32, #tpu.memory_space<hbm>>)
        tpu.yield
      }) : () -> ()
    }
    %scan3A_7 = arith.constant 2 : i32
    return
  }
}

#map = affine_map<(d0, d1) -> (0, 0)>
#map1 = affine_map<(d0, d1) -> (0)>
module attributes {stable_mosaic.version = 14 : i64} {
  func.func @_sc_gather_body(%arg0: i32, %arg1: i32, %arg2: memref<5120x128xf32, #tpu.memory_space<hbm>>, %arg3: memref<5120xi32, #tpu.memory_space<hbm>>, %arg4: memref<5120x128xf32, #tpu.memory_space<hbm>>, %arg5: memref<160xi32, #tpu.memory_space<vmem>>, %arg6: memref<160x128xf32, #tpu.memory_space<vmem>>, %arg7: memref<!tpu.dma_semaphore, #tpu.memory_space<semaphore_mem>>) attributes {dimension_semantics = [#tpu.dimension_semantics<core_parallel>, #tpu.dimension_semantics<subcore_parallel>], iteration_bounds = array<i64: 2, 16>, scalar_prefetch = 0 : i64, scratch_operands = 3 : i64, tpu.core_type = #tpu.core_type<sc_vector_subcore>, window_params = [{transform_indices = #map}, {transform_indices = #map1}, {transform_indices = #map}]} {
    %mul3A = arith.constant 2 : i32
    %mul3A_0 = arith.muli %arg1, %mul3A : i32
    %add3A = arith.addi %mul3A_0, %arg0 : i32
    %mul3A_1 = arith.constant 160 : i32
    %mul3A_2 = arith.muli %add3A, %mul3A_1 : i32
    %scan3A = arith.constant 0 : i32
    %scan3A_3 = arith.constant 0 : i32
    %mul3A_4 = arith.constant 160 : i32
    %mul3A_5 = arith.muli %scan3A_3, %mul3A_4 : i32
    %add3A_6 = arith.addi %mul3A_2, %mul3A_5 : i32
    "tpu.region"() ({
      %run_scoped3A = tpu.sem_alloc : memref<!tpu.dma_semaphore, #tpu.memory_space<semaphore_mem>>
      %dma_start3A_12 = tpu.memref_slice %arg3[%add3A_6] : memref<5120xi32, #tpu.memory_space<hbm>> -> memref<160xi32, #tpu.memory_space<hbm>>
      %dma_start3A_13 = tpu.memref_slice %arg3[%add3A_6] : memref<5120xi32, #tpu.memory_space<hbm>> -> memref<160xi32, #tpu.memory_space<hbm>>
      tpu.enqueue_dma source(%dma_start3A_13 : memref<160xi32, #tpu.memory_space<hbm>>) target(%arg5 : memref<160xi32, #tpu.memory_space<vmem>>) target_semaphore(%run_scoped3A : memref<!tpu.dma_semaphore, #tpu.memory_space<semaphore_mem>>)
      %dma_wait3A_14 = tpu.memref_slice %arg3[%add3A_6] : memref<5120xi32, #tpu.memory_space<hbm>> -> memref<160xi32, #tpu.memory_space<hbm>>
      %dma_wait3A_15 = tpu.memref_slice %arg3[%add3A_6] : memref<5120xi32, #tpu.memory_space<hbm>> -> memref<160xi32, #tpu.memory_space<hbm>>
      tpu.wait_dma2 semaphore(%run_scoped3A : memref<!tpu.dma_semaphore, #tpu.memory_space<semaphore_mem>>) src(%dma_wait3A_15 : memref<160xi32, #tpu.memory_space<hbm>>) dst(%arg5 : memref<160xi32, #tpu.memory_space<vmem>>)
      tpu.yield
    }) : () -> ()
    %dma_start3A = arith.constant 0 : i32
    %dma_start3A_7 = arith.constant 0 : i32
    %dma_start3A_8 = tpu.memref_slice %arg2[%dma_start3A, %dma_start3A_7] : memref<5120x128xf32, #tpu.memory_space<hbm>> -> memref<5120x128xf32, #tpu.memory_space<hbm>>
    tpu.enqueue_indirect_dma source(%dma_start3A_8 : memref<5120x128xf32, #tpu.memory_space<hbm>>) target(%arg6 : memref<160x128xf32, #tpu.memory_space<vmem>>) offsets(%arg5 : memref<160xi32, #tpu.memory_space<vmem>>) semaphore(%arg7 : memref<!tpu.dma_semaphore, #tpu.memory_space<semaphore_mem>>)
    %dma_wait3A = arith.constant 0 : i32
    %dma_wait3A_9 = arith.constant 0 : i32
    %dma_wait3A_10 = tpu.memref_slice %arg2[%dma_wait3A, %dma_wait3A_9] : memref<5120x128xf32, #tpu.memory_space<hbm>> -> memref<5120x128xf32, #tpu.memory_space<hbm>>
    tpu.wait_indirect_dma semaphore(%arg7 : memref<!tpu.dma_semaphore, #tpu.memory_space<semaphore_mem>>) src(%dma_wait3A_10 : memref<5120x128xf32, #tpu.memory_space<hbm>>) dst(%arg6 : memref<160x128xf32, #tpu.memory_space<vmem>>)
    "tpu.region"() ({
      %run_scoped3A = tpu.sem_alloc : memref<!tpu.dma_semaphore, #tpu.memory_space<semaphore_mem>>
      %dma_start3A_12 = arith.constant 0 : i32
      %dma_start3A_13 = tpu.memref_slice %arg4[%add3A_6, %dma_start3A_12] : memref<5120x128xf32, #tpu.memory_space<hbm>> -> memref<160x128xf32, #tpu.memory_space<hbm>>
      %dma_start3A_14 = arith.constant 0 : i32
      %dma_start3A_15 = tpu.memref_slice %arg4[%add3A_6, %dma_start3A_14] : memref<5120x128xf32, #tpu.memory_space<hbm>> -> memref<160x128xf32, #tpu.memory_space<hbm>>
      tpu.enqueue_dma source(%arg6 : memref<160x128xf32, #tpu.memory_space<vmem>>) target(%dma_start3A_15 : memref<160x128xf32, #tpu.memory_space<hbm>>) target_semaphore(%run_scoped3A : memref<!tpu.dma_semaphore, #tpu.memory_space<semaphore_mem>>)
      %dma_wait3A_16 = arith.constant 0 : i32
      %dma_wait3A_17 = tpu.memref_slice %arg4[%add3A_6, %dma_wait3A_16] : memref<5120x128xf32, #tpu.memory_space<hbm>> -> memref<160x128xf32, #tpu.memory_space<hbm>>
      %dma_wait3A_18 = arith.constant 0 : i32
      %dma_wait3A_19 = tpu.memref_slice %arg4[%add3A_6, %dma_wait3A_18] : memref<5120x128xf32, #tpu.memory_space<hbm>> -> memref<160x128xf32, #tpu.memory_space<hbm>>
      tpu.wait_dma2 semaphore(%run_scoped3A : memref<!tpu.dma_semaphore, #tpu.memory_space<semaphore_mem>>) src(%arg6 : memref<160x128xf32, #tpu.memory_space<vmem>>) dst(%dma_wait3A_19 : memref<160x128xf32, #tpu.memory_space<hbm>>)
      tpu.yield
    }) : () -> ()
    %scan3A_11 = arith.constant 1 : i32
    return
  }
}

module attributes {stable_mosaic.version = 14 : i64} {
  func.func @_rank_body(%arg0: i32, %arg1: memref<256x256xf32, #tpu.memory_space<vmem>>, %arg2: memref<8x5120xf32, #tpu.memory_space<vmem>>, %arg3: memref<10240x8xf32, #tpu.memory_space<vmem>>, %arg4: memref<256x1xi32, #tpu.memory_space<vmem>>, %arg5: memref<8x128xf32, #tpu.memory_space<vmem>>) attributes {dimension_semantics = [#tpu.dimension_semantics<arbitrary>], iteration_bounds = array<i64: 20>, scalar_prefetch = 0 : i64, scratch_operands = 0 : i64, tpu.core_type = #tpu.core_type<tc>, window_params = [{transform_indices = @transform_0, window_bounds = array<i64: 256, 256>}, {pipeline_mode = #tpu.pipeline_mode<synchronous>, transform_indices = @transform_1, window_bounds = array<i64: 8, 5120>}, {pipeline_mode = #tpu.pipeline_mode<synchronous>, transform_indices = @transform_2, window_bounds = array<i64: 10240, 8>}, {transform_indices = @transform_3, window_bounds = array<i64: 256, 1>}, {pipeline_mode = #tpu.pipeline_mode<synchronous>, transform_indices = @transform_4, window_bounds = array<i64: 8, 128>}]} {
    %eq3A = arith.constant 0 : i32
    %eq3A_0 = arith.cmpi eq, %arg0, %eq3A : i32
    %convert_element_type3A = arith.extui %eq3A_0 : i1 to i32
    %cond3A = arith.constant 0 : i32
    %cond3A_1 = arith.cmpi ne, %convert_element_type3A, %cond3A : i32
    scf.if %cond3A_1 {
      %iota3A_46 = tpu.iota {dimensions = array<i32: 1>} : vector<1x16xi32>
      %convert_element_type3A_47 = arith.sitofp %iota3A_46 : vector<1x16xi32> to vector<1x16xf32>
      %get3A_48 = arith.constant 0 : index
      %get3A_49 = arith.constant 0 : index
      %get3A_50 = vector.load %arg3[%get3A_48, %get3A_49] : memref<10240x8xf32, #tpu.memory_space<vmem>>, vector<10240x1xf32>
      %eq3A_51 = vector.broadcast %get3A_50 : vector<10240x1xf32> to vector<10240x16xf32>
      %eq3A_52 = vector.broadcast %convert_element_type3A_47 : vector<1x16xf32> to vector<10240x16xf32>
      %eq3A_53 = arith.cmpf oeq, %eq3A_51, %eq3A_52 : vector<10240x16xf32>
      %convert_element_type3A_54 = arith.extui %eq3A_53 : vector<10240x16xi1> to vector<10240x16xi32>
      %convert_element_type3A_55 = arith.sitofp %convert_element_type3A_54 : vector<10240x16xi32> to vector<10240x16xf32>
      %reduce_sum3A_56 = arith.constant dense<0.000000e+00> : vector<16xf32>
      %reduce_sum3A_57 = vector.multi_reduction <add>, %convert_element_type3A_55, %reduce_sum3A_56 [0] : vector<10240x16xf32> to vector<16xf32>
      %broadcast_in_dim3A_58 = vector.shape_cast %reduce_sum3A_57 : vector<16xf32> to vector<1x16xf32>
      %iota3A_59 = tpu.iota {dimensions = array<i32: 0>} : vector<16x16xi32>
      %iota3A_60 = tpu.iota {dimensions = array<i32: 1>} : vector<16x16xi32>
      %lt3A_61 = arith.cmpi slt, %iota3A_59, %iota3A_60 : vector<16x16xi32>
      %convert_element_type3A_62 = arith.extui %lt3A_61 : vector<16x16xi1> to vector<16x16xi32>
      %convert_element_type3A_63 = arith.sitofp %convert_element_type3A_62 : vector<16x16xi32> to vector<16x16xf32>
      %dot_general3A_64 = arith.constant dense<0.000000e+00> : vector<1x16xf32>
      %dot_general3A_65 = tpu.matmul %broadcast_in_dim3A_58, %convert_element_type3A_63, %dot_general3A_64 {dimension_numbers = #tpu.dot_dimension_numbers<[1], [0], [0], [1], [0, 0, 1, 1], [], []>, transpose_lhs_hint = false} : vector<1x16xf32>, vector<16x16xf32>, vector<1x16xf32> -> vector<1x16xf32>
      %broadcast_in_dim3A_66 = arith.constant 0.000000e+00 : f32
      %broadcast_in_dim3A_67 = vector.broadcast %broadcast_in_dim3A_66 : f32 to vector<1x112xf32>
      %concatenate3A = tpu.concatenate %broadcast_in_dim3A_58, %broadcast_in_dim3A_67 in 1 : vector<1x16xf32>, vector<1x112xf32> -> vector<1x128xf32>
      %concatenate3A_68 = tpu.concatenate %dot_general3A_65, %broadcast_in_dim3A_67 in 1 : vector<1x16xf32>, vector<1x112xf32> -> vector<1x128xf32>
      %iota3A_69 = tpu.iota {dimensions = array<i32: 0>} : vector<8x128xi32>
      %eq3A_70 = arith.constant 0 : i32
      %eq3A_71 = vector.broadcast %eq3A_70 : i32 to vector<8x128xi32>
      %eq3A_72 = arith.cmpi eq, %iota3A_69, %eq3A_71 : vector<8x128xi32>
      %broadcast_in_dim3A_73 = vector.shape_cast %concatenate3A : vector<1x128xf32> to vector<1x128xf32>
      %broadcast_in_dim3A_74 = vector.broadcast %broadcast_in_dim3A_73 : vector<1x128xf32> to vector<8x128xf32>
      %eq3A_75 = arith.constant 1 : i32
      %eq3A_76 = vector.broadcast %eq3A_75 : i32 to vector<8x128xi32>
      %eq3A_77 = arith.cmpi eq, %iota3A_69, %eq3A_76 : vector<8x128xi32>
      %broadcast_in_dim3A_78 = vector.shape_cast %concatenate3A_68 : vector<1x128xf32> to vector<1x128xf32>
      %broadcast_in_dim3A_79 = vector.broadcast %broadcast_in_dim3A_78 : vector<1x128xf32> to vector<8x128xf32>
      %jit3A_80 = arith.constant 0.000000e+00 : f32
      %broadcast_in_dim3A_81 = vector.broadcast %jit3A_80 : f32 to vector<8x128xf32>
      %select_n3A_82 = arith.select %eq3A_77, %broadcast_in_dim3A_79, %broadcast_in_dim3A_81 : vector<8x128xi1>, vector<8x128xf32>
      %select_n3A_83 = arith.select %eq3A_72, %broadcast_in_dim3A_74, %select_n3A_82 : vector<8x128xi1>, vector<8x128xf32>
      %swap3A_84 = arith.constant 0 : index
      %swap3A_85 = arith.constant 0 : index
      %swap3A_86 = vector.load %arg5[%swap3A_84, %swap3A_85] : memref<8x128xf32, #tpu.memory_space<vmem>>, vector<8x128xf32>
      tpu.vector_store %arg5[%swap3A_84, %swap3A_85], %select_n3A_83 {strides = array<i32>} : memref<8x128xf32, #tpu.memory_space<vmem>>, vector<8x128xf32>,
    } else {
    }
    %get3A = arith.constant 0 : index
    %get3A_2 = arith.constant 131 : index
    %get3A_3 = vector.load %arg1[%get3A, %get3A_2] : memref<256x256xf32, #tpu.memory_space<vmem>>, vector<256x1xf32>
    %get3A_4 = arith.constant 0 : index
    %get3A_5 = arith.constant 0 : index
    %get3A_6 = vector.load %arg2[%get3A_4, %get3A_5] : memref<8x5120xf32, #tpu.memory_space<vmem>>, vector<1x5120xf32>
    %lt3A = vector.broadcast %get3A_6 : vector<1x5120xf32> to vector<256x5120xf32>
    %lt3A_7 = vector.broadcast %get3A_3 : vector<256x1xf32> to vector<256x5120xf32>
    %lt3A_8 = arith.cmpf olt, %lt3A, %lt3A_7 : vector<256x5120xf32>
    %convert_element_type3A_9 = arith.extui %lt3A_8 : vector<256x5120xi1> to vector<256x5120xi32>
    %convert_element_type3A_10 = arith.sitofp %convert_element_type3A_9 : vector<256x5120xi32> to vector<256x5120xf32>
    %reduce_sum3A = arith.constant dense<0.000000e+00> : vector<256xf32>
    %reduce_sum3A_11 = vector.multi_reduction <add>, %convert_element_type3A_10, %reduce_sum3A [1] : vector<256x5120xf32> to vector<256xf32>
    %broadcast_in_dim3A = vector.shape_cast %reduce_sum3A_11 : vector<256xf32> to vector<256x1xf32>
    %iota3A = tpu.iota {dimensions = array<i32: 1>} : vector<1x5120xi32>
    %mul3A = arith.constant 256 : i32
    %mul3A_12 = arith.muli %arg0, %mul3A : i32
    %lt3A_13 = vector.broadcast %mul3A_12 : i32 to vector<1x5120xi32>
    %lt3A_14 = arith.cmpi slt, %iota3A, %lt3A_13 : vector<1x5120xi32>
    %eq3A_15 = vector.broadcast %get3A_6 : vector<1x5120xf32> to vector<256x5120xf32>
    %eq3A_16 = vector.broadcast %get3A_3 : vector<256x1xf32> to vector<256x5120xf32>
    %eq3A_17 = arith.cmpf oeq, %eq3A_15, %eq3A_16 : vector<256x5120xf32>
    %and3A = vector.broadcast %lt3A_14 : vector<1x5120xi1> to vector<256x5120xi1>
    %and3A_18 = arith.andi %eq3A_17, %and3A : vector<256x5120xi1>
    %jit3A = arith.constant 1.000000e+00 : f32
    %jit3A_19 = arith.constant 0.000000e+00 : f32
    %broadcast_in_dim3A_20 = vector.broadcast %jit3A : f32 to vector<256x5120xf32>
    %broadcast_in_dim3A_21 = vector.broadcast %jit3A_19 : f32 to vector<256x5120xf32>
    %select_n3A = arith.select %and3A_18, %broadcast_in_dim3A_20, %broadcast_in_dim3A_21 : vector<256x5120xi1>, vector<256x5120xf32>
    %reduce_sum3A_22 = arith.constant dense<0.000000e+00> : vector<256xf32>
    %reduce_sum3A_23 = vector.multi_reduction <add>, %select_n3A, %reduce_sum3A_22 [1] : vector<256x5120xf32> to vector<256xf32>
    %broadcast_in_dim3A_24 = vector.shape_cast %reduce_sum3A_23 : vector<256xf32> to vector<256x1xf32>
    %iota3A_25 = tpu.iota {dimensions = array<i32: 0>} : vector<256x256xi32>
    %iota3A_26 = tpu.iota {dimensions = array<i32: 1>} : vector<256x256xi32>
    %lt3A_27 = arith.cmpi slt, %iota3A_26, %iota3A_25 : vector<256x256xi32>
    %convert_element_type3A_28 = arith.extui %lt3A_27 : vector<256x256xi1> to vector<256x256xi32>
    %convert_element_type3A_29 = arith.sitofp %convert_element_type3A_28 : vector<256x256xi32> to vector<256x256xf32>
    %iota3A_30 = tpu.iota {dimensions = array<i32: 1>} : vector<1x16xi32>
    %convert_element_type3A_31 = arith.sitofp %iota3A_30 : vector<1x16xi32> to vector<1x16xf32>
    %eq3A_32 = vector.broadcast %get3A_3 : vector<256x1xf32> to vector<256x16xf32>
    %eq3A_33 = vector.broadcast %convert_element_type3A_31 : vector<1x16xf32> to vector<256x16xf32>
    %eq3A_34 = arith.cmpf oeq, %eq3A_32, %eq3A_33 : vector<256x16xf32>
    %convert_element_type3A_35 = arith.extui %eq3A_34 : vector<256x16xi1> to vector<256x16xi32>
    %convert_element_type3A_36 = arith.sitofp %convert_element_type3A_35 : vector<256x16xi32> to vector<256x16xf32>
    %dot_general3A = arith.constant dense<0.000000e+00> : vector<256x16xf32>
    %dot_general3A_37 = tpu.matmul %convert_element_type3A_29, %convert_element_type3A_36, %dot_general3A {dimension_numbers = #tpu.dot_dimension_numbers<[1], [0], [0], [1], [0, 0, 1, 1], [], []>, transpose_lhs_hint = false} : vector<256x256xf32>, vector<256x16xf32>, vector<256x16xf32> -> vector<256x16xf32>
    %mul3A_38 = arith.mulf %convert_element_type3A_36, %dot_general3A_37 : vector<256x16xf32>
    %reduce_sum3A_39 = arith.constant dense<0.000000e+00> : vector<256xf32>
    %reduce_sum3A_40 = vector.multi_reduction <add>, %mul3A_38, %reduce_sum3A_39 [1] : vector<256x16xf32> to vector<256xf32>
    %broadcast_in_dim3A_41 = vector.shape_cast %reduce_sum3A_40 : vector<256xf32> to vector<256x1xf32>
    %add3A = arith.addf %broadcast_in_dim3A, %broadcast_in_dim3A_24 : vector<256x1xf32>
    %add3A_42 = arith.addf %add3A, %broadcast_in_dim3A_41 : vector<256x1xf32>
    %convert_element_type3A_43 = arith.fptosi %add3A_42 : vector<256x1xf32> to vector<256x1xi32>
    %swap3A = arith.constant 0 : index
    %swap3A_44 = arith.constant 0 : index
    %swap3A_45 = vector.load %arg4[%swap3A, %swap3A_44] : memref<256x1xi32, #tpu.memory_space<vmem>>, vector<256x1xi32>
    tpu.vector_store %arg4[%swap3A, %swap3A_44], %convert_element_type3A_43 {strides = array<i32>} : memref<256x1xi32, #tpu.memory_space<vmem>>, vector<256x1xi32>,
    return
  }
  func.func @transform_0(%arg0: i32) -> (i32, i32) {
    %c0_i32 = arith.constant 0 : i32
    %c0_i32_0 = arith.constant 0 : i32
    return %arg0, %c0_i32 : i32, i32
  }
  func.func @transform_1(%arg0: i32) -> (i32, i32) {
    %c0_i32 = arith.constant 0 : i32
    %c0_i32_0 = arith.constant 0 : i32
    %c0_i32_1 = arith.constant 0 : i32
    return %c0_i32, %c0_i32_0 : i32, i32
  }
  func.func @transform_2(%arg0: i32) -> (i32, i32) {
    %c0_i32 = arith.constant 0 : i32
    %c0_i32_0 = arith.constant 0 : i32
    %c0_i32_1 = arith.constant 0 : i32
    return %c0_i32, %c0_i32_0 : i32, i32
  }
  func.func @transform_3(%arg0: i32) -> (i32, i32) {
    %c0_i32 = arith.constant 0 : i32
    %c0_i32_0 = arith.constant 0 : i32
    return %arg0, %c0_i32 : i32, i32
  }
  func.func @transform_4(%arg0: i32) -> (i32, i32) {
    %c0_i32 = arith.constant 0 : i32
    %c0_i32_0 = arith.constant 0 : i32
    %c0_i32_1 = arith.constant 0 : i32
    return %c0_i32, %c0_i32_0 : i32, i32
  }
}

module attributes {stable_mosaic.version = 14 : i64} {
  func.func @_knn_body(%arg0: i32, %arg1: memref<256x256xf32, #tpu.memory_space<vmem>>, %arg2: memref<8x10240xf32, #tpu.memory_space<vmem>>, %arg3: memref<8x10240xf32, #tpu.memory_space<vmem>>, %arg4: memref<8x128xf32, #tpu.memory_space<vmem>>, %arg5: memref<256x16xi32, #tpu.memory_space<vmem>>) attributes {dimension_semantics = [#tpu.dimension_semantics<arbitrary>], iteration_bounds = array<i64: 5>, scalar_prefetch = 0 : i64, scratch_operands = 0 : i64, tpu.core_type = #tpu.core_type<tc>, window_params = [{transform_indices = @transform_0, window_bounds = array<i64: 256, 256>}, {pipeline_mode = #tpu.pipeline_mode<synchronous>, transform_indices = @transform_1, window_bounds = array<i64: 8, 10240>}, {pipeline_mode = #tpu.pipeline_mode<synchronous>, transform_indices = @transform_2, window_bounds = array<i64: 8, 10240>}, {pipeline_mode = #tpu.pipeline_mode<synchronous>, transform_indices = @transform_3, window_bounds = array<i64: 8, 128>}, {transform_indices = @transform_4, window_bounds = array<i64: 256, 16>}]} {
    %get3A = arith.constant 0 : index
    %get3A_0 = arith.constant 128 : index
    %get3A_1 = vector.load %arg1[%get3A, %get3A_0] : memref<256x256xf32, #tpu.memory_space<vmem>>, vector<256x1xf32>
    %get3A_2 = arith.constant 0 : index
    %get3A_3 = arith.constant 129 : index
    %get3A_4 = vector.load %arg1[%get3A_2, %get3A_3] : memref<256x256xf32, #tpu.memory_space<vmem>>, vector<256x1xf32>
    %get3A_5 = arith.constant 0 : index
    %get3A_6 = arith.constant 130 : index
    %get3A_7 = vector.load %arg1[%get3A_5, %get3A_6] : memref<256x256xf32, #tpu.memory_space<vmem>>, vector<256x1xf32>
    %get3A_8 = arith.constant 0 : index
    %get3A_9 = arith.constant 131 : index
    %get3A_10 = vector.load %arg1[%get3A_8, %get3A_9] : memref<256x256xf32, #tpu.memory_space<vmem>>, vector<256x1xf32>
    %iota3A = tpu.iota {dimensions = array<i32: 1>} : vector<1x16xi32>
    %reduce_min3A = vector.shape_cast %get3A_10 : vector<256x1xf32> to vector<1x256x1xf32>
    %reduce_min3A_11 = arith.constant dense<0x7F800000> : vector<1xf32>
    %reduce_min3A_12 = vector.multi_reduction <minimumf>, %reduce_min3A, %reduce_min3A_11 [1, 2] : vector<1x256x1xf32> to vector<1xf32>
    %reduce_min3A_13 = vector.shape_cast %reduce_min3A_12 : vector<1xf32> to vector<1x1x1xf32>
    %reduce_min3A_14 = vector.extract %reduce_min3A_13[0, 0, 0] : f32 from vector<1x1x1xf32>
    %reduce_max3A = vector.shape_cast %get3A_10 : vector<256x1xf32> to vector<1x256x1xf32>
    %reduce_max3A_15 = arith.constant dense<0xFF800000> : vector<1xf32>
    %reduce_max3A_16 = vector.multi_reduction <maximumf>, %reduce_max3A, %reduce_max3A_15 [1, 2] : vector<1x256x1xf32> to vector<1xf32>
    %reduce_max3A_17 = vector.shape_cast %reduce_max3A_16 : vector<1xf32> to vector<1x1x1xf32>
    %reduce_max3A_18 = vector.extract %reduce_max3A_17[0, 0, 0] : f32 from vector<1x1x1xf32>
    %iota3A_19 = tpu.iota {dimensions = array<i32: 1>} : vector<1x16xi32>
    %convert_element_type3A = arith.sitofp %iota3A_19 : vector<1x16xi32> to vector<1x16xf32>
    %get3A_20 = arith.constant 0 : index
    %get3A_21 = arith.constant 0 : index
    %get3A_22 = vector.load %arg4[%get3A_20, %get3A_21] : memref<8x128xf32, #tpu.memory_space<vmem>>, vector<1x16xf32>
    %get3A_23 = arith.constant 1 : index
    %get3A_24 = arith.constant 0 : index
    %get3A_25 = vector.load %arg4[%get3A_23, %get3A_24] : memref<8x128xf32, #tpu.memory_space<vmem>>, vector<1x16xf32>
    %ge3A = vector.broadcast %reduce_min3A_14 : f32 to vector<1x16xf32>
    %ge3A_26 = arith.cmpf oge, %convert_element_type3A, %ge3A : vector<1x16xf32>
    %le3A = vector.broadcast %reduce_max3A_18 : f32 to vector<1x16xf32>
    %le3A_27 = arith.cmpf ole, %convert_element_type3A, %le3A : vector<1x16xf32>
    %and3A = arith.andi %ge3A_26, %le3A_27 : vector<1x16xi1>
    %jit3A = arith.constant 3.000000e+38 : f32
    %broadcast_in_dim3A = vector.broadcast %jit3A : f32 to vector<1x16xf32>
    %select_n3A = arith.select %and3A, %get3A_22, %broadcast_in_dim3A : vector<1x16xi1>, vector<1x16xf32>
    %reduce_min3A_28 = vector.shape_cast %select_n3A : vector<1x16xf32> to vector<1x1x16xf32>
    %reduce_min3A_29 = arith.constant dense<0x7F800000> : vector<1xf32>
    %reduce_min3A_30 = vector.multi_reduction <minimumf>, %reduce_min3A_28, %reduce_min3A_29 [1, 2] : vector<1x1x16xf32> to vector<1xf32>
    %reduce_min3A_31 = vector.shape_cast %reduce_min3A_30 : vector<1xf32> to vector<1x1x1xf32>
    %reduce_min3A_32 = vector.extract %reduce_min3A_31[0, 0, 0] : f32 from vector<1x1x1xf32>
    %eq3A = vector.broadcast %reduce_min3A_14 : f32 to vector<1x16xf32>
    %eq3A_33 = arith.cmpf oeq, %convert_element_type3A, %eq3A : vector<1x16xf32>
    %jit3A_34 = arith.constant 0.000000e+00 : f32
    %broadcast_in_dim3A_35 = vector.broadcast %jit3A_34 : f32 to vector<1x16xf32>
    %select_n3A_36 = arith.select %eq3A_33, %get3A_25, %broadcast_in_dim3A_35 : vector<1x16xi1>, vector<1x16xf32>
    %reduce_sum3A = vector.shape_cast %select_n3A_36 : vector<1x16xf32> to vector<1x1x16xf32>
    %reduce_sum3A_37 = arith.constant dense<0.000000e+00> : vector<1xf32>
    %reduce_sum3A_38 = vector.multi_reduction <add>, %reduce_sum3A, %reduce_sum3A_37 [1, 2] : vector<1x1x16xf32> to vector<1xf32>
    %reduce_sum3A_39 = vector.shape_cast %reduce_sum3A_38 : vector<1xf32> to vector<1x1x1xf32>
    %reduce_sum3A_40 = vector.extract %reduce_sum3A_39[0, 0, 0] : f32 from vector<1x1x1xf32>
    %convert_element_type3A_41 = arith.fptosi %reduce_sum3A_40 : f32 to i32
    %eq3A_42 = vector.broadcast %reduce_max3A_18 : f32 to vector<1x16xf32>
    %eq3A_43 = arith.cmpf oeq, %convert_element_type3A, %eq3A_42 : vector<1x16xf32>
    %add3A = arith.addf %get3A_25, %get3A_22 : vector<1x16xf32>
    %jit3A_44 = arith.constant 0.000000e+00 : f32
    %broadcast_in_dim3A_45 = vector.broadcast %jit3A_44 : f32 to vector<1x16xf32>
    %select_n3A_46 = arith.select %eq3A_43, %add3A, %broadcast_in_dim3A_45 : vector<1x16xi1>, vector<1x16xf32>
    %reduce_sum3A_47 = vector.shape_cast %select_n3A_46 : vector<1x16xf32> to vector<1x1x16xf32>
    %reduce_sum3A_48 = arith.constant dense<0.000000e+00> : vector<1xf32>
    %reduce_sum3A_49 = vector.multi_reduction <add>, %reduce_sum3A_47, %reduce_sum3A_48 [1, 2] : vector<1x1x16xf32> to vector<1xf32>
    %reduce_sum3A_50 = vector.shape_cast %reduce_sum3A_49 : vector<1xf32> to vector<1x1x1xf32>
    %reduce_sum3A_51 = vector.extract %reduce_sum3A_50[0, 0, 0] : f32 from vector<1x1x1xf32>
    %convert_element_type3A_52 = arith.fptosi %reduce_sum3A_51 : f32 to i32
    %ge3A_53 = arith.constant 1.600000e+01 : f32
    %ge3A_54 = arith.cmpf oge, %reduce_min3A_32, %ge3A_53 : f32
    %jit3A_55 = arith.constant 1024 : i32
    %div3A = arith.divsi %convert_element_type3A_41, %jit3A_55 : i32
    %sign3A = arith.constant 0 : i32
    %sign3A_56 = arith.cmpi sgt, %convert_element_type3A_41, %sign3A : i32
    %sign3A_57 = arith.extui %sign3A_56 : i1 to i32
    %sign3A_58 = arith.constant 0 : i32
    %sign3A_59 = arith.cmpi slt, %convert_element_type3A_41, %sign3A_58 : i32
    %sign3A_60 = arith.extui %sign3A_59 : i1 to i32
    %sign3A_61 = arith.subi %sign3A_57, %sign3A_60 : i32
    %sign3A_62 = arith.constant 0 : i32
    %sign3A_63 = arith.cmpi sgt, %jit3A_55, %sign3A_62 : i32
    %sign3A_64 = arith.extui %sign3A_63 : i1 to i32
    %sign3A_65 = arith.constant 0 : i32
    %sign3A_66 = arith.cmpi slt, %jit3A_55, %sign3A_65 : i32
    %sign3A_67 = arith.extui %sign3A_66 : i1 to i32
    %sign3A_68 = arith.subi %sign3A_64, %sign3A_67 : i32
    %ne3A = arith.cmpi ne, %sign3A_61, %sign3A_68 : i32
    %rem3A = arith.remsi %convert_element_type3A_41, %jit3A_55 : i32
    %ne3A_69 = arith.constant 0 : i32
    %ne3A_70 = arith.cmpi ne, %rem3A, %ne3A_69 : i32
    %and3A_71 = arith.andi %ne3A, %ne3A_70 : i1
    %sub3A = arith.constant 1 : i32
    %sub3A_72 = arith.subi %div3A, %sub3A : i32
    %select_n3A_73 = arith.select %and3A_71, %sub3A_72, %div3A : i32
    %jit3A_74 = arith.constant 0 : i32
    %select_n3A_75 = arith.select %ge3A_54, %select_n3A_73, %jit3A_74 : i32
    %add3A_76 = arith.constant 1024 : i32
    %add3A_77 = arith.addi %convert_element_type3A_52, %add3A_76 : i32
    %sub3A_78 = arith.constant 1 : i32
    %sub3A_79 = arith.subi %add3A_77, %sub3A_78 : i32
    %jit3A_80 = arith.constant 1024 : i32
    %div3A_81 = arith.divsi %sub3A_79, %jit3A_80 : i32
    %sign3A_82 = arith.constant 0 : i32
    %sign3A_83 = arith.cmpi sgt, %sub3A_79, %sign3A_82 : i32
    %sign3A_84 = arith.extui %sign3A_83 : i1 to i32
    %sign3A_85 = arith.constant 0 : i32
    %sign3A_86 = arith.cmpi slt, %sub3A_79, %sign3A_85 : i32
    %sign3A_87 = arith.extui %sign3A_86 : i1 to i32
    %sign3A_88 = arith.subi %sign3A_84, %sign3A_87 : i32
    %sign3A_89 = arith.constant 0 : i32
    %sign3A_90 = arith.cmpi sgt, %jit3A_80, %sign3A_89 : i32
    %sign3A_91 = arith.extui %sign3A_90 : i1 to i32
    %sign3A_92 = arith.constant 0 : i32
    %sign3A_93 = arith.cmpi slt, %jit3A_80, %sign3A_92 : i32
    %sign3A_94 = arith.extui %sign3A_93 : i1 to i32
    %sign3A_95 = arith.subi %sign3A_91, %sign3A_94 : i32
    %ne3A_96 = arith.cmpi ne, %sign3A_88, %sign3A_95 : i32
    %rem3A_97 = arith.remsi %sub3A_79, %jit3A_80 : i32
    %ne3A_98 = arith.constant 0 : i32
    %ne3A_99 = arith.cmpi ne, %rem3A_97, %ne3A_98 : i32
    %and3A_100 = arith.andi %ne3A_96, %ne3A_99 : i1
    %sub3A_101 = arith.constant 1 : i32
    %sub3A_102 = arith.subi %div3A_81, %sub3A_101 : i32
    %select_n3A_103 = arith.select %and3A_100, %sub3A_102, %div3A_81 : i32
    %jit3A_104 = arith.constant 10 : i32
    %select_n3A_105 = arith.select %ge3A_54, %select_n3A_103, %jit3A_104 : i32
    %broadcast_in_dim3A_106 = arith.constant 3.000000e+38 : f32
    %broadcast_in_dim3A_107 = vector.broadcast %broadcast_in_dim3A_106 : f32 to vector<256x16xf32>
    %broadcast_in_dim3A_108 = arith.constant -1.000000e+00 : f32
    %broadcast_in_dim3A_109 = vector.broadcast %broadcast_in_dim3A_108 : f32 to vector<256x16xf32>
    %while3A = arith.subi %select_n3A_105, %select_n3A_75 : i32
    %while3A_110 = arith.addi %select_n3A_75, %while3A : i32
    %while3A_111 = arith.constant 1 : i32
    %while3A_112 = arith.divsi %while3A, %while3A_111 : i32
    %while3A_113 = arith.muli %while3A_112, %while3A_111 : i32
    %while3A_114 = arith.addi %select_n3A_75, %while3A_113 : i32
    %while3A_115 = arith.constant 1 : i32
    %while3A_116:2 = scf.for %while3A_122 = %select_n3A_75 to %while3A_114 step %while3A_115 iter_args(%while3A_123 = %broadcast_in_dim3A_107, %while3A_124 = %broadcast_in_dim3A_109) -> (vector<256x16xf32>, vector<256x16xf32>)  : i32 {
      %mul3A = arith.constant 1024 : i32
      %mul3A_125 = arith.muli %while3A_122, %mul3A : i32
      %get3A_126 = arith.constant 0 : index
      %get3A_127 = arith.index_cast %mul3A_125 : i32 to index
      %get3A_128 = vector.load %arg2[%get3A_126, %get3A_127] : memref<8x10240xf32, #tpu.memory_space<vmem>>, vector<1x1024xf32>
      %get3A_129 = arith.constant 1 : index
      %get3A_130 = arith.index_cast %mul3A_125 : i32 to index
      %get3A_131 = vector.load %arg2[%get3A_129, %get3A_130] : memref<8x10240xf32, #tpu.memory_space<vmem>>, vector<1x1024xf32>
      %get3A_132 = arith.constant 2 : index
      %get3A_133 = arith.index_cast %mul3A_125 : i32 to index
      %get3A_134 = vector.load %arg2[%get3A_132, %get3A_133] : memref<8x10240xf32, #tpu.memory_space<vmem>>, vector<1x1024xf32>
      %get3A_135 = arith.constant 0 : index
      %get3A_136 = arith.index_cast %mul3A_125 : i32 to index
      %get3A_137 = vector.load %arg3[%get3A_135, %get3A_136] : memref<8x10240xf32, #tpu.memory_space<vmem>>, vector<1x1024xf32>
      %sub3A_138 = vector.broadcast %get3A_1 : vector<256x1xf32> to vector<256x1024xf32>
      %sub3A_139 = vector.broadcast %get3A_128 : vector<1x1024xf32> to vector<256x1024xf32>
      %sub3A_140 = arith.subf %sub3A_138, %sub3A_139 : vector<256x1024xf32>
      %sub3A_141 = vector.broadcast %get3A_4 : vector<256x1xf32> to vector<256x1024xf32>
      %sub3A_142 = vector.broadcast %get3A_131 : vector<1x1024xf32> to vector<256x1024xf32>
      %sub3A_143 = arith.subf %sub3A_141, %sub3A_142 : vector<256x1024xf32>
      %sub3A_144 = vector.broadcast %get3A_7 : vector<256x1xf32> to vector<256x1024xf32>
      %sub3A_145 = vector.broadcast %get3A_134 : vector<1x1024xf32> to vector<256x1024xf32>
      %sub3A_146 = arith.subf %sub3A_144, %sub3A_145 : vector<256x1024xf32>
      %mul3A_147 = arith.mulf %sub3A_140, %sub3A_140 : vector<256x1024xf32>
      %mul3A_148 = arith.mulf %sub3A_143, %sub3A_143 : vector<256x1024xf32>
      %add3A_149 = arith.addf %mul3A_147, %mul3A_148 : vector<256x1024xf32>
      %mul3A_150 = arith.mulf %sub3A_146, %sub3A_146 : vector<256x1024xf32>
      %add3A_151 = arith.addf %add3A_149, %mul3A_150 : vector<256x1024xf32>
      %ne3A_152 = vector.broadcast %get3A_10 : vector<256x1xf32> to vector<256x1024xf32>
      %ne3A_153 = vector.broadcast %get3A_137 : vector<1x1024xf32> to vector<256x1024xf32>
      %ne3A_154 = arith.cmpf one, %ne3A_152, %ne3A_153 : vector<256x1024xf32>
      %jit3A_155 = arith.constant 1.000000e+09 : f32
      %jit3A_156 = arith.constant 0.000000e+00 : f32
      %broadcast_in_dim3A_157 = vector.broadcast %jit3A_155 : f32 to vector<256x1024xf32>
      %broadcast_in_dim3A_158 = vector.broadcast %jit3A_156 : f32 to vector<256x1024xf32>
      %select_n3A_159 = arith.select %ne3A_154, %broadcast_in_dim3A_157, %broadcast_in_dim3A_158 : vector<256x1024xi1>, vector<256x1024xf32>
      %add3A_160 = arith.addf %add3A_151, %select_n3A_159 : vector<256x1024xf32>
      %iota3A_161 = tpu.iota {dimensions = array<i32: 1>} : vector<1x1024xi32>
      %add3A_162 = vector.broadcast %mul3A_125 : i32 to vector<1x1024xi32>
      %add3A_163 = arith.addi %add3A_162, %iota3A_161 : vector<1x1024xi32>
      %convert_element_type3A_164 = arith.sitofp %add3A_163 : vector<1x1024xi32> to vector<1x1024xf32>
      %concatenate3A = tpu.concatenate %while3A_123, %add3A_160 in 1 : vector<256x16xf32>, vector<256x1024xf32> -> vector<256x1040xf32>
      %broadcast_in_dim3A_165 = vector.shape_cast %convert_element_type3A_164 : vector<1x1024xf32> to vector<1x1024xf32>
      %broadcast_in_dim3A_166 = vector.broadcast %broadcast_in_dim3A_165 : vector<1x1024xf32> to vector<256x1024xf32>
      %concatenate3A_167 = tpu.concatenate %while3A_124, %broadcast_in_dim3A_166 in 1 : vector<256x16xf32>, vector<256x1024xf32> -> vector<256x1040xf32>
      %broadcast_in_dim3A_168 = arith.constant 3.000000e+38 : f32
      %broadcast_in_dim3A_169 = vector.broadcast %broadcast_in_dim3A_168 : f32 to vector<256x16xf32>
      %broadcast_in_dim3A_170 = arith.constant -1.000000e+00 : f32
      %broadcast_in_dim3A_171 = vector.broadcast %broadcast_in_dim3A_170 : f32 to vector<256x16xf32>
      %reduce_min3A_172 = arith.constant dense<0x7F800000> : vector<256xf32>
      %reduce_min3A_173 = vector.multi_reduction <minimumf>, %concatenate3A, %reduce_min3A_172 [1] : vector<256x1040xf32> to vector<256xf32>
      %broadcast_in_dim3A_174 = vector.shape_cast %reduce_min3A_173 : vector<256xf32> to vector<256x1xf32>
      %eq3A_175 = vector.broadcast %broadcast_in_dim3A_174 : vector<256x1xf32> to vector<256x1040xf32>
      %eq3A_176 = arith.cmpf oeq, %concatenate3A, %eq3A_175 : vector<256x1040xf32>
      %jit3A_177 = arith.constant 1.000000e+09 : f32
      %broadcast_in_dim3A_178 = vector.broadcast %jit3A_177 : f32 to vector<256x1040xf32>
      %select_n3A_179 = arith.select %eq3A_176, %concatenate3A_167, %broadcast_in_dim3A_178 : vector<256x1040xi1>, vector<256x1040xf32>
      %reduce_min3A_180 = arith.constant dense<0x7F800000> : vector<256xf32>
      %reduce_min3A_181 = vector.multi_reduction <minimumf>, %select_n3A_179, %reduce_min3A_180 [1] : vector<256x1040xf32> to vector<256xf32>
      %broadcast_in_dim3A_182 = vector.shape_cast %reduce_min3A_181 : vector<256xf32> to vector<256x1xf32>
      %eq3A_183 = vector.broadcast %broadcast_in_dim3A_182 : vector<256x1xf32> to vector<256x1040xf32>
      %eq3A_184 = arith.cmpf oeq, %concatenate3A_167, %eq3A_183 : vector<256x1040xf32>
      %jit3A_185 = arith.constant 3.000000e+38 : f32
      %broadcast_in_dim3A_186 = vector.broadcast %jit3A_185 : f32 to vector<256x1040xf32>
      %select_n3A_187 = arith.select %eq3A_184, %broadcast_in_dim3A_186, %concatenate3A : vector<256x1040xi1>, vector<256x1040xf32>
      %eq3A_188 = arith.constant 0 : i32
      %eq3A_189 = vector.broadcast %eq3A_188 : i32 to vector<1x16xi32>
      %eq3A_190 = arith.cmpi eq, %iota3A, %eq3A_189 : vector<1x16xi32>
      %broadcast_in_dim3A_191 = vector.shape_cast %eq3A_190 : vector<1x16xi1> to vector<1x16xi1>
      %broadcast_in_dim3A_192 = vector.broadcast %broadcast_in_dim3A_191 : vector<1x16xi1> to vector<256x16xi1>
      %broadcast_in_dim3A_193 = vector.shape_cast %broadcast_in_dim3A_174 : vector<256x1xf32> to vector<256x1xf32>
      %broadcast_in_dim3A_194 = vector.broadcast %broadcast_in_dim3A_193 : vector<256x1xf32> to vector<256x16xf32>
      %select_n3A_195 = arith.select %broadcast_in_dim3A_192, %broadcast_in_dim3A_194, %broadcast_in_dim3A_169 : vector<256x16xi1>, vector<256x16xf32>
      %broadcast_in_dim3A_196 = vector.shape_cast %eq3A_190 : vector<1x16xi1> to vector<1x16xi1>
      %broadcast_in_dim3A_197 = vector.broadcast %broadcast_in_dim3A_196 : vector<1x16xi1> to vector<256x16xi1>
      %broadcast_in_dim3A_198 = vector.shape_cast %broadcast_in_dim3A_182 : vector<256x1xf32> to vector<256x1xf32>
      %broadcast_in_dim3A_199 = vector.broadcast %broadcast_in_dim3A_198 : vector<256x1xf32> to vector<256x16xf32>
      %select_n3A_200 = arith.select %broadcast_in_dim3A_197, %broadcast_in_dim3A_199, %broadcast_in_dim3A_171 : vector<256x16xi1>, vector<256x16xf32>
      %reduce_min3A_201 = arith.constant dense<0x7F800000> : vector<256xf32>
      %reduce_min3A_202 = vector.multi_reduction <minimumf>, %select_n3A_187, %reduce_min3A_201 [1] : vector<256x1040xf32> to vector<256xf32>
      %broadcast_in_dim3A_203 = vector.shape_cast %reduce_min3A_202 : vector<256xf32> to vector<256x1xf32>
      %eq3A_204 = vector.broadcast %broadcast_in_dim3A_203 : vector<256x1xf32> to vector<256x1040xf32>
      %eq3A_205 = arith.cmpf oeq, %select_n3A_187, %eq3A_204 : vector<256x1040xf32>
      %jit3A_206 = arith.constant 1.000000e+09 : f32
      %broadcast_in_dim3A_207 = vector.broadcast %jit3A_206 : f32 to vector<256x1040xf32>
      %select_n3A_208 = arith.select %eq3A_205, %concatenate3A_167, %broadcast_in_dim3A_207 : vector<256x1040xi1>, vector<256x1040xf32>
      %reduce_min3A_209 = arith.constant dense<0x7F800000> : vector<256xf32>
      %reduce_min3A_210 = vector.multi_reduction <minimumf>, %select_n3A_208, %reduce_min3A_209 [1] : vector<256x1040xf32> to vector<256xf32>
      %broadcast_in_dim3A_211 = vector.shape_cast %reduce_min3A_210 : vector<256xf32> to vector<256x1xf32>
      %eq3A_212 = vector.broadcast %broadcast_in_dim3A_211 : vector<256x1xf32> to vector<256x1040xf32>
      %eq3A_213 = arith.cmpf oeq, %concatenate3A_167, %eq3A_212 : vector<256x1040xf32>
      %jit3A_214 = arith.constant 3.000000e+38 : f32
      %broadcast_in_dim3A_215 = vector.broadcast %jit3A_214 : f32 to vector<256x1040xf32>
      %select_n3A_216 = arith.select %eq3A_213, %broadcast_in_dim3A_215, %select_n3A_187 : vector<256x1040xi1>, vector<256x1040xf32>
      %eq3A_217 = arith.constant 1 : i32
      %eq3A_218 = vector.broadcast %eq3A_217 : i32 to vector<1x16xi32>
      %eq3A_219 = arith.cmpi eq, %iota3A, %eq3A_218 : vector<1x16xi32>
      %broadcast_in_dim3A_220 = vector.shape_cast %eq3A_219 : vector<1x16xi1> to vector<1x16xi1>
      %broadcast_in_dim3A_221 = vector.broadcast %broadcast_in_dim3A_220 : vector<1x16xi1> to vector<256x16xi1>
      %broadcast_in_dim3A_222 = vector.shape_cast %broadcast_in_dim3A_203 : vector<256x1xf32> to vector<256x1xf32>
      %broadcast_in_dim3A_223 = vector.broadcast %broadcast_in_dim3A_222 : vector<256x1xf32> to vector<256x16xf32>
      %select_n3A_224 = arith.select %broadcast_in_dim3A_221, %broadcast_in_dim3A_223, %select_n3A_195 : vector<256x16xi1>, vector<256x16xf32>
      %broadcast_in_dim3A_225 = vector.shape_cast %eq3A_219 : vector<1x16xi1> to vector<1x16xi1>
      %broadcast_in_dim3A_226 = vector.broadcast %broadcast_in_dim3A_225 : vector<1x16xi1> to vector<256x16xi1>
      %broadcast_in_dim3A_227 = vector.shape_cast %broadcast_in_dim3A_211 : vector<256x1xf32> to vector<256x1xf32>
      %broadcast_in_dim3A_228 = vector.broadcast %broadcast_in_dim3A_227 : vector<256x1xf32> to vector<256x16xf32>
      %select_n3A_229 = arith.select %broadcast_in_dim3A_226, %broadcast_in_dim3A_228, %select_n3A_200 : vector<256x16xi1>, vector<256x16xf32>
      %reduce_min3A_230 = arith.constant dense<0x7F800000> : vector<256xf32>
      %reduce_min3A_231 = vector.multi_reduction <minimumf>, %select_n3A_216, %reduce_min3A_230 [1] : vector<256x1040xf32> to vector<256xf32>
      %broadcast_in_dim3A_232 = vector.shape_cast %reduce_min3A_231 : vector<256xf32> to vector<256x1xf32>
      %eq3A_233 = vector.broadcast %broadcast_in_dim3A_232 : vector<256x1xf32> to vector<256x1040xf32>
      %eq3A_234 = arith.cmpf oeq, %select_n3A_216, %eq3A_233 : vector<256x1040xf32>
      %jit3A_235 = arith.constant 1.000000e+09 : f32
      %broadcast_in_dim3A_236 = vector.broadcast %jit3A_235 : f32 to vector<256x1040xf32>
      %select_n3A_237 = arith.select %eq3A_234, %concatenate3A_167, %broadcast_in_dim3A_236 : vector<256x1040xi1>, vector<256x1040xf32>
      %reduce_min3A_238 = arith.constant dense<0x7F800000> : vector<256xf32>
      %reduce_min3A_239 = vector.multi_reduction <minimumf>, %select_n3A_237, %reduce_min3A_238 [1] : vector<256x1040xf32> to vector<256xf32>
      %broadcast_in_dim3A_240 = vector.shape_cast %reduce_min3A_239 : vector<256xf32> to vector<256x1xf32>
      %eq3A_241 = vector.broadcast %broadcast_in_dim3A_240 : vector<256x1xf32> to vector<256x1040xf32>
      %eq3A_242 = arith.cmpf oeq, %concatenate3A_167, %eq3A_241 : vector<256x1040xf32>
      %jit3A_243 = arith.constant 3.000000e+38 : f32
      %broadcast_in_dim3A_244 = vector.broadcast %jit3A_243 : f32 to vector<256x1040xf32>
      %select_n3A_245 = arith.select %eq3A_242, %broadcast_in_dim3A_244, %select_n3A_216 : vector<256x1040xi1>, vector<256x1040xf32>
      %eq3A_246 = arith.constant 2 : i32
      %eq3A_247 = vector.broadcast %eq3A_246 : i32 to vector<1x16xi32>
      %eq3A_248 = arith.cmpi eq, %iota3A, %eq3A_247 : vector<1x16xi32>
      %broadcast_in_dim3A_249 = vector.shape_cast %eq3A_248 : vector<1x16xi1> to vector<1x16xi1>
      %broadcast_in_dim3A_250 = vector.broadcast %broadcast_in_dim3A_249 : vector<1x16xi1> to vector<256x16xi1>
      %broadcast_in_dim3A_251 = vector.shape_cast %broadcast_in_dim3A_232 : vector<256x1xf32> to vector<256x1xf32>
      %broadcast_in_dim3A_252 = vector.broadcast %broadcast_in_dim3A_251 : vector<256x1xf32> to vector<256x16xf32>
      %select_n3A_253 = arith.select %broadcast_in_dim3A_250, %broadcast_in_dim3A_252, %select_n3A_224 : vector<256x16xi1>, vector<256x16xf32>
      %broadcast_in_dim3A_254 = vector.shape_cast %eq3A_248 : vector<1x16xi1> to vector<1x16xi1>
      %broadcast_in_dim3A_255 = vector.broadcast %broadcast_in_dim3A_254 : vector<1x16xi1> to vector<256x16xi1>
      %broadcast_in_dim3A_256 = vector.shape_cast %broadcast_in_dim3A_240 : vector<256x1xf32> to vector<256x1xf32>
      %broadcast_in_dim3A_257 = vector.broadcast %broadcast_in_dim3A_256 : vector<256x1xf32> to vector<256x16xf32>
      %select_n3A_258 = arith.select %broadcast_in_dim3A_255, %broadcast_in_dim3A_257, %select_n3A_229 : vector<256x16xi1>, vector<256x16xf32>
      %reduce_min3A_259 = arith.constant dense<0x7F800000> : vector<256xf32>
      %reduce_min3A_260 = vector.multi_reduction <minimumf>, %select_n3A_245, %reduce_min3A_259 [1] : vector<256x1040xf32> to vector<256xf32>
      %broadcast_in_dim3A_261 = vector.shape_cast %reduce_min3A_260 : vector<256xf32> to vector<256x1xf32>
      %eq3A_262 = vector.broadcast %broadcast_in_dim3A_261 : vector<256x1xf32> to vector<256x1040xf32>
      %eq3A_263 = arith.cmpf oeq, %select_n3A_245, %eq3A_262 : vector<256x1040xf32>
      %jit3A_264 = arith.constant 1.000000e+09 : f32
      %broadcast_in_dim3A_265 = vector.broadcast %jit3A_264 : f32 to vector<256x1040xf32>
      %select_n3A_266 = arith.select %eq3A_263, %concatenate3A_167, %broadcast_in_dim3A_265 : vector<256x1040xi1>, vector<256x1040xf32>
      %reduce_min3A_267 = arith.constant dense<0x7F800000> : vector<256xf32>
      %reduce_min3A_268 = vector.multi_reduction <minimumf>, %select_n3A_266, %reduce_min3A_267 [1] : vector<256x1040xf32> to vector<256xf32>
      %broadcast_in_dim3A_269 = vector.shape_cast %reduce_min3A_268 : vector<256xf32> to vector<256x1xf32>
      %eq3A_270 = vector.broadcast %broadcast_in_dim3A_269 : vector<256x1xf32> to vector<256x1040xf32>
      %eq3A_271 = arith.cmpf oeq, %concatenate3A_167, %eq3A_270 : vector<256x1040xf32>
      %jit3A_272 = arith.constant 3.000000e+38 : f32
      %broadcast_in_dim3A_273 = vector.broadcast %jit3A_272 : f32 to vector<256x1040xf32>
      %select_n3A_274 = arith.select %eq3A_271, %broadcast_in_dim3A_273, %select_n3A_245 : vector<256x1040xi1>, vector<256x1040xf32>
      %eq3A_275 = arith.constant 3 : i32
      %eq3A_276 = vector.broadcast %eq3A_275 : i32 to vector<1x16xi32>
      %eq3A_277 = arith.cmpi eq, %iota3A, %eq3A_276 : vector<1x16xi32>
      %broadcast_in_dim3A_278 = vector.shape_cast %eq3A_277 : vector<1x16xi1> to vector<1x16xi1>
      %broadcast_in_dim3A_279 = vector.broadcast %broadcast_in_dim3A_278 : vector<1x16xi1> to vector<256x16xi1>
      %broadcast_in_dim3A_280 = vector.shape_cast %broadcast_in_dim3A_261 : vector<256x1xf32> to vector<256x1xf32>
      %broadcast_in_dim3A_281 = vector.broadcast %broadcast_in_dim3A_280 : vector<256x1xf32> to vector<256x16xf32>
      %select_n3A_282 = arith.select %broadcast_in_dim3A_279, %broadcast_in_dim3A_281, %select_n3A_253 : vector<256x16xi1>, vector<256x16xf32>
      %broadcast_in_dim3A_283 = vector.shape_cast %eq3A_277 : vector<1x16xi1> to vector<1x16xi1>
      %broadcast_in_dim3A_284 = vector.broadcast %broadcast_in_dim3A_283 : vector<1x16xi1> to vector<256x16xi1>
      %broadcast_in_dim3A_285 = vector.shape_cast %broadcast_in_dim3A_269 : vector<256x1xf32> to vector<256x1xf32>
      %broadcast_in_dim3A_286 = vector.broadcast %broadcast_in_dim3A_285 : vector<256x1xf32> to vector<256x16xf32>
      %select_n3A_287 = arith.select %broadcast_in_dim3A_284, %broadcast_in_dim3A_286, %select_n3A_258 : vector<256x16xi1>, vector<256x16xf32>
      %reduce_min3A_288 = arith.constant dense<0x7F800000> : vector<256xf32>
      %reduce_min3A_289 = vector.multi_reduction <minimumf>, %select_n3A_274, %reduce_min3A_288 [1] : vector<256x1040xf32> to vector<256xf32>
      %broadcast_in_dim3A_290 = vector.shape_cast %reduce_min3A_289 : vector<256xf32> to vector<256x1xf32>
      %eq3A_291 = vector.broadcast %broadcast_in_dim3A_290 : vector<256x1xf32> to vector<256x1040xf32>
      %eq3A_292 = arith.cmpf oeq, %select_n3A_274, %eq3A_291 : vector<256x1040xf32>
      %jit3A_293 = arith.constant 1.000000e+09 : f32
      %broadcast_in_dim3A_294 = vector.broadcast %jit3A_293 : f32 to vector<256x1040xf32>
      %select_n3A_295 = arith.select %eq3A_292, %concatenate3A_167, %broadcast_in_dim3A_294 : vector<256x1040xi1>, vector<256x1040xf32>
      %reduce_min3A_296 = arith.constant dense<0x7F800000> : vector<256xf32>
      %reduce_min3A_297 = vector.multi_reduction <minimumf>, %select_n3A_295, %reduce_min3A_296 [1] : vector<256x1040xf32> to vector<256xf32>
      %broadcast_in_dim3A_298 = vector.shape_cast %reduce_min3A_297 : vector<256xf32> to vector<256x1xf32>
      %eq3A_299 = vector.broadcast %broadcast_in_dim3A_298 : vector<256x1xf32> to vector<256x1040xf32>
      %eq3A_300 = arith.cmpf oeq, %concatenate3A_167, %eq3A_299 : vector<256x1040xf32>
      %jit3A_301 = arith.constant 3.000000e+38 : f32
      %broadcast_in_dim3A_302 = vector.broadcast %jit3A_301 : f32 to vector<256x1040xf32>
      %select_n3A_303 = arith.select %eq3A_300, %broadcast_in_dim3A_302, %select_n3A_274 : vector<256x1040xi1>, vector<256x1040xf32>
      %eq3A_304 = arith.constant 4 : i32
      %eq3A_305 = vector.broadcast %eq3A_304 : i32 to vector<1x16xi32>
      %eq3A_306 = arith.cmpi eq, %iota3A, %eq3A_305 : vector<1x16xi32>
      %broadcast_in_dim3A_307 = vector.shape_cast %eq3A_306 : vector<1x16xi1> to vector<1x16xi1>
      %broadcast_in_dim3A_308 = vector.broadcast %broadcast_in_dim3A_307 : vector<1x16xi1> to vector<256x16xi1>
      %broadcast_in_dim3A_309 = vector.shape_cast %broadcast_in_dim3A_290 : vector<256x1xf32> to vector<256x1xf32>
      %broadcast_in_dim3A_310 = vector.broadcast %broadcast_in_dim3A_309 : vector<256x1xf32> to vector<256x16xf32>
      %select_n3A_311 = arith.select %broadcast_in_dim3A_308, %broadcast_in_dim3A_310, %select_n3A_282 : vector<256x16xi1>, vector<256x16xf32>
      %broadcast_in_dim3A_312 = vector.shape_cast %eq3A_306 : vector<1x16xi1> to vector<1x16xi1>
      %broadcast_in_dim3A_313 = vector.broadcast %broadcast_in_dim3A_312 : vector<1x16xi1> to vector<256x16xi1>
      %broadcast_in_dim3A_314 = vector.shape_cast %broadcast_in_dim3A_298 : vector<256x1xf32> to vector<256x1xf32>
      %broadcast_in_dim3A_315 = vector.broadcast %broadcast_in_dim3A_314 : vector<256x1xf32> to vector<256x16xf32>
      %select_n3A_316 = arith.select %broadcast_in_dim3A_313, %broadcast_in_dim3A_315, %select_n3A_287 : vector<256x16xi1>, vector<256x16xf32>
      %reduce_min3A_317 = arith.constant dense<0x7F800000> : vector<256xf32>
      %reduce_min3A_318 = vector.multi_reduction <minimumf>, %select_n3A_303, %reduce_min3A_317 [1] : vector<256x1040xf32> to vector<256xf32>
      %broadcast_in_dim3A_319 = vector.shape_cast %reduce_min3A_318 : vector<256xf32> to vector<256x1xf32>
      %eq3A_320 = vector.broadcast %broadcast_in_dim3A_319 : vector<256x1xf32> to vector<256x1040xf32>
      %eq3A_321 = arith.cmpf oeq, %select_n3A_303, %eq3A_320 : vector<256x1040xf32>
      %jit3A_322 = arith.constant 1.000000e+09 : f32
      %broadcast_in_dim3A_323 = vector.broadcast %jit3A_322 : f32 to vector<256x1040xf32>
      %select_n3A_324 = arith.select %eq3A_321, %concatenate3A_167, %broadcast_in_dim3A_323 : vector<256x1040xi1>, vector<256x1040xf32>
      %reduce_min3A_325 = arith.constant dense<0x7F800000> : vector<256xf32>
      %reduce_min3A_326 = vector.multi_reduction <minimumf>, %select_n3A_324, %reduce_min3A_325 [1] : vector<256x1040xf32> to vector<256xf32>
      %broadcast_in_dim3A_327 = vector.shape_cast %reduce_min3A_326 : vector<256xf32> to vector<256x1xf32>
      %eq3A_328 = vector.broadcast %broadcast_in_dim3A_327 : vector<256x1xf32> to vector<256x1040xf32>
      %eq3A_329 = arith.cmpf oeq, %concatenate3A_167, %eq3A_328 : vector<256x1040xf32>
      %jit3A_330 = arith.constant 3.000000e+38 : f32
      %broadcast_in_dim3A_331 = vector.broadcast %jit3A_330 : f32 to vector<256x1040xf32>
      %select_n3A_332 = arith.select %eq3A_329, %broadcast_in_dim3A_331, %select_n3A_303 : vector<256x1040xi1>, vector<256x1040xf32>
      %eq3A_333 = arith.constant 5 : i32
      %eq3A_334 = vector.broadcast %eq3A_333 : i32 to vector<1x16xi32>
      %eq3A_335 = arith.cmpi eq, %iota3A, %eq3A_334 : vector<1x16xi32>
      %broadcast_in_dim3A_336 = vector.shape_cast %eq3A_335 : vector<1x16xi1> to vector<1x16xi1>
      %broadcast_in_dim3A_337 = vector.broadcast %broadcast_in_dim3A_336 : vector<1x16xi1> to vector<256x16xi1>
      %broadcast_in_dim3A_338 = vector.shape_cast %broadcast_in_dim3A_319 : vector<256x1xf32> to vector<256x1xf32>
      %broadcast_in_dim3A_339 = vector.broadcast %broadcast_in_dim3A_338 : vector<256x1xf32> to vector<256x16xf32>
      %select_n3A_340 = arith.select %broadcast_in_dim3A_337, %broadcast_in_dim3A_339, %select_n3A_311 : vector<256x16xi1>, vector<256x16xf32>
      %broadcast_in_dim3A_341 = vector.shape_cast %eq3A_335 : vector<1x16xi1> to vector<1x16xi1>
      %broadcast_in_dim3A_342 = vector.broadcast %broadcast_in_dim3A_341 : vector<1x16xi1> to vector<256x16xi1>
      %broadcast_in_dim3A_343 = vector.shape_cast %broadcast_in_dim3A_327 : vector<256x1xf32> to vector<256x1xf32>
      %broadcast_in_dim3A_344 = vector.broadcast %broadcast_in_dim3A_343 : vector<256x1xf32> to vector<256x16xf32>
      %select_n3A_345 = arith.select %broadcast_in_dim3A_342, %broadcast_in_dim3A_344, %select_n3A_316 : vector<256x16xi1>, vector<256x16xf32>
      %reduce_min3A_346 = arith.constant dense<0x7F800000> : vector<256xf32>
      %reduce_min3A_347 = vector.multi_reduction <minimumf>, %select_n3A_332, %reduce_min3A_346 [1] : vector<256x1040xf32> to vector<256xf32>
      %broadcast_in_dim3A_348 = vector.shape_cast %reduce_min3A_347 : vector<256xf32> to vector<256x1xf32>
      %eq3A_349 = vector.broadcast %broadcast_in_dim3A_348 : vector<256x1xf32> to vector<256x1040xf32>
      %eq3A_350 = arith.cmpf oeq, %select_n3A_332, %eq3A_349 : vector<256x1040xf32>
      %jit3A_351 = arith.constant 1.000000e+09 : f32
      %broadcast_in_dim3A_352 = vector.broadcast %jit3A_351 : f32 to vector<256x1040xf32>
      %select_n3A_353 = arith.select %eq3A_350, %concatenate3A_167, %broadcast_in_dim3A_352 : vector<256x1040xi1>, vector<256x1040xf32>
      %reduce_min3A_354 = arith.constant dense<0x7F800000> : vector<256xf32>
      %reduce_min3A_355 = vector.multi_reduction <minimumf>, %select_n3A_353, %reduce_min3A_354 [1] : vector<256x1040xf32> to vector<256xf32>
      %broadcast_in_dim3A_356 = vector.shape_cast %reduce_min3A_355 : vector<256xf32> to vector<256x1xf32>
      %eq3A_357 = vector.broadcast %broadcast_in_dim3A_356 : vector<256x1xf32> to vector<256x1040xf32>
      %eq3A_358 = arith.cmpf oeq, %concatenate3A_167, %eq3A_357 : vector<256x1040xf32>
      %jit3A_359 = arith.constant 3.000000e+38 : f32
      %broadcast_in_dim3A_360 = vector.broadcast %jit3A_359 : f32 to vector<256x1040xf32>
      %select_n3A_361 = arith.select %eq3A_358, %broadcast_in_dim3A_360, %select_n3A_332 : vector<256x1040xi1>, vector<256x1040xf32>
      %eq3A_362 = arith.constant 6 : i32
      %eq3A_363 = vector.broadcast %eq3A_362 : i32 to vector<1x16xi32>
      %eq3A_364 = arith.cmpi eq, %iota3A, %eq3A_363 : vector<1x16xi32>
      %broadcast_in_dim3A_365 = vector.shape_cast %eq3A_364 : vector<1x16xi1> to vector<1x16xi1>
      %broadcast_in_dim3A_366 = vector.broadcast %broadcast_in_dim3A_365 : vector<1x16xi1> to vector<256x16xi1>
      %broadcast_in_dim3A_367 = vector.shape_cast %broadcast_in_dim3A_348 : vector<256x1xf32> to vector<256x1xf32>
      %broadcast_in_dim3A_368 = vector.broadcast %broadcast_in_dim3A_367 : vector<256x1xf32> to vector<256x16xf32>
      %select_n3A_369 = arith.select %broadcast_in_dim3A_366, %broadcast_in_dim3A_368, %select_n3A_340 : vector<256x16xi1>, vector<256x16xf32>
      %broadcast_in_dim3A_370 = vector.shape_cast %eq3A_364 : vector<1x16xi1> to vector<1x16xi1>
      %broadcast_in_dim3A_371 = vector.broadcast %broadcast_in_dim3A_370 : vector<1x16xi1> to vector<256x16xi1>
      %broadcast_in_dim3A_372 = vector.shape_cast %broadcast_in_dim3A_356 : vector<256x1xf32> to vector<256x1xf32>
      %broadcast_in_dim3A_373 = vector.broadcast %broadcast_in_dim3A_372 : vector<256x1xf32> to vector<256x16xf32>
      %select_n3A_374 = arith.select %broadcast_in_dim3A_371, %broadcast_in_dim3A_373, %select_n3A_345 : vector<256x16xi1>, vector<256x16xf32>
      %reduce_min3A_375 = arith.constant dense<0x7F800000> : vector<256xf32>
      %reduce_min3A_376 = vector.multi_reduction <minimumf>, %select_n3A_361, %reduce_min3A_375 [1] : vector<256x1040xf32> to vector<256xf32>
      %broadcast_in_dim3A_377 = vector.shape_cast %reduce_min3A_376 : vector<256xf32> to vector<256x1xf32>
      %eq3A_378 = vector.broadcast %broadcast_in_dim3A_377 : vector<256x1xf32> to vector<256x1040xf32>
      %eq3A_379 = arith.cmpf oeq, %select_n3A_361, %eq3A_378 : vector<256x1040xf32>
      %jit3A_380 = arith.constant 1.000000e+09 : f32
      %broadcast_in_dim3A_381 = vector.broadcast %jit3A_380 : f32 to vector<256x1040xf32>
      %select_n3A_382 = arith.select %eq3A_379, %concatenate3A_167, %broadcast_in_dim3A_381 : vector<256x1040xi1>, vector<256x1040xf32>
      %reduce_min3A_383 = arith.constant dense<0x7F800000> : vector<256xf32>
      %reduce_min3A_384 = vector.multi_reduction <minimumf>, %select_n3A_382, %reduce_min3A_383 [1] : vector<256x1040xf32> to vector<256xf32>
      %broadcast_in_dim3A_385 = vector.shape_cast %reduce_min3A_384 : vector<256xf32> to vector<256x1xf32>
      %eq3A_386 = vector.broadcast %broadcast_in_dim3A_385 : vector<256x1xf32> to vector<256x1040xf32>
      %eq3A_387 = arith.cmpf oeq, %concatenate3A_167, %eq3A_386 : vector<256x1040xf32>
      %jit3A_388 = arith.constant 3.000000e+38 : f32
      %broadcast_in_dim3A_389 = vector.broadcast %jit3A_388 : f32 to vector<256x1040xf32>
      %select_n3A_390 = arith.select %eq3A_387, %broadcast_in_dim3A_389, %select_n3A_361 : vector<256x1040xi1>, vector<256x1040xf32>
      %eq3A_391 = arith.constant 7 : i32
      %eq3A_392 = vector.broadcast %eq3A_391 : i32 to vector<1x16xi32>
      %eq3A_393 = arith.cmpi eq, %iota3A, %eq3A_392 : vector<1x16xi32>
      %broadcast_in_dim3A_394 = vector.shape_cast %eq3A_393 : vector<1x16xi1> to vector<1x16xi1>
      %broadcast_in_dim3A_395 = vector.broadcast %broadcast_in_dim3A_394 : vector<1x16xi1> to vector<256x16xi1>
      %broadcast_in_dim3A_396 = vector.shape_cast %broadcast_in_dim3A_377 : vector<256x1xf32> to vector<256x1xf32>
      %broadcast_in_dim3A_397 = vector.broadcast %broadcast_in_dim3A_396 : vector<256x1xf32> to vector<256x16xf32>
      %select_n3A_398 = arith.select %broadcast_in_dim3A_395, %broadcast_in_dim3A_397, %select_n3A_369 : vector<256x16xi1>, vector<256x16xf32>
      %broadcast_in_dim3A_399 = vector.shape_cast %eq3A_393 : vector<1x16xi1> to vector<1x16xi1>
      %broadcast_in_dim3A_400 = vector.broadcast %broadcast_in_dim3A_399 : vector<1x16xi1> to vector<256x16xi1>
      %broadcast_in_dim3A_401 = vector.shape_cast %broadcast_in_dim3A_385 : vector<256x1xf32> to vector<256x1xf32>
      %broadcast_in_dim3A_402 = vector.broadcast %broadcast_in_dim3A_401 : vector<256x1xf32> to vector<256x16xf32>
      %select_n3A_403 = arith.select %broadcast_in_dim3A_400, %broadcast_in_dim3A_402, %select_n3A_374 : vector<256x16xi1>, vector<256x16xf32>
      %reduce_min3A_404 = arith.constant dense<0x7F800000> : vector<256xf32>
      %reduce_min3A_405 = vector.multi_reduction <minimumf>, %select_n3A_390, %reduce_min3A_404 [1] : vector<256x1040xf32> to vector<256xf32>
      %broadcast_in_dim3A_406 = vector.shape_cast %reduce_min3A_405 : vector<256xf32> to vector<256x1xf32>
      %eq3A_407 = vector.broadcast %broadcast_in_dim3A_406 : vector<256x1xf32> to vector<256x1040xf32>
      %eq3A_408 = arith.cmpf oeq, %select_n3A_390, %eq3A_407 : vector<256x1040xf32>
      %jit3A_409 = arith.constant 1.000000e+09 : f32
      %broadcast_in_dim3A_410 = vector.broadcast %jit3A_409 : f32 to vector<256x1040xf32>
      %select_n3A_411 = arith.select %eq3A_408, %concatenate3A_167, %broadcast_in_dim3A_410 : vector<256x1040xi1>, vector<256x1040xf32>
      %reduce_min3A_412 = arith.constant dense<0x7F800000> : vector<256xf32>
      %reduce_min3A_413 = vector.multi_reduction <minimumf>, %select_n3A_411, %reduce_min3A_412 [1] : vector<256x1040xf32> to vector<256xf32>
      %broadcast_in_dim3A_414 = vector.shape_cast %reduce_min3A_413 : vector<256xf32> to vector<256x1xf32>
      %eq3A_415 = vector.broadcast %broadcast_in_dim3A_414 : vector<256x1xf32> to vector<256x1040xf32>
      %eq3A_416 = arith.cmpf oeq, %concatenate3A_167, %eq3A_415 : vector<256x1040xf32>
      %jit3A_417 = arith.constant 3.000000e+38 : f32
      %broadcast_in_dim3A_418 = vector.broadcast %jit3A_417 : f32 to vector<256x1040xf32>
      %select_n3A_419 = arith.select %eq3A_416, %broadcast_in_dim3A_418, %select_n3A_390 : vector<256x1040xi1>, vector<256x1040xf32>
      %eq3A_420 = arith.constant 8 : i32
      %eq3A_421 = vector.broadcast %eq3A_420 : i32 to vector<1x16xi32>
      %eq3A_422 = arith.cmpi eq, %iota3A, %eq3A_421 : vector<1x16xi32>
      %broadcast_in_dim3A_423 = vector.shape_cast %eq3A_422 : vector<1x16xi1> to vector<1x16xi1>
      %broadcast_in_dim3A_424 = vector.broadcast %broadcast_in_dim3A_423 : vector<1x16xi1> to vector<256x16xi1>
      %broadcast_in_dim3A_425 = vector.shape_cast %broadcast_in_dim3A_406 : vector<256x1xf32> to vector<256x1xf32>
      %broadcast_in_dim3A_426 = vector.broadcast %broadcast_in_dim3A_425 : vector<256x1xf32> to vector<256x16xf32>
      %select_n3A_427 = arith.select %broadcast_in_dim3A_424, %broadcast_in_dim3A_426, %select_n3A_398 : vector<256x16xi1>, vector<256x16xf32>
      %broadcast_in_dim3A_428 = vector.shape_cast %eq3A_422 : vector<1x16xi1> to vector<1x16xi1>
      %broadcast_in_dim3A_429 = vector.broadcast %broadcast_in_dim3A_428 : vector<1x16xi1> to vector<256x16xi1>
      %broadcast_in_dim3A_430 = vector.shape_cast %broadcast_in_dim3A_414 : vector<256x1xf32> to vector<256x1xf32>
      %broadcast_in_dim3A_431 = vector.broadcast %broadcast_in_dim3A_430 : vector<256x1xf32> to vector<256x16xf32>
      %select_n3A_432 = arith.select %broadcast_in_dim3A_429, %broadcast_in_dim3A_431, %select_n3A_403 : vector<256x16xi1>, vector<256x16xf32>
      %reduce_min3A_433 = arith.constant dense<0x7F800000> : vector<256xf32>
      %reduce_min3A_434 = vector.multi_reduction <minimumf>, %select_n3A_419, %reduce_min3A_433 [1] : vector<256x1040xf32> to vector<256xf32>
      %broadcast_in_dim3A_435 = vector.shape_cast %reduce_min3A_434 : vector<256xf32> to vector<256x1xf32>
      %eq3A_436 = vector.broadcast %broadcast_in_dim3A_435 : vector<256x1xf32> to vector<256x1040xf32>
      %eq3A_437 = arith.cmpf oeq, %select_n3A_419, %eq3A_436 : vector<256x1040xf32>
      %jit3A_438 = arith.constant 1.000000e+09 : f32
      %broadcast_in_dim3A_439 = vector.broadcast %jit3A_438 : f32 to vector<256x1040xf32>
      %select_n3A_440 = arith.select %eq3A_437, %concatenate3A_167, %broadcast_in_dim3A_439 : vector<256x1040xi1>, vector<256x1040xf32>
      %reduce_min3A_441 = arith.constant dense<0x7F800000> : vector<256xf32>
      %reduce_min3A_442 = vector.multi_reduction <minimumf>, %select_n3A_440, %reduce_min3A_441 [1] : vector<256x1040xf32> to vector<256xf32>
      %broadcast_in_dim3A_443 = vector.shape_cast %reduce_min3A_442 : vector<256xf32> to vector<256x1xf32>
      %eq3A_444 = vector.broadcast %broadcast_in_dim3A_443 : vector<256x1xf32> to vector<256x1040xf32>
      %eq3A_445 = arith.cmpf oeq, %concatenate3A_167, %eq3A_444 : vector<256x1040xf32>
      %jit3A_446 = arith.constant 3.000000e+38 : f32
      %broadcast_in_dim3A_447 = vector.broadcast %jit3A_446 : f32 to vector<256x1040xf32>
      %select_n3A_448 = arith.select %eq3A_445, %broadcast_in_dim3A_447, %select_n3A_419 : vector<256x1040xi1>, vector<256x1040xf32>
      %eq3A_449 = arith.constant 9 : i32
      %eq3A_450 = vector.broadcast %eq3A_449 : i32 to vector<1x16xi32>
      %eq3A_451 = arith.cmpi eq, %iota3A, %eq3A_450 : vector<1x16xi32>
      %broadcast_in_dim3A_452 = vector.shape_cast %eq3A_451 : vector<1x16xi1> to vector<1x16xi1>
      %broadcast_in_dim3A_453 = vector.broadcast %broadcast_in_dim3A_452 : vector<1x16xi1> to vector<256x16xi1>
      %broadcast_in_dim3A_454 = vector.shape_cast %broadcast_in_dim3A_435 : vector<256x1xf32> to vector<256x1xf32>
      %broadcast_in_dim3A_455 = vector.broadcast %broadcast_in_dim3A_454 : vector<256x1xf32> to vector<256x16xf32>
      %select_n3A_456 = arith.select %broadcast_in_dim3A_453, %broadcast_in_dim3A_455, %select_n3A_427 : vector<256x16xi1>, vector<256x16xf32>
      %broadcast_in_dim3A_457 = vector.shape_cast %eq3A_451 : vector<1x16xi1> to vector<1x16xi1>
      %broadcast_in_dim3A_458 = vector.broadcast %broadcast_in_dim3A_457 : vector<1x16xi1> to vector<256x16xi1>
      %broadcast_in_dim3A_459 = vector.shape_cast %broadcast_in_dim3A_443 : vector<256x1xf32> to vector<256x1xf32>
      %broadcast_in_dim3A_460 = vector.broadcast %broadcast_in_dim3A_459 : vector<256x1xf32> to vector<256x16xf32>
      %select_n3A_461 = arith.select %broadcast_in_dim3A_458, %broadcast_in_dim3A_460, %select_n3A_432 : vector<256x16xi1>, vector<256x16xf32>
      %reduce_min3A_462 = arith.constant dense<0x7F800000> : vector<256xf32>
      %reduce_min3A_463 = vector.multi_reduction <minimumf>, %select_n3A_448, %reduce_min3A_462 [1] : vector<256x1040xf32> to vector<256xf32>
      %broadcast_in_dim3A_464 = vector.shape_cast %reduce_min3A_463 : vector<256xf32> to vector<256x1xf32>
      %eq3A_465 = vector.broadcast %broadcast_in_dim3A_464 : vector<256x1xf32> to vector<256x1040xf32>
      %eq3A_466 = arith.cmpf oeq, %select_n3A_448, %eq3A_465 : vector<256x1040xf32>
      %jit3A_467 = arith.constant 1.000000e+09 : f32
      %broadcast_in_dim3A_468 = vector.broadcast %jit3A_467 : f32 to vector<256x1040xf32>
      %select_n3A_469 = arith.select %eq3A_466, %concatenate3A_167, %broadcast_in_dim3A_468 : vector<256x1040xi1>, vector<256x1040xf32>
      %reduce_min3A_470 = arith.constant dense<0x7F800000> : vector<256xf32>
      %reduce_min3A_471 = vector.multi_reduction <minimumf>, %select_n3A_469, %reduce_min3A_470 [1] : vector<256x1040xf32> to vector<256xf32>
      %broadcast_in_dim3A_472 = vector.shape_cast %reduce_min3A_471 : vector<256xf32> to vector<256x1xf32>
      %eq3A_473 = vector.broadcast %broadcast_in_dim3A_472 : vector<256x1xf32> to vector<256x1040xf32>
      %eq3A_474 = arith.cmpf oeq, %concatenate3A_167, %eq3A_473 : vector<256x1040xf32>
      %jit3A_475 = arith.constant 3.000000e+38 : f32
      %broadcast_in_dim3A_476 = vector.broadcast %jit3A_475 : f32 to vector<256x1040xf32>
      %select_n3A_477 = arith.select %eq3A_474, %broadcast_in_dim3A_476, %select_n3A_448 : vector<256x1040xi1>, vector<256x1040xf32>
      %eq3A_478 = arith.constant 10 : i32
      %eq3A_479 = vector.broadcast %eq3A_478 : i32 to vector<1x16xi32>
      %eq3A_480 = arith.cmpi eq, %iota3A, %eq3A_479 : vector<1x16xi32>
      %broadcast_in_dim3A_481 = vector.shape_cast %eq3A_480 : vector<1x16xi1> to vector<1x16xi1>
      %broadcast_in_dim3A_482 = vector.broadcast %broadcast_in_dim3A_481 : vector<1x16xi1> to vector<256x16xi1>
      %broadcast_in_dim3A_483 = vector.shape_cast %broadcast_in_dim3A_464 : vector<256x1xf32> to vector<256x1xf32>
      %broadcast_in_dim3A_484 = vector.broadcast %broadcast_in_dim3A_483 : vector<256x1xf32> to vector<256x16xf32>
      %select_n3A_485 = arith.select %broadcast_in_dim3A_482, %broadcast_in_dim3A_484, %select_n3A_456 : vector<256x16xi1>, vector<256x16xf32>
      %broadcast_in_dim3A_486 = vector.shape_cast %eq3A_480 : vector<1x16xi1> to vector<1x16xi1>
      %broadcast_in_dim3A_487 = vector.broadcast %broadcast_in_dim3A_486 : vector<1x16xi1> to vector<256x16xi1>
      %broadcast_in_dim3A_488 = vector.shape_cast %broadcast_in_dim3A_472 : vector<256x1xf32> to vector<256x1xf32>
      %broadcast_in_dim3A_489 = vector.broadcast %broadcast_in_dim3A_488 : vector<256x1xf32> to vector<256x16xf32>
      %select_n3A_490 = arith.select %broadcast_in_dim3A_487, %broadcast_in_dim3A_489, %select_n3A_461 : vector<256x16xi1>, vector<256x16xf32>
      %reduce_min3A_491 = arith.constant dense<0x7F800000> : vector<256xf32>
      %reduce_min3A_492 = vector.multi_reduction <minimumf>, %select_n3A_477, %reduce_min3A_491 [1] : vector<256x1040xf32> to vector<256xf32>
      %broadcast_in_dim3A_493 = vector.shape_cast %reduce_min3A_492 : vector<256xf32> to vector<256x1xf32>
      %eq3A_494 = vector.broadcast %broadcast_in_dim3A_493 : vector<256x1xf32> to vector<256x1040xf32>
      %eq3A_495 = arith.cmpf oeq, %select_n3A_477, %eq3A_494 : vector<256x1040xf32>
      %jit3A_496 = arith.constant 1.000000e+09 : f32
      %broadcast_in_dim3A_497 = vector.broadcast %jit3A_496 : f32 to vector<256x1040xf32>
      %select_n3A_498 = arith.select %eq3A_495, %concatenate3A_167, %broadcast_in_dim3A_497 : vector<256x1040xi1>, vector<256x1040xf32>
      %reduce_min3A_499 = arith.constant dense<0x7F800000> : vector<256xf32>
      %reduce_min3A_500 = vector.multi_reduction <minimumf>, %select_n3A_498, %reduce_min3A_499 [1] : vector<256x1040xf32> to vector<256xf32>
      %broadcast_in_dim3A_501 = vector.shape_cast %reduce_min3A_500 : vector<256xf32> to vector<256x1xf32>
      %eq3A_502 = vector.broadcast %broadcast_in_dim3A_501 : vector<256x1xf32> to vector<256x1040xf32>
      %eq3A_503 = arith.cmpf oeq, %concatenate3A_167, %eq3A_502 : vector<256x1040xf32>
      %jit3A_504 = arith.constant 3.000000e+38 : f32
      %broadcast_in_dim3A_505 = vector.broadcast %jit3A_504 : f32 to vector<256x1040xf32>
      %select_n3A_506 = arith.select %eq3A_503, %broadcast_in_dim3A_505, %select_n3A_477 : vector<256x1040xi1>, vector<256x1040xf32>
      %eq3A_507 = arith.constant 11 : i32
      %eq3A_508 = vector.broadcast %eq3A_507 : i32 to vector<1x16xi32>
      %eq3A_509 = arith.cmpi eq, %iota3A, %eq3A_508 : vector<1x16xi32>
      %broadcast_in_dim3A_510 = vector.shape_cast %eq3A_509 : vector<1x16xi1> to vector<1x16xi1>
      %broadcast_in_dim3A_511 = vector.broadcast %broadcast_in_dim3A_510 : vector<1x16xi1> to vector<256x16xi1>
      %broadcast_in_dim3A_512 = vector.shape_cast %broadcast_in_dim3A_493 : vector<256x1xf32> to vector<256x1xf32>
      %broadcast_in_dim3A_513 = vector.broadcast %broadcast_in_dim3A_512 : vector<256x1xf32> to vector<256x16xf32>
      %select_n3A_514 = arith.select %broadcast_in_dim3A_511, %broadcast_in_dim3A_513, %select_n3A_485 : vector<256x16xi1>, vector<256x16xf32>
      %broadcast_in_dim3A_515 = vector.shape_cast %eq3A_509 : vector<1x16xi1> to vector<1x16xi1>
      %broadcast_in_dim3A_516 = vector.broadcast %broadcast_in_dim3A_515 : vector<1x16xi1> to vector<256x16xi1>
      %broadcast_in_dim3A_517 = vector.shape_cast %broadcast_in_dim3A_501 : vector<256x1xf32> to vector<256x1xf32>
      %broadcast_in_dim3A_518 = vector.broadcast %broadcast_in_dim3A_517 : vector<256x1xf32> to vector<256x16xf32>
      %select_n3A_519 = arith.select %broadcast_in_dim3A_516, %broadcast_in_dim3A_518, %select_n3A_490 : vector<256x16xi1>, vector<256x16xf32>
      %reduce_min3A_520 = arith.constant dense<0x7F800000> : vector<256xf32>
      %reduce_min3A_521 = vector.multi_reduction <minimumf>, %select_n3A_506, %reduce_min3A_520 [1] : vector<256x1040xf32> to vector<256xf32>
      %broadcast_in_dim3A_522 = vector.shape_cast %reduce_min3A_521 : vector<256xf32> to vector<256x1xf32>
      %eq3A_523 = vector.broadcast %broadcast_in_dim3A_522 : vector<256x1xf32> to vector<256x1040xf32>
      %eq3A_524 = arith.cmpf oeq, %select_n3A_506, %eq3A_523 : vector<256x1040xf32>
      %jit3A_525 = arith.constant 1.000000e+09 : f32
      %broadcast_in_dim3A_526 = vector.broadcast %jit3A_525 : f32 to vector<256x1040xf32>
      %select_n3A_527 = arith.select %eq3A_524, %concatenate3A_167, %broadcast_in_dim3A_526 : vector<256x1040xi1>, vector<256x1040xf32>
      %reduce_min3A_528 = arith.constant dense<0x7F800000> : vector<256xf32>
      %reduce_min3A_529 = vector.multi_reduction <minimumf>, %select_n3A_527, %reduce_min3A_528 [1] : vector<256x1040xf32> to vector<256xf32>
      %broadcast_in_dim3A_530 = vector.shape_cast %reduce_min3A_529 : vector<256xf32> to vector<256x1xf32>
      %eq3A_531 = vector.broadcast %broadcast_in_dim3A_530 : vector<256x1xf32> to vector<256x1040xf32>
      %eq3A_532 = arith.cmpf oeq, %concatenate3A_167, %eq3A_531 : vector<256x1040xf32>
      %jit3A_533 = arith.constant 3.000000e+38 : f32
      %broadcast_in_dim3A_534 = vector.broadcast %jit3A_533 : f32 to vector<256x1040xf32>
      %select_n3A_535 = arith.select %eq3A_532, %broadcast_in_dim3A_534, %select_n3A_506 : vector<256x1040xi1>, vector<256x1040xf32>
      %eq3A_536 = arith.constant 12 : i32
      %eq3A_537 = vector.broadcast %eq3A_536 : i32 to vector<1x16xi32>
      %eq3A_538 = arith.cmpi eq, %iota3A, %eq3A_537 : vector<1x16xi32>
      %broadcast_in_dim3A_539 = vector.shape_cast %eq3A_538 : vector<1x16xi1> to vector<1x16xi1>
      %broadcast_in_dim3A_540 = vector.broadcast %broadcast_in_dim3A_539 : vector<1x16xi1> to vector<256x16xi1>
      %broadcast_in_dim3A_541 = vector.shape_cast %broadcast_in_dim3A_522 : vector<256x1xf32> to vector<256x1xf32>
      %broadcast_in_dim3A_542 = vector.broadcast %broadcast_in_dim3A_541 : vector<256x1xf32> to vector<256x16xf32>
      %select_n3A_543 = arith.select %broadcast_in_dim3A_540, %broadcast_in_dim3A_542, %select_n3A_514 : vector<256x16xi1>, vector<256x16xf32>
      %broadcast_in_dim3A_544 = vector.shape_cast %eq3A_538 : vector<1x16xi1> to vector<1x16xi1>
      %broadcast_in_dim3A_545 = vector.broadcast %broadcast_in_dim3A_544 : vector<1x16xi1> to vector<256x16xi1>
      %broadcast_in_dim3A_546 = vector.shape_cast %broadcast_in_dim3A_530 : vector<256x1xf32> to vector<256x1xf32>
      %broadcast_in_dim3A_547 = vector.broadcast %broadcast_in_dim3A_546 : vector<256x1xf32> to vector<256x16xf32>
      %select_n3A_548 = arith.select %broadcast_in_dim3A_545, %broadcast_in_dim3A_547, %select_n3A_519 : vector<256x16xi1>, vector<256x16xf32>
      %reduce_min3A_549 = arith.constant dense<0x7F800000> : vector<256xf32>
      %reduce_min3A_550 = vector.multi_reduction <minimumf>, %select_n3A_535, %reduce_min3A_549 [1] : vector<256x1040xf32> to vector<256xf32>
      %broadcast_in_dim3A_551 = vector.shape_cast %reduce_min3A_550 : vector<256xf32> to vector<256x1xf32>
      %eq3A_552 = vector.broadcast %broadcast_in_dim3A_551 : vector<256x1xf32> to vector<256x1040xf32>
      %eq3A_553 = arith.cmpf oeq, %select_n3A_535, %eq3A_552 : vector<256x1040xf32>
      %jit3A_554 = arith.constant 1.000000e+09 : f32
      %broadcast_in_dim3A_555 = vector.broadcast %jit3A_554 : f32 to vector<256x1040xf32>
      %select_n3A_556 = arith.select %eq3A_553, %concatenate3A_167, %broadcast_in_dim3A_555 : vector<256x1040xi1>, vector<256x1040xf32>
      %reduce_min3A_557 = arith.constant dense<0x7F800000> : vector<256xf32>
      %reduce_min3A_558 = vector.multi_reduction <minimumf>, %select_n3A_556, %reduce_min3A_557 [1] : vector<256x1040xf32> to vector<256xf32>
      %broadcast_in_dim3A_559 = vector.shape_cast %reduce_min3A_558 : vector<256xf32> to vector<256x1xf32>
      %eq3A_560 = vector.broadcast %broadcast_in_dim3A_559 : vector<256x1xf32> to vector<256x1040xf32>
      %eq3A_561 = arith.cmpf oeq, %concatenate3A_167, %eq3A_560 : vector<256x1040xf32>
      %jit3A_562 = arith.constant 3.000000e+38 : f32
      %broadcast_in_dim3A_563 = vector.broadcast %jit3A_562 : f32 to vector<256x1040xf32>
      %select_n3A_564 = arith.select %eq3A_561, %broadcast_in_dim3A_563, %select_n3A_535 : vector<256x1040xi1>, vector<256x1040xf32>
      %eq3A_565 = arith.constant 13 : i32
      %eq3A_566 = vector.broadcast %eq3A_565 : i32 to vector<1x16xi32>
      %eq3A_567 = arith.cmpi eq, %iota3A, %eq3A_566 : vector<1x16xi32>
      %broadcast_in_dim3A_568 = vector.shape_cast %eq3A_567 : vector<1x16xi1> to vector<1x16xi1>
      %broadcast_in_dim3A_569 = vector.broadcast %broadcast_in_dim3A_568 : vector<1x16xi1> to vector<256x16xi1>
      %broadcast_in_dim3A_570 = vector.shape_cast %broadcast_in_dim3A_551 : vector<256x1xf32> to vector<256x1xf32>
      %broadcast_in_dim3A_571 = vector.broadcast %broadcast_in_dim3A_570 : vector<256x1xf32> to vector<256x16xf32>
      %select_n3A_572 = arith.select %broadcast_in_dim3A_569, %broadcast_in_dim3A_571, %select_n3A_543 : vector<256x16xi1>, vector<256x16xf32>
      %broadcast_in_dim3A_573 = vector.shape_cast %eq3A_567 : vector<1x16xi1> to vector<1x16xi1>
      %broadcast_in_dim3A_574 = vector.broadcast %broadcast_in_dim3A_573 : vector<1x16xi1> to vector<256x16xi1>
      %broadcast_in_dim3A_575 = vector.shape_cast %broadcast_in_dim3A_559 : vector<256x1xf32> to vector<256x1xf32>
      %broadcast_in_dim3A_576 = vector.broadcast %broadcast_in_dim3A_575 : vector<256x1xf32> to vector<256x16xf32>
      %select_n3A_577 = arith.select %broadcast_in_dim3A_574, %broadcast_in_dim3A_576, %select_n3A_548 : vector<256x16xi1>, vector<256x16xf32>
      %reduce_min3A_578 = arith.constant dense<0x7F800000> : vector<256xf32>
      %reduce_min3A_579 = vector.multi_reduction <minimumf>, %select_n3A_564, %reduce_min3A_578 [1] : vector<256x1040xf32> to vector<256xf32>
      %broadcast_in_dim3A_580 = vector.shape_cast %reduce_min3A_579 : vector<256xf32> to vector<256x1xf32>
      %eq3A_581 = vector.broadcast %broadcast_in_dim3A_580 : vector<256x1xf32> to vector<256x1040xf32>
      %eq3A_582 = arith.cmpf oeq, %select_n3A_564, %eq3A_581 : vector<256x1040xf32>
      %jit3A_583 = arith.constant 1.000000e+09 : f32
      %broadcast_in_dim3A_584 = vector.broadcast %jit3A_583 : f32 to vector<256x1040xf32>
      %select_n3A_585 = arith.select %eq3A_582, %concatenate3A_167, %broadcast_in_dim3A_584 : vector<256x1040xi1>, vector<256x1040xf32>
      %reduce_min3A_586 = arith.constant dense<0x7F800000> : vector<256xf32>
      %reduce_min3A_587 = vector.multi_reduction <minimumf>, %select_n3A_585, %reduce_min3A_586 [1] : vector<256x1040xf32> to vector<256xf32>
      %broadcast_in_dim3A_588 = vector.shape_cast %reduce_min3A_587 : vector<256xf32> to vector<256x1xf32>
      %eq3A_589 = vector.broadcast %broadcast_in_dim3A_588 : vector<256x1xf32> to vector<256x1040xf32>
      %eq3A_590 = arith.cmpf oeq, %concatenate3A_167, %eq3A_589 : vector<256x1040xf32>
      %jit3A_591 = arith.constant 3.000000e+38 : f32
      %broadcast_in_dim3A_592 = vector.broadcast %jit3A_591 : f32 to vector<256x1040xf32>
      %select_n3A_593 = arith.select %eq3A_590, %broadcast_in_dim3A_592, %select_n3A_564 : vector<256x1040xi1>, vector<256x1040xf32>
      %eq3A_594 = arith.constant 14 : i32
      %eq3A_595 = vector.broadcast %eq3A_594 : i32 to vector<1x16xi32>
      %eq3A_596 = arith.cmpi eq, %iota3A, %eq3A_595 : vector<1x16xi32>
      %broadcast_in_dim3A_597 = vector.shape_cast %eq3A_596 : vector<1x16xi1> to vector<1x16xi1>
      %broadcast_in_dim3A_598 = vector.broadcast %broadcast_in_dim3A_597 : vector<1x16xi1> to vector<256x16xi1>
      %broadcast_in_dim3A_599 = vector.shape_cast %broadcast_in_dim3A_580 : vector<256x1xf32> to vector<256x1xf32>
      %broadcast_in_dim3A_600 = vector.broadcast %broadcast_in_dim3A_599 : vector<256x1xf32> to vector<256x16xf32>
      %select_n3A_601 = arith.select %broadcast_in_dim3A_598, %broadcast_in_dim3A_600, %select_n3A_572 : vector<256x16xi1>, vector<256x16xf32>
      %broadcast_in_dim3A_602 = vector.shape_cast %eq3A_596 : vector<1x16xi1> to vector<1x16xi1>
      %broadcast_in_dim3A_603 = vector.broadcast %broadcast_in_dim3A_602 : vector<1x16xi1> to vector<256x16xi1>
      %broadcast_in_dim3A_604 = vector.shape_cast %broadcast_in_dim3A_588 : vector<256x1xf32> to vector<256x1xf32>
      %broadcast_in_dim3A_605 = vector.broadcast %broadcast_in_dim3A_604 : vector<256x1xf32> to vector<256x16xf32>
      %select_n3A_606 = arith.select %broadcast_in_dim3A_603, %broadcast_in_dim3A_605, %select_n3A_577 : vector<256x16xi1>, vector<256x16xf32>
      %reduce_min3A_607 = arith.constant dense<0x7F800000> : vector<256xf32>
      %reduce_min3A_608 = vector.multi_reduction <minimumf>, %select_n3A_593, %reduce_min3A_607 [1] : vector<256x1040xf32> to vector<256xf32>
      %broadcast_in_dim3A_609 = vector.shape_cast %reduce_min3A_608 : vector<256xf32> to vector<256x1xf32>
      %eq3A_610 = vector.broadcast %broadcast_in_dim3A_609 : vector<256x1xf32> to vector<256x1040xf32>
      %eq3A_611 = arith.cmpf oeq, %select_n3A_593, %eq3A_610 : vector<256x1040xf32>
      %jit3A_612 = arith.constant 1.000000e+09 : f32
      %broadcast_in_dim3A_613 = vector.broadcast %jit3A_612 : f32 to vector<256x1040xf32>
      %select_n3A_614 = arith.select %eq3A_611, %concatenate3A_167, %broadcast_in_dim3A_613 : vector<256x1040xi1>, vector<256x1040xf32>
      %reduce_min3A_615 = arith.constant dense<0x7F800000> : vector<256xf32>
      %reduce_min3A_616 = vector.multi_reduction <minimumf>, %select_n3A_614, %reduce_min3A_615 [1] : vector<256x1040xf32> to vector<256xf32>
      %broadcast_in_dim3A_617 = vector.shape_cast %reduce_min3A_616 : vector<256xf32> to vector<256x1xf32>
      %eq3A_618 = vector.broadcast %broadcast_in_dim3A_617 : vector<256x1xf32> to vector<256x1040xf32>
      %eq3A_619 = arith.cmpf oeq, %concatenate3A_167, %eq3A_618 : vector<256x1040xf32>
      %jit3A_620 = arith.constant 3.000000e+38 : f32
      %broadcast_in_dim3A_621 = vector.broadcast %jit3A_620 : f32 to vector<256x1040xf32>
      %select_n3A_622 = arith.select %eq3A_619, %broadcast_in_dim3A_621, %select_n3A_593 : vector<256x1040xi1>, vector<256x1040xf32>
      %eq3A_623 = arith.constant 15 : i32
      %eq3A_624 = vector.broadcast %eq3A_623 : i32 to vector<1x16xi32>
      %eq3A_625 = arith.cmpi eq, %iota3A, %eq3A_624 : vector<1x16xi32>
      %broadcast_in_dim3A_626 = vector.shape_cast %eq3A_625 : vector<1x16xi1> to vector<1x16xi1>
      %broadcast_in_dim3A_627 = vector.broadcast %broadcast_in_dim3A_626 : vector<1x16xi1> to vector<256x16xi1>
      %broadcast_in_dim3A_628 = vector.shape_cast %broadcast_in_dim3A_609 : vector<256x1xf32> to vector<256x1xf32>
      %broadcast_in_dim3A_629 = vector.broadcast %broadcast_in_dim3A_628 : vector<256x1xf32> to vector<256x16xf32>
      %select_n3A_630 = arith.select %broadcast_in_dim3A_627, %broadcast_in_dim3A_629, %select_n3A_601 : vector<256x16xi1>, vector<256x16xf32>
      %broadcast_in_dim3A_631 = vector.shape_cast %eq3A_625 : vector<1x16xi1> to vector<1x16xi1>
      %broadcast_in_dim3A_632 = vector.broadcast %broadcast_in_dim3A_631 : vector<1x16xi1> to vector<256x16xi1>
      %broadcast_in_dim3A_633 = vector.shape_cast %broadcast_in_dim3A_617 : vector<256x1xf32> to vector<256x1xf32>
      %broadcast_in_dim3A_634 = vector.broadcast %broadcast_in_dim3A_633 : vector<256x1xf32> to vector<256x16xf32>
      %select_n3A_635 = arith.select %broadcast_in_dim3A_632, %broadcast_in_dim3A_634, %select_n3A_606 : vector<256x16xi1>, vector<256x16xf32>
      scf.yield %select_n3A_630, %select_n3A_635 : vector<256x16xf32>, vector<256x16xf32>
    }
    %while3A_117 = arith.constant 1 : i32
    %while3A_118:2 = scf.for %while3A_122 = %while3A_114 to %while3A_110 step %while3A_117 iter_args(%while3A_123 = %while3A_116#0, %while3A_124 = %while3A_116#1) -> (vector<256x16xf32>, vector<256x16xf32>)  : i32 {
      %mul3A = arith.constant 1024 : i32
      %mul3A_125 = arith.muli %while3A_122, %mul3A : i32
      %get3A_126 = arith.constant 0 : index
      %get3A_127 = arith.index_cast %mul3A_125 : i32 to index
      %get3A_128 = vector.load %arg2[%get3A_126, %get3A_127] : memref<8x10240xf32, #tpu.memory_space<vmem>>, vector<1x1024xf32>
      %get3A_129 = arith.constant 1 : index
      %get3A_130 = arith.index_cast %mul3A_125 : i32 to index
      %get3A_131 = vector.load %arg2[%get3A_129, %get3A_130] : memref<8x10240xf32, #tpu.memory_space<vmem>>, vector<1x1024xf32>
      %get3A_132 = arith.constant 2 : index
      %get3A_133 = arith.index_cast %mul3A_125 : i32 to index
      %get3A_134 = vector.load %arg2[%get3A_132, %get3A_133] : memref<8x10240xf32, #tpu.memory_space<vmem>>, vector<1x1024xf32>
      %get3A_135 = arith.constant 0 : index
      %get3A_136 = arith.index_cast %mul3A_125 : i32 to index
      %get3A_137 = vector.load %arg3[%get3A_135, %get3A_136] : memref<8x10240xf32, #tpu.memory_space<vmem>>, vector<1x1024xf32>
      %sub3A_138 = vector.broadcast %get3A_1 : vector<256x1xf32> to vector<256x1024xf32>
      %sub3A_139 = vector.broadcast %get3A_128 : vector<1x1024xf32> to vector<256x1024xf32>
      %sub3A_140 = arith.subf %sub3A_138, %sub3A_139 : vector<256x1024xf32>
      %sub3A_141 = vector.broadcast %get3A_4 : vector<256x1xf32> to vector<256x1024xf32>
      %sub3A_142 = vector.broadcast %get3A_131 : vector<1x1024xf32> to vector<256x1024xf32>
      %sub3A_143 = arith.subf %sub3A_141, %sub3A_142 : vector<256x1024xf32>
      %sub3A_144 = vector.broadcast %get3A_7 : vector<256x1xf32> to vector<256x1024xf32>
      %sub3A_145 = vector.broadcast %get3A_134 : vector<1x1024xf32> to vector<256x1024xf32>
      %sub3A_146 = arith.subf %sub3A_144, %sub3A_145 : vector<256x1024xf32>
      %mul3A_147 = arith.mulf %sub3A_140, %sub3A_140 : vector<256x1024xf32>
      %mul3A_148 = arith.mulf %sub3A_143, %sub3A_143 : vector<256x1024xf32>
      %add3A_149 = arith.addf %mul3A_147, %mul3A_148 : vector<256x1024xf32>
      %mul3A_150 = arith.mulf %sub3A_146, %sub3A_146 : vector<256x1024xf32>
      %add3A_151 = arith.addf %add3A_149, %mul3A_150 : vector<256x1024xf32>
      %ne3A_152 = vector.broadcast %get3A_10 : vector<256x1xf32> to vector<256x1024xf32>
      %ne3A_153 = vector.broadcast %get3A_137 : vector<1x1024xf32> to vector<256x1024xf32>
      %ne3A_154 = arith.cmpf one, %ne3A_152, %ne3A_153 : vector<256x1024xf32>
      %jit3A_155 = arith.constant 1.000000e+09 : f32
      %jit3A_156 = arith.constant 0.000000e+00 : f32
      %broadcast_in_dim3A_157 = vector.broadcast %jit3A_155 : f32 to vector<256x1024xf32>
      %broadcast_in_dim3A_158 = vector.broadcast %jit3A_156 : f32 to vector<256x1024xf32>
      %select_n3A_159 = arith.select %ne3A_154, %broadcast_in_dim3A_157, %broadcast_in_dim3A_158 : vector<256x1024xi1>, vector<256x1024xf32>
      %add3A_160 = arith.addf %add3A_151, %select_n3A_159 : vector<256x1024xf32>
      %iota3A_161 = tpu.iota {dimensions = array<i32: 1>} : vector<1x1024xi32>
      %add3A_162 = vector.broadcast %mul3A_125 : i32 to vector<1x1024xi32>
      %add3A_163 = arith.addi %add3A_162, %iota3A_161 : vector<1x1024xi32>
      %convert_element_type3A_164 = arith.sitofp %add3A_163 : vector<1x1024xi32> to vector<1x1024xf32>
      %concatenate3A = tpu.concatenate %while3A_123, %add3A_160 in 1 : vector<256x16xf32>, vector<256x1024xf32> -> vector<256x1040xf32>
      %broadcast_in_dim3A_165 = vector.shape_cast %convert_element_type3A_164 : vector<1x1024xf32> to vector<1x1024xf32>
      %broadcast_in_dim3A_166 = vector.broadcast %broadcast_in_dim3A_165 : vector<1x1024xf32> to vector<256x1024xf32>
      %concatenate3A_167 = tpu.concatenate %while3A_124, %broadcast_in_dim3A_166 in 1 : vector<256x16xf32>, vector<256x1024xf32> -> vector<256x1040xf32>
      %broadcast_in_dim3A_168 = arith.constant 3.000000e+38 : f32
      %broadcast_in_dim3A_169 = vector.broadcast %broadcast_in_dim3A_168 : f32 to vector<256x16xf32>
      %broadcast_in_dim3A_170 = arith.constant -1.000000e+00 : f32
      %broadcast_in_dim3A_171 = vector.broadcast %broadcast_in_dim3A_170 : f32 to vector<256x16xf32>
      %reduce_min3A_172 = arith.constant dense<0x7F800000> : vector<256xf32>
      %reduce_min3A_173 = vector.multi_reduction <minimumf>, %concatenate3A, %reduce_min3A_172 [1] : vector<256x1040xf32> to vector<256xf32>
      %broadcast_in_dim3A_174 = vector.shape_cast %reduce_min3A_173 : vector<256xf32> to vector<256x1xf32>
      %eq3A_175 = vector.broadcast %broadcast_in_dim3A_174 : vector<256x1xf32> to vector<256x1040xf32>
      %eq3A_176 = arith.cmpf oeq, %concatenate3A, %eq3A_175 : vector<256x1040xf32>
      %jit3A_177 = arith.constant 1.000000e+09 : f32
      %broadcast_in_dim3A_178 = vector.broadcast %jit3A_177 : f32 to vector<256x1040xf32>
      %select_n3A_179 = arith.select %eq3A_176, %concatenate3A_167, %broadcast_in_dim3A_178 : vector<256x1040xi1>, vector<256x1040xf32>
      %reduce_min3A_180 = arith.constant dense<0x7F800000> : vector<256xf32>
      %reduce_min3A_181 = vector.multi_reduction <minimumf>, %select_n3A_179, %reduce_min3A_180 [1] : vector<256x1040xf32> to vector<256xf32>
      %broadcast_in_dim3A_182 = vector.shape_cast %reduce_min3A_181 : vector<256xf32> to vector<256x1xf32>
      %eq3A_183 = vector.broadcast %broadcast_in_dim3A_182 : vector<256x1xf32> to vector<256x1040xf32>
      %eq3A_184 = arith.cmpf oeq, %concatenate3A_167, %eq3A_183 : vector<256x1040xf32>
      %jit3A_185 = arith.constant 3.000000e+38 : f32
      %broadcast_in_dim3A_186 = vector.broadcast %jit3A_185 : f32 to vector<256x1040xf32>
      %select_n3A_187 = arith.select %eq3A_184, %broadcast_in_dim3A_186, %concatenate3A : vector<256x1040xi1>, vector<256x1040xf32>
      %eq3A_188 = arith.constant 0 : i32
      %eq3A_189 = vector.broadcast %eq3A_188 : i32 to vector<1x16xi32>
      %eq3A_190 = arith.cmpi eq, %iota3A, %eq3A_189 : vector<1x16xi32>
      %broadcast_in_dim3A_191 = vector.shape_cast %eq3A_190 : vector<1x16xi1> to vector<1x16xi1>
      %broadcast_in_dim3A_192 = vector.broadcast %broadcast_in_dim3A_191 : vector<1x16xi1> to vector<256x16xi1>
      %broadcast_in_dim3A_193 = vector.shape_cast %broadcast_in_dim3A_174 : vector<256x1xf32> to vector<256x1xf32>
      %broadcast_in_dim3A_194 = vector.broadcast %broadcast_in_dim3A_193 : vector<256x1xf32> to vector<256x16xf32>
      %select_n3A_195 = arith.select %broadcast_in_dim3A_192, %broadcast_in_dim3A_194, %broadcast_in_dim3A_169 : vector<256x16xi1>, vector<256x16xf32>
      %broadcast_in_dim3A_196 = vector.shape_cast %eq3A_190 : vector<1x16xi1> to vector<1x16xi1>
      %broadcast_in_dim3A_197 = vector.broadcast %broadcast_in_dim3A_196 : vector<1x16xi1> to vector<256x16xi1>
      %broadcast_in_dim3A_198 = vector.shape_cast %broadcast_in_dim3A_182 : vector<256x1xf32> to vector<256x1xf32>
      %broadcast_in_dim3A_199 = vector.broadcast %broadcast_in_dim3A_198 : vector<256x1xf32> to vector<256x16xf32>
      %select_n3A_200 = arith.select %broadcast_in_dim3A_197, %broadcast_in_dim3A_199, %broadcast_in_dim3A_171 : vector<256x16xi1>, vector<256x16xf32>
      %reduce_min3A_201 = arith.constant dense<0x7F800000> : vector<256xf32>
      %reduce_min3A_202 = vector.multi_reduction <minimumf>, %select_n3A_187, %reduce_min3A_201 [1] : vector<256x1040xf32> to vector<256xf32>
      %broadcast_in_dim3A_203 = vector.shape_cast %reduce_min3A_202 : vector<256xf32> to vector<256x1xf32>
      %eq3A_204 = vector.broadcast %broadcast_in_dim3A_203 : vector<256x1xf32> to vector<256x1040xf32>
      %eq3A_205 = arith.cmpf oeq, %select_n3A_187, %eq3A_204 : vector<256x1040xf32>
      %jit3A_206 = arith.constant 1.000000e+09 : f32
      %broadcast_in_dim3A_207 = vector.broadcast %jit3A_206 : f32 to vector<256x1040xf32>
      %select_n3A_208 = arith.select %eq3A_205, %concatenate3A_167, %broadcast_in_dim3A_207 : vector<256x1040xi1>, vector<256x1040xf32>
      %reduce_min3A_209 = arith.constant dense<0x7F800000> : vector<256xf32>
      %reduce_min3A_210 = vector.multi_reduction <minimumf>, %select_n3A_208, %reduce_min3A_209 [1] : vector<256x1040xf32> to vector<256xf32>
      %broadcast_in_dim3A_211 = vector.shape_cast %reduce_min3A_210 : vector<256xf32> to vector<256x1xf32>
      %eq3A_212 = vector.broadcast %broadcast_in_dim3A_211 : vector<256x1xf32> to vector<256x1040xf32>
      %eq3A_213 = arith.cmpf oeq, %concatenate3A_167, %eq3A_212 : vector<256x1040xf32>
      %jit3A_214 = arith.constant 3.000000e+38 : f32
      %broadcast_in_dim3A_215 = vector.broadcast %jit3A_214 : f32 to vector<256x1040xf32>
      %select_n3A_216 = arith.select %eq3A_213, %broadcast_in_dim3A_215, %select_n3A_187 : vector<256x1040xi1>, vector<256x1040xf32>
      %eq3A_217 = arith.constant 1 : i32
      %eq3A_218 = vector.broadcast %eq3A_217 : i32 to vector<1x16xi32>
      %eq3A_219 = arith.cmpi eq, %iota3A, %eq3A_218 : vector<1x16xi32>
      %broadcast_in_dim3A_220 = vector.shape_cast %eq3A_219 : vector<1x16xi1> to vector<1x16xi1>
      %broadcast_in_dim3A_221 = vector.broadcast %broadcast_in_dim3A_220 : vector<1x16xi1> to vector<256x16xi1>
      %broadcast_in_dim3A_222 = vector.shape_cast %broadcast_in_dim3A_203 : vector<256x1xf32> to vector<256x1xf32>
      %broadcast_in_dim3A_223 = vector.broadcast %broadcast_in_dim3A_222 : vector<256x1xf32> to vector<256x16xf32>
      %select_n3A_224 = arith.select %broadcast_in_dim3A_221, %broadcast_in_dim3A_223, %select_n3A_195 : vector<256x16xi1>, vector<256x16xf32>
      %broadcast_in_dim3A_225 = vector.shape_cast %eq3A_219 : vector<1x16xi1> to vector<1x16xi1>
      %broadcast_in_dim3A_226 = vector.broadcast %broadcast_in_dim3A_225 : vector<1x16xi1> to vector<256x16xi1>
      %broadcast_in_dim3A_227 = vector.shape_cast %broadcast_in_dim3A_211 : vector<256x1xf32> to vector<256x1xf32>
      %broadcast_in_dim3A_228 = vector.broadcast %broadcast_in_dim3A_227 : vector<256x1xf32> to vector<256x16xf32>
      %select_n3A_229 = arith.select %broadcast_in_dim3A_226, %broadcast_in_dim3A_228, %select_n3A_200 : vector<256x16xi1>, vector<256x16xf32>
      %reduce_min3A_230 = arith.constant dense<0x7F800000> : vector<256xf32>
      %reduce_min3A_231 = vector.multi_reduction <minimumf>, %select_n3A_216, %reduce_min3A_230 [1] : vector<256x1040xf32> to vector<256xf32>
      %broadcast_in_dim3A_232 = vector.shape_cast %reduce_min3A_231 : vector<256xf32> to vector<256x1xf32>
      %eq3A_233 = vector.broadcast %broadcast_in_dim3A_232 : vector<256x1xf32> to vector<256x1040xf32>
      %eq3A_234 = arith.cmpf oeq, %select_n3A_216, %eq3A_233 : vector<256x1040xf32>
      %jit3A_235 = arith.constant 1.000000e+09 : f32
      %broadcast_in_dim3A_236 = vector.broadcast %jit3A_235 : f32 to vector<256x1040xf32>
      %select_n3A_237 = arith.select %eq3A_234, %concatenate3A_167, %broadcast_in_dim3A_236 : vector<256x1040xi1>, vector<256x1040xf32>
      %reduce_min3A_238 = arith.constant dense<0x7F800000> : vector<256xf32>
      %reduce_min3A_239 = vector.multi_reduction <minimumf>, %select_n3A_237, %reduce_min3A_238 [1] : vector<256x1040xf32> to vector<256xf32>
      %broadcast_in_dim3A_240 = vector.shape_cast %reduce_min3A_239 : vector<256xf32> to vector<256x1xf32>
      %eq3A_241 = vector.broadcast %broadcast_in_dim3A_240 : vector<256x1xf32> to vector<256x1040xf32>
      %eq3A_242 = arith.cmpf oeq, %concatenate3A_167, %eq3A_241 : vector<256x1040xf32>
      %jit3A_243 = arith.constant 3.000000e+38 : f32
      %broadcast_in_dim3A_244 = vector.broadcast %jit3A_243 : f32 to vector<256x1040xf32>
      %select_n3A_245 = arith.select %eq3A_242, %broadcast_in_dim3A_244, %select_n3A_216 : vector<256x1040xi1>, vector<256x1040xf32>
      %eq3A_246 = arith.constant 2 : i32
      %eq3A_247 = vector.broadcast %eq3A_246 : i32 to vector<1x16xi32>
      %eq3A_248 = arith.cmpi eq, %iota3A, %eq3A_247 : vector<1x16xi32>
      %broadcast_in_dim3A_249 = vector.shape_cast %eq3A_248 : vector<1x16xi1> to vector<1x16xi1>
      %broadcast_in_dim3A_250 = vector.broadcast %broadcast_in_dim3A_249 : vector<1x16xi1> to vector<256x16xi1>
      %broadcast_in_dim3A_251 = vector.shape_cast %broadcast_in_dim3A_232 : vector<256x1xf32> to vector<256x1xf32>
      %broadcast_in_dim3A_252 = vector.broadcast %broadcast_in_dim3A_251 : vector<256x1xf32> to vector<256x16xf32>
      %select_n3A_253 = arith.select %broadcast_in_dim3A_250, %broadcast_in_dim3A_252, %select_n3A_224 : vector<256x16xi1>, vector<256x16xf32>
      %broadcast_in_dim3A_254 = vector.shape_cast %eq3A_248 : vector<1x16xi1> to vector<1x16xi1>
      %broadcast_in_dim3A_255 = vector.broadcast %broadcast_in_dim3A_254 : vector<1x16xi1> to vector<256x16xi1>
      %broadcast_in_dim3A_256 = vector.shape_cast %broadcast_in_dim3A_240 : vector<256x1xf32> to vector<256x1xf32>
      %broadcast_in_dim3A_257 = vector.broadcast %broadcast_in_dim3A_256 : vector<256x1xf32> to vector<256x16xf32>
      %select_n3A_258 = arith.select %broadcast_in_dim3A_255, %broadcast_in_dim3A_257, %select_n3A_229 : vector<256x16xi1>, vector<256x16xf32>
      %reduce_min3A_259 = arith.constant dense<0x7F800000> : vector<256xf32>
      %reduce_min3A_260 = vector.multi_reduction <minimumf>, %select_n3A_245, %reduce_min3A_259 [1] : vector<256x1040xf32> to vector<256xf32>
      %broadcast_in_dim3A_261 = vector.shape_cast %reduce_min3A_260 : vector<256xf32> to vector<256x1xf32>
      %eq3A_262 = vector.broadcast %broadcast_in_dim3A_261 : vector<256x1xf32> to vector<256x1040xf32>
      %eq3A_263 = arith.cmpf oeq, %select_n3A_245, %eq3A_262 : vector<256x1040xf32>
      %jit3A_264 = arith.constant 1.000000e+09 : f32
      %broadcast_in_dim3A_265 = vector.broadcast %jit3A_264 : f32 to vector<256x1040xf32>
      %select_n3A_266 = arith.select %eq3A_263, %concatenate3A_167, %broadcast_in_dim3A_265 : vector<256x1040xi1>, vector<256x1040xf32>
      %reduce_min3A_267 = arith.constant dense<0x7F800000> : vector<256xf32>
      %reduce_min3A_268 = vector.multi_reduction <minimumf>, %select_n3A_266, %reduce_min3A_267 [1] : vector<256x1040xf32> to vector<256xf32>
      %broadcast_in_dim3A_269 = vector.shape_cast %reduce_min3A_268 : vector<256xf32> to vector<256x1xf32>
      %eq3A_270 = vector.broadcast %broadcast_in_dim3A_269 : vector<256x1xf32> to vector<256x1040xf32>
      %eq3A_271 = arith.cmpf oeq, %concatenate3A_167, %eq3A_270 : vector<256x1040xf32>
      %jit3A_272 = arith.constant 3.000000e+38 : f32
      %broadcast_in_dim3A_273 = vector.broadcast %jit3A_272 : f32 to vector<256x1040xf32>
      %select_n3A_274 = arith.select %eq3A_271, %broadcast_in_dim3A_273, %select_n3A_245 : vector<256x1040xi1>, vector<256x1040xf32>
      %eq3A_275 = arith.constant 3 : i32
      %eq3A_276 = vector.broadcast %eq3A_275 : i32 to vector<1x16xi32>
      %eq3A_277 = arith.cmpi eq, %iota3A, %eq3A_276 : vector<1x16xi32>
      %broadcast_in_dim3A_278 = vector.shape_cast %eq3A_277 : vector<1x16xi1> to vector<1x16xi1>
      %broadcast_in_dim3A_279 = vector.broadcast %broadcast_in_dim3A_278 : vector<1x16xi1> to vector<256x16xi1>
      %broadcast_in_dim3A_280 = vector.shape_cast %broadcast_in_dim3A_261 : vector<256x1xf32> to vector<256x1xf32>
      %broadcast_in_dim3A_281 = vector.broadcast %broadcast_in_dim3A_280 : vector<256x1xf32> to vector<256x16xf32>
      %select_n3A_282 = arith.select %broadcast_in_dim3A_279, %broadcast_in_dim3A_281, %select_n3A_253 : vector<256x16xi1>, vector<256x16xf32>
      %broadcast_in_dim3A_283 = vector.shape_cast %eq3A_277 : vector<1x16xi1> to vector<1x16xi1>
      %broadcast_in_dim3A_284 = vector.broadcast %broadcast_in_dim3A_283 : vector<1x16xi1> to vector<256x16xi1>
      %broadcast_in_dim3A_285 = vector.shape_cast %broadcast_in_dim3A_269 : vector<256x1xf32> to vector<256x1xf32>
      %broadcast_in_dim3A_286 = vector.broadcast %broadcast_in_dim3A_285 : vector<256x1xf32> to vector<256x16xf32>
      %select_n3A_287 = arith.select %broadcast_in_dim3A_284, %broadcast_in_dim3A_286, %select_n3A_258 : vector<256x16xi1>, vector<256x16xf32>
      %reduce_min3A_288 = arith.constant dense<0x7F800000> : vector<256xf32>
      %reduce_min3A_289 = vector.multi_reduction <minimumf>, %select_n3A_274, %reduce_min3A_288 [1] : vector<256x1040xf32> to vector<256xf32>
      %broadcast_in_dim3A_290 = vector.shape_cast %reduce_min3A_289 : vector<256xf32> to vector<256x1xf32>
      %eq3A_291 = vector.broadcast %broadcast_in_dim3A_290 : vector<256x1xf32> to vector<256x1040xf32>
      %eq3A_292 = arith.cmpf oeq, %select_n3A_274, %eq3A_291 : vector<256x1040xf32>
      %jit3A_293 = arith.constant 1.000000e+09 : f32
      %broadcast_in_dim3A_294 = vector.broadcast %jit3A_293 : f32 to vector<256x1040xf32>
      %select_n3A_295 = arith.select %eq3A_292, %concatenate3A_167, %broadcast_in_dim3A_294 : vector<256x1040xi1>, vector<256x1040xf32>
      %reduce_min3A_296 = arith.constant dense<0x7F800000> : vector<256xf32>
      %reduce_min3A_297 = vector.multi_reduction <minimumf>, %select_n3A_295, %reduce_min3A_296 [1] : vector<256x1040xf32> to vector<256xf32>
      %broadcast_in_dim3A_298 = vector.shape_cast %reduce_min3A_297 : vector<256xf32> to vector<256x1xf32>
      %eq3A_299 = vector.broadcast %broadcast_in_dim3A_298 : vector<256x1xf32> to vector<256x1040xf32>
      %eq3A_300 = arith.cmpf oeq, %concatenate3A_167, %eq3A_299 : vector<256x1040xf32>
      %jit3A_301 = arith.constant 3.000000e+38 : f32
      %broadcast_in_dim3A_302 = vector.broadcast %jit3A_301 : f32 to vector<256x1040xf32>
      %select_n3A_303 = arith.select %eq3A_300, %broadcast_in_dim3A_302, %select_n3A_274 : vector<256x1040xi1>, vector<256x1040xf32>
      %eq3A_304 = arith.constant 4 : i32
      %eq3A_305 = vector.broadcast %eq3A_304 : i32 to vector<1x16xi32>
      %eq3A_306 = arith.cmpi eq, %iota3A, %eq3A_305 : vector<1x16xi32>
      %broadcast_in_dim3A_307 = vector.shape_cast %eq3A_306 : vector<1x16xi1> to vector<1x16xi1>
      %broadcast_in_dim3A_308 = vector.broadcast %broadcast_in_dim3A_307 : vector<1x16xi1> to vector<256x16xi1>
      %broadcast_in_dim3A_309 = vector.shape_cast %broadcast_in_dim3A_290 : vector<256x1xf32> to vector<256x1xf32>
      %broadcast_in_dim3A_310 = vector.broadcast %broadcast_in_dim3A_309 : vector<256x1xf32> to vector<256x16xf32>
      %select_n3A_311 = arith.select %broadcast_in_dim3A_308, %broadcast_in_dim3A_310, %select_n3A_282 : vector<256x16xi1>, vector<256x16xf32>
      %broadcast_in_dim3A_312 = vector.shape_cast %eq3A_306 : vector<1x16xi1> to vector<1x16xi1>
      %broadcast_in_dim3A_313 = vector.broadcast %broadcast_in_dim3A_312 : vector<1x16xi1> to vector<256x16xi1>
      %broadcast_in_dim3A_314 = vector.shape_cast %broadcast_in_dim3A_298 : vector<256x1xf32> to vector<256x1xf32>
      %broadcast_in_dim3A_315 = vector.broadcast %broadcast_in_dim3A_314 : vector<256x1xf32> to vector<256x16xf32>
      %select_n3A_316 = arith.select %broadcast_in_dim3A_313, %broadcast_in_dim3A_315, %select_n3A_287 : vector<256x16xi1>, vector<256x16xf32>
      %reduce_min3A_317 = arith.constant dense<0x7F800000> : vector<256xf32>
      %reduce_min3A_318 = vector.multi_reduction <minimumf>, %select_n3A_303, %reduce_min3A_317 [1] : vector<256x1040xf32> to vector<256xf32>
      %broadcast_in_dim3A_319 = vector.shape_cast %reduce_min3A_318 : vector<256xf32> to vector<256x1xf32>
      %eq3A_320 = vector.broadcast %broadcast_in_dim3A_319 : vector<256x1xf32> to vector<256x1040xf32>
      %eq3A_321 = arith.cmpf oeq, %select_n3A_303, %eq3A_320 : vector<256x1040xf32>
      %jit3A_322 = arith.constant 1.000000e+09 : f32
      %broadcast_in_dim3A_323 = vector.broadcast %jit3A_322 : f32 to vector<256x1040xf32>
      %select_n3A_324 = arith.select %eq3A_321, %concatenate3A_167, %broadcast_in_dim3A_323 : vector<256x1040xi1>, vector<256x1040xf32>
      %reduce_min3A_325 = arith.constant dense<0x7F800000> : vector<256xf32>
      %reduce_min3A_326 = vector.multi_reduction <minimumf>, %select_n3A_324, %reduce_min3A_325 [1] : vector<256x1040xf32> to vector<256xf32>
      %broadcast_in_dim3A_327 = vector.shape_cast %reduce_min3A_326 : vector<256xf32> to vector<256x1xf32>
      %eq3A_328 = vector.broadcast %broadcast_in_dim3A_327 : vector<256x1xf32> to vector<256x1040xf32>
      %eq3A_329 = arith.cmpf oeq, %concatenate3A_167, %eq3A_328 : vector<256x1040xf32>
      %jit3A_330 = arith.constant 3.000000e+38 : f32
      %broadcast_in_dim3A_331 = vector.broadcast %jit3A_330 : f32 to vector<256x1040xf32>
      %select_n3A_332 = arith.select %eq3A_329, %broadcast_in_dim3A_331, %select_n3A_303 : vector<256x1040xi1>, vector<256x1040xf32>
      %eq3A_333 = arith.constant 5 : i32
      %eq3A_334 = vector.broadcast %eq3A_333 : i32 to vector<1x16xi32>
      %eq3A_335 = arith.cmpi eq, %iota3A, %eq3A_334 : vector<1x16xi32>
      %broadcast_in_dim3A_336 = vector.shape_cast %eq3A_335 : vector<1x16xi1> to vector<1x16xi1>
      %broadcast_in_dim3A_337 = vector.broadcast %broadcast_in_dim3A_336 : vector<1x16xi1> to vector<256x16xi1>
      %broadcast_in_dim3A_338 = vector.shape_cast %broadcast_in_dim3A_319 : vector<256x1xf32> to vector<256x1xf32>
      %broadcast_in_dim3A_339 = vector.broadcast %broadcast_in_dim3A_338 : vector<256x1xf32> to vector<256x16xf32>
      %select_n3A_340 = arith.select %broadcast_in_dim3A_337, %broadcast_in_dim3A_339, %select_n3A_311 : vector<256x16xi1>, vector<256x16xf32>
      %broadcast_in_dim3A_341 = vector.shape_cast %eq3A_335 : vector<1x16xi1> to vector<1x16xi1>
      %broadcast_in_dim3A_342 = vector.broadcast %broadcast_in_dim3A_341 : vector<1x16xi1> to vector<256x16xi1>
      %broadcast_in_dim3A_343 = vector.shape_cast %broadcast_in_dim3A_327 : vector<256x1xf32> to vector<256x1xf32>
      %broadcast_in_dim3A_344 = vector.broadcast %broadcast_in_dim3A_343 : vector<256x1xf32> to vector<256x16xf32>
      %select_n3A_345 = arith.select %broadcast_in_dim3A_342, %broadcast_in_dim3A_344, %select_n3A_316 : vector<256x16xi1>, vector<256x16xf32>
      %reduce_min3A_346 = arith.constant dense<0x7F800000> : vector<256xf32>
      %reduce_min3A_347 = vector.multi_reduction <minimumf>, %select_n3A_332, %reduce_min3A_346 [1] : vector<256x1040xf32> to vector<256xf32>
      %broadcast_in_dim3A_348 = vector.shape_cast %reduce_min3A_347 : vector<256xf32> to vector<256x1xf32>
      %eq3A_349 = vector.broadcast %broadcast_in_dim3A_348 : vector<256x1xf32> to vector<256x1040xf32>
      %eq3A_350 = arith.cmpf oeq, %select_n3A_332, %eq3A_349 : vector<256x1040xf32>
      %jit3A_351 = arith.constant 1.000000e+09 : f32
      %broadcast_in_dim3A_352 = vector.broadcast %jit3A_351 : f32 to vector<256x1040xf32>
      %select_n3A_353 = arith.select %eq3A_350, %concatenate3A_167, %broadcast_in_dim3A_352 : vector<256x1040xi1>, vector<256x1040xf32>
      %reduce_min3A_354 = arith.constant dense<0x7F800000> : vector<256xf32>
      %reduce_min3A_355 = vector.multi_reduction <minimumf>, %select_n3A_353, %reduce_min3A_354 [1] : vector<256x1040xf32> to vector<256xf32>
      %broadcast_in_dim3A_356 = vector.shape_cast %reduce_min3A_355 : vector<256xf32> to vector<256x1xf32>
      %eq3A_357 = vector.broadcast %broadcast_in_dim3A_356 : vector<256x1xf32> to vector<256x1040xf32>
      %eq3A_358 = arith.cmpf oeq, %concatenate3A_167, %eq3A_357 : vector<256x1040xf32>
      %jit3A_359 = arith.constant 3.000000e+38 : f32
      %broadcast_in_dim3A_360 = vector.broadcast %jit3A_359 : f32 to vector<256x1040xf32>
      %select_n3A_361 = arith.select %eq3A_358, %broadcast_in_dim3A_360, %select_n3A_332 : vector<256x1040xi1>, vector<256x1040xf32>
      %eq3A_362 = arith.constant 6 : i32
      %eq3A_363 = vector.broadcast %eq3A_362 : i32 to vector<1x16xi32>
      %eq3A_364 = arith.cmpi eq, %iota3A, %eq3A_363 : vector<1x16xi32>
      %broadcast_in_dim3A_365 = vector.shape_cast %eq3A_364 : vector<1x16xi1> to vector<1x16xi1>
      %broadcast_in_dim3A_366 = vector.broadcast %broadcast_in_dim3A_365 : vector<1x16xi1> to vector<256x16xi1>
      %broadcast_in_dim3A_367 = vector.shape_cast %broadcast_in_dim3A_348 : vector<256x1xf32> to vector<256x1xf32>
      %broadcast_in_dim3A_368 = vector.broadcast %broadcast_in_dim3A_367 : vector<256x1xf32> to vector<256x16xf32>
      %select_n3A_369 = arith.select %broadcast_in_dim3A_366, %broadcast_in_dim3A_368, %select_n3A_340 : vector<256x16xi1>, vector<256x16xf32>
      %broadcast_in_dim3A_370 = vector.shape_cast %eq3A_364 : vector<1x16xi1> to vector<1x16xi1>
      %broadcast_in_dim3A_371 = vector.broadcast %broadcast_in_dim3A_370 : vector<1x16xi1> to vector<256x16xi1>
      %broadcast_in_dim3A_372 = vector.shape_cast %broadcast_in_dim3A_356 : vector<256x1xf32> to vector<256x1xf32>
      %broadcast_in_dim3A_373 = vector.broadcast %broadcast_in_dim3A_372 : vector<256x1xf32> to vector<256x16xf32>
      %select_n3A_374 = arith.select %broadcast_in_dim3A_371, %broadcast_in_dim3A_373, %select_n3A_345 : vector<256x16xi1>, vector<256x16xf32>
      %reduce_min3A_375 = arith.constant dense<0x7F800000> : vector<256xf32>
      %reduce_min3A_376 = vector.multi_reduction <minimumf>, %select_n3A_361, %reduce_min3A_375 [1] : vector<256x1040xf32> to vector<256xf32>
      %broadcast_in_dim3A_377 = vector.shape_cast %reduce_min3A_376 : vector<256xf32> to vector<256x1xf32>
      %eq3A_378 = vector.broadcast %broadcast_in_dim3A_377 : vector<256x1xf32> to vector<256x1040xf32>
      %eq3A_379 = arith.cmpf oeq, %select_n3A_361, %eq3A_378 : vector<256x1040xf32>
      %jit3A_380 = arith.constant 1.000000e+09 : f32
      %broadcast_in_dim3A_381 = vector.broadcast %jit3A_380 : f32 to vector<256x1040xf32>
      %select_n3A_382 = arith.select %eq3A_379, %concatenate3A_167, %broadcast_in_dim3A_381 : vector<256x1040xi1>, vector<256x1040xf32>
      %reduce_min3A_383 = arith.constant dense<0x7F800000> : vector<256xf32>
      %reduce_min3A_384 = vector.multi_reduction <minimumf>, %select_n3A_382, %reduce_min3A_383 [1] : vector<256x1040xf32> to vector<256xf32>
      %broadcast_in_dim3A_385 = vector.shape_cast %reduce_min3A_384 : vector<256xf32> to vector<256x1xf32>
      %eq3A_386 = vector.broadcast %broadcast_in_dim3A_385 : vector<256x1xf32> to vector<256x1040xf32>
      %eq3A_387 = arith.cmpf oeq, %concatenate3A_167, %eq3A_386 : vector<256x1040xf32>
      %jit3A_388 = arith.constant 3.000000e+38 : f32
      %broadcast_in_dim3A_389 = vector.broadcast %jit3A_388 : f32 to vector<256x1040xf32>
      %select_n3A_390 = arith.select %eq3A_387, %broadcast_in_dim3A_389, %select_n3A_361 : vector<256x1040xi1>, vector<256x1040xf32>
      %eq3A_391 = arith.constant 7 : i32
      %eq3A_392 = vector.broadcast %eq3A_391 : i32 to vector<1x16xi32>
      %eq3A_393 = arith.cmpi eq, %iota3A, %eq3A_392 : vector<1x16xi32>
      %broadcast_in_dim3A_394 = vector.shape_cast %eq3A_393 : vector<1x16xi1> to vector<1x16xi1>
      %broadcast_in_dim3A_395 = vector.broadcast %broadcast_in_dim3A_394 : vector<1x16xi1> to vector<256x16xi1>
      %broadcast_in_dim3A_396 = vector.shape_cast %broadcast_in_dim3A_377 : vector<256x1xf32> to vector<256x1xf32>
      %broadcast_in_dim3A_397 = vector.broadcast %broadcast_in_dim3A_396 : vector<256x1xf32> to vector<256x16xf32>
      %select_n3A_398 = arith.select %broadcast_in_dim3A_395, %broadcast_in_dim3A_397, %select_n3A_369 : vector<256x16xi1>, vector<256x16xf32>
      %broadcast_in_dim3A_399 = vector.shape_cast %eq3A_393 : vector<1x16xi1> to vector<1x16xi1>
      %broadcast_in_dim3A_400 = vector.broadcast %broadcast_in_dim3A_399 : vector<1x16xi1> to vector<256x16xi1>
      %broadcast_in_dim3A_401 = vector.shape_cast %broadcast_in_dim3A_385 : vector<256x1xf32> to vector<256x1xf32>
      %broadcast_in_dim3A_402 = vector.broadcast %broadcast_in_dim3A_401 : vector<256x1xf32> to vector<256x16xf32>
      %select_n3A_403 = arith.select %broadcast_in_dim3A_400, %broadcast_in_dim3A_402, %select_n3A_374 : vector<256x16xi1>, vector<256x16xf32>
      %reduce_min3A_404 = arith.constant dense<0x7F800000> : vector<256xf32>
      %reduce_min3A_405 = vector.multi_reduction <minimumf>, %select_n3A_390, %reduce_min3A_404 [1] : vector<256x1040xf32> to vector<256xf32>
      %broadcast_in_dim3A_406 = vector.shape_cast %reduce_min3A_405 : vector<256xf32> to vector<256x1xf32>
      %eq3A_407 = vector.broadcast %broadcast_in_dim3A_406 : vector<256x1xf32> to vector<256x1040xf32>
      %eq3A_408 = arith.cmpf oeq, %select_n3A_390, %eq3A_407 : vector<256x1040xf32>
      %jit3A_409 = arith.constant 1.000000e+09 : f32
      %broadcast_in_dim3A_410 = vector.broadcast %jit3A_409 : f32 to vector<256x1040xf32>
      %select_n3A_411 = arith.select %eq3A_408, %concatenate3A_167, %broadcast_in_dim3A_410 : vector<256x1040xi1>, vector<256x1040xf32>
      %reduce_min3A_412 = arith.constant dense<0x7F800000> : vector<256xf32>
      %reduce_min3A_413 = vector.multi_reduction <minimumf>, %select_n3A_411, %reduce_min3A_412 [1] : vector<256x1040xf32> to vector<256xf32>
      %broadcast_in_dim3A_414 = vector.shape_cast %reduce_min3A_413 : vector<256xf32> to vector<256x1xf32>
      %eq3A_415 = vector.broadcast %broadcast_in_dim3A_414 : vector<256x1xf32> to vector<256x1040xf32>
      %eq3A_416 = arith.cmpf oeq, %concatenate3A_167, %eq3A_415 : vector<256x1040xf32>
      %jit3A_417 = arith.constant 3.000000e+38 : f32
      %broadcast_in_dim3A_418 = vector.broadcast %jit3A_417 : f32 to vector<256x1040xf32>
      %select_n3A_419 = arith.select %eq3A_416, %broadcast_in_dim3A_418, %select_n3A_390 : vector<256x1040xi1>, vector<256x1040xf32>
      %eq3A_420 = arith.constant 8 : i32
      %eq3A_421 = vector.broadcast %eq3A_420 : i32 to vector<1x16xi32>
      %eq3A_422 = arith.cmpi eq, %iota3A, %eq3A_421 : vector<1x16xi32>
      %broadcast_in_dim3A_423 = vector.shape_cast %eq3A_422 : vector<1x16xi1> to vector<1x16xi1>
      %broadcast_in_dim3A_424 = vector.broadcast %broadcast_in_dim3A_423 : vector<1x16xi1> to vector<256x16xi1>
      %broadcast_in_dim3A_425 = vector.shape_cast %broadcast_in_dim3A_406 : vector<256x1xf32> to vector<256x1xf32>
      %broadcast_in_dim3A_426 = vector.broadcast %broadcast_in_dim3A_425 : vector<256x1xf32> to vector<256x16xf32>
      %select_n3A_427 = arith.select %broadcast_in_dim3A_424, %broadcast_in_dim3A_426, %select_n3A_398 : vector<256x16xi1>, vector<256x16xf32>
      %broadcast_in_dim3A_428 = vector.shape_cast %eq3A_422 : vector<1x16xi1> to vector<1x16xi1>
      %broadcast_in_dim3A_429 = vector.broadcast %broadcast_in_dim3A_428 : vector<1x16xi1> to vector<256x16xi1>
      %broadcast_in_dim3A_430 = vector.shape_cast %broadcast_in_dim3A_414 : vector<256x1xf32> to vector<256x1xf32>
      %broadcast_in_dim3A_431 = vector.broadcast %broadcast_in_dim3A_430 : vector<256x1xf32> to vector<256x16xf32>
      %select_n3A_432 = arith.select %broadcast_in_dim3A_429, %broadcast_in_dim3A_431, %select_n3A_403 : vector<256x16xi1>, vector<256x16xf32>
      %reduce_min3A_433 = arith.constant dense<0x7F800000> : vector<256xf32>
      %reduce_min3A_434 = vector.multi_reduction <minimumf>, %select_n3A_419, %reduce_min3A_433 [1] : vector<256x1040xf32> to vector<256xf32>
      %broadcast_in_dim3A_435 = vector.shape_cast %reduce_min3A_434 : vector<256xf32> to vector<256x1xf32>
      %eq3A_436 = vector.broadcast %broadcast_in_dim3A_435 : vector<256x1xf32> to vector<256x1040xf32>
      %eq3A_437 = arith.cmpf oeq, %select_n3A_419, %eq3A_436 : vector<256x1040xf32>
      %jit3A_438 = arith.constant 1.000000e+09 : f32
      %broadcast_in_dim3A_439 = vector.broadcast %jit3A_438 : f32 to vector<256x1040xf32>
      %select_n3A_440 = arith.select %eq3A_437, %concatenate3A_167, %broadcast_in_dim3A_439 : vector<256x1040xi1>, vector<256x1040xf32>
      %reduce_min3A_441 = arith.constant dense<0x7F800000> : vector<256xf32>
      %reduce_min3A_442 = vector.multi_reduction <minimumf>, %select_n3A_440, %reduce_min3A_441 [1] : vector<256x1040xf32> to vector<256xf32>
      %broadcast_in_dim3A_443 = vector.shape_cast %reduce_min3A_442 : vector<256xf32> to vector<256x1xf32>
      %eq3A_444 = vector.broadcast %broadcast_in_dim3A_443 : vector<256x1xf32> to vector<256x1040xf32>
      %eq3A_445 = arith.cmpf oeq, %concatenate3A_167, %eq3A_444 : vector<256x1040xf32>
      %jit3A_446 = arith.constant 3.000000e+38 : f32
      %broadcast_in_dim3A_447 = vector.broadcast %jit3A_446 : f32 to vector<256x1040xf32>
      %select_n3A_448 = arith.select %eq3A_445, %broadcast_in_dim3A_447, %select_n3A_419 : vector<256x1040xi1>, vector<256x1040xf32>
      %eq3A_449 = arith.constant 9 : i32
      %eq3A_450 = vector.broadcast %eq3A_449 : i32 to vector<1x16xi32>
      %eq3A_451 = arith.cmpi eq, %iota3A, %eq3A_450 : vector<1x16xi32>
      %broadcast_in_dim3A_452 = vector.shape_cast %eq3A_451 : vector<1x16xi1> to vector<1x16xi1>
      %broadcast_in_dim3A_453 = vector.broadcast %broadcast_in_dim3A_452 : vector<1x16xi1> to vector<256x16xi1>
      %broadcast_in_dim3A_454 = vector.shape_cast %broadcast_in_dim3A_435 : vector<256x1xf32> to vector<256x1xf32>
      %broadcast_in_dim3A_455 = vector.broadcast %broadcast_in_dim3A_454 : vector<256x1xf32> to vector<256x16xf32>
      %select_n3A_456 = arith.select %broadcast_in_dim3A_453, %broadcast_in_dim3A_455, %select_n3A_427 : vector<256x16xi1>, vector<256x16xf32>
      %broadcast_in_dim3A_457 = vector.shape_cast %eq3A_451 : vector<1x16xi1> to vector<1x16xi1>
      %broadcast_in_dim3A_458 = vector.broadcast %broadcast_in_dim3A_457 : vector<1x16xi1> to vector<256x16xi1>
      %broadcast_in_dim3A_459 = vector.shape_cast %broadcast_in_dim3A_443 : vector<256x1xf32> to vector<256x1xf32>
      %broadcast_in_dim3A_460 = vector.broadcast %broadcast_in_dim3A_459 : vector<256x1xf32> to vector<256x16xf32>
      %select_n3A_461 = arith.select %broadcast_in_dim3A_458, %broadcast_in_dim3A_460, %select_n3A_432 : vector<256x16xi1>, vector<256x16xf32>
      %reduce_min3A_462 = arith.constant dense<0x7F800000> : vector<256xf32>
      %reduce_min3A_463 = vector.multi_reduction <minimumf>, %select_n3A_448, %reduce_min3A_462 [1] : vector<256x1040xf32> to vector<256xf32>
      %broadcast_in_dim3A_464 = vector.shape_cast %reduce_min3A_463 : vector<256xf32> to vector<256x1xf32>
      %eq3A_465 = vector.broadcast %broadcast_in_dim3A_464 : vector<256x1xf32> to vector<256x1040xf32>
      %eq3A_466 = arith.cmpf oeq, %select_n3A_448, %eq3A_465 : vector<256x1040xf32>
      %jit3A_467 = arith.constant 1.000000e+09 : f32
      %broadcast_in_dim3A_468 = vector.broadcast %jit3A_467 : f32 to vector<256x1040xf32>
      %select_n3A_469 = arith.select %eq3A_466, %concatenate3A_167, %broadcast_in_dim3A_468 : vector<256x1040xi1>, vector<256x1040xf32>
      %reduce_min3A_470 = arith.constant dense<0x7F800000> : vector<256xf32>
      %reduce_min3A_471 = vector.multi_reduction <minimumf>, %select_n3A_469, %reduce_min3A_470 [1] : vector<256x1040xf32> to vector<256xf32>
      %broadcast_in_dim3A_472 = vector.shape_cast %reduce_min3A_471 : vector<256xf32> to vector<256x1xf32>
      %eq3A_473 = vector.broadcast %broadcast_in_dim3A_472 : vector<256x1xf32> to vector<256x1040xf32>
      %eq3A_474 = arith.cmpf oeq, %concatenate3A_167, %eq3A_473 : vector<256x1040xf32>
      %jit3A_475 = arith.constant 3.000000e+38 : f32
      %broadcast_in_dim3A_476 = vector.broadcast %jit3A_475 : f32 to vector<256x1040xf32>
      %select_n3A_477 = arith.select %eq3A_474, %broadcast_in_dim3A_476, %select_n3A_448 : vector<256x1040xi1>, vector<256x1040xf32>
      %eq3A_478 = arith.constant 10 : i32
      %eq3A_479 = vector.broadcast %eq3A_478 : i32 to vector<1x16xi32>
      %eq3A_480 = arith.cmpi eq, %iota3A, %eq3A_479 : vector<1x16xi32>
      %broadcast_in_dim3A_481 = vector.shape_cast %eq3A_480 : vector<1x16xi1> to vector<1x16xi1>
      %broadcast_in_dim3A_482 = vector.broadcast %broadcast_in_dim3A_481 : vector<1x16xi1> to vector<256x16xi1>
      %broadcast_in_dim3A_483 = vector.shape_cast %broadcast_in_dim3A_464 : vector<256x1xf32> to vector<256x1xf32>
      %broadcast_in_dim3A_484 = vector.broadcast %broadcast_in_dim3A_483 : vector<256x1xf32> to vector<256x16xf32>
      %select_n3A_485 = arith.select %broadcast_in_dim3A_482, %broadcast_in_dim3A_484, %select_n3A_456 : vector<256x16xi1>, vector<256x16xf32>
      %broadcast_in_dim3A_486 = vector.shape_cast %eq3A_480 : vector<1x16xi1> to vector<1x16xi1>
      %broadcast_in_dim3A_487 = vector.broadcast %broadcast_in_dim3A_486 : vector<1x16xi1> to vector<256x16xi1>
      %broadcast_in_dim3A_488 = vector.shape_cast %broadcast_in_dim3A_472 : vector<256x1xf32> to vector<256x1xf32>
      %broadcast_in_dim3A_489 = vector.broadcast %broadcast_in_dim3A_488 : vector<256x1xf32> to vector<256x16xf32>
      %select_n3A_490 = arith.select %broadcast_in_dim3A_487, %broadcast_in_dim3A_489, %select_n3A_461 : vector<256x16xi1>, vector<256x16xf32>
      %reduce_min3A_491 = arith.constant dense<0x7F800000> : vector<256xf32>
      %reduce_min3A_492 = vector.multi_reduction <minimumf>, %select_n3A_477, %reduce_min3A_491 [1] : vector<256x1040xf32> to vector<256xf32>
      %broadcast_in_dim3A_493 = vector.shape_cast %reduce_min3A_492 : vector<256xf32> to vector<256x1xf32>
      %eq3A_494 = vector.broadcast %broadcast_in_dim3A_493 : vector<256x1xf32> to vector<256x1040xf32>
      %eq3A_495 = arith.cmpf oeq, %select_n3A_477, %eq3A_494 : vector<256x1040xf32>
      %jit3A_496 = arith.constant 1.000000e+09 : f32
      %broadcast_in_dim3A_497 = vector.broadcast %jit3A_496 : f32 to vector<256x1040xf32>
      %select_n3A_498 = arith.select %eq3A_495, %concatenate3A_167, %broadcast_in_dim3A_497 : vector<256x1040xi1>, vector<256x1040xf32>
      %reduce_min3A_499 = arith.constant dense<0x7F800000> : vector<256xf32>
      %reduce_min3A_500 = vector.multi_reduction <minimumf>, %select_n3A_498, %reduce_min3A_499 [1] : vector<256x1040xf32> to vector<256xf32>
      %broadcast_in_dim3A_501 = vector.shape_cast %reduce_min3A_500 : vector<256xf32> to vector<256x1xf32>
      %eq3A_502 = vector.broadcast %broadcast_in_dim3A_501 : vector<256x1xf32> to vector<256x1040xf32>
      %eq3A_503 = arith.cmpf oeq, %concatenate3A_167, %eq3A_502 : vector<256x1040xf32>
      %jit3A_504 = arith.constant 3.000000e+38 : f32
      %broadcast_in_dim3A_505 = vector.broadcast %jit3A_504 : f32 to vector<256x1040xf32>
      %select_n3A_506 = arith.select %eq3A_503, %broadcast_in_dim3A_505, %select_n3A_477 : vector<256x1040xi1>, vector<256x1040xf32>
      %eq3A_507 = arith.constant 11 : i32
      %eq3A_508 = vector.broadcast %eq3A_507 : i32 to vector<1x16xi32>
      %eq3A_509 = arith.cmpi eq, %iota3A, %eq3A_508 : vector<1x16xi32>
      %broadcast_in_dim3A_510 = vector.shape_cast %eq3A_509 : vector<1x16xi1> to vector<1x16xi1>
      %broadcast_in_dim3A_511 = vector.broadcast %broadcast_in_dim3A_510 : vector<1x16xi1> to vector<256x16xi1>
      %broadcast_in_dim3A_512 = vector.shape_cast %broadcast_in_dim3A_493 : vector<256x1xf32> to vector<256x1xf32>
      %broadcast_in_dim3A_513 = vector.broadcast %broadcast_in_dim3A_512 : vector<256x1xf32> to vector<256x16xf32>
      %select_n3A_514 = arith.select %broadcast_in_dim3A_511, %broadcast_in_dim3A_513, %select_n3A_485 : vector<256x16xi1>, vector<256x16xf32>
      %broadcast_in_dim3A_515 = vector.shape_cast %eq3A_509 : vector<1x16xi1> to vector<1x16xi1>
      %broadcast_in_dim3A_516 = vector.broadcast %broadcast_in_dim3A_515 : vector<1x16xi1> to vector<256x16xi1>
      %broadcast_in_dim3A_517 = vector.shape_cast %broadcast_in_dim3A_501 : vector<256x1xf32> to vector<256x1xf32>
      %broadcast_in_dim3A_518 = vector.broadcast %broadcast_in_dim3A_517 : vector<256x1xf32> to vector<256x16xf32>
      %select_n3A_519 = arith.select %broadcast_in_dim3A_516, %broadcast_in_dim3A_518, %select_n3A_490 : vector<256x16xi1>, vector<256x16xf32>
      %reduce_min3A_520 = arith.constant dense<0x7F800000> : vector<256xf32>
      %reduce_min3A_521 = vector.multi_reduction <minimumf>, %select_n3A_506, %reduce_min3A_520 [1] : vector<256x1040xf32> to vector<256xf32>
      %broadcast_in_dim3A_522 = vector.shape_cast %reduce_min3A_521 : vector<256xf32> to vector<256x1xf32>
      %eq3A_523 = vector.broadcast %broadcast_in_dim3A_522 : vector<256x1xf32> to vector<256x1040xf32>
      %eq3A_524 = arith.cmpf oeq, %select_n3A_506, %eq3A_523 : vector<256x1040xf32>
      %jit3A_525 = arith.constant 1.000000e+09 : f32
      %broadcast_in_dim3A_526 = vector.broadcast %jit3A_525 : f32 to vector<256x1040xf32>
      %select_n3A_527 = arith.select %eq3A_524, %concatenate3A_167, %broadcast_in_dim3A_526 : vector<256x1040xi1>, vector<256x1040xf32>
      %reduce_min3A_528 = arith.constant dense<0x7F800000> : vector<256xf32>
      %reduce_min3A_529 = vector.multi_reduction <minimumf>, %select_n3A_527, %reduce_min3A_528 [1] : vector<256x1040xf32> to vector<256xf32>
      %broadcast_in_dim3A_530 = vector.shape_cast %reduce_min3A_529 : vector<256xf32> to vector<256x1xf32>
      %eq3A_531 = vector.broadcast %broadcast_in_dim3A_530 : vector<256x1xf32> to vector<256x1040xf32>
      %eq3A_532 = arith.cmpf oeq, %concatenate3A_167, %eq3A_531 : vector<256x1040xf32>
      %jit3A_533 = arith.constant 3.000000e+38 : f32
      %broadcast_in_dim3A_534 = vector.broadcast %jit3A_533 : f32 to vector<256x1040xf32>
      %select_n3A_535 = arith.select %eq3A_532, %broadcast_in_dim3A_534, %select_n3A_506 : vector<256x1040xi1>, vector<256x1040xf32>
      %eq3A_536 = arith.constant 12 : i32
      %eq3A_537 = vector.broadcast %eq3A_536 : i32 to vector<1x16xi32>
      %eq3A_538 = arith.cmpi eq, %iota3A, %eq3A_537 : vector<1x16xi32>
      %broadcast_in_dim3A_539 = vector.shape_cast %eq3A_538 : vector<1x16xi1> to vector<1x16xi1>
      %broadcast_in_dim3A_540 = vector.broadcast %broadcast_in_dim3A_539 : vector<1x16xi1> to vector<256x16xi1>
      %broadcast_in_dim3A_541 = vector.shape_cast %broadcast_in_dim3A_522 : vector<256x1xf32> to vector<256x1xf32>
      %broadcast_in_dim3A_542 = vector.broadcast %broadcast_in_dim3A_541 : vector<256x1xf32> to vector<256x16xf32>
      %select_n3A_543 = arith.select %broadcast_in_dim3A_540, %broadcast_in_dim3A_542, %select_n3A_514 : vector<256x16xi1>, vector<256x16xf32>
      %broadcast_in_dim3A_544 = vector.shape_cast %eq3A_538 : vector<1x16xi1> to vector<1x16xi1>
      %broadcast_in_dim3A_545 = vector.broadcast %broadcast_in_dim3A_544 : vector<1x16xi1> to vector<256x16xi1>
      %broadcast_in_dim3A_546 = vector.shape_cast %broadcast_in_dim3A_530 : vector<256x1xf32> to vector<256x1xf32>
      %broadcast_in_dim3A_547 = vector.broadcast %broadcast_in_dim3A_546 : vector<256x1xf32> to vector<256x16xf32>
      %select_n3A_548 = arith.select %broadcast_in_dim3A_545, %broadcast_in_dim3A_547, %select_n3A_519 : vector<256x16xi1>, vector<256x16xf32>
      %reduce_min3A_549 = arith.constant dense<0x7F800000> : vector<256xf32>
      %reduce_min3A_550 = vector.multi_reduction <minimumf>, %select_n3A_535, %reduce_min3A_549 [1] : vector<256x1040xf32> to vector<256xf32>
      %broadcast_in_dim3A_551 = vector.shape_cast %reduce_min3A_550 : vector<256xf32> to vector<256x1xf32>
      %eq3A_552 = vector.broadcast %broadcast_in_dim3A_551 : vector<256x1xf32> to vector<256x1040xf32>
      %eq3A_553 = arith.cmpf oeq, %select_n3A_535, %eq3A_552 : vector<256x1040xf32>
      %jit3A_554 = arith.constant 1.000000e+09 : f32
      %broadcast_in_dim3A_555 = vector.broadcast %jit3A_554 : f32 to vector<256x1040xf32>
      %select_n3A_556 = arith.select %eq3A_553, %concatenate3A_167, %broadcast_in_dim3A_555 : vector<256x1040xi1>, vector<256x1040xf32>
      %reduce_min3A_557 = arith.constant dense<0x7F800000> : vector<256xf32>
      %reduce_min3A_558 = vector.multi_reduction <minimumf>, %select_n3A_556, %reduce_min3A_557 [1] : vector<256x1040xf32> to vector<256xf32>
      %broadcast_in_dim3A_559 = vector.shape_cast %reduce_min3A_558 : vector<256xf32> to vector<256x1xf32>
      %eq3A_560 = vector.broadcast %broadcast_in_dim3A_559 : vector<256x1xf32> to vector<256x1040xf32>
      %eq3A_561 = arith.cmpf oeq, %concatenate3A_167, %eq3A_560 : vector<256x1040xf32>
      %jit3A_562 = arith.constant 3.000000e+38 : f32
      %broadcast_in_dim3A_563 = vector.broadcast %jit3A_562 : f32 to vector<256x1040xf32>
      %select_n3A_564 = arith.select %eq3A_561, %broadcast_in_dim3A_563, %select_n3A_535 : vector<256x1040xi1>, vector<256x1040xf32>
      %eq3A_565 = arith.constant 13 : i32
      %eq3A_566 = vector.broadcast %eq3A_565 : i32 to vector<1x16xi32>
      %eq3A_567 = arith.cmpi eq, %iota3A, %eq3A_566 : vector<1x16xi32>
      %broadcast_in_dim3A_568 = vector.shape_cast %eq3A_567 : vector<1x16xi1> to vector<1x16xi1>
      %broadcast_in_dim3A_569 = vector.broadcast %broadcast_in_dim3A_568 : vector<1x16xi1> to vector<256x16xi1>
      %broadcast_in_dim3A_570 = vector.shape_cast %broadcast_in_dim3A_551 : vector<256x1xf32> to vector<256x1xf32>
      %broadcast_in_dim3A_571 = vector.broadcast %broadcast_in_dim3A_570 : vector<256x1xf32> to vector<256x16xf32>
      %select_n3A_572 = arith.select %broadcast_in_dim3A_569, %broadcast_in_dim3A_571, %select_n3A_543 : vector<256x16xi1>, vector<256x16xf32>
      %broadcast_in_dim3A_573 = vector.shape_cast %eq3A_567 : vector<1x16xi1> to vector<1x16xi1>
      %broadcast_in_dim3A_574 = vector.broadcast %broadcast_in_dim3A_573 : vector<1x16xi1> to vector<256x16xi1>
      %broadcast_in_dim3A_575 = vector.shape_cast %broadcast_in_dim3A_559 : vector<256x1xf32> to vector<256x1xf32>
      %broadcast_in_dim3A_576 = vector.broadcast %broadcast_in_dim3A_575 : vector<256x1xf32> to vector<256x16xf32>
      %select_n3A_577 = arith.select %broadcast_in_dim3A_574, %broadcast_in_dim3A_576, %select_n3A_548 : vector<256x16xi1>, vector<256x16xf32>
      %reduce_min3A_578 = arith.constant dense<0x7F800000> : vector<256xf32>
      %reduce_min3A_579 = vector.multi_reduction <minimumf>, %select_n3A_564, %reduce_min3A_578 [1] : vector<256x1040xf32> to vector<256xf32>
      %broadcast_in_dim3A_580 = vector.shape_cast %reduce_min3A_579 : vector<256xf32> to vector<256x1xf32>
      %eq3A_581 = vector.broadcast %broadcast_in_dim3A_580 : vector<256x1xf32> to vector<256x1040xf32>
      %eq3A_582 = arith.cmpf oeq, %select_n3A_564, %eq3A_581 : vector<256x1040xf32>
      %jit3A_583 = arith.constant 1.000000e+09 : f32
      %broadcast_in_dim3A_584 = vector.broadcast %jit3A_583 : f32 to vector<256x1040xf32>
      %select_n3A_585 = arith.select %eq3A_582, %concatenate3A_167, %broadcast_in_dim3A_584 : vector<256x1040xi1>, vector<256x1040xf32>
      %reduce_min3A_586 = arith.constant dense<0x7F800000> : vector<256xf32>
      %reduce_min3A_587 = vector.multi_reduction <minimumf>, %select_n3A_585, %reduce_min3A_586 [1] : vector<256x1040xf32> to vector<256xf32>
      %broadcast_in_dim3A_588 = vector.shape_cast %reduce_min3A_587 : vector<256xf32> to vector<256x1xf32>
      %eq3A_589 = vector.broadcast %broadcast_in_dim3A_588 : vector<256x1xf32> to vector<256x1040xf32>
      %eq3A_590 = arith.cmpf oeq, %concatenate3A_167, %eq3A_589 : vector<256x1040xf32>
      %jit3A_591 = arith.constant 3.000000e+38 : f32
      %broadcast_in_dim3A_592 = vector.broadcast %jit3A_591 : f32 to vector<256x1040xf32>
      %select_n3A_593 = arith.select %eq3A_590, %broadcast_in_dim3A_592, %select_n3A_564 : vector<256x1040xi1>, vector<256x1040xf32>
      %eq3A_594 = arith.constant 14 : i32
      %eq3A_595 = vector.broadcast %eq3A_594 : i32 to vector<1x16xi32>
      %eq3A_596 = arith.cmpi eq, %iota3A, %eq3A_595 : vector<1x16xi32>
      %broadcast_in_dim3A_597 = vector.shape_cast %eq3A_596 : vector<1x16xi1> to vector<1x16xi1>
      %broadcast_in_dim3A_598 = vector.broadcast %broadcast_in_dim3A_597 : vector<1x16xi1> to vector<256x16xi1>
      %broadcast_in_dim3A_599 = vector.shape_cast %broadcast_in_dim3A_580 : vector<256x1xf32> to vector<256x1xf32>
      %broadcast_in_dim3A_600 = vector.broadcast %broadcast_in_dim3A_599 : vector<256x1xf32> to vector<256x16xf32>
      %select_n3A_601 = arith.select %broadcast_in_dim3A_598, %broadcast_in_dim3A_600, %select_n3A_572 : vector<256x16xi1>, vector<256x16xf32>
      %broadcast_in_dim3A_602 = vector.shape_cast %eq3A_596 : vector<1x16xi1> to vector<1x16xi1>
      %broadcast_in_dim3A_603 = vector.broadcast %broadcast_in_dim3A_602 : vector<1x16xi1> to vector<256x16xi1>
      %broadcast_in_dim3A_604 = vector.shape_cast %broadcast_in_dim3A_588 : vector<256x1xf32> to vector<256x1xf32>
      %broadcast_in_dim3A_605 = vector.broadcast %broadcast_in_dim3A_604 : vector<256x1xf32> to vector<256x16xf32>
      %select_n3A_606 = arith.select %broadcast_in_dim3A_603, %broadcast_in_dim3A_605, %select_n3A_577 : vector<256x16xi1>, vector<256x16xf32>
      %reduce_min3A_607 = arith.constant dense<0x7F800000> : vector<256xf32>
      %reduce_min3A_608 = vector.multi_reduction <minimumf>, %select_n3A_593, %reduce_min3A_607 [1] : vector<256x1040xf32> to vector<256xf32>
      %broadcast_in_dim3A_609 = vector.shape_cast %reduce_min3A_608 : vector<256xf32> to vector<256x1xf32>
      %eq3A_610 = vector.broadcast %broadcast_in_dim3A_609 : vector<256x1xf32> to vector<256x1040xf32>
      %eq3A_611 = arith.cmpf oeq, %select_n3A_593, %eq3A_610 : vector<256x1040xf32>
      %jit3A_612 = arith.constant 1.000000e+09 : f32
      %broadcast_in_dim3A_613 = vector.broadcast %jit3A_612 : f32 to vector<256x1040xf32>
      %select_n3A_614 = arith.select %eq3A_611, %concatenate3A_167, %broadcast_in_dim3A_613 : vector<256x1040xi1>, vector<256x1040xf32>
      %reduce_min3A_615 = arith.constant dense<0x7F800000> : vector<256xf32>
      %reduce_min3A_616 = vector.multi_reduction <minimumf>, %select_n3A_614, %reduce_min3A_615 [1] : vector<256x1040xf32> to vector<256xf32>
      %broadcast_in_dim3A_617 = vector.shape_cast %reduce_min3A_616 : vector<256xf32> to vector<256x1xf32>
      %eq3A_618 = vector.broadcast %broadcast_in_dim3A_617 : vector<256x1xf32> to vector<256x1040xf32>
      %eq3A_619 = arith.cmpf oeq, %concatenate3A_167, %eq3A_618 : vector<256x1040xf32>
      %jit3A_620 = arith.constant 3.000000e+38 : f32
      %broadcast_in_dim3A_621 = vector.broadcast %jit3A_620 : f32 to vector<256x1040xf32>
      %select_n3A_622 = arith.select %eq3A_619, %broadcast_in_dim3A_621, %select_n3A_593 : vector<256x1040xi1>, vector<256x1040xf32>
      %eq3A_623 = arith.constant 15 : i32
      %eq3A_624 = vector.broadcast %eq3A_623 : i32 to vector<1x16xi32>
      %eq3A_625 = arith.cmpi eq, %iota3A, %eq3A_624 : vector<1x16xi32>
      %broadcast_in_dim3A_626 = vector.shape_cast %eq3A_625 : vector<1x16xi1> to vector<1x16xi1>
      %broadcast_in_dim3A_627 = vector.broadcast %broadcast_in_dim3A_626 : vector<1x16xi1> to vector<256x16xi1>
      %broadcast_in_dim3A_628 = vector.shape_cast %broadcast_in_dim3A_609 : vector<256x1xf32> to vector<256x1xf32>
      %broadcast_in_dim3A_629 = vector.broadcast %broadcast_in_dim3A_628 : vector<256x1xf32> to vector<256x16xf32>
      %select_n3A_630 = arith.select %broadcast_in_dim3A_627, %broadcast_in_dim3A_629, %select_n3A_601 : vector<256x16xi1>, vector<256x16xf32>
      %broadcast_in_dim3A_631 = vector.shape_cast %eq3A_625 : vector<1x16xi1> to vector<1x16xi1>
      %broadcast_in_dim3A_632 = vector.broadcast %broadcast_in_dim3A_631 : vector<1x16xi1> to vector<256x16xi1>
      %broadcast_in_dim3A_633 = vector.shape_cast %broadcast_in_dim3A_617 : vector<256x1xf32> to vector<256x1xf32>
      %broadcast_in_dim3A_634 = vector.broadcast %broadcast_in_dim3A_633 : vector<256x1xf32> to vector<256x16xf32>
      %select_n3A_635 = arith.select %broadcast_in_dim3A_632, %broadcast_in_dim3A_634, %select_n3A_606 : vector<256x16xi1>, vector<256x16xf32>
      scf.yield %select_n3A_630, %select_n3A_635 : vector<256x16xf32>, vector<256x16xf32>
    }
    %convert_element_type3A_119 = arith.fptosi %while3A_118#1 : vector<256x16xf32> to vector<256x16xi32>
    %swap3A = arith.constant 0 : index
    %swap3A_120 = arith.constant 0 : index
    %swap3A_121 = vector.load %arg5[%swap3A, %swap3A_120] : memref<256x16xi32, #tpu.memory_space<vmem>>, vector<256x16xi32>
    tpu.vector_store %arg5[%swap3A, %swap3A_120], %convert_element_type3A_119 {strides = array<i32>} : memref<256x16xi32, #tpu.memory_space<vmem>>, vector<256x16xi32>,
    return
  }
  func.func @transform_0(%arg0: i32) -> (i32, i32) {
    %c0_i32 = arith.constant 0 : i32
    %c0_i32_0 = arith.constant 0 : i32
    return %arg0, %c0_i32 : i32, i32
  }
  func.func @transform_1(%arg0: i32) -> (i32, i32) {
    %c0_i32 = arith.constant 0 : i32
    %c0_i32_0 = arith.constant 0 : i32
    %c0_i32_1 = arith.constant 0 : i32
    return %c0_i32, %c0_i32_0 : i32, i32
  }
  func.func @transform_2(%arg0: i32) -> (i32, i32) {
    %c0_i32 = arith.constant 0 : i32
    %c0_i32_0 = arith.constant 0 : i32
    %c0_i32_1 = arith.constant 0 : i32
    return %c0_i32, %c0_i32_0 : i32, i32
  }
  func.func @transform_3(%arg0: i32) -> (i32, i32) {
    %c0_i32 = arith.constant 0 : i32
    %c0_i32_0 = arith.constant 0 : i32
    %c0_i32_1 = arith.constant 0 : i32
    return %c0_i32, %c0_i32_0 : i32, i32
  }
  func.func @transform_4(%arg0: i32) -> (i32, i32) {
    %c0_i32 = arith.constant 0 : i32
    %c0_i32_0 = arith.constant 0 : i32
    return %arg0, %c0_i32 : i32, i32
  }
}

module attributes {stable_mosaic.version = 14 : i64} {
  func.func @_head_body(%arg0: i32, %arg1: memref<256x256xf32, #tpu.memory_space<vmem>>, %arg2: memref<16x256x128xf32, #tpu.memory_space<vmem>>, %arg3: memref<16x256xf32, #tpu.memory_space<vmem>>, %arg4: memref<256x128xf32, #tpu.memory_space<vmem>>, %arg5: memref<1x128xf32, #tpu.memory_space<vmem>>, %arg6: memref<1x128xf32, #tpu.memory_space<vmem>>, %arg7: memref<1x128xf32, #tpu.memory_space<vmem>>, %arg8: memref<128x128xf32, #tpu.memory_space<vmem>>, %arg9: memref<1x128xf32, #tpu.memory_space<vmem>>, %arg10: memref<256x128xf32, #tpu.memory_space<vmem>>, %arg11: memref<1x128xf32, #tpu.memory_space<vmem>>, %arg12: memref<128x128xf32, #tpu.memory_space<vmem>>, %arg13: memref<1x128xf32, #tpu.memory_space<vmem>>, %arg14: memref<1x128xf32, #tpu.memory_space<vmem>>, %arg15: memref<1x128xf32, #tpu.memory_space<vmem>>, %arg16: memref<128x128xf32, #tpu.memory_space<vmem>>, %arg17: memref<1x128xf32, #tpu.memory_space<vmem>>, %arg18: memref<256x128xf32, #tpu.memory_space<vmem>>) attributes {dimension_semantics = [#tpu.dimension_semantics<arbitrary>], iteration_bounds = array<i64: 5>, scalar_prefetch = 0 : i64, scratch_operands = 0 : i64, tpu.core_type = #tpu.core_type<tc>, window_params = [{transform_indices = @transform_0, window_bounds = array<i64: 256, 256>}, {transform_indices = @transform_1, window_bounds = array<i64: 16, 256, 128>}, {pipeline_mode = #tpu.pipeline_mode<synchronous>, transform_indices = @transform_2, window_bounds = array<i64: 16, 256>}, {pipeline_mode = #tpu.pipeline_mode<synchronous>, transform_indices = @transform_3, window_bounds = array<i64: 256, 128>}, {pipeline_mode = #tpu.pipeline_mode<synchronous>, transform_indices = @transform_4, window_bounds = array<i64: 1, 128>}, {pipeline_mode = #tpu.pipeline_mode<synchronous>, transform_indices = @transform_5, window_bounds = array<i64: 1, 128>}, {pipeline_mode = #tpu.pipeline_mode<synchronous>, transform_indices = @transform_6, window_bounds = array<i64: 1, 128>}, {pipeline_mode = #tpu.pipeline_mode<synchronous>, transform_indices = @transform_7, window_bounds = array<i64: 128, 128>}, {pipeline_mode = #tpu.pipeline_mode<synchronous>, transform_indices = @transform_8, window_bounds = array<i64: 1, 128>}, {pipeline_mode = #tpu.pipeline_mode<synchronous>, transform_indices = @transform_9, window_bounds = array<i64: 256, 128>}, {pipeline_mode = #tpu.pipeline_mode<synchronous>, transform_indices = @transform_10, window_bounds = array<i64: 1, 128>}, {pipeline_mode = #tpu.pipeline_mode<synchronous>, transform_indices = @transform_11, window_bounds = array<i64: 128, 128>}, {pipeline_mode = #tpu.pipeline_mode<synchronous>, transform_indices = @transform_12, window_bounds = array<i64: 1, 128>}, {pipeline_mode = #tpu.pipeline_mode<synchronous>, transform_indices = @transform_13, window_bounds = array<i64: 1, 128>}, {pipeline_mode = #tpu.pipeline_mode<synchronous>, transform_indices = @transform_14, window_bounds = array<i64: 1, 128>}, {pipeline_mode = #tpu.pipeline_mode<synchronous>, transform_indices = @transform_15, window_bounds = array<i64: 128, 128>}, {pipeline_mode = #tpu.pipeline_mode<synchronous>, transform_indices = @transform_16, window_bounds = array<i64: 1, 128>}, {transform_indices = @transform_17, window_bounds = array<i64: 256, 128>}]} {
    %get3A = arith.constant 0 : index
    %get3A_0 = arith.constant 0 : index
    %get3A_1 = vector.load %arg3[%get3A, %get3A_0] : memref<16x256xf32, #tpu.memory_space<vmem>>, vector<16x256xf32>
    %get3A_2 = arith.constant 0 : index
    %get3A_3 = arith.constant 0 : index
    %get3A_4 = vector.load %arg4[%get3A_2, %get3A_3] : memref<256x128xf32, #tpu.memory_space<vmem>>, vector<256x128xf32>
    %dot_general3A = arith.constant dense<0.000000e+00> : vector<16x128xf32>
    %dot_general3A_5 = tpu.matmul %get3A_1, %get3A_4, %dot_general3A {dimension_numbers = #tpu.dot_dimension_numbers<[1], [0], [0], [1], [0, 0, 1, 1], [], []>, transpose_lhs_hint = false} : vector<16x256xf32>, vector<256x128xf32>, vector<16x128xf32> -> vector<16x128xf32>
    %get3A_6 = arith.constant 0 : index
    %get3A_7 = arith.constant 0 : index
    %get3A_8 = vector.load %arg5[%get3A_6, %get3A_7] : memref<1x128xf32, #tpu.memory_space<vmem>>, vector<1x128xf32>
    %add3A = vector.broadcast %get3A_8 : vector<1x128xf32> to vector<16x128xf32>
    %add3A_9 = arith.addf %dot_general3A_5, %add3A : vector<16x128xf32>
    %sqrt3A = arith.constant 1.000010e+00 : f32
    %sqrt3A_10 = math.sqrt %sqrt3A : f32
    %div3A = vector.broadcast %sqrt3A_10 : f32 to vector<16x128xf32>
    %div3A_11 = arith.divf %add3A_9, %div3A : vector<16x128xf32>
    %get3A_12 = arith.constant 0 : index
    %get3A_13 = arith.constant 0 : index
    %get3A_14 = vector.load %arg6[%get3A_12, %get3A_13] : memref<1x128xf32, #tpu.memory_space<vmem>>, vector<1x128xf32>
    %mul3A = vector.broadcast %get3A_14 : vector<1x128xf32> to vector<16x128xf32>
    %mul3A_15 = arith.mulf %div3A_11, %mul3A : vector<16x128xf32>
    %get3A_16 = arith.constant 0 : index
    %get3A_17 = arith.constant 0 : index
    %get3A_18 = vector.load %arg7[%get3A_16, %get3A_17] : memref<1x128xf32, #tpu.memory_space<vmem>>, vector<1x128xf32>
    %add3A_19 = vector.broadcast %get3A_18 : vector<1x128xf32> to vector<16x128xf32>
    %add3A_20 = arith.addf %mul3A_15, %add3A_19 : vector<16x128xf32>
    %max3A = arith.constant 0.000000e+00 : f32
    %max3A_21 = vector.broadcast %max3A : f32 to vector<16x128xf32>
    %max3A_22 = arith.maximumf %add3A_20, %max3A_21 : vector<16x128xf32>
    %get3A_23 = arith.constant 0 : index
    %get3A_24 = arith.constant 0 : index
    %get3A_25 = vector.load %arg8[%get3A_23, %get3A_24] : memref<128x128xf32, #tpu.memory_space<vmem>>, vector<128x128xf32>
    %dot_general3A_26 = arith.constant dense<0.000000e+00> : vector<16x128xf32>
    %dot_general3A_27 = tpu.matmul %max3A_22, %get3A_25, %dot_general3A_26 {dimension_numbers = #tpu.dot_dimension_numbers<[1], [0], [0], [1], [0, 0, 1, 1], [], []>, transpose_lhs_hint = false} : vector<16x128xf32>, vector<128x128xf32>, vector<16x128xf32> -> vector<16x128xf32>
    %get3A_28 = arith.constant 0 : index
    %get3A_29 = arith.constant 0 : index
    %get3A_30 = vector.load %arg9[%get3A_28, %get3A_29] : memref<1x128xf32, #tpu.memory_space<vmem>>, vector<1x128xf32>
    %add3A_31 = vector.broadcast %get3A_30 : vector<1x128xf32> to vector<16x128xf32>
    %add3A_32 = arith.addf %dot_general3A_27, %add3A_31 : vector<16x128xf32>
    %get3A_33 = arith.constant 0 : index
    %get3A_34 = arith.constant 0 : index
    %get3A_35 = vector.load %arg1[%get3A_33, %get3A_34] : memref<256x256xf32, #tpu.memory_space<vmem>>, vector<256x128xf32>
    %get3A_36 = arith.constant 0 : index
    %get3A_37 = arith.constant 131 : index
    %get3A_38 = vector.load %arg1[%get3A_36, %get3A_37] : memref<256x256xf32, #tpu.memory_space<vmem>>, vector<256x1xf32>
    %get3A_39 = arith.constant 0 : index
    %get3A_40 = arith.constant 0 : index
    %get3A_41 = vector.load %arg10[%get3A_39, %get3A_40] : memref<256x128xf32, #tpu.memory_space<vmem>>, vector<256x128xf32>
    %get3A_42 = arith.constant 0 : index
    %get3A_43 = arith.constant 0 : index
    %get3A_44 = vector.load %arg11[%get3A_42, %get3A_43] : memref<1x128xf32, #tpu.memory_space<vmem>>, vector<1x128xf32>
    %broadcast_in_dim3A = arith.constant -3.000000e+38 : f32
    %broadcast_in_dim3A_45 = vector.broadcast %broadcast_in_dim3A : f32 to vector<256x128xf32>
    %get3A_46 = arith.constant 0 : index
    %get3A_47 = arith.constant 0 : index
    %get3A_48 = arith.constant 0 : index
    %get3A_49 = vector.load %arg2[%get3A_46, %get3A_47, %get3A_48] : memref<16x256x128xf32, #tpu.memory_space<vmem>>, vector<1x256x128xf32>
    %get3A_50 = vector.shape_cast %get3A_49 : vector<1x256x128xf32> to vector<256x128xf32>
    %sub3A = arith.subf %get3A_50, %get3A_35 : vector<256x128xf32>
    %concatenate3A = tpu.concatenate %get3A_35, %sub3A in 1 : vector<256x128xf32>, vector<256x128xf32> -> vector<256x256xf32>
    %dot_general3A_51 = arith.constant dense<0.000000e+00> : vector<256x128xf32>
    %dot_general3A_52 = tpu.matmul %concatenate3A, %get3A_41, %dot_general3A_51 {dimension_numbers = #tpu.dot_dimension_numbers<[1], [0], [0], [1], [0, 0, 1, 1], [], []>, transpose_lhs_hint = false} : vector<256x256xf32>, vector<256x128xf32>, vector<256x128xf32> -> vector<256x128xf32>
    %add3A_53 = vector.broadcast %get3A_44 : vector<1x128xf32> to vector<256x128xf32>
    %add3A_54 = arith.addf %dot_general3A_52, %add3A_53 : vector<256x128xf32>
    %max3A_55 = arith.constant 0.000000e+00 : f32
    %max3A_56 = vector.broadcast %max3A_55 : f32 to vector<256x128xf32>
    %max3A_57 = arith.maximumf %add3A_54, %max3A_56 : vector<256x128xf32>
    %max3A_58 = arith.maximumf %broadcast_in_dim3A_45, %max3A_57 : vector<256x128xf32>
    %get3A_59 = arith.constant 1 : index
    %get3A_60 = arith.constant 0 : index
    %get3A_61 = arith.constant 0 : index
    %get3A_62 = vector.load %arg2[%get3A_59, %get3A_60, %get3A_61] : memref<16x256x128xf32, #tpu.memory_space<vmem>>, vector<1x256x128xf32>
    %get3A_63 = vector.shape_cast %get3A_62 : vector<1x256x128xf32> to vector<256x128xf32>
    %sub3A_64 = arith.subf %get3A_63, %get3A_35 : vector<256x128xf32>
    %concatenate3A_65 = tpu.concatenate %get3A_35, %sub3A_64 in 1 : vector<256x128xf32>, vector<256x128xf32> -> vector<256x256xf32>
    %dot_general3A_66 = arith.constant dense<0.000000e+00> : vector<256x128xf32>
    %dot_general3A_67 = tpu.matmul %concatenate3A_65, %get3A_41, %dot_general3A_66 {dimension_numbers = #tpu.dot_dimension_numbers<[1], [0], [0], [1], [0, 0, 1, 1], [], []>, transpose_lhs_hint = false} : vector<256x256xf32>, vector<256x128xf32>, vector<256x128xf32> -> vector<256x128xf32>
    %add3A_68 = vector.broadcast %get3A_44 : vector<1x128xf32> to vector<256x128xf32>
    %add3A_69 = arith.addf %dot_general3A_67, %add3A_68 : vector<256x128xf32>
    %max3A_70 = arith.constant 0.000000e+00 : f32
    %max3A_71 = vector.broadcast %max3A_70 : f32 to vector<256x128xf32>
    %max3A_72 = arith.maximumf %add3A_69, %max3A_71 : vector<256x128xf32>
    %max3A_73 = arith.maximumf %max3A_58, %max3A_72 : vector<256x128xf32>
    %get3A_74 = arith.constant 2 : index
    %get3A_75 = arith.constant 0 : index
    %get3A_76 = arith.constant 0 : index
    %get3A_77 = vector.load %arg2[%get3A_74, %get3A_75, %get3A_76] : memref<16x256x128xf32, #tpu.memory_space<vmem>>, vector<1x256x128xf32>
    %get3A_78 = vector.shape_cast %get3A_77 : vector<1x256x128xf32> to vector<256x128xf32>
    %sub3A_79 = arith.subf %get3A_78, %get3A_35 : vector<256x128xf32>
    %concatenate3A_80 = tpu.concatenate %get3A_35, %sub3A_79 in 1 : vector<256x128xf32>, vector<256x128xf32> -> vector<256x256xf32>
    %dot_general3A_81 = arith.constant dense<0.000000e+00> : vector<256x128xf32>
    %dot_general3A_82 = tpu.matmul %concatenate3A_80, %get3A_41, %dot_general3A_81 {dimension_numbers = #tpu.dot_dimension_numbers<[1], [0], [0], [1], [0, 0, 1, 1], [], []>, transpose_lhs_hint = false} : vector<256x256xf32>, vector<256x128xf32>, vector<256x128xf32> -> vector<256x128xf32>
    %add3A_83 = vector.broadcast %get3A_44 : vector<1x128xf32> to vector<256x128xf32>
    %add3A_84 = arith.addf %dot_general3A_82, %add3A_83 : vector<256x128xf32>
    %max3A_85 = arith.constant 0.000000e+00 : f32
    %max3A_86 = vector.broadcast %max3A_85 : f32 to vector<256x128xf32>
    %max3A_87 = arith.maximumf %add3A_84, %max3A_86 : vector<256x128xf32>
    %max3A_88 = arith.maximumf %max3A_73, %max3A_87 : vector<256x128xf32>
    %get3A_89 = arith.constant 3 : index
    %get3A_90 = arith.constant 0 : index
    %get3A_91 = arith.constant 0 : index
    %get3A_92 = vector.load %arg2[%get3A_89, %get3A_90, %get3A_91] : memref<16x256x128xf32, #tpu.memory_space<vmem>>, vector<1x256x128xf32>
    %get3A_93 = vector.shape_cast %get3A_92 : vector<1x256x128xf32> to vector<256x128xf32>
    %sub3A_94 = arith.subf %get3A_93, %get3A_35 : vector<256x128xf32>
    %concatenate3A_95 = tpu.concatenate %get3A_35, %sub3A_94 in 1 : vector<256x128xf32>, vector<256x128xf32> -> vector<256x256xf32>
    %dot_general3A_96 = arith.constant dense<0.000000e+00> : vector<256x128xf32>
    %dot_general3A_97 = tpu.matmul %concatenate3A_95, %get3A_41, %dot_general3A_96 {dimension_numbers = #tpu.dot_dimension_numbers<[1], [0], [0], [1], [0, 0, 1, 1], [], []>, transpose_lhs_hint = false} : vector<256x256xf32>, vector<256x128xf32>, vector<256x128xf32> -> vector<256x128xf32>
    %add3A_98 = vector.broadcast %get3A_44 : vector<1x128xf32> to vector<256x128xf32>
    %add3A_99 = arith.addf %dot_general3A_97, %add3A_98 : vector<256x128xf32>
    %max3A_100 = arith.constant 0.000000e+00 : f32
    %max3A_101 = vector.broadcast %max3A_100 : f32 to vector<256x128xf32>
    %max3A_102 = arith.maximumf %add3A_99, %max3A_101 : vector<256x128xf32>
    %max3A_103 = arith.maximumf %max3A_88, %max3A_102 : vector<256x128xf32>
    %get3A_104 = arith.constant 4 : index
    %get3A_105 = arith.constant 0 : index
    %get3A_106 = arith.constant 0 : index
    %get3A_107 = vector.load %arg2[%get3A_104, %get3A_105, %get3A_106] : memref<16x256x128xf32, #tpu.memory_space<vmem>>, vector<1x256x128xf32>
    %get3A_108 = vector.shape_cast %get3A_107 : vector<1x256x128xf32> to vector<256x128xf32>
    %sub3A_109 = arith.subf %get3A_108, %get3A_35 : vector<256x128xf32>
    %concatenate3A_110 = tpu.concatenate %get3A_35, %sub3A_109 in 1 : vector<256x128xf32>, vector<256x128xf32> -> vector<256x256xf32>
    %dot_general3A_111 = arith.constant dense<0.000000e+00> : vector<256x128xf32>
    %dot_general3A_112 = tpu.matmul %concatenate3A_110, %get3A_41, %dot_general3A_111 {dimension_numbers = #tpu.dot_dimension_numbers<[1], [0], [0], [1], [0, 0, 1, 1], [], []>, transpose_lhs_hint = false} : vector<256x256xf32>, vector<256x128xf32>, vector<256x128xf32> -> vector<256x128xf32>
    %add3A_113 = vector.broadcast %get3A_44 : vector<1x128xf32> to vector<256x128xf32>
    %add3A_114 = arith.addf %dot_general3A_112, %add3A_113 : vector<256x128xf32>
    %max3A_115 = arith.constant 0.000000e+00 : f32
    %max3A_116 = vector.broadcast %max3A_115 : f32 to vector<256x128xf32>
    %max3A_117 = arith.maximumf %add3A_114, %max3A_116 : vector<256x128xf32>
    %max3A_118 = arith.maximumf %max3A_103, %max3A_117 : vector<256x128xf32>
    %get3A_119 = arith.constant 5 : index
    %get3A_120 = arith.constant 0 : index
    %get3A_121 = arith.constant 0 : index
    %get3A_122 = vector.load %arg2[%get3A_119, %get3A_120, %get3A_121] : memref<16x256x128xf32, #tpu.memory_space<vmem>>, vector<1x256x128xf32>
    %get3A_123 = vector.shape_cast %get3A_122 : vector<1x256x128xf32> to vector<256x128xf32>
    %sub3A_124 = arith.subf %get3A_123, %get3A_35 : vector<256x128xf32>
    %concatenate3A_125 = tpu.concatenate %get3A_35, %sub3A_124 in 1 : vector<256x128xf32>, vector<256x128xf32> -> vector<256x256xf32>
    %dot_general3A_126 = arith.constant dense<0.000000e+00> : vector<256x128xf32>
    %dot_general3A_127 = tpu.matmul %concatenate3A_125, %get3A_41, %dot_general3A_126 {dimension_numbers = #tpu.dot_dimension_numbers<[1], [0], [0], [1], [0, 0, 1, 1], [], []>, transpose_lhs_hint = false} : vector<256x256xf32>, vector<256x128xf32>, vector<256x128xf32> -> vector<256x128xf32>
    %add3A_128 = vector.broadcast %get3A_44 : vector<1x128xf32> to vector<256x128xf32>
    %add3A_129 = arith.addf %dot_general3A_127, %add3A_128 : vector<256x128xf32>
    %max3A_130 = arith.constant 0.000000e+00 : f32
    %max3A_131 = vector.broadcast %max3A_130 : f32 to vector<256x128xf32>
    %max3A_132 = arith.maximumf %add3A_129, %max3A_131 : vector<256x128xf32>
    %max3A_133 = arith.maximumf %max3A_118, %max3A_132 : vector<256x128xf32>
    %get3A_134 = arith.constant 6 : index
    %get3A_135 = arith.constant 0 : index
    %get3A_136 = arith.constant 0 : index
    %get3A_137 = vector.load %arg2[%get3A_134, %get3A_135, %get3A_136] : memref<16x256x128xf32, #tpu.memory_space<vmem>>, vector<1x256x128xf32>
    %get3A_138 = vector.shape_cast %get3A_137 : vector<1x256x128xf32> to vector<256x128xf32>
    %sub3A_139 = arith.subf %get3A_138, %get3A_35 : vector<256x128xf32>
    %concatenate3A_140 = tpu.concatenate %get3A_35, %sub3A_139 in 1 : vector<256x128xf32>, vector<256x128xf32> -> vector<256x256xf32>
    %dot_general3A_141 = arith.constant dense<0.000000e+00> : vector<256x128xf32>
    %dot_general3A_142 = tpu.matmul %concatenate3A_140, %get3A_41, %dot_general3A_141 {dimension_numbers = #tpu.dot_dimension_numbers<[1], [0], [0], [1], [0, 0, 1, 1], [], []>, transpose_lhs_hint = false} : vector<256x256xf32>, vector<256x128xf32>, vector<256x128xf32> -> vector<256x128xf32>
    %add3A_143 = vector.broadcast %get3A_44 : vector<1x128xf32> to vector<256x128xf32>
    %add3A_144 = arith.addf %dot_general3A_142, %add3A_143 : vector<256x128xf32>
    %max3A_145 = arith.constant 0.000000e+00 : f32
    %max3A_146 = vector.broadcast %max3A_145 : f32 to vector<256x128xf32>
    %max3A_147 = arith.maximumf %add3A_144, %max3A_146 : vector<256x128xf32>
    %max3A_148 = arith.maximumf %max3A_133, %max3A_147 : vector<256x128xf32>
    %get3A_149 = arith.constant 7 : index
    %get3A_150 = arith.constant 0 : index
    %get3A_151 = arith.constant 0 : index
    %get3A_152 = vector.load %arg2[%get3A_149, %get3A_150, %get3A_151] : memref<16x256x128xf32, #tpu.memory_space<vmem>>, vector<1x256x128xf32>
    %get3A_153 = vector.shape_cast %get3A_152 : vector<1x256x128xf32> to vector<256x128xf32>
    %sub3A_154 = arith.subf %get3A_153, %get3A_35 : vector<256x128xf32>
    %concatenate3A_155 = tpu.concatenate %get3A_35, %sub3A_154 in 1 : vector<256x128xf32>, vector<256x128xf32> -> vector<256x256xf32>
    %dot_general3A_156 = arith.constant dense<0.000000e+00> : vector<256x128xf32>
    %dot_general3A_157 = tpu.matmul %concatenate3A_155, %get3A_41, %dot_general3A_156 {dimension_numbers = #tpu.dot_dimension_numbers<[1], [0], [0], [1], [0, 0, 1, 1], [], []>, transpose_lhs_hint = false} : vector<256x256xf32>, vector<256x128xf32>, vector<256x128xf32> -> vector<256x128xf32>
    %add3A_158 = vector.broadcast %get3A_44 : vector<1x128xf32> to vector<256x128xf32>
    %add3A_159 = arith.addf %dot_general3A_157, %add3A_158 : vector<256x128xf32>
    %max3A_160 = arith.constant 0.000000e+00 : f32
    %max3A_161 = vector.broadcast %max3A_160 : f32 to vector<256x128xf32>
    %max3A_162 = arith.maximumf %add3A_159, %max3A_161 : vector<256x128xf32>
    %max3A_163 = arith.maximumf %max3A_148, %max3A_162 : vector<256x128xf32>
    %get3A_164 = arith.constant 8 : index
    %get3A_165 = arith.constant 0 : index
    %get3A_166 = arith.constant 0 : index
    %get3A_167 = vector.load %arg2[%get3A_164, %get3A_165, %get3A_166] : memref<16x256x128xf32, #tpu.memory_space<vmem>>, vector<1x256x128xf32>
    %get3A_168 = vector.shape_cast %get3A_167 : vector<1x256x128xf32> to vector<256x128xf32>
    %sub3A_169 = arith.subf %get3A_168, %get3A_35 : vector<256x128xf32>
    %concatenate3A_170 = tpu.concatenate %get3A_35, %sub3A_169 in 1 : vector<256x128xf32>, vector<256x128xf32> -> vector<256x256xf32>
    %dot_general3A_171 = arith.constant dense<0.000000e+00> : vector<256x128xf32>
    %dot_general3A_172 = tpu.matmul %concatenate3A_170, %get3A_41, %dot_general3A_171 {dimension_numbers = #tpu.dot_dimension_numbers<[1], [0], [0], [1], [0, 0, 1, 1], [], []>, transpose_lhs_hint = false} : vector<256x256xf32>, vector<256x128xf32>, vector<256x128xf32> -> vector<256x128xf32>
    %add3A_173 = vector.broadcast %get3A_44 : vector<1x128xf32> to vector<256x128xf32>
    %add3A_174 = arith.addf %dot_general3A_172, %add3A_173 : vector<256x128xf32>
    %max3A_175 = arith.constant 0.000000e+00 : f32
    %max3A_176 = vector.broadcast %max3A_175 : f32 to vector<256x128xf32>
    %max3A_177 = arith.maximumf %add3A_174, %max3A_176 : vector<256x128xf32>
    %max3A_178 = arith.maximumf %max3A_163, %max3A_177 : vector<256x128xf32>
    %get3A_179 = arith.constant 9 : index
    %get3A_180 = arith.constant 0 : index
    %get3A_181 = arith.constant 0 : index
    %get3A_182 = vector.load %arg2[%get3A_179, %get3A_180, %get3A_181] : memref<16x256x128xf32, #tpu.memory_space<vmem>>, vector<1x256x128xf32>
    %get3A_183 = vector.shape_cast %get3A_182 : vector<1x256x128xf32> to vector<256x128xf32>
    %sub3A_184 = arith.subf %get3A_183, %get3A_35 : vector<256x128xf32>
    %concatenate3A_185 = tpu.concatenate %get3A_35, %sub3A_184 in 1 : vector<256x128xf32>, vector<256x128xf32> -> vector<256x256xf32>
    %dot_general3A_186 = arith.constant dense<0.000000e+00> : vector<256x128xf32>
    %dot_general3A_187 = tpu.matmul %concatenate3A_185, %get3A_41, %dot_general3A_186 {dimension_numbers = #tpu.dot_dimension_numbers<[1], [0], [0], [1], [0, 0, 1, 1], [], []>, transpose_lhs_hint = false} : vector<256x256xf32>, vector<256x128xf32>, vector<256x128xf32> -> vector<256x128xf32>
    %add3A_188 = vector.broadcast %get3A_44 : vector<1x128xf32> to vector<256x128xf32>
    %add3A_189 = arith.addf %dot_general3A_187, %add3A_188 : vector<256x128xf32>
    %max3A_190 = arith.constant 0.000000e+00 : f32
    %max3A_191 = vector.broadcast %max3A_190 : f32 to vector<256x128xf32>
    %max3A_192 = arith.maximumf %add3A_189, %max3A_191 : vector<256x128xf32>
    %max3A_193 = arith.maximumf %max3A_178, %max3A_192 : vector<256x128xf32>
    %get3A_194 = arith.constant 10 : index
    %get3A_195 = arith.constant 0 : index
    %get3A_196 = arith.constant 0 : index
    %get3A_197 = vector.load %arg2[%get3A_194, %get3A_195, %get3A_196] : memref<16x256x128xf32, #tpu.memory_space<vmem>>, vector<1x256x128xf32>
    %get3A_198 = vector.shape_cast %get3A_197 : vector<1x256x128xf32> to vector<256x128xf32>
    %sub3A_199 = arith.subf %get3A_198, %get3A_35 : vector<256x128xf32>
    %concatenate3A_200 = tpu.concatenate %get3A_35, %sub3A_199 in 1 : vector<256x128xf32>, vector<256x128xf32> -> vector<256x256xf32>
    %dot_general3A_201 = arith.constant dense<0.000000e+00> : vector<256x128xf32>
    %dot_general3A_202 = tpu.matmul %concatenate3A_200, %get3A_41, %dot_general3A_201 {dimension_numbers = #tpu.dot_dimension_numbers<[1], [0], [0], [1], [0, 0, 1, 1], [], []>, transpose_lhs_hint = false} : vector<256x256xf32>, vector<256x128xf32>, vector<256x128xf32> -> vector<256x128xf32>
    %add3A_203 = vector.broadcast %get3A_44 : vector<1x128xf32> to vector<256x128xf32>
    %add3A_204 = arith.addf %dot_general3A_202, %add3A_203 : vector<256x128xf32>
    %max3A_205 = arith.constant 0.000000e+00 : f32
    %max3A_206 = vector.broadcast %max3A_205 : f32 to vector<256x128xf32>
    %max3A_207 = arith.maximumf %add3A_204, %max3A_206 : vector<256x128xf32>
    %max3A_208 = arith.maximumf %max3A_193, %max3A_207 : vector<256x128xf32>
    %get3A_209 = arith.constant 11 : index
    %get3A_210 = arith.constant 0 : index
    %get3A_211 = arith.constant 0 : index
    %get3A_212 = vector.load %arg2[%get3A_209, %get3A_210, %get3A_211] : memref<16x256x128xf32, #tpu.memory_space<vmem>>, vector<1x256x128xf32>
    %get3A_213 = vector.shape_cast %get3A_212 : vector<1x256x128xf32> to vector<256x128xf32>
    %sub3A_214 = arith.subf %get3A_213, %get3A_35 : vector<256x128xf32>
    %concatenate3A_215 = tpu.concatenate %get3A_35, %sub3A_214 in 1 : vector<256x128xf32>, vector<256x128xf32> -> vector<256x256xf32>
    %dot_general3A_216 = arith.constant dense<0.000000e+00> : vector<256x128xf32>
    %dot_general3A_217 = tpu.matmul %concatenate3A_215, %get3A_41, %dot_general3A_216 {dimension_numbers = #tpu.dot_dimension_numbers<[1], [0], [0], [1], [0, 0, 1, 1], [], []>, transpose_lhs_hint = false} : vector<256x256xf32>, vector<256x128xf32>, vector<256x128xf32> -> vector<256x128xf32>
    %add3A_218 = vector.broadcast %get3A_44 : vector<1x128xf32> to vector<256x128xf32>
    %add3A_219 = arith.addf %dot_general3A_217, %add3A_218 : vector<256x128xf32>
    %max3A_220 = arith.constant 0.000000e+00 : f32
    %max3A_221 = vector.broadcast %max3A_220 : f32 to vector<256x128xf32>
    %max3A_222 = arith.maximumf %add3A_219, %max3A_221 : vector<256x128xf32>
    %max3A_223 = arith.maximumf %max3A_208, %max3A_222 : vector<256x128xf32>
    %get3A_224 = arith.constant 12 : index
    %get3A_225 = arith.constant 0 : index
    %get3A_226 = arith.constant 0 : index
    %get3A_227 = vector.load %arg2[%get3A_224, %get3A_225, %get3A_226] : memref<16x256x128xf32, #tpu.memory_space<vmem>>, vector<1x256x128xf32>
    %get3A_228 = vector.shape_cast %get3A_227 : vector<1x256x128xf32> to vector<256x128xf32>
    %sub3A_229 = arith.subf %get3A_228, %get3A_35 : vector<256x128xf32>
    %concatenate3A_230 = tpu.concatenate %get3A_35, %sub3A_229 in 1 : vector<256x128xf32>, vector<256x128xf32> -> vector<256x256xf32>
    %dot_general3A_231 = arith.constant dense<0.000000e+00> : vector<256x128xf32>
    %dot_general3A_232 = tpu.matmul %concatenate3A_230, %get3A_41, %dot_general3A_231 {dimension_numbers = #tpu.dot_dimension_numbers<[1], [0], [0], [1], [0, 0, 1, 1], [], []>, transpose_lhs_hint = false} : vector<256x256xf32>, vector<256x128xf32>, vector<256x128xf32> -> vector<256x128xf32>
    %add3A_233 = vector.broadcast %get3A_44 : vector<1x128xf32> to vector<256x128xf32>
    %add3A_234 = arith.addf %dot_general3A_232, %add3A_233 : vector<256x128xf32>
    %max3A_235 = arith.constant 0.000000e+00 : f32
    %max3A_236 = vector.broadcast %max3A_235 : f32 to vector<256x128xf32>
    %max3A_237 = arith.maximumf %add3A_234, %max3A_236 : vector<256x128xf32>
    %max3A_238 = arith.maximumf %max3A_223, %max3A_237 : vector<256x128xf32>
    %get3A_239 = arith.constant 13 : index
    %get3A_240 = arith.constant 0 : index
    %get3A_241 = arith.constant 0 : index
    %get3A_242 = vector.load %arg2[%get3A_239, %get3A_240, %get3A_241] : memref<16x256x128xf32, #tpu.memory_space<vmem>>, vector<1x256x128xf32>
    %get3A_243 = vector.shape_cast %get3A_242 : vector<1x256x128xf32> to vector<256x128xf32>
    %sub3A_244 = arith.subf %get3A_243, %get3A_35 : vector<256x128xf32>
    %concatenate3A_245 = tpu.concatenate %get3A_35, %sub3A_244 in 1 : vector<256x128xf32>, vector<256x128xf32> -> vector<256x256xf32>
    %dot_general3A_246 = arith.constant dense<0.000000e+00> : vector<256x128xf32>
    %dot_general3A_247 = tpu.matmul %concatenate3A_245, %get3A_41, %dot_general3A_246 {dimension_numbers = #tpu.dot_dimension_numbers<[1], [0], [0], [1], [0, 0, 1, 1], [], []>, transpose_lhs_hint = false} : vector<256x256xf32>, vector<256x128xf32>, vector<256x128xf32> -> vector<256x128xf32>
    %add3A_248 = vector.broadcast %get3A_44 : vector<1x128xf32> to vector<256x128xf32>
    %add3A_249 = arith.addf %dot_general3A_247, %add3A_248 : vector<256x128xf32>
    %max3A_250 = arith.constant 0.000000e+00 : f32
    %max3A_251 = vector.broadcast %max3A_250 : f32 to vector<256x128xf32>
    %max3A_252 = arith.maximumf %add3A_249, %max3A_251 : vector<256x128xf32>
    %max3A_253 = arith.maximumf %max3A_238, %max3A_252 : vector<256x128xf32>
    %get3A_254 = arith.constant 14 : index
    %get3A_255 = arith.constant 0 : index
    %get3A_256 = arith.constant 0 : index
    %get3A_257 = vector.load %arg2[%get3A_254, %get3A_255, %get3A_256] : memref<16x256x128xf32, #tpu.memory_space<vmem>>, vector<1x256x128xf32>
    %get3A_258 = vector.shape_cast %get3A_257 : vector<1x256x128xf32> to vector<256x128xf32>
    %sub3A_259 = arith.subf %get3A_258, %get3A_35 : vector<256x128xf32>
    %concatenate3A_260 = tpu.concatenate %get3A_35, %sub3A_259 in 1 : vector<256x128xf32>, vector<256x128xf32> -> vector<256x256xf32>
    %dot_general3A_261 = arith.constant dense<0.000000e+00> : vector<256x128xf32>
    %dot_general3A_262 = tpu.matmul %concatenate3A_260, %get3A_41, %dot_general3A_261 {dimension_numbers = #tpu.dot_dimension_numbers<[1], [0], [0], [1], [0, 0, 1, 1], [], []>, transpose_lhs_hint = false} : vector<256x256xf32>, vector<256x128xf32>, vector<256x128xf32> -> vector<256x128xf32>
    %add3A_263 = vector.broadcast %get3A_44 : vector<1x128xf32> to vector<256x128xf32>
    %add3A_264 = arith.addf %dot_general3A_262, %add3A_263 : vector<256x128xf32>
    %max3A_265 = arith.constant 0.000000e+00 : f32
    %max3A_266 = vector.broadcast %max3A_265 : f32 to vector<256x128xf32>
    %max3A_267 = arith.maximumf %add3A_264, %max3A_266 : vector<256x128xf32>
    %max3A_268 = arith.maximumf %max3A_253, %max3A_267 : vector<256x128xf32>
    %get3A_269 = arith.constant 15 : index
    %get3A_270 = arith.constant 0 : index
    %get3A_271 = arith.constant 0 : index
    %get3A_272 = vector.load %arg2[%get3A_269, %get3A_270, %get3A_271] : memref<16x256x128xf32, #tpu.memory_space<vmem>>, vector<1x256x128xf32>
    %get3A_273 = vector.shape_cast %get3A_272 : vector<1x256x128xf32> to vector<256x128xf32>
    %sub3A_274 = arith.subf %get3A_273, %get3A_35 : vector<256x128xf32>
    %concatenate3A_275 = tpu.concatenate %get3A_35, %sub3A_274 in 1 : vector<256x128xf32>, vector<256x128xf32> -> vector<256x256xf32>
    %dot_general3A_276 = arith.constant dense<0.000000e+00> : vector<256x128xf32>
    %dot_general3A_277 = tpu.matmul %concatenate3A_275, %get3A_41, %dot_general3A_276 {dimension_numbers = #tpu.dot_dimension_numbers<[1], [0], [0], [1], [0, 0, 1, 1], [], []>, transpose_lhs_hint = false} : vector<256x256xf32>, vector<256x128xf32>, vector<256x128xf32> -> vector<256x128xf32>
    %add3A_278 = vector.broadcast %get3A_44 : vector<1x128xf32> to vector<256x128xf32>
    %add3A_279 = arith.addf %dot_general3A_277, %add3A_278 : vector<256x128xf32>
    %max3A_280 = arith.constant 0.000000e+00 : f32
    %max3A_281 = vector.broadcast %max3A_280 : f32 to vector<256x128xf32>
    %max3A_282 = arith.maximumf %add3A_279, %max3A_281 : vector<256x128xf32>
    %max3A_283 = arith.maximumf %max3A_268, %max3A_282 : vector<256x128xf32>
    %get3A_284 = arith.constant 0 : index
    %get3A_285 = arith.constant 0 : index
    %get3A_286 = vector.load %arg12[%get3A_284, %get3A_285] : memref<128x128xf32, #tpu.memory_space<vmem>>, vector<128x128xf32>
    %dot_general3A_287 = arith.constant dense<0.000000e+00> : vector<256x128xf32>
    %dot_general3A_288 = tpu.matmul %max3A_283, %get3A_286, %dot_general3A_287 {dimension_numbers = #tpu.dot_dimension_numbers<[1], [0], [0], [1], [0, 0, 1, 1], [], []>, transpose_lhs_hint = false} : vector<256x128xf32>, vector<128x128xf32>, vector<256x128xf32> -> vector<256x128xf32>
    %get3A_289 = arith.constant 0 : index
    %get3A_290 = arith.constant 0 : index
    %get3A_291 = vector.load %arg13[%get3A_289, %get3A_290] : memref<1x128xf32, #tpu.memory_space<vmem>>, vector<1x128xf32>
    %add3A_292 = vector.broadcast %get3A_291 : vector<1x128xf32> to vector<256x128xf32>
    %add3A_293 = arith.addf %dot_general3A_288, %add3A_292 : vector<256x128xf32>
    %reduce_sum3A = arith.constant dense<0.000000e+00> : vector<256xf32>
    %reduce_sum3A_294 = vector.multi_reduction <add>, %add3A_293, %reduce_sum3A [1] : vector<256x128xf32> to vector<256xf32>
    %broadcast_in_dim3A_295 = vector.shape_cast %reduce_sum3A_294 : vector<256xf32> to vector<256x1xf32>
    %div3A_296 = arith.constant 1.280000e+02 : f32
    %div3A_297 = vector.broadcast %div3A_296 : f32 to vector<256x1xf32>
    %div3A_298 = arith.divf %broadcast_in_dim3A_295, %div3A_297 : vector<256x1xf32>
    %sub3A_299 = vector.broadcast %div3A_298 : vector<256x1xf32> to vector<256x128xf32>
    %sub3A_300 = arith.subf %add3A_293, %sub3A_299 : vector<256x128xf32>
    %sub3A_301 = vector.broadcast %div3A_298 : vector<256x1xf32> to vector<256x128xf32>
    %sub3A_302 = arith.subf %add3A_293, %sub3A_301 : vector<256x128xf32>
    %mul3A_303 = arith.mulf %sub3A_300, %sub3A_302 : vector<256x128xf32>
    %reduce_sum3A_304 = arith.constant dense<0.000000e+00> : vector<256xf32>
    %reduce_sum3A_305 = vector.multi_reduction <add>, %mul3A_303, %reduce_sum3A_304 [1] : vector<256x128xf32> to vector<256xf32>
    %broadcast_in_dim3A_306 = vector.shape_cast %reduce_sum3A_305 : vector<256xf32> to vector<256x1xf32>
    %div3A_307 = arith.constant 1.280000e+02 : f32
    %div3A_308 = vector.broadcast %div3A_307 : f32 to vector<256x1xf32>
    %div3A_309 = arith.divf %broadcast_in_dim3A_306, %div3A_308 : vector<256x1xf32>
    %sub3A_310 = vector.broadcast %div3A_298 : vector<256x1xf32> to vector<256x128xf32>
    %sub3A_311 = arith.subf %add3A_293, %sub3A_310 : vector<256x128xf32>
    %add3A_312 = arith.constant 9.99999974E-6 : f32
    %add3A_313 = vector.broadcast %add3A_312 : f32 to vector<256x1xf32>
    %add3A_314 = arith.addf %div3A_309, %add3A_313 : vector<256x1xf32>
    %sqrt3A_315 = math.sqrt %add3A_314 : vector<256x1xf32>
    %div3A_316 = vector.broadcast %sqrt3A_315 : vector<256x1xf32> to vector<256x128xf32>
    %div3A_317 = arith.divf %sub3A_311, %div3A_316 : vector<256x128xf32>
    %get3A_318 = arith.constant 0 : index
    %get3A_319 = arith.constant 0 : index
    %get3A_320 = vector.load %arg14[%get3A_318, %get3A_319] : memref<1x128xf32, #tpu.memory_space<vmem>>, vector<1x128xf32>
    %mul3A_321 = vector.broadcast %get3A_320 : vector<1x128xf32> to vector<256x128xf32>
    %mul3A_322 = arith.mulf %div3A_317, %mul3A_321 : vector<256x128xf32>
    %get3A_323 = arith.constant 0 : index
    %get3A_324 = arith.constant 0 : index
    %get3A_325 = vector.load %arg15[%get3A_323, %get3A_324] : memref<1x128xf32, #tpu.memory_space<vmem>>, vector<1x128xf32>
    %add3A_326 = vector.broadcast %get3A_325 : vector<1x128xf32> to vector<256x128xf32>
    %add3A_327 = arith.addf %mul3A_322, %add3A_326 : vector<256x128xf32>
    %max3A_328 = arith.constant 0.000000e+00 : f32
    %max3A_329 = vector.broadcast %max3A_328 : f32 to vector<256x128xf32>
    %max3A_330 = arith.maximumf %add3A_327, %max3A_329 : vector<256x128xf32>
    %get3A_331 = arith.constant 0 : index
    %get3A_332 = arith.constant 0 : index
    %get3A_333 = vector.load %arg16[%get3A_331, %get3A_332] : memref<128x128xf32, #tpu.memory_space<vmem>>, vector<128x128xf32>
    %dot_general3A_334 = arith.constant dense<0.000000e+00> : vector<256x128xf32>
    %dot_general3A_335 = tpu.matmul %max3A_330, %get3A_333, %dot_general3A_334 {dimension_numbers = #tpu.dot_dimension_numbers<[1], [0], [0], [1], [0, 0, 1, 1], [], []>, transpose_lhs_hint = false} : vector<256x128xf32>, vector<128x128xf32>, vector<256x128xf32> -> vector<256x128xf32>
    %get3A_336 = arith.constant 0 : index
    %get3A_337 = arith.constant 0 : index
    %get3A_338 = vector.load %arg17[%get3A_336, %get3A_337] : memref<1x128xf32, #tpu.memory_space<vmem>>, vector<1x128xf32>
    %add3A_339 = vector.broadcast %get3A_338 : vector<1x128xf32> to vector<256x128xf32>
    %add3A_340 = arith.addf %dot_general3A_335, %add3A_339 : vector<256x128xf32>
    %iota3A = tpu.iota {dimensions = array<i32: 1>} : vector<1x16xi32>
    %convert_element_type3A = arith.sitofp %iota3A : vector<1x16xi32> to vector<1x16xf32>
    %eq3A = vector.broadcast %get3A_38 : vector<256x1xf32> to vector<256x16xf32>
    %eq3A_341 = vector.broadcast %convert_element_type3A : vector<1x16xf32> to vector<256x16xf32>
    %eq3A_342 = arith.cmpf oeq, %eq3A, %eq3A_341 : vector<256x16xf32>
    %convert_element_type3A_343 = arith.extui %eq3A_342 : vector<256x16xi1> to vector<256x16xi32>
    %convert_element_type3A_344 = arith.sitofp %convert_element_type3A_343 : vector<256x16xi32> to vector<256x16xf32>
    %dot_general3A_345 = arith.constant dense<0.000000e+00> : vector<256x128xf32>
    %dot_general3A_346 = tpu.matmul %convert_element_type3A_344, %add3A_32, %dot_general3A_345 {dimension_numbers = #tpu.dot_dimension_numbers<[1], [0], [0], [1], [0, 0, 1, 1], [], []>, transpose_lhs_hint = false} : vector<256x16xf32>, vector<16x128xf32>, vector<256x128xf32> -> vector<256x128xf32>
    %mul3A_347 = arith.mulf %add3A_340, %dot_general3A_346 : vector<256x128xf32>
    %reduce_sum3A_348 = arith.constant dense<0.000000e+00> : vector<256xf32>
    %reduce_sum3A_349 = vector.multi_reduction <add>, %mul3A_347, %reduce_sum3A_348 [1] : vector<256x128xf32> to vector<256xf32>
    %broadcast_in_dim3A_350 = vector.shape_cast %reduce_sum3A_349 : vector<256xf32> to vector<256x1xf32>
    %mul3A_351 = arith.mulf %add3A_340, %add3A_340 : vector<256x128xf32>
    %reduce_sum3A_352 = arith.constant dense<0.000000e+00> : vector<256xf32>
    %reduce_sum3A_353 = vector.multi_reduction <add>, %mul3A_351, %reduce_sum3A_352 [1] : vector<256x128xf32> to vector<256xf32>
    %broadcast_in_dim3A_354 = vector.shape_cast %reduce_sum3A_353 : vector<256xf32> to vector<256x1xf32>
    %sqrt3A_355 = math.sqrt %broadcast_in_dim3A_354 : vector<256x1xf32>
    %mul3A_356 = arith.mulf %dot_general3A_346, %dot_general3A_346 : vector<256x128xf32>
    %reduce_sum3A_357 = arith.constant dense<0.000000e+00> : vector<256xf32>
    %reduce_sum3A_358 = vector.multi_reduction <add>, %mul3A_356, %reduce_sum3A_357 [1] : vector<256x128xf32> to vector<256xf32>
    %broadcast_in_dim3A_359 = vector.shape_cast %reduce_sum3A_358 : vector<256xf32> to vector<256x1xf32>
    %sqrt3A_360 = math.sqrt %broadcast_in_dim3A_359 : vector<256x1xf32>
    %mul3A_361 = arith.mulf %sqrt3A_355, %sqrt3A_360 : vector<256x1xf32>
    %max3A_362 = arith.constant 9.99999993E-9 : f32
    %max3A_363 = vector.broadcast %max3A_362 : f32 to vector<256x1xf32>
    %max3A_364 = arith.maximumf %mul3A_361, %max3A_363 : vector<256x1xf32>
    %div3A_365 = arith.divf %broadcast_in_dim3A_350, %max3A_364 : vector<256x1xf32>
    %broadcast_in_dim3A_366 = vector.shape_cast %div3A_365 : vector<256x1xf32> to vector<256x1xf32>
    %broadcast_in_dim3A_367 = vector.broadcast %broadcast_in_dim3A_366 : vector<256x1xf32> to vector<256x128xf32>
    %swap3A = arith.constant 0 : index
    %swap3A_368 = arith.constant 0 : index
    %swap3A_369 = vector.load %arg18[%swap3A, %swap3A_368] : memref<256x128xf32, #tpu.memory_space<vmem>>, vector<256x128xf32>
    tpu.vector_store %arg18[%swap3A, %swap3A_368], %broadcast_in_dim3A_367 {strides = array<i32>} : memref<256x128xf32, #tpu.memory_space<vmem>>, vector<256x128xf32>,
    return
  }
  func.func @transform_0(%arg0: i32) -> (i32, i32) {
    %c0_i32 = arith.constant 0 : i32
    %c0_i32_0 = arith.constant 0 : i32
    return %arg0, %c0_i32 : i32, i32
  }
  func.func @transform_1(%arg0: i32) -> (i32, i32, i32) {
    %c0_i32 = arith.constant 0 : i32
    %c0_i32_0 = arith.constant 0 : i32
    %c0_i32_1 = arith.constant 0 : i32
    return %c0_i32, %arg0, %c0_i32_0 : i32, i32, i32
  }
  func.func @transform_2(%arg0: i32) -> (i32, i32) {
    %c0_i32 = arith.constant 0 : i32
    %c0_i32_0 = arith.constant 0 : i32
    %c0_i32_1 = arith.constant 0 : i32
    return %c0_i32, %c0_i32_0 : i32, i32
  }
  func.func @transform_3(%arg0: i32) -> (i32, i32) {
    %c0_i32 = arith.constant 0 : i32
    %c0_i32_0 = arith.constant 0 : i32
    %c0_i32_1 = arith.constant 0 : i32
    return %c0_i32, %c0_i32_0 : i32, i32
  }
  func.func @transform_4(%arg0: i32) -> (i32, i32) {
    %c0_i32 = arith.constant 0 : i32
    %c0_i32_0 = arith.constant 0 : i32
    %c0_i32_1 = arith.constant 0 : i32
    return %c0_i32, %c0_i32_0 : i32, i32
  }
  func.func @transform_5(%arg0: i32) -> (i32, i32) {
    %c0_i32 = arith.constant 0 : i32
    %c0_i32_0 = arith.constant 0 : i32
    %c0_i32_1 = arith.constant 0 : i32
    return %c0_i32, %c0_i32_0 : i32, i32
  }
  func.func @transform_6(%arg0: i32) -> (i32, i32) {
    %c0_i32 = arith.constant 0 : i32
    %c0_i32_0 = arith.constant 0 : i32
    %c0_i32_1 = arith.constant 0 : i32
    return %c0_i32, %c0_i32_0 : i32, i32
  }
  func.func @transform_7(%arg0: i32) -> (i32, i32) {
    %c0_i32 = arith.constant 0 : i32
    %c0_i32_0 = arith.constant 0 : i32
    %c0_i32_1 = arith.constant 0 : i32
    return %c0_i32, %c0_i32_0 : i32, i32
  }
  func.func @transform_8(%arg0: i32) -> (i32, i32) {
    %c0_i32 = arith.constant 0 : i32
    %c0_i32_0 = arith.constant 0 : i32
    %c0_i32_1 = arith.constant 0 : i32
    return %c0_i32, %c0_i32_0 : i32, i32
  }
  func.func @transform_9(%arg0: i32) -> (i32, i32) {
    %c0_i32 = arith.constant 0 : i32
    %c0_i32_0 = arith.constant 0 : i32
    %c0_i32_1 = arith.constant 0 : i32
    return %c0_i32, %c0_i32_0 : i32, i32
  }
  func.func @transform_10(%arg0: i32) -> (i32, i32) {
    %c0_i32 = arith.constant 0 : i32
    %c0_i32_0 = arith.constant 0 : i32
    %c0_i32_1 = arith.constant 0 : i32
    return %c0_i32, %c0_i32_0 : i32, i32
  }
  func.func @transform_11(%arg0: i32) -> (i32, i32) {
    %c0_i32 = arith.constant 0 : i32
    %c0_i32_0 = arith.constant 0 : i32
    %c0_i32_1 = arith.constant 0 : i32
    return %c0_i32, %c0_i32_0 : i32, i32
  }
  func.func @transform_12(%arg0: i32) -> (i32, i32) {
    %c0_i32 = arith.constant 0 : i32
    %c0_i32_0 = arith.constant 0 : i32
    %c0_i32_1 = arith.constant 0 : i32
    return %c0_i32, %c0_i32_0 : i32, i32
  }
  func.func @transform_13(%arg0: i32) -> (i32, i32) {
    %c0_i32 = arith.constant 0 : i32
    %c0_i32_0 = arith.constant 0 : i32
    %c0_i32_1 = arith.constant 0 : i32
    return %c0_i32, %c0_i32_0 : i32, i32
  }
  func.func @transform_14(%arg0: i32) -> (i32, i32) {
    %c0_i32 = arith.constant 0 : i32
    %c0_i32_0 = arith.constant 0 : i32
    %c0_i32_1 = arith.constant 0 : i32
    return %c0_i32, %c0_i32_0 : i32, i32
  }
  func.func @transform_15(%arg0: i32) -> (i32, i32) {
    %c0_i32 = arith.constant 0 : i32
    %c0_i32_0 = arith.constant 0 : i32
    %c0_i32_1 = arith.constant 0 : i32
    return %c0_i32, %c0_i32_0 : i32, i32
  }
  func.func @transform_16(%arg0: i32) -> (i32, i32) {
    %c0_i32 = arith.constant 0 : i32
    %c0_i32_0 = arith.constant 0 : i32
    %c0_i32_1 = arith.constant 0 : i32
    return %c0_i32, %c0_i32_0 : i32, i32
  }
  func.func @transform_17(%arg0: i32) -> (i32, i32) {
    %c0_i32 = arith.constant 0 : i32
    %c0_i32_0 = arith.constant 0 : i32
    return %arg0, %c0_i32 : i32, i32
  }
}

</mosaic_0001>

<sc_bundles>
// kernel: kernel.18.cloned.1.call-start
scs
__scs_entry_jumppad:
0x0: {  	(pc) =	sbr.rel $0x88, $3  }
0x1: {  	(tag) =	ssettag $0x0;
	lr =	simm.s32 $0x1  }
0x2: {  	[smem:$0x3F8E] =	sst lr;
	_ =	strace $0xD0000000  }
0x3: {  	_ = 	snop  }
0x4: {  	_ = 	snop  }
0x5: {  	_ = 	snop  }
0x6: {  	_ = 	snop  }
0x7: {  	_ = 	snop  }
__scs_overlays_trampoline_lowered:
0x8: {  	[smem:$0x3F9D] =	sst s0  }
0x9: {  	[smem:$0x3F9E] =	sst s1  }
0xa: {  	[smem:$0x3F9F] =	sst s2  }
0xb: {  	[smem:$0x3FA0] =	sst s3  }
0xc: {  	[smem:$0x3FA1] =	sst s4  }
0xd: {  	[smem:$0x3FA2] =	sst s5  }
0xe: {  	[smem:$0x3FA3] =	sst s6  }
0xf: {  	[smem:$0x3FA4] =	sst s7  }
0x10: {  	[smem:$0x3FA5] =	sst s8  }
0x11: {  	[smem:$0x3FA6] =	sst s9;
	s0 =	simm.s32 @!p0 $0x0  }
0x12: {  	s1 =	sld [smem:$0x3F8C];
	s0 =	simm.s32 @p0 $0x1  }
0x13: {  	[smem:$0x3FA7] =	sst s0;
	s0 =	simm.s32 @!p1 $0x0  }
0x14: {  	s2 =	sld [smem:$0x3F8B];
	s0 =	simm.s32 @p1 $0x1  }
0x15: {  	[smem:$0x3FA8] =	sst s0;
	s0 =	simm.s32 @!p2 $0x0  }
0x16: {  	s3 =	sld [smem:$0x3FDB];
	s0 =	simm.s32 @p2 $0x1  }
0x17: {  	s4 =	simm.s32 $0x1BF5;
	[smem:$0x3FAA] =	sst s0  }
0x18: {  	s0 =	sld [smem:$0x3F8D];
	_ =	swait.ge [sflag:s4], $0x0  }
0x19: {  	s7 =	sld [smem:$0x3F8E]  }
0x1a: {  	s8 =	sadd.s32 $0xFFFFE003, lr  }
0x1b: {  	s9 =	sadd.s32 $0xFFFFFEF7, lr;
	s5 =	simm.s32 $0xFFFFFFFF;
	p2 =	slt.u32 s8, $0xFFFFF086  }
0x1c: {  	p1 =	slt.u32 s9, $0xF7A;
	s5 =	simm.s32 @!p2 $0x0  }
0x1d: {  	s5 =	simm.s32 @p1 $0x1;
	p0 =	seq.s32 s7, s2  }
0x1e: {  	s7 =	smul.u32 @!p0 $0xF7A, s2;
	p2 =	seq.s32 @!p0 s5, $0x0  }
0x1f: {  	s9 =	smul.u32 $0xF7A, s1;
	s8 =	simm.s32 @!p0 $0x1BF5;
	p2 =	por !p2, p0  }
0x20: {  	[sflag:s8] =	ssyncset.s32 @!p0 $0xFFFFF086;
	s6 =	sadd.s32 @!p0 s3, s7;
	s7 =	simm.s32 @!p0 $0x108  }
0x21: {  	s3 =	sadd.s32 s3, s9;
	s6 =	sadd.s32 @!p0 $0x88, s6;
	s7 =	simm.s32 @p2 $0x1082  }
0x22: {  	[simem:s7], [sflag:s8] =	dma.local @!p0 [hbm:s6], $0xF7A  }
0x23: {  	s9 =	sor.u32 $0xD0000000, s2;
	s6 =	simm.s32 $0x108;
	_ =	swait.ge @!p0 [sflag:s8], $0x0  }
0x24: {  	s3 =	sadd.s32 $0x88, s3;
	s6 =	simm.s32 @!p1 $0x1082;
	[sflag:s4] =	ssyncset.s32 $0xFFFFF086  }
0x25: {  	[simem:s6], [sflag:s4] =	dma.local [hbm:s3], $0xF7A  }
0x26: {  	[smem:$0x3F8E] =	sst s1;
	(tag) =	ssettag s2;
	_ =	strace s9  }
0x27: {  	s1 =	sld [smem:$0x3F9E]  }
0x28: {  	s2 =	sld [smem:$0x3F9F]  }
0x29: {  	s4 =	sld [smem:$0x3FA1]  }
0x2a: {  	p0 =	seq.s32 s5, $0x0;
	s5 =	sld [smem:$0x3FA2]  }
0x2b: {  	s6 =	sld [smem:$0x3FA3]  }
0x2c: {  	s7 =	sld [smem:$0x3FA4]  }
0x2d: {  	s3 =	simm.s32 $0x108;
	s8 =	sld [smem:$0x3FA5]  }
0x2e: {  	s3 =	simm.s32 @!p0 $0x1082;
	s9 =	sld [smem:$0x3FA6]  }
0x2f: {  	lr =	sadd.s32 s0, s3;
	s0 =	sld [smem:$0x3F9D]  }
0x30: {  	s3 =	sld [smem:$0x3FA0]  }
0x31: {  	[smem:$0x3FA9] =	sst s10  }
0x32: {  	s10 =	sld [smem:$0x3FA7];
	_ =	sdelay $0x3  }
0x33: {  	p0 =	seq.s32 s10, $0x1;
	s10 =	sld [smem:$0x3FA9];
	_ =	sdelay $0x3  }
0x34: {  	[smem:$0x3FA9] =	sst s10  }
0x35: {  	s10 =	sld [smem:$0x3FA8];
	_ =	sdelay $0x3  }
0x36: {  	p1 =	seq.s32 s10, $0x1;
	s10 =	sld [smem:$0x3FA9];
	_ =	sdelay $0x3  }
0x37: {  	[smem:$0x3FA9] =	sst s10  }
0x38: {  	s10 =	sld [smem:$0x3FAA]  }
0x39: {  	_ = 	snop;
	(pc) =	sbr.ind lr, $3  }
0x3a: {  	_ = 	snop  }
0x3b: {  	_ = 	snop  }
0x3c: {  	p2 =	seq.s32 s10, $0x1;
	s10 =	sld [smem:$0x3FA9]  }
0x3d: {  	_ =	shalt  }
0x3e: {  	_ =	shalt  }
0x3f: {  	_ =	shalt  }
0x40: {  	_ =	shalt  }
0x41: {  	_ =	shalt  }
0x42: {  	_ =	shalt  }
0x43: {  	_ =	shalt  }
0x44: {  	_ =	shalt  }
0x45: {  	_ =	shalt  }
0x46: {  	_ =	shalt  }
0x47: {  	_ =	shalt  }
0x48: {  	_ =	shalt  }
0x49: {  	_ =	shalt  }
0x4a: {  	_ =	shalt  }
0x4b: {  	_ =	shalt  }
0x4c: {  	_ =	shalt  }
0x4d: {  	_ =	shalt  }
0x4e: {  	_ =	shalt  }
0x4f: {  	_ =	shalt  }
0x50: {  	_ =	shalt  }
0x51: {  	_ =	shalt  }
0x52: {  	_ =	shalt  }
0x53: {  	_ =	shalt  }
0x54: {  	_ =	shalt  }
0x55: {  	_ =	shalt  }
0x56: {  	_ =	shalt  }
0x57: {  	_ =	shalt  }
0x58: {  	_ =	shalt  }
0x59: {  	_ =	shalt  }
0x5a: {  	_ =	shalt  }
0x5b: {  	_ =	shalt  }
0x5c: {  	_ =	shalt  }
0x5d: {  	_ =	shalt  }
0x5e: {  	_ =	shalt  }
0x5f: {  	_ =	shalt  }
0x60: {  	_ =	shalt  }
0x61: {  	_ =	shalt  }
0x62: {  	_ =	shalt  }
0x63: {  	_ =	shalt  }
0x64: {  	_ =	shalt  }
0x65: {  	_ =	shalt  }
0x66: {  	_ =	shalt  }
0x67: {  	_ =	shalt  }
0x68: {  	_ =	shalt  }
0x69: {  	_ =	shalt  }
0x6a: {  	_ =	shalt  }
0x6b: {  	_ =	shalt  }
0x6c: {  	_ =	shalt  }
0x6d: {  	_ =	shalt  }
0x6e: {  	_ =	shalt  }
0x6f: {  	_ =	shalt  }
0x70: {  	_ =	shalt  }
0x71: {  	_ =	shalt  }
0x72: {  	_ =	shalt  }
0x73: {  	_ =	shalt  }
0x74: {  	_ =	shalt  }
0x75: {  	_ =	shalt  }
0x76: {  	_ =	shalt  }
0x77: {  	_ =	shalt  }
0x78: {  	_ =	shalt  }
0x79: {  	_ =	shalt  }
0x7a: {  	_ =	shalt  }
0x7b: {  	_ =	shalt  }
0x7c: {  	_ =	shalt  }
0x7d: {  	_ =	shalt  }
0x7e: {  	_ =	shalt  }
0x7f: {  	_ =	shalt  }
0x80: {  	_ =	shalt  }
0x81: {  	_ =	shalt  }
0x82: {  	_ =	shalt  }
0x83: {  	_ =	shalt  }
0x84: {  	_ =	shalt  }
0x85: {  	_ =	shalt  }
0x86: {  	_ =	shalt  }
0x87: {  	_ =	shalt  }
.Lfunc_end0:
.L_simem_size_0:
called_computation_lowered:
.L_overlay_start_0:
0x88: {  	s2 =	sld [smem:$0x3FD9]  }
0x89: {  	s3 =	sld [smem:$0x3FFE];
	_ =	sdelay $0x1  }
0x8a: {  	s1 =	srdreg.scid  }
0x8b: {  	s0 =	sand.u32 $0x1, s1  }
0x8c: {  	s17 =	sshll.u32 s0, $0xA;
	s2 =	sadd.s32 s3, s2  }
0x8d: {  	s2 =	sadd.s32 s2, s17  }
0x8e: {  	[smem:$0x3FB5] =	sst s2  }
0x8f: {  	_ = 	snop  }
0x90: {  	s2 =	sld [smem:$0x3FD0];
	(tm) =	ssettm $0x1  }
0x91: {  	s18 =	sld [smem:$0x3FFB];
	_ =	sdelay $0x3  }
0x92: {  	_ =	strace s18  }
0x93: {  	s3 =	sld [smem:$0x3FFC];
	_ =	sdelay $0x3  }
0x94: {  	_ =	strace s3  }
0x95: {  	s3 =	sld [smem:$0x3FFD];
	_ =	sdelay $0x3  }
0x96: {  	_ =	strace s3  }
0x97: {  	_ =	strace $0x8FFFFFFF  }
0x98: {  	s19 =	sld [smem:$0x3FDB];
	_ =	sdelay $0x1  }
0x99: {  	s4 =	simm.s32 $_scs_section_size  }
0x9a: {  	s5 =	simm.s32 $_size__tile_overlayer_lowered;
	s6 =	simm.s32 $_tile_overlayer_lowered  }
0x9b: {  	s22 =	simm.s32 $0x1BFF;
	s21 =	sshll.u32 s6, $0x1;
	s3 =	sadd.s32 s4, s19  }
0x9c: {  	s7 =	simm.s32 $0x0;
	s20 =	sshll.u32 s5, $0x1;
	s5 =	sadd.s32 s21, s3  }
0x9d: {  	[timem:s7], [sflag:s22] =	dma.local [hbm:s5], s20  }
0x9e: {  	_ =	swait.ge [sflag:s22], s20  }
0x9f: {  	s4 =	ssub.s32 $0x0, s20;
	[sflag:s22] =	ssyncset.done $0x0  }
0xa0: {  	[sflag:s22] =	ssyncadd.s32 s4;
	_ =	sdelay $0x1  }
0xa1: {  	s23 =	simm.s32 $0x1B8B  }
0xa2: {  	_ =	swait.ge [sflag:s23], $0x1  }
0xa3: {  	[sflag:s23] =	ssyncset.done $0x0  }
0xa4: {  	s25 =	simm.s32 $0x1B8E;
	s24 =	sld [smem:$0x3FFE];
	[sflag:s23] =	ssyncadd.s32 $0xFFFFFFFF  }
0xa5: {  	s26 =	simm.s32 $execute0_lowered;
	[smem:$0x3FD2] =	sst s25  }
0xa6: {  	s5 =	sshll.u32 s26, $0x1;
	_ =	strace $0x80000046;
	[dreg:$0x1] =	wrdreg $0xFFFFFFFF  }
0xa7: {  	s28 =	simm.s32 $_size_execute0_lowered;
	s3 =	sadd.s32 s3, s5;
	[dreg:$0x0] =	wrdreg $0x0  }
0xa8: {  	s5 =	sshll.u32 s28, $0x1;
	[dreg:$0x2] =	wrdreg s3  }
0xa9: {  	[dreg:$0x3] =	wrdreg s5  }
0xaa: {  	[dreg:$0x4] =	wrdreg $0xC0  }
0xab: {  	_ =	task [dreg:s7], $0x5FFFF  }
0xac: {  	[dreg:$0x1] =	wrdreg $0xFFFFFFFF  }
0xad: {  	[dreg:$0x0] =	wrdreg $0x60  }
0xae: {  	[dreg:$0x2] =	wrdreg s24  }
0xaf: {  	[dreg:$0x3] =	wrdreg s2  }
0xb0: {  	[dreg:$0x4] =	wrdreg $0x9  }
0xb1: {  	_ =	task.clear_ibuf [dreg:s7], $0x5FFFF;
	_ =	strace $0x90000046  }
0xb2: {  	s29 =	simm.s32 $0x9;
	_ =	strace $0x80000048  }
0xb3: {  	_ =	swait.ge [sflag:s29], $0x1  }
0xb4: {  	[sflag:s29] =	ssyncadd.s32 $0xFFFFFFFF  }
0xb5: {  	_ =	strace $0x90000048  }
0xb6: {  	_ =	sfence  }
0xb7: {  	s30 =	sld [smem:$0x0];
	_ =	sdelay $0x2  }
0xb8: {  	s31 =	sshll.u32 s1, $0xD;
	s1 =	sshrl.u32 s1, $0x2  }
0xb9: {  	s3 =	sand.u32 $0x4000, s31;
	s1 =	sadd.s32 s1, s30  }
0xba: {  	s0 =	sor.u32 s3, s0;
	s1 =	sshll.u32 s1, $0x11  }
0xbb: {  	s0 =	sor.u32 s1, s0  }
0xbc: {  	s0 =	sadd.s32 $0x8F2B, s0  }
0xbd: {  	[sflag:s0] =	ssyncadd.remote.s32 $0x1  }
0xbe: {  	_ =	sfence.sel $0xFFFF  }
0xbf: {  	[dreg:$0x0] =	wrdreg $0xFFFFFFFF;
	(pc) =	sbr.abs _section_cstart, $3  }
0xc0: {  	[dreg:$0x1] =	wrdreg $0xFFFFFFFF  }
0xc1: {  	_ =	task.clear_ibuf [dreg:s7], $0x2FFFF;
	_ =	strace $0x9FFFFFFF  }
0xc2: {  	(tm) =	ssettm $0x7FFFFFFF  }
0xc3: {  	_ =	shalt  }
tec
execute0_lowered:
.L_overlay_start_1:
0x0: {  	(tag) =	ssettag $0x1  }
0x1: {  	s1 =	srdreg.scid;
	s4 =	rddreg [dreg:$0x0]  }
0x2: {  	s0 =	stileid.u32;
	s5 =	rddreg [dreg:$0x1]  }
0x3: {  	s2 =	simm.s32 $0x0;
	s10 =	simm.s32 $0x1100;
	s11 =	simm.s32 $0x1900  }
0x4: {  	s12 =	simm.s32 $0x2100;
	s13 =	simm.s32 $0x2900;
	s14 =	simm.s32 $0x3100  }
0x5: {  	s15 =	simm.s32 $0x3900;
	s16 =	simm.s32 $0x4100;
	s17 =	simm.s32 $0x4900  }
0x6: {  	s18 =	simm.s32 $0x5100;
	s19 =	simm.s32 $0x5900;
	s20 =	simm.s32 $0x6100  }
0x7: {  	s21 =	simm.s32 $0x6900;
	s22 =	simm.s32 $0x7100;
	s23 =	simm.s32 $0x7900  }
0x8: {  	s24 =	simm.s32 $0x8100;
	s25 =	simm.s32 $0x8900;
	s26 =	simm.s32 $0x9100  }
0x9: {  	s28 =	simm.s32 $0x9900;
	s3 =	sand.u32 $0x1, s1;
	s31 =	sshll.u32 s0, $0x1  }
0xa: {  	s29 =	simm.s32 $0x1;
	s1 =	rddreg [dreg:$0x2];
	s6 =	sor.u32 s3, s31  }
0xb: {  	[smem:$0x7FF] =	sst s2;
	s8 =	ssub.s32 $0x2, s3;
	s7 =	smul.u32 $0x1400, s6  }
0xc: {  	_ =	strace $0x80000047;
	s6 =	smul.u32 $0x14, s6;
	s9 =	sshrl.u32 s8, $0x1  }
0xd: {  	v2 =	vlaneseq.u32;
	s3 =	sadd.s32 $0x3E00, s4;
	s8 =	ssub.s32 s8, s9;
	s9 =	simm.s32 $0x900  }
0xe: {  	vm0 =	vmmov $0xffff;
	v1 =	vshrl.u32 v2, $0x3;
	s7 =	sadd.s32 s7, s4;
	s4 =	sadd.s32 s5, s6;
	s6 =	smax.u32 s8, $0x1  }
0xf: {  	v0 =	vand.u32 $0x7, v2;
	v2 =	vor.u32 $0x8, v2;
	v1 =	vmul.u32 $0x8, v1;
	s8 =	simm.s32 $0x100;
	s5 =	sadd.s32 $0x52000, s7;
	s7 =	simm.s32 $0x2  }
.LBB2_1:
0x10: {  	[tilespmem:s2], [sflag:$0x2] =	stream.linear.gather [hbm4b:s4+s2], $0xA0, $0x38;
	[tilespmem:$0xA100] =	vst v63  }
0x11: {  	_ =	swait.ge [sflag:s7], $0xA0  }
0x12: {  	[sflag:s7] =	ssyncset.done $0x0  }
0x13: {  	[sflag:s7] =	ssyncadd.s32 $0xFFFFFF60  }
0x14: {  	v3 =	vld [tilespmem:$0x0];
	_ =	sdelay $0x4  }
0x15: {  	v4 =	vshll.u32 v3, $0x1  }
0x16: {  	v3 =	vand.u32 $0x7, v3;
	v4 =	vand.u32 $0xFFFFFFF0, v4  }
0x17: {  	v3 =	vor.u32 v3, v4  }
0x18: {  	v4 =	vperm.xlane v3, v0;
	_ =	sdelay $0x1  }
0x19: {  	v3 =	vperm.xlane v3, v2;
	v4 =	vadd.s32 v1, v4;
	_ =	sdelay $0x1  }
0x1a: {  	v3 =	vadd.s32 v1, v3;
	_ =	sdelay $0x2  }
0x1b: {  	[tilespmem:s8], [sflag:$0x1] =	stream.indirect_vreg.gather [hbm4b:s3+s2], $0x80, v4, vm0, $0xb8;
	[tilespmem:$0xA100] =	vst v63  }
0x1c: {  	_ = 	snop  }
0x1d: {  	[tilespmem:s9], [sflag:$0x1] =	stream.indirect_vreg.gather [hbm4b:s3+s2], $0x80, v3, vm0, $0xb8;
	[tilespmem:$0xA100] =	vst v63  }
0x1e: {  	v3 =	vld [tilespmem:$0x10];
	_ =	sdelay $0x4  }
0x1f: {  	v55 =	vshll.u32 v3, $0x1  }
0x20: {  	v3 =	vand.u32 $0x7, v3;
	v4 =	vand.u32 $0xFFFFFFF0, v55  }
0x21: {  	v3 =	vor.u32 v3, v4  }
0x22: {  	v4 =	vperm.xlane v3, v0;
	_ =	sdelay $0x1  }
0x23: {  	v3 =	vperm.xlane v3, v2;
	v4 =	vadd.s32 v1, v4;
	_ =	sdelay $0x1  }
0x24: {  	v3 =	vadd.s32 v1, v3;
	_ =	sdelay $0x2  }
0x25: {  	[tilespmem:s10], [sflag:$0x1] =	stream.indirect_vreg.gather [hbm4b:s3+s2], $0x80, v4, vm0, $0xb8;
	[tilespmem:$0xA100] =	vst v63  }
0x26: {  	_ = 	snop  }
0x27: {  	[tilespmem:s11], [sflag:$0x1] =	stream.indirect_vreg.gather [hbm4b:s3+s2], $0x80, v3, vm0, $0xb8;
	[tilespmem:$0xA100] =	vst v63  }
0x28: {  	v3 =	vld [tilespmem:$0x20];
	_ =	sdelay $0x4  }
0x29: {  	v56 =	vshll.u32 v3, $0x1  }
0x2a: {  	v3 =	vand.u32 $0x7, v3;
	v4 =	vand.u32 $0xFFFFFFF0, v56  }
0x2b: {  	v3 =	vor.u32 v3, v4  }
0x2c: {  	v4 =	vperm.xlane v3, v0;
	_ =	sdelay $0x1  }
0x2d: {  	v3 =	vperm.xlane v3, v2;
	v4 =	vadd.s32 v1, v4;
	_ =	sdelay $0x1  }
0x2e: {  	v3 =	vadd.s32 v1, v3;
	_ =	sdelay $0x2  }
0x2f: {  	[tilespmem:s12], [sflag:$0x1] =	stream.indirect_vreg.gather [hbm4b:s3+s2], $0x80, v4, vm0, $0xb8;
	[tilespmem:$0xA100] =	vst v63  }
0x30: {  	_ = 	snop  }
0x31: {  	[tilespmem:s13], [sflag:$0x1] =	stream.indirect_vreg.gather [hbm4b:s3+s2], $0x80, v3, vm0, $0xb8;
	[tilespmem:$0xA100] =	vst v63  }
0x32: {  	v3 =	vld [tilespmem:$0x30];
	_ =	sdelay $0x4  }
0x33: {  	v57 =	vshll.u32 v3, $0x1  }
0x34: {  	v3 =	vand.u32 $0x7, v3;
	v4 =	vand.u32 $0xFFFFFFF0, v57  }
0x35: {  	v3 =	vor.u32 v3, v4  }
0x36: {  	v4 =	vperm.xlane v3, v0;
	_ =	sdelay $0x1  }
0x37: {  	v3 =	vperm.xlane v3, v2;
	v4 =	vadd.s32 v1, v4;
	_ =	sdelay $0x1  }
0x38: {  	v3 =	vadd.s32 v1, v3;
	_ =	sdelay $0x2  }
0x39: {  	[tilespmem:s14], [sflag:$0x1] =	stream.indirect_vreg.gather [hbm4b:s3+s2], $0x80, v4, vm0, $0xb8;
	[tilespmem:$0xA100] =	vst v63  }
0x3a: {  	_ = 	snop  }
0x3b: {  	[tilespmem:s15], [sflag:$0x1] =	stream.indirect_vreg.gather [hbm4b:s3+s2], $0x80, v3, vm0, $0xb8;
	[tilespmem:$0xA100] =	vst v63  }
0x3c: {  	v3 =	vld [tilespmem:$0x40];
	_ =	sdelay $0x4  }
0x3d: {  	v58 =	vshll.u32 v3, $0x1  }
0x3e: {  	v3 =	vand.u32 $0x7, v3;
	v4 =	vand.u32 $0xFFFFFFF0, v58  }
0x3f: {  	v3 =	vor.u32 v3, v4  }
0x40: {  	v4 =	vperm.xlane v3, v0;
	_ =	sdelay $0x1  }
0x41: {  	v3 =	vperm.xlane v3, v2;
	v4 =	vadd.s32 v1, v4;
	_ =	sdelay $0x1  }
0x42: {  	v3 =	vadd.s32 v1, v3;
	_ =	sdelay $0x2  }
0x43: {  	[tilespmem:s16], [sflag:$0x1] =	stream.indirect_vreg.gather [hbm4b:s3+s2], $0x80, v4, vm0, $0xb8;
	[tilespmem:$0xA100] =	vst v63  }
0x44: {  	_ = 	snop  }
0x45: {  	[tilespmem:s17], [sflag:$0x1] =	stream.indirect_vreg.gather [hbm4b:s3+s2], $0x80, v3, vm0, $0xb8;
	[tilespmem:$0xA100] =	vst v63  }
0x46: {  	v3 =	vld [tilespmem:$0x50];
	_ =	sdelay $0x4  }
0x47: {  	v59 =	vshll.u32 v3, $0x1  }
0x48: {  	v3 =	vand.u32 $0x7, v3;
	v4 =	vand.u32 $0xFFFFFFF0, v59  }
0x49: {  	v3 =	vor.u32 v3, v4  }
0x4a: {  	v4 =	vperm.xlane v3, v0;
	_ =	sdelay $0x1  }
0x4b: {  	v3 =	vperm.xlane v3, v2;
	v4 =	vadd.s32 v1, v4;
	_ =	sdelay $0x1  }
0x4c: {  	v3 =	vadd.s32 v1, v3;
	_ =	sdelay $0x2  }
0x4d: {  	[tilespmem:s18], [sflag:$0x1] =	stream.indirect_vreg.gather [hbm4b:s3+s2], $0x80, v4, vm0, $0xb8;
	[tilespmem:$0xA100] =	vst v63  }
0x4e: {  	_ = 	snop  }
0x4f: {  	[tilespmem:s19], [sflag:$0x1] =	stream.indirect_vreg.gather [hbm4b:s3+s2], $0x80, v3, vm0, $0xb8;
	[tilespmem:$0xA100] =	vst v63  }
0x50: {  	v3 =	vld [tilespmem:$0x60];
	_ =	sdelay $0x4  }
0x51: {  	v60 =	vshll.u32 v3, $0x1  }
0x52: {  	v3 =	vand.u32 $0x7, v3;
	v4 =	vand.u32 $0xFFFFFFF0, v60  }
0x53: {  	v3 =	vor.u32 v3, v4  }
0x54: {  	v4 =	vperm.xlane v3, v0;
	_ =	sdelay $0x1  }
0x55: {  	v3 =	vperm.xlane v3, v2;
	v4 =	vadd.s32 v1, v4;
	_ =	sdelay $0x1  }
0x56: {  	v3 =	vadd.s32 v1, v3;
	_ =	sdelay $0x2  }
0x57: {  	[tilespmem:s20], [sflag:$0x1] =	stream.indirect_vreg.gather [hbm4b:s3+s2], $0x80, v4, vm0, $0xb8;
	[tilespmem:$0xA100] =	vst v63  }
0x58: {  	_ = 	snop  }
0x59: {  	[tilespmem:s21], [sflag:$0x1] =	stream.indirect_vreg.gather [hbm4b:s3+s2], $0x80, v3, vm0, $0xb8;
	[tilespmem:$0xA100] =	vst v63  }
0x5a: {  	v3 =	vld [tilespmem:$0x70];
	_ =	sdelay $0x4  }
0x5b: {  	v61 =	vshll.u32 v3, $0x1  }
0x5c: {  	v3 =	vand.u32 $0x7, v3;
	v4 =	vand.u32 $0xFFFFFFF0, v61  }
0x5d: {  	v3 =	vor.u32 v3, v4  }
0x5e: {  	v4 =	vperm.xlane v3, v0;
	_ =	sdelay $0x1  }
0x5f: {  	v3 =	vperm.xlane v3, v2;
	v4 =	vadd.s32 v1, v4;
	_ =	sdelay $0x1  }
0x60: {  	v3 =	vadd.s32 v1, v3;
	_ =	sdelay $0x2  }
0x61: {  	[tilespmem:s22], [sflag:$0x1] =	stream.indirect_vreg.gather [hbm4b:s3+s2], $0x80, v4, vm0, $0xb8;
	[tilespmem:$0xA100] =	vst v63  }
0x62: {  	_ = 	snop  }
0x63: {  	[tilespmem:s23], [sflag:$0x1] =	stream.indirect_vreg.gather [hbm4b:s3+s2], $0x80, v3, vm0, $0xb8;
	[tilespmem:$0xA100] =	vst v63  }
0x64: {  	v3 =	vld [tilespmem:$0x80];
	_ =	sdelay $0x4  }
0x65: {  	v62 =	vshll.u32 v3, $0x1  }
0x66: {  	v3 =	vand.u32 $0x7, v3;
	v4 =	vand.u32 $0xFFFFFFF0, v62  }
0x67: {  	v3 =	vor.u32 v3, v4  }
0x68: {  	v4 =	vperm.xlane v3, v0;
	_ =	sdelay $0x1  }
0x69: {  	v3 =	vperm.xlane v3, v2;
	v4 =	vadd.s32 v1, v4;
	_ =	sdelay $0x1  }
0x6a: {  	v3 =	vadd.s32 v1, v3;
	_ =	sdelay $0x2  }
0x6b: {  	[tilespmem:s24], [sflag:$0x1] =	stream.indirect_vreg.gather [hbm4b:s3+s2], $0x80, v4, vm0, $0xb8;
	[tilespmem:$0xA100] =	vst v63  }
0x6c: {  	_ = 	snop  }
0x6d: {  	[tilespmem:s25], [sflag:$0x1] =	stream.indirect_vreg.gather [hbm4b:s3+s2], $0x80, v3, vm0, $0xb8;
	[tilespmem:$0xA100] =	vst v63  }
0x6e: {  	v3 =	vld [tilespmem:$0x90];
	_ =	sdelay $0x4  }
0x6f: {  	v63 =	vshll.u32 v3, $0x1  }
0x70: {  	v3 =	vand.u32 $0x7, v3;
	v4 =	vand.u32 $0xFFFFFFF0, v63  }
0x71: {  	v3 =	vor.u32 v3, v4  }
0x72: {  	v4 =	vperm.xlane v3, v0;
	_ =	sdelay $0x1  }
0x73: {  	v3 =	vperm.xlane v3, v2;
	v4 =	vadd.s32 v1, v4;
	_ =	sdelay $0x1  }
0x74: {  	v3 =	vadd.s32 v1, v3;
	_ =	sdelay $0x2  }
0x75: {  	[tilespmem:s26], [sflag:$0x1] =	stream.indirect_vreg.gather [hbm4b:s3+s2], $0x80, v4, vm0, $0xb8;
	[tilespmem:$0xA100] =	vst v63  }
0x76: {  	_ = 	snop  }
0x77: {  	[tilespmem:s28], [sflag:$0x1] =	stream.indirect_vreg.gather [hbm4b:s3+s2], $0x80, v3, vm0, $0xb8;
	[tilespmem:$0xA100] =	vst v63  }
0x78: {  	_ =	swait.ge [sflag:s29], $0xA000  }
0x79: {  	p0 =	sne.s32 s6, $0x1;
	[sflag:s29] =	ssyncset.done $0x0  }
.Ltmp0:
0x7a: {  	[sflag:s29] =	ssyncadd.s32 $0xFFFF6000;
	(pc) =	sbr.rel @p0 .LBB2_1-.Ltmp0, $4  }
0x7b: {  	[hbm4b:s5+s2] =	stream.linear.scatter [tilespmem:s8], [sflag:$0x2], $0xA000, $0x38;
	[tilespmem:$0xA100] =	vst v63  }
0x7c: {  	_ =	swait.ge [sflag:s7], $0xA000  }
0x7d: {  	[sflag:s7] =	ssyncset.done $0x0  }
0x7e: {  	s6 =	sadd.s32 $0xFFFFFFFF, s6;
	[sflag:s7] =	ssyncadd.s32 $0xFFFF6000  }
0x7f: {  	_ =	sfence.sel $0x180000  }
0x80: {  	[bflag:$0x0] =	sbarrier.arrive $0xFFFF  }
0x81: {  	p0 =	sne.s32 s0, $0x0;
	_ =	strace $0x90000047  }
0x82: {  	s0 =	sadd.s32 @!p0 $0x100000, s1;
	[bflag:$0x2] =	sbarrier.arrive $0xFFFF  }
0x83: {  	[sflag:s0] =	ssyncadd.tile.s32 @!p0 $0x1;
	_ =	shalt  }
.Lfunc_end2:
_tile_overlayer_lowered:
.L_overlay_start_2:
0x84: {  	(tag) =	ssettag $0x2  }
0x85: {  	s0 =	rddreg [dreg:$0x0];
	s2 =	stileid.u32  }
0x86: {  	s1 =	rddreg [dreg:$0x1];
	p0 =	sne.s32 s2, $0x0  }
0x87: {  	s3 =	rddreg [dreg:$0x2];
	[bflag:$0x3] =	sbarrier.arrive $0xFFFF;
	s2 =	simm.s32 @!p0 $0x1C02  }
0x88: {  	[timem:s3], [sflag:s2] =	dma.local @!p0 [hbm:s0], s1  }
0x89: {  	s0 =	simm.s32 @!p0 $0x2  }
0x8a: {  	_ =	swait.ge @!p0 [sflag:s0], s1  }
0x8b: {  	s1 =	ssub.s32 @!p0 $0x0, s1;
	[sflag:s0] =	ssyncset.done @!p0 $0x0  }
0x8c: {  	[sflag:s0] =	ssyncadd.s32 @!p0 s1  }
0x8d: {  	[bflag:$0x3] =	sbarrier.arrive $0xFFFF  }
0x8e: {  	_ =	shalt  }

// kernel: kernel.21.cloned.1.call-start
scs
__scs_entry_jumppad:
0x0: {  	(pc) =	sbr.rel $0x88, $3  }
0x1: {  	(tag) =	ssettag $0x0;
	lr =	simm.s32 $0x1  }
0x2: {  	[smem:$0x3F8E] =	sst lr;
	_ =	strace $0xD0000000  }
0x3: {  	_ = 	snop  }
0x4: {  	_ = 	snop  }
0x5: {  	_ = 	snop  }
0x6: {  	_ = 	snop  }
0x7: {  	_ = 	snop  }
__scs_overlays_trampoline_lowered:
0x8: {  	[smem:$0x3F9D] =	sst s0  }
0x9: {  	[smem:$0x3F9E] =	sst s1  }
0xa: {  	[smem:$0x3F9F] =	sst s2  }
0xb: {  	[smem:$0x3FA0] =	sst s3  }
0xc: {  	[smem:$0x3FA1] =	sst s4  }
0xd: {  	[smem:$0x3FA2] =	sst s5  }
0xe: {  	[smem:$0x3FA3] =	sst s6  }
0xf: {  	[smem:$0x3FA4] =	sst s7  }
0x10: {  	[smem:$0x3FA5] =	sst s8  }
0x11: {  	[smem:$0x3FA6] =	sst s9;
	s0 =	simm.s32 @!p0 $0x0  }
0x12: {  	s1 =	sld [smem:$0x3F8C];
	s0 =	simm.s32 @p0 $0x1  }
0x13: {  	[smem:$0x3FA7] =	sst s0;
	s0 =	simm.s32 @!p1 $0x0  }
0x14: {  	s2 =	sld [smem:$0x3F8B];
	s0 =	simm.s32 @p1 $0x1  }
0x15: {  	[smem:$0x3FA8] =	sst s0;
	s0 =	simm.s32 @!p2 $0x0  }
0x16: {  	s3 =	sld [smem:$0x3FDB];
	s0 =	simm.s32 @p2 $0x1  }
0x17: {  	s4 =	simm.s32 $0x1BF5;
	[smem:$0x3FAA] =	sst s0  }
0x18: {  	s0 =	sld [smem:$0x3F8D];
	_ =	swait.ge [sflag:s4], $0x0  }
0x19: {  	s7 =	sld [smem:$0x3F8E]  }
0x1a: {  	s8 =	sadd.s32 $0xFFFFE003, lr  }
0x1b: {  	s9 =	sadd.s32 $0xFFFFFEF7, lr;
	s5 =	simm.s32 $0xFFFFFFFF;
	p2 =	slt.u32 s8, $0xFFFFF086  }
0x1c: {  	p1 =	slt.u32 s9, $0xF7A;
	s5 =	simm.s32 @!p2 $0x0  }
0x1d: {  	s5 =	simm.s32 @p1 $0x1;
	p0 =	seq.s32 s7, s2  }
0x1e: {  	s7 =	smul.u32 @!p0 $0xF7A, s2;
	p2 =	seq.s32 @!p0 s5, $0x0  }
0x1f: {  	s9 =	smul.u32 $0xF7A, s1;
	s8 =	simm.s32 @!p0 $0x1BF5;
	p2 =	por !p2, p0  }
0x20: {  	[sflag:s8] =	ssyncset.s32 @!p0 $0xFFFFF086;
	s6 =	sadd.s32 @!p0 s3, s7;
	s7 =	simm.s32 @!p0 $0x108  }
0x21: {  	s3 =	sadd.s32 s3, s9;
	s6 =	sadd.s32 @!p0 $0x88, s6;
	s7 =	simm.s32 @p2 $0x1082  }
0x22: {  	[simem:s7], [sflag:s8] =	dma.local @!p0 [hbm:s6], $0xF7A  }
0x23: {  	s9 =	sor.u32 $0xD0000000, s2;
	s6 =	simm.s32 $0x108;
	_ =	swait.ge @!p0 [sflag:s8], $0x0  }
0x24: {  	s3 =	sadd.s32 $0x88, s3;
	s6 =	simm.s32 @!p1 $0x1082;
	[sflag:s4] =	ssyncset.s32 $0xFFFFF086  }
0x25: {  	[simem:s6], [sflag:s4] =	dma.local [hbm:s3], $0xF7A  }
0x26: {  	[smem:$0x3F8E] =	sst s1;
	(tag) =	ssettag s2;
	_ =	strace s9  }
0x27: {  	s1 =	sld [smem:$0x3F9E]  }
0x28: {  	s2 =	sld [smem:$0x3F9F]  }
0x29: {  	s4 =	sld [smem:$0x3FA1]  }
0x2a: {  	p0 =	seq.s32 s5, $0x0;
	s5 =	sld [smem:$0x3FA2]  }
0x2b: {  	s6 =	sld [smem:$0x3FA3]  }
0x2c: {  	s7 =	sld [smem:$0x3FA4]  }
0x2d: {  	s3 =	simm.s32 $0x108;
	s8 =	sld [smem:$0x3FA5]  }
0x2e: {  	s3 =	simm.s32 @!p0 $0x1082;
	s9 =	sld [smem:$0x3FA6]  }
0x2f: {  	lr =	sadd.s32 s0, s3;
	s0 =	sld [smem:$0x3F9D]  }
0x30: {  	s3 =	sld [smem:$0x3FA0]  }
0x31: {  	[smem:$0x3FA9] =	sst s10  }
0x32: {  	s10 =	sld [smem:$0x3FA7];
	_ =	sdelay $0x3  }
0x33: {  	p0 =	seq.s32 s10, $0x1;
	s10 =	sld [smem:$0x3FA9];
	_ =	sdelay $0x3  }
0x34: {  	[smem:$0x3FA9] =	sst s10  }
0x35: {  	s10 =	sld [smem:$0x3FA8];
	_ =	sdelay $0x3  }
0x36: {  	p1 =	seq.s32 s10, $0x1;
	s10 =	sld [smem:$0x3FA9];
	_ =	sdelay $0x3  }
0x37: {  	[smem:$0x3FA9] =	sst s10  }
0x38: {  	s10 =	sld [smem:$0x3FAA]  }
0x39: {  	_ = 	snop;
	(pc) =	sbr.ind lr, $3  }
0x3a: {  	_ = 	snop  }
0x3b: {  	_ = 	snop  }
0x3c: {  	p2 =	seq.s32 s10, $0x1;
	s10 =	sld [smem:$0x3FA9]  }
0x3d: {  	_ =	shalt  }
0x3e: {  	_ =	shalt  }
0x3f: {  	_ =	shalt  }
0x40: {  	_ =	shalt  }
0x41: {  	_ =	shalt  }
0x42: {  	_ =	shalt  }
0x43: {  	_ =	shalt  }
0x44: {  	_ =	shalt  }
0x45: {  	_ =	shalt  }
0x46: {  	_ =	shalt  }
0x47: {  	_ =	shalt  }
0x48: {  	_ =	shalt  }
0x49: {  	_ =	shalt  }
0x4a: {  	_ =	shalt  }
0x4b: {  	_ =	shalt  }
0x4c: {  	_ =	shalt  }
0x4d: {  	_ =	shalt  }
0x4e: {  	_ =	shalt  }
0x4f: {  	_ =	shalt  }
0x50: {  	_ =	shalt  }
0x51: {  	_ =	shalt  }
0x52: {  	_ =	shalt  }
0x53: {  	_ =	shalt  }
0x54: {  	_ =	shalt  }
0x55: {  	_ =	shalt  }
0x56: {  	_ =	shalt  }
0x57: {  	_ =	shalt  }
0x58: {  	_ =	shalt  }
0x59: {  	_ =	shalt  }
0x5a: {  	_ =	shalt  }
0x5b: {  	_ =	shalt  }
0x5c: {  	_ =	shalt  }
0x5d: {  	_ =	shalt  }
0x5e: {  	_ =	shalt  }
0x5f: {  	_ =	shalt  }
0x60: {  	_ =	shalt  }
0x61: {  	_ =	shalt  }
0x62: {  	_ =	shalt  }
0x63: {  	_ =	shalt  }
0x64: {  	_ =	shalt  }
0x65: {  	_ =	shalt  }
0x66: {  	_ =	shalt  }
0x67: {  	_ =	shalt  }
0x68: {  	_ =	shalt  }
0x69: {  	_ =	shalt  }
0x6a: {  	_ =	shalt  }
0x6b: {  	_ =	shalt  }
0x6c: {  	_ =	shalt  }
0x6d: {  	_ =	shalt  }
0x6e: {  	_ =	shalt  }
0x6f: {  	_ =	shalt  }
0x70: {  	_ =	shalt  }
0x71: {  	_ =	shalt  }
0x72: {  	_ =	shalt  }
0x73: {  	_ =	shalt  }
0x74: {  	_ =	shalt  }
0x75: {  	_ =	shalt  }
0x76: {  	_ =	shalt  }
0x77: {  	_ =	shalt  }
0x78: {  	_ =	shalt  }
0x79: {  	_ =	shalt  }
0x7a: {  	_ =	shalt  }
0x7b: {  	_ =	shalt  }
0x7c: {  	_ =	shalt  }
0x7d: {  	_ =	shalt  }
0x7e: {  	_ =	shalt  }
0x7f: {  	_ =	shalt  }
0x80: {  	_ =	shalt  }
0x81: {  	_ =	shalt  }
0x82: {  	_ =	shalt  }
0x83: {  	_ =	shalt  }
0x84: {  	_ =	shalt  }
0x85: {  	_ =	shalt  }
0x86: {  	_ =	shalt  }
0x87: {  	_ =	shalt  }
.Lfunc_end0:
.L_simem_size_0:
called_computation.1_lowered:
.L_overlay_start_0:
0x88: {  	s2 =	sld [smem:$0x3FD9]  }
0x89: {  	s3 =	sld [smem:$0x3FFE];
	_ =	sdelay $0x1  }
0x8a: {  	s1 =	srdreg.scid  }
0x8b: {  	s0 =	sand.u32 $0x1, s1  }
0x8c: {  	s17 =	sshll.u32 s0, $0xA;
	s2 =	sadd.s32 s3, s2  }
0x8d: {  	s2 =	sadd.s32 s2, s17  }
0x8e: {  	[smem:$0x3FB5] =	sst s2  }
0x8f: {  	_ = 	snop  }
0x90: {  	s2 =	sld [smem:$0x3FD0];
	(tm) =	ssettm $0x1  }
0x91: {  	s18 =	sld [smem:$0x3FFB];
	_ =	sdelay $0x3  }
0x92: {  	_ =	strace s18  }
0x93: {  	s3 =	sld [smem:$0x3FFC];
	_ =	sdelay $0x3  }
0x94: {  	_ =	strace s3  }
0x95: {  	s3 =	sld [smem:$0x3FFD];
	_ =	sdelay $0x3  }
0x96: {  	_ =	strace s3  }
0x97: {  	_ =	strace $0x8FFFFFFF  }
0x98: {  	s19 =	sld [smem:$0x3FDB];
	_ =	sdelay $0x1  }
0x99: {  	s4 =	simm.s32 $_scs_section_size  }
0x9a: {  	s5 =	simm.s32 $_size__tile_overlayer_lowered;
	s6 =	simm.s32 $_tile_overlayer_lowered  }
0x9b: {  	s22 =	simm.s32 $0x1BFF;
	s21 =	sshll.u32 s6, $0x1;
	s3 =	sadd.s32 s4, s19  }
0x9c: {  	s7 =	simm.s32 $0x0;
	s20 =	sshll.u32 s5, $0x1;
	s5 =	sadd.s32 s21, s3  }
0x9d: {  	[timem:s7], [sflag:s22] =	dma.local [hbm:s5], s20  }
0x9e: {  	_ =	swait.ge [sflag:s22], s20  }
0x9f: {  	s4 =	ssub.s32 $0x0, s20;
	[sflag:s22] =	ssyncset.done $0x0  }
0xa0: {  	[sflag:s22] =	ssyncadd.s32 s4;
	_ =	sdelay $0x1  }
0xa1: {  	s23 =	simm.s32 $0x1B8B  }
0xa2: {  	_ =	swait.ge [sflag:s23], $0x1  }
0xa3: {  	[sflag:s23] =	ssyncset.done $0x0  }
0xa4: {  	s25 =	simm.s32 $0x1B8E;
	s24 =	sld [smem:$0x3FFE];
	[sflag:s23] =	ssyncadd.s32 $0xFFFFFFFF  }
0xa5: {  	s26 =	simm.s32 $execute0_lowered;
	[smem:$0x3FD2] =	sst s25  }
0xa6: {  	s5 =	sshll.u32 s26, $0x1;
	_ =	strace $0x80000049;
	[dreg:$0x1] =	wrdreg $0xFFFFFFFF  }
0xa7: {  	s28 =	simm.s32 $_size_execute0_lowered;
	s3 =	sadd.s32 s3, s5;
	[dreg:$0x0] =	wrdreg $0x0  }
0xa8: {  	s5 =	sshll.u32 s28, $0x1;
	[dreg:$0x2] =	wrdreg s3  }
0xa9: {  	[dreg:$0x3] =	wrdreg s5  }
0xaa: {  	[dreg:$0x4] =	wrdreg $0xC0  }
0xab: {  	_ =	task [dreg:s7], $0x5FFFF  }
0xac: {  	[dreg:$0x1] =	wrdreg $0xFFFFFFFF  }
0xad: {  	[dreg:$0x0] =	wrdreg $0x60  }
0xae: {  	[dreg:$0x2] =	wrdreg s24  }
0xaf: {  	[dreg:$0x3] =	wrdreg s2  }
0xb0: {  	[dreg:$0x4] =	wrdreg $0x9  }
0xb1: {  	_ =	task.clear_ibuf [dreg:s7], $0x5FFFF;
	_ =	strace $0x90000049  }
0xb2: {  	s29 =	simm.s32 $0x9;
	_ =	strace $0x8000004B  }
0xb3: {  	_ =	swait.ge [sflag:s29], $0x1  }
0xb4: {  	[sflag:s29] =	ssyncadd.s32 $0xFFFFFFFF  }
0xb5: {  	_ =	strace $0x9000004B  }
0xb6: {  	_ =	sfence  }
0xb7: {  	s30 =	sld [smem:$0x0];
	_ =	sdelay $0x2  }
0xb8: {  	s31 =	sshll.u32 s1, $0xD;
	s1 =	sshrl.u32 s1, $0x2  }
0xb9: {  	s3 =	sand.u32 $0x4000, s31;
	s1 =	sadd.s32 s1, s30  }
0xba: {  	s0 =	sor.u32 s3, s0;
	s1 =	sshll.u32 s1, $0x11  }
0xbb: {  	s0 =	sor.u32 s1, s0  }
0xbc: {  	s0 =	sadd.s32 $0x8F2B, s0  }
0xbd: {  	[sflag:s0] =	ssyncadd.remote.s32 $0x1  }
0xbe: {  	_ =	sfence.sel $0xFFFF  }
0xbf: {  	[dreg:$0x0] =	wrdreg $0xFFFFFFFF;
	(pc) =	sbr.abs _section_cstart, $3  }
0xc0: {  	[dreg:$0x1] =	wrdreg $0xFFFFFFFF  }
0xc1: {  	_ =	task.clear_ibuf [dreg:s7], $0x2FFFF;
	_ =	strace $0x9FFFFFFF  }
0xc2: {  	(tm) =	ssettm $0x7FFFFFFF  }
0xc3: {  	_ =	shalt  }
tec
execute0_lowered:
.L_overlay_start_1:
0x0: {  	(tag) =	ssettag $0x1  }
0x1: {  	s3 =	rddreg [dreg:$0x0]  }
0x2: {  	s1 =	srdreg.scid;
	s0 =	stileid.u32  }
0x3: {  	s7 =	rddreg [dreg:$0x1];
	s2 =	simm.s32 $0x0;
	s12 =	simm.s32 $0x1080  }
0x4: {  	s13 =	simm.s32 $0x1880;
	s14 =	simm.s32 $0x2080;
	s15 =	simm.s32 $0x2880  }
0x5: {  	s16 =	simm.s32 $0x3080;
	s17 =	simm.s32 $0x3880;
	s18 =	simm.s32 $0x4080  }
0x6: {  	s19 =	simm.s32 $0x4880;
	s4 =	sand.u32 $0x1, s1;
	s1 =	rddreg [dreg:$0x2]  }
0x7: {  	s20 =	simm.s32 $0x1;
	s5 =	sshll.u32 s0, $0x1;
	[smem:$0x7FF] =	sst s2  }
0x8: {  	s8 =	sadd.s32 $0x52000, s3;
	s5 =	sor.u32 s4, s5;
	s4 =	ssub.s32 $0x2, s4  }
0x9: {  	s3 =	sadd.s32 $0x3E00, s3;
	s6 =	smul.u32 $0xA0, s5;
	s9 =	sshrl.u32 s4, $0x1  }
0xa: {  	_ =	strace $0x8000004A;
	s10 =	smul.u32 $0x1400, s5;
	s9 =	ssub.s32 s4, s9  }
0xb: {  	s30 =	sshrl.u32 s6, $0x3;
	s6 =	sadd.s32 $0x50, s6;
	s5 =	smax.u32 s9, $0x1  }
0xc: {  	v2 =	vlaneseq.u32;
	s9 =	simm.s32 $0x2;
	s4 =	sadd.s32 s7, s30;
	s31 =	sshrl.u32 s6, $0x3  }
0xd: {  	vm0 =	vmmov $0xffff;
	v1 =	vshrl.u32 v2, $0x3;
	s11 =	sshll.u32 s6, $0x5;
	s6 =	sadd.s32 s8, s10;
	s10 =	simm.s32 $0x80  }
0xe: {  	v0 =	vand.u32 $0x7, v2;
	v2 =	vor.u32 $0x8, v2;
	v1 =	vmul.u32 $0x8, v1;
	s7 =	sadd.s32 s7, s31;
	s8 =	sadd.s32 s8, s11;
	s11 =	simm.s32 $0x880  }
.LBB2_1:
0xf: {  	[tilespmem:s2], [sflag:$0x2] =	stream.linear.gather [hbm4b:s4+s2], $0x50, $0x38;
	[tilespmem:$0x5080] =	vst v63  }
0x10: {  	_ =	swait.ge [sflag:s9], $0x50  }
0x11: {  	[sflag:s9] =	ssyncset.done $0x0  }
0x12: {  	[sflag:s9] =	ssyncadd.s32 $0xFFFFFFB0  }
0x13: {  	[tilespmem:s10], [sflag:$0x2] =	stream.linear.gather [hbm4b:s6+s2], $0x5000, $0x38;
	[tilespmem:$0x5080] =	vst v63  }
0x14: {  	_ =	swait.ge [sflag:s9], $0x5000  }
0x15: {  	[sflag:s9] =	ssyncset.done $0x0  }
0x16: {  	[sflag:s9] =	ssyncadd.s32 $0xFFFFB000  }
0x17: {  	v3 =	vld [tilespmem:$0x0];
	_ =	sdelay $0x4  }
0x18: {  	v4 =	vshll.u32 v3, $0x1  }
0x19: {  	v3 =	vand.u32 $0x7, v3;
	v4 =	vand.u32 $0xFFFFFFF0, v4  }
0x1a: {  	v3 =	vor.u32 v3, v4  }
0x1b: {  	v4 =	vperm.xlane v3, v0;
	_ =	sdelay $0x1  }
0x1c: {  	v3 =	vperm.xlane v3, v2;
	v4 =	vadd.s32 v1, v4;
	_ =	sdelay $0x1  }
0x1d: {  	v3 =	vadd.s32 v1, v3;
	_ =	sdelay $0x2  }
0x1e: {  	[hbm4b:s3+s2] =	stream.indirect_vreg.scatter [tilespmem:s10], [sflag:$0x1], $0x80, v4, vm0, $0xb8;
	[tilespmem:$0x5080] =	vst v63  }
0x1f: {  	_ = 	snop  }
0x20: {  	[hbm4b:s3+s2] =	stream.indirect_vreg.scatter [tilespmem:s11], [sflag:$0x1], $0x80, v3, vm0, $0xb8;
	[tilespmem:$0x5080] =	vst v63  }
0x21: {  	v3 =	vld [tilespmem:$0x10];
	_ =	sdelay $0x4  }
0x22: {  	v55 =	vshll.u32 v3, $0x1  }
0x23: {  	v3 =	vand.u32 $0x7, v3;
	v4 =	vand.u32 $0xFFFFFFF0, v55  }
0x24: {  	v3 =	vor.u32 v3, v4  }
0x25: {  	v4 =	vperm.xlane v3, v0;
	_ =	sdelay $0x1  }
0x26: {  	v3 =	vperm.xlane v3, v2;
	v4 =	vadd.s32 v1, v4;
	_ =	sdelay $0x1  }
0x27: {  	v3 =	vadd.s32 v1, v3;
	_ =	sdelay $0x2  }
0x28: {  	[hbm4b:s3+s2] =	stream.indirect_vreg.scatter [tilespmem:s12], [sflag:$0x1], $0x80, v4, vm0, $0xb8;
	[tilespmem:$0x5080] =	vst v63  }
0x29: {  	_ = 	snop  }
0x2a: {  	[hbm4b:s3+s2] =	stream.indirect_vreg.scatter [tilespmem:s13], [sflag:$0x1], $0x80, v3, vm0, $0xb8;
	[tilespmem:$0x5080] =	vst v63  }
0x2b: {  	v3 =	vld [tilespmem:$0x20];
	_ =	sdelay $0x4  }
0x2c: {  	v56 =	vshll.u32 v3, $0x1  }
0x2d: {  	v3 =	vand.u32 $0x7, v3;
	v4 =	vand.u32 $0xFFFFFFF0, v56  }
0x2e: {  	v3 =	vor.u32 v3, v4  }
0x2f: {  	v4 =	vperm.xlane v3, v0;
	_ =	sdelay $0x1  }
0x30: {  	v3 =	vperm.xlane v3, v2;
	v4 =	vadd.s32 v1, v4;
	_ =	sdelay $0x1  }
0x31: {  	v3 =	vadd.s32 v1, v3;
	_ =	sdelay $0x2  }
0x32: {  	[hbm4b:s3+s2] =	stream.indirect_vreg.scatter [tilespmem:s14], [sflag:$0x1], $0x80, v4, vm0, $0xb8;
	[tilespmem:$0x5080] =	vst v63  }
0x33: {  	_ = 	snop  }
0x34: {  	[hbm4b:s3+s2] =	stream.indirect_vreg.scatter [tilespmem:s15], [sflag:$0x1], $0x80, v3, vm0, $0xb8;
	[tilespmem:$0x5080] =	vst v63  }
0x35: {  	v3 =	vld [tilespmem:$0x30];
	_ =	sdelay $0x4  }
0x36: {  	v57 =	vshll.u32 v3, $0x1  }
0x37: {  	v3 =	vand.u32 $0x7, v3;
	v4 =	vand.u32 $0xFFFFFFF0, v57  }
0x38: {  	v3 =	vor.u32 v3, v4  }
0x39: {  	v4 =	vperm.xlane v3, v0;
	_ =	sdelay $0x1  }
0x3a: {  	v3 =	vperm.xlane v3, v2;
	v4 =	vadd.s32 v1, v4;
	_ =	sdelay $0x1  }
0x3b: {  	v3 =	vadd.s32 v1, v3;
	_ =	sdelay $0x2  }
0x3c: {  	[hbm4b:s3+s2] =	stream.indirect_vreg.scatter [tilespmem:s16], [sflag:$0x1], $0x80, v4, vm0, $0xb8;
	[tilespmem:$0x5080] =	vst v63  }
0x3d: {  	_ = 	snop  }
0x3e: {  	[hbm4b:s3+s2] =	stream.indirect_vreg.scatter [tilespmem:s17], [sflag:$0x1], $0x80, v3, vm0, $0xb8;
	[tilespmem:$0x5080] =	vst v63  }
0x3f: {  	v3 =	vld [tilespmem:$0x40];
	_ =	sdelay $0x4  }
0x40: {  	v58 =	vshll.u32 v3, $0x1  }
0x41: {  	v3 =	vand.u32 $0x7, v3;
	v4 =	vand.u32 $0xFFFFFFF0, v58  }
0x42: {  	v3 =	vor.u32 v3, v4  }
0x43: {  	v4 =	vperm.xlane v3, v0;
	_ =	sdelay $0x1  }
0x44: {  	v3 =	vperm.xlane v3, v2;
	v4 =	vadd.s32 v1, v4;
	_ =	sdelay $0x1  }
0x45: {  	v3 =	vadd.s32 v1, v3;
	_ =	sdelay $0x2  }
0x46: {  	[hbm4b:s3+s2] =	stream.indirect_vreg.scatter [tilespmem:s18], [sflag:$0x1], $0x80, v4, vm0, $0xb8;
	[tilespmem:$0x5080] =	vst v63  }
0x47: {  	_ = 	snop  }
0x48: {  	[hbm4b:s3+s2] =	stream.indirect_vreg.scatter [tilespmem:s19], [sflag:$0x1], $0x80, v3, vm0, $0xb8;
	[tilespmem:$0x5080] =	vst v63  }
0x49: {  	_ =	swait.ge [sflag:s20], $0x5000  }
0x4a: {  	[sflag:s20] =	ssyncset.done $0x0  }
0x4b: {  	[sflag:s20] =	ssyncadd.s32 $0xFFFFB000  }
0x4c: {  	[tilespmem:s2], [sflag:$0x2] =	stream.linear.gather [hbm4b:s7+s2], $0x50, $0x38;
	[tilespmem:$0x5080] =	vst v63  }
0x4d: {  	_ =	swait.ge [sflag:s9], $0x50  }
0x4e: {  	[sflag:s9] =	ssyncset.done $0x0  }
0x4f: {  	[sflag:s9] =	ssyncadd.s32 $0xFFFFFFB0  }
0x50: {  	[tilespmem:s10], [sflag:$0x2] =	stream.linear.gather [hbm4b:s8+s2], $0x5000, $0x38;
	[tilespmem:$0x5080] =	vst v63  }
0x51: {  	_ =	swait.ge [sflag:s9], $0x5000  }
0x52: {  	[sflag:s9] =	ssyncset.done $0x0  }
0x53: {  	[sflag:s9] =	ssyncadd.s32 $0xFFFFB000  }
0x54: {  	v3 =	vld [tilespmem:$0x0];
	_ =	sdelay $0x4  }
0x55: {  	v59 =	vshll.u32 v3, $0x1  }
0x56: {  	v3 =	vand.u32 $0x7, v3;
	v4 =	vand.u32 $0xFFFFFFF0, v59  }
0x57: {  	v3 =	vor.u32 v3, v4  }
0x58: {  	v4 =	vperm.xlane v3, v0;
	_ =	sdelay $0x1  }
0x59: {  	v3 =	vperm.xlane v3, v2;
	v4 =	vadd.s32 v1, v4;
	_ =	sdelay $0x1  }
0x5a: {  	v3 =	vadd.s32 v1, v3;
	_ =	sdelay $0x2  }
0x5b: {  	[hbm4b:s3+s2] =	stream.indirect_vreg.scatter [tilespmem:s10], [sflag:$0x1], $0x80, v4, vm0, $0xb8;
	[tilespmem:$0x5080] =	vst v63  }
0x5c: {  	_ = 	snop  }
0x5d: {  	[hbm4b:s3+s2] =	stream.indirect_vreg.scatter [tilespmem:s11], [sflag:$0x1], $0x80, v3, vm0, $0xb8;
	[tilespmem:$0x5080] =	vst v63  }
0x5e: {  	v3 =	vld [tilespmem:$0x10];
	_ =	sdelay $0x4  }
0x5f: {  	v60 =	vshll.u32 v3, $0x1  }
0x60: {  	v3 =	vand.u32 $0x7, v3;
	v4 =	vand.u32 $0xFFFFFFF0, v60  }
0x61: {  	v3 =	vor.u32 v3, v4  }
0x62: {  	v4 =	vperm.xlane v3, v0;
	_ =	sdelay $0x1  }
0x63: {  	v3 =	vperm.xlane v3, v2;
	v4 =	vadd.s32 v1, v4;
	_ =	sdelay $0x1  }
0x64: {  	v3 =	vadd.s32 v1, v3;
	_ =	sdelay $0x2  }
0x65: {  	[hbm4b:s3+s2] =	stream.indirect_vreg.scatter [tilespmem:s12], [sflag:$0x1], $0x80, v4, vm0, $0xb8;
	[tilespmem:$0x5080] =	vst v63  }
0x66: {  	_ = 	snop  }
0x67: {  	[hbm4b:s3+s2] =	stream.indirect_vreg.scatter [tilespmem:s13], [sflag:$0x1], $0x80, v3, vm0, $0xb8;
	[tilespmem:$0x5080] =	vst v63  }
0x68: {  	v3 =	vld [tilespmem:$0x20];
	_ =	sdelay $0x4  }
0x69: {  	v61 =	vshll.u32 v3, $0x1  }
0x6a: {  	v3 =	vand.u32 $0x7, v3;
	v4 =	vand.u32 $0xFFFFFFF0, v61  }
0x6b: {  	v3 =	vor.u32 v3, v4  }
0x6c: {  	v4 =	vperm.xlane v3, v0;
	_ =	sdelay $0x1  }
0x6d: {  	v3 =	vperm.xlane v3, v2;
	v4 =	vadd.s32 v1, v4;
	_ =	sdelay $0x1  }
0x6e: {  	v3 =	vadd.s32 v1, v3;
	_ =	sdelay $0x2  }
0x6f: {  	[hbm4b:s3+s2] =	stream.indirect_vreg.scatter [tilespmem:s14], [sflag:$0x1], $0x80, v4, vm0, $0xb8;
	[tilespmem:$0x5080] =	vst v63  }
0x70: {  	_ = 	snop  }
0x71: {  	[hbm4b:s3+s2] =	stream.indirect_vreg.scatter [tilespmem:s15], [sflag:$0x1], $0x80, v3, vm0, $0xb8;
	[tilespmem:$0x5080] =	vst v63  }
0x72: {  	v3 =	vld [tilespmem:$0x30];
	_ =	sdelay $0x4  }
0x73: {  	v62 =	vshll.u32 v3, $0x1  }
0x74: {  	v3 =	vand.u32 $0x7, v3;
	v4 =	vand.u32 $0xFFFFFFF0, v62  }
0x75: {  	v3 =	vor.u32 v3, v4  }
0x76: {  	v4 =	vperm.xlane v3, v0;
	_ =	sdelay $0x1  }
0x77: {  	v3 =	vperm.xlane v3, v2;
	v4 =	vadd.s32 v1, v4;
	_ =	sdelay $0x1  }
0x78: {  	v3 =	vadd.s32 v1, v3;
	_ =	sdelay $0x2  }
0x79: {  	[hbm4b:s3+s2] =	stream.indirect_vreg.scatter [tilespmem:s16], [sflag:$0x1], $0x80, v4, vm0, $0xb8;
	[tilespmem:$0x5080] =	vst v63  }
0x7a: {  	_ = 	snop  }
0x7b: {  	[hbm4b:s3+s2] =	stream.indirect_vreg.scatter [tilespmem:s17], [sflag:$0x1], $0x80, v3, vm0, $0xb8;
	[tilespmem:$0x5080] =	vst v63  }
0x7c: {  	v3 =	vld [tilespmem:$0x40];
	_ =	sdelay $0x4  }
0x7d: {  	v63 =	vshll.u32 v3, $0x1  }
0x7e: {  	v3 =	vand.u32 $0x7, v3;
	v4 =	vand.u32 $0xFFFFFFF0, v63  }
0x7f: {  	v3 =	vor.u32 v3, v4  }
0x80: {  	v4 =	vperm.xlane v3, v0;
	_ =	sdelay $0x1  }
0x81: {  	v3 =	vperm.xlane v3, v2;
	v4 =	vadd.s32 v1, v4;
	_ =	sdelay $0x1  }
0x82: {  	v3 =	vadd.s32 v1, v3;
	_ =	sdelay $0x1  }
0x83: {  	p0 =	sne.s32 s5, $0x1  }
0x84: {  	[hbm4b:s3+s2] =	stream.indirect_vreg.scatter [tilespmem:s18], [sflag:$0x1], $0x80, v4, vm0, $0xb8;
	[tilespmem:$0x5080] =	vst v63  }
.Ltmp0:
0x85: {  	_ = 	snop;
	(pc) =	sbr.rel @p0 .LBB2_1-.Ltmp0, $4  }
0x86: {  	[hbm4b:s3+s2] =	stream.indirect_vreg.scatter [tilespmem:s19], [sflag:$0x1], $0x80, v3, vm0, $0xb8;
	[tilespmem:$0x5080] =	vst v63  }
0x87: {  	_ =	swait.ge [sflag:s20], $0x5000  }
0x88: {  	[sflag:s20] =	ssyncset.done $0x0  }
0x89: {  	s5 =	sadd.s32 $0xFFFFFFFF, s5;
	[sflag:s20] =	ssyncadd.s32 $0xFFFFB000  }
0x8a: {  	_ =	sfence.sel $0x180000  }
0x8b: {  	[bflag:$0x0] =	sbarrier.arrive $0xFFFF  }
0x8c: {  	p0 =	sne.s32 s0, $0x0;
	_ =	strace $0x9000004A  }
0x8d: {  	s0 =	sadd.s32 @!p0 $0x100000, s1;
	[bflag:$0x2] =	sbarrier.arrive $0xFFFF  }
0x8e: {  	[sflag:s0] =	ssyncadd.tile.s32 @!p0 $0x1;
	_ =	shalt  }
.Lfunc_end2:
_tile_overlayer_lowered:
.L_overlay_start_2:
0x8f: {  	(tag) =	ssettag $0x2  }
0x90: {  	s0 =	rddreg [dreg:$0x0];
	s2 =	stileid.u32  }
0x91: {  	s1 =	rddreg [dreg:$0x1];
	p0 =	sne.s32 s2, $0x0  }
0x92: {  	s3 =	rddreg [dreg:$0x2];
	[bflag:$0x3] =	sbarrier.arrive $0xFFFF;
	s2 =	simm.s32 @!p0 $0x1C02  }
0x93: {  	[timem:s3], [sflag:s2] =	dma.local @!p0 [hbm:s0], s1  }
0x94: {  	s0 =	simm.s32 @!p0 $0x2  }
0x95: {  	_ =	swait.ge @!p0 [sflag:s0], s1  }
0x96: {  	s1 =	ssub.s32 @!p0 $0x0, s1;
	[sflag:s0] =	ssyncset.done @!p0 $0x0  }
0x97: {  	[sflag:s0] =	ssyncadd.s32 @!p0 s1  }
0x98: {  	[bflag:$0x3] =	sbarrier.arrive $0xFFFF  }
0x99: {  	_ =	shalt  }

// kernel: kernel.24.cloned.1.call-start
scs
__scs_entry_jumppad:
0x0: {  	(pc) =	sbr.rel $0x88, $3  }
0x1: {  	(tag) =	ssettag $0x0;
	lr =	simm.s32 $0x1  }
0x2: {  	[smem:$0x3F8E] =	sst lr;
	_ =	strace $0xD0000000  }
0x3: {  	_ = 	snop  }
0x4: {  	_ = 	snop  }
0x5: {  	_ = 	snop  }
0x6: {  	_ = 	snop  }
0x7: {  	_ = 	snop  }
__scs_overlays_trampoline_lowered:
0x8: {  	[smem:$0x3F9D] =	sst s0  }
0x9: {  	[smem:$0x3F9E] =	sst s1  }
0xa: {  	[smem:$0x3F9F] =	sst s2  }
0xb: {  	[smem:$0x3FA0] =	sst s3  }
0xc: {  	[smem:$0x3FA1] =	sst s4  }
0xd: {  	[smem:$0x3FA2] =	sst s5  }
0xe: {  	[smem:$0x3FA3] =	sst s6  }
0xf: {  	[smem:$0x3FA4] =	sst s7  }
0x10: {  	[smem:$0x3FA5] =	sst s8  }
0x11: {  	[smem:$0x3FA6] =	sst s9;
	s0 =	simm.s32 @!p0 $0x0  }
0x12: {  	s1 =	sld [smem:$0x3F8C];
	s0 =	simm.s32 @p0 $0x1  }
0x13: {  	[smem:$0x3FA7] =	sst s0;
	s0 =	simm.s32 @!p1 $0x0  }
0x14: {  	s2 =	sld [smem:$0x3F8B];
	s0 =	simm.s32 @p1 $0x1  }
0x15: {  	[smem:$0x3FA8] =	sst s0;
	s0 =	simm.s32 @!p2 $0x0  }
0x16: {  	s3 =	sld [smem:$0x3FDB];
	s0 =	simm.s32 @p2 $0x1  }
0x17: {  	s4 =	simm.s32 $0x1BF5;
	[smem:$0x3FAA] =	sst s0  }
0x18: {  	s0 =	sld [smem:$0x3F8D];
	_ =	swait.ge [sflag:s4], $0x0  }
0x19: {  	s7 =	sld [smem:$0x3F8E]  }
0x1a: {  	s8 =	sadd.s32 $0xFFFFE003, lr  }
0x1b: {  	s9 =	sadd.s32 $0xFFFFFEF7, lr;
	s5 =	simm.s32 $0xFFFFFFFF;
	p2 =	slt.u32 s8, $0xFFFFF086  }
0x1c: {  	p1 =	slt.u32 s9, $0xF7A;
	s5 =	simm.s32 @!p2 $0x0  }
0x1d: {  	s5 =	simm.s32 @p1 $0x1;
	p0 =	seq.s32 s7, s2  }
0x1e: {  	s7 =	smul.u32 @!p0 $0xF7A, s2;
	p2 =	seq.s32 @!p0 s5, $0x0  }
0x1f: {  	s9 =	smul.u32 $0xF7A, s1;
	s8 =	simm.s32 @!p0 $0x1BF5;
	p2 =	por !p2, p0  }
0x20: {  	[sflag:s8] =	ssyncset.s32 @!p0 $0xFFFFF086;
	s6 =	sadd.s32 @!p0 s3, s7;
	s7 =	simm.s32 @!p0 $0x108  }
0x21: {  	s3 =	sadd.s32 s3, s9;
	s6 =	sadd.s32 @!p0 $0x88, s6;
	s7 =	simm.s32 @p2 $0x1082  }
0x22: {  	[simem:s7], [sflag:s8] =	dma.local @!p0 [hbm:s6], $0xF7A  }
0x23: {  	s9 =	sor.u32 $0xD0000000, s2;
	s6 =	simm.s32 $0x108;
	_ =	swait.ge @!p0 [sflag:s8], $0x0  }
0x24: {  	s3 =	sadd.s32 $0x88, s3;
	s6 =	simm.s32 @!p1 $0x1082;
	[sflag:s4] =	ssyncset.s32 $0xFFFFF086  }
0x25: {  	[simem:s6], [sflag:s4] =	dma.local [hbm:s3], $0xF7A  }
0x26: {  	[smem:$0x3F8E] =	sst s1;
	(tag) =	ssettag s2;
	_ =	strace s9  }
0x27: {  	s1 =	sld [smem:$0x3F9E]  }
0x28: {  	s2 =	sld [smem:$0x3F9F]  }
0x29: {  	s4 =	sld [smem:$0x3FA1]  }
0x2a: {  	p0 =	seq.s32 s5, $0x0;
	s5 =	sld [smem:$0x3FA2]  }
0x2b: {  	s6 =	sld [smem:$0x3FA3]  }
0x2c: {  	s7 =	sld [smem:$0x3FA4]  }
0x2d: {  	s3 =	simm.s32 $0x108;
	s8 =	sld [smem:$0x3FA5]  }
0x2e: {  	s3 =	simm.s32 @!p0 $0x1082;
	s9 =	sld [smem:$0x3FA6]  }
0x2f: {  	lr =	sadd.s32 s0, s3;
	s0 =	sld [smem:$0x3F9D]  }
0x30: {  	s3 =	sld [smem:$0x3FA0]  }
0x31: {  	[smem:$0x3FA9] =	sst s10  }
0x32: {  	s10 =	sld [smem:$0x3FA7];
	_ =	sdelay $0x3  }
0x33: {  	p0 =	seq.s32 s10, $0x1;
	s10 =	sld [smem:$0x3FA9];
	_ =	sdelay $0x3  }
0x34: {  	[smem:$0x3FA9] =	sst s10  }
0x35: {  	s10 =	sld [smem:$0x3FA8];
	_ =	sdelay $0x3  }
0x36: {  	p1 =	seq.s32 s10, $0x1;
	s10 =	sld [smem:$0x3FA9];
	_ =	sdelay $0x3  }
0x37: {  	[smem:$0x3FA9] =	sst s10  }
0x38: {  	s10 =	sld [smem:$0x3FAA]  }
0x39: {  	_ = 	snop;
	(pc) =	sbr.ind lr, $3  }
0x3a: {  	_ = 	snop  }
0x3b: {  	_ = 	snop  }
0x3c: {  	p2 =	seq.s32 s10, $0x1;
	s10 =	sld [smem:$0x3FA9]  }
0x3d: {  	_ =	shalt  }
0x3e: {  	_ =	shalt  }
0x3f: {  	_ =	shalt  }
0x40: {  	_ =	shalt  }
0x41: {  	_ =	shalt  }
0x42: {  	_ =	shalt  }
0x43: {  	_ =	shalt  }
0x44: {  	_ =	shalt  }
0x45: {  	_ =	shalt  }
0x46: {  	_ =	shalt  }
0x47: {  	_ =	shalt  }
0x48: {  	_ =	shalt  }
0x49: {  	_ =	shalt  }
0x4a: {  	_ =	shalt  }
0x4b: {  	_ =	shalt  }
0x4c: {  	_ =	shalt  }
0x4d: {  	_ =	shalt  }
0x4e: {  	_ =	shalt  }
0x4f: {  	_ =	shalt  }
0x50: {  	_ =	shalt  }
0x51: {  	_ =	shalt  }
0x52: {  	_ =	shalt  }
0x53: {  	_ =	shalt  }
0x54: {  	_ =	shalt  }
0x55: {  	_ =	shalt  }
0x56: {  	_ =	shalt  }
0x57: {  	_ =	shalt  }
0x58: {  	_ =	shalt  }
0x59: {  	_ =	shalt  }
0x5a: {  	_ =	shalt  }
0x5b: {  	_ =	shalt  }
0x5c: {  	_ =	shalt  }
0x5d: {  	_ =	shalt  }
0x5e: {  	_ =	shalt  }
0x5f: {  	_ =	shalt  }
0x60: {  	_ =	shalt  }
0x61: {  	_ =	shalt  }
0x62: {  	_ =	shalt  }
0x63: {  	_ =	shalt  }
0x64: {  	_ =	shalt  }
0x65: {  	_ =	shalt  }
0x66: {  	_ =	shalt  }
0x67: {  	_ =	shalt  }
0x68: {  	_ =	shalt  }
0x69: {  	_ =	shalt  }
0x6a: {  	_ =	shalt  }
0x6b: {  	_ =	shalt  }
0x6c: {  	_ =	shalt  }
0x6d: {  	_ =	shalt  }
0x6e: {  	_ =	shalt  }
0x6f: {  	_ =	shalt  }
0x70: {  	_ =	shalt  }
0x71: {  	_ =	shalt  }
0x72: {  	_ =	shalt  }
0x73: {  	_ =	shalt  }
0x74: {  	_ =	shalt  }
0x75: {  	_ =	shalt  }
0x76: {  	_ =	shalt  }
0x77: {  	_ =	shalt  }
0x78: {  	_ =	shalt  }
0x79: {  	_ =	shalt  }
0x7a: {  	_ =	shalt  }
0x7b: {  	_ =	shalt  }
0x7c: {  	_ =	shalt  }
0x7d: {  	_ =	shalt  }
0x7e: {  	_ =	shalt  }
0x7f: {  	_ =	shalt  }
0x80: {  	_ =	shalt  }
0x81: {  	_ =	shalt  }
0x82: {  	_ =	shalt  }
0x83: {  	_ =	shalt  }
0x84: {  	_ =	shalt  }
0x85: {  	_ =	shalt  }
0x86: {  	_ =	shalt  }
0x87: {  	_ =	shalt  }
.Lfunc_end0:
.L_simem_size_0:
called_computation.2_lowered:
.L_overlay_start_0:
0x88: {  	s2 =	sld [smem:$0x3FD9]  }
0x89: {  	s3 =	sld [smem:$0x3FFE];
	_ =	sdelay $0x1  }
0x8a: {  	s1 =	srdreg.scid  }
0x8b: {  	s0 =	sand.u32 $0x1, s1  }
0x8c: {  	s17 =	sshll.u32 s0, $0xA;
	s2 =	sadd.s32 s3, s2  }
0x8d: {  	s2 =	sadd.s32 s2, s17  }
0x8e: {  	[smem:$0x3FB5] =	sst s2  }
0x8f: {  	_ = 	snop  }
0x90: {  	s2 =	sld [smem:$0x3FC6];
	(tm) =	ssettm $0x1  }
0x91: {  	s18 =	sld [smem:$0x3FFB];
	_ =	sdelay $0x3  }
0x92: {  	_ =	strace s18  }
0x93: {  	s3 =	sld [smem:$0x3FFC];
	_ =	sdelay $0x3  }
0x94: {  	_ =	strace s3  }
0x95: {  	s3 =	sld [smem:$0x3FFD];
	_ =	sdelay $0x3  }
0x96: {  	_ =	strace s3  }
0x97: {  	_ =	strace $0x8FFFFFFF  }
0x98: {  	s19 =	sld [smem:$0x3FDB];
	_ =	sdelay $0x1  }
0x99: {  	s4 =	simm.s32 $_scs_section_size  }
0x9a: {  	s5 =	simm.s32 $_size__tile_overlayer_lowered;
	s6 =	simm.s32 $_tile_overlayer_lowered  }
0x9b: {  	s22 =	simm.s32 $0x1BFF;
	s21 =	sshll.u32 s6, $0x1;
	s3 =	sadd.s32 s4, s19  }
0x9c: {  	s7 =	simm.s32 $0x0;
	s20 =	sshll.u32 s5, $0x1;
	s5 =	sadd.s32 s21, s3  }
0x9d: {  	[timem:s7], [sflag:s22] =	dma.local [hbm:s5], s20  }
0x9e: {  	_ =	swait.ge [sflag:s22], s20  }
0x9f: {  	s4 =	ssub.s32 $0x0, s20;
	[sflag:s22] =	ssyncset.done $0x0  }
0xa0: {  	[sflag:s22] =	ssyncadd.s32 s4;
	_ =	sdelay $0x1  }
0xa1: {  	s23 =	simm.s32 $0x1B8B  }
0xa2: {  	_ =	swait.ge [sflag:s23], $0x1  }
0xa3: {  	[sflag:s23] =	ssyncset.done $0x0  }
0xa4: {  	s25 =	simm.s32 $0x1B8E;
	s24 =	sld [smem:$0x3FFE];
	[sflag:s23] =	ssyncadd.s32 $0xFFFFFFFF  }
0xa5: {  	s26 =	simm.s32 $execute0_lowered;
	[smem:$0x3FD2] =	sst s25  }
0xa6: {  	s5 =	sshll.u32 s26, $0x1;
	_ =	strace $0x8000004C;
	[dreg:$0x1] =	wrdreg $0xFFFFFFFF  }
0xa7: {  	s28 =	simm.s32 $_size_execute0_lowered;
	s3 =	sadd.s32 s3, s5;
	[dreg:$0x0] =	wrdreg $0x0  }
0xa8: {  	s5 =	sshll.u32 s28, $0x1;
	[dreg:$0x2] =	wrdreg s3  }
0xa9: {  	[dreg:$0x3] =	wrdreg s5  }
0xaa: {  	[dreg:$0x4] =	wrdreg $0xC0  }
0xab: {  	_ =	task [dreg:s7], $0x5FFFF  }
0xac: {  	[dreg:$0x1] =	wrdreg $0xFFFFFFFF  }
0xad: {  	[dreg:$0x0] =	wrdreg $0x60  }
0xae: {  	[dreg:$0x2] =	wrdreg s2  }
0xaf: {  	[dreg:$0x3] =	wrdreg s24  }
0xb0: {  	[dreg:$0x4] =	wrdreg $0x9  }
0xb1: {  	_ =	task.clear_ibuf [dreg:s7], $0x5FFFF;
	_ =	strace $0x9000004C  }
0xb2: {  	s29 =	simm.s32 $0x9;
	_ =	strace $0x8000004E  }
0xb3: {  	_ =	swait.ge [sflag:s29], $0x1  }
0xb4: {  	[sflag:s29] =	ssyncadd.s32 $0xFFFFFFFF  }
0xb5: {  	_ =	strace $0x9000004E  }
0xb6: {  	_ =	sfence  }
0xb7: {  	s30 =	sld [smem:$0x0];
	_ =	sdelay $0x2  }
0xb8: {  	s31 =	sshll.u32 s1, $0xD;
	s1 =	sshrl.u32 s1, $0x2  }
0xb9: {  	s3 =	sand.u32 $0x4000, s31;
	s1 =	sadd.s32 s1, s30  }
0xba: {  	s0 =	sor.u32 s3, s0;
	s1 =	sshll.u32 s1, $0x11  }
0xbb: {  	s0 =	sor.u32 s1, s0  }
0xbc: {  	s0 =	sadd.s32 $0x8F2B, s0  }
0xbd: {  	[sflag:s0] =	ssyncadd.remote.s32 $0x1  }
0xbe: {  	_ =	sfence.sel $0xFFFF  }
0xbf: {  	[dreg:$0x0] =	wrdreg $0xFFFFFFFF;
	(pc) =	sbr.abs _section_cstart, $3  }
0xc0: {  	[dreg:$0x1] =	wrdreg $0xFFFFFFFF  }
0xc1: {  	_ =	task.clear_ibuf [dreg:s7], $0x2FFFF;
	_ =	strace $0x9FFFFFFF  }
0xc2: {  	(tm) =	ssettm $0x7FFFFFFF  }
0xc3: {  	_ =	shalt  }
tec
execute0_lowered:
.L_overlay_start_1:
0x0: {  	(tag) =	ssettag $0x1  }
0x1: {  	s1 =	srdreg.scid;
	s0 =	stileid.u32  }
0x2: {  	s11 =	sand.u32 $0x1, s1;
	s26 =	sshll.u32 s0, $0x1  }
0x3: {  	s2 =	rddreg [dreg:$0x0];
	s9 =	sor.u32 s11, s26  }
0x4: {  	s10 =	rddreg [dreg:$0x1];
	s12 =	smul.u32 $0x280, s9  }
0x5: {  	s3 =	simm.s32 $0x0;
	s1 =	rddreg [dreg:$0x2]  }
0x6: {  	[smem:$0x7FF] =	sst s3;
	s13 =	sadd.s32 $0x3E00, s10;
	s4 =	sshrl.u32 s12, $0x3  }
0x7: {  	_ =	strace $0x8000004D;
	s5 =	sadd.s32 s13, s4;
	s4 =	simm.s32 $0x2  }
0x8: {  	[tilespmem:s3], [sflag:$0x2] =	stream.linear.gather [hbm4b:s5+s3], $0x140, $0x38;
	[tilespmem:$0xA180] =	vst v63  }
0x9: {  	_ =	swait.ge [sflag:s4], $0x140  }
0xa: {  	s6 =	simm.s32 $0x140;
	[sflag:s4] =	ssyncset.done $0x0  }
0xb: {  	s7 =	simm.s32 $0x180;
	s8 =	simm.s32 $0x1;
	[sflag:s4] =	ssyncadd.s32 $0xFFFFFEC0  }
0xc: {  	[tilespmem:s7], [sflag:$0x1] =	stream.indirect.gather [hbm4b:s2+s6], $0x80, s3, s6, $0xb8;
	[tilespmem:$0xA180] =	vst v63  }
0xd: {  	s9 =	smul.u32 $0x2800, s9;
	_ =	swait.ge [sflag:s8], $0xA000  }
0xe: {  	s14 =	sadd.s32 $0x4800, s10;
	[sflag:s8] =	ssyncset.done $0x0  }
0xf: {  	s9 =	sadd.s32 s14, s9;
	[sflag:s8] =	ssyncadd.s32 $0xFFFF6000  }
0x10: {  	[hbm4b:s9+s3] =	stream.linear.scatter [tilespmem:s7], [sflag:$0x2], $0xA000, $0x38;
	[tilespmem:$0xA180] =	vst v63  }
0x11: {  	s12 =	sadd.s32 $0x140, s12;
	_ =	swait.ge [sflag:s4], $0xA000  }
0x12: {  	s28 =	sshrl.u32 s12, $0x3;
	[sflag:s4] =	ssyncset.done $0x0  }
0x13: {  	s11 =	ssub.s32 $0x2, s11;
	s10 =	sadd.s32 s13, s28;
	[sflag:s4] =	ssyncadd.s32 $0xFFFF6000  }
0x14: {  	[tilespmem:s3], [sflag:$0x2] =	stream.linear.gather [hbm4b:s10+s3], $0x140, $0x38;
	[tilespmem:$0xA180] =	vst v63  }
0x15: {  	s29 =	sshrl.u32 s11, $0x1;
	_ =	swait.ge [sflag:s4], $0x140  }
0x16: {  	s13 =	ssub.s32 s11, s29;
	[sflag:s4] =	ssyncset.done $0x0  }
0x17: {  	s31 =	smax.u32 s13, $0x1;
	[sflag:s4] =	ssyncadd.s32 $0xFFFFFEC0  }
0x18: {  	[tilespmem:s7], [sflag:$0x1] =	stream.indirect.gather [hbm4b:s2+s6], $0x80, s3, s6, $0xb8;
	[tilespmem:$0xA180] =	vst v63  }
0x19: {  	p0 =	sne.s32 s31, $0x1;
	_ =	swait.ge [sflag:s8], $0xA000  }
.Ltmp0:
0x1a: {  	s30 =	sshll.u32 s12, $0x4;
	[sflag:s8] =	ssyncset.done $0x0;
	(pc) =	sbr.rel @!p0 .LBB2_2-.Ltmp0, $4  }
0x1b: {  	s11 =	sadd.s32 s14, s30;
	[sflag:s8] =	ssyncadd.s32 $0xFFFF6000  }
0x1c: {  	[hbm4b:s11+s3] =	stream.linear.scatter [tilespmem:s7], [sflag:$0x2], $0xA000, $0x38;
	[tilespmem:$0xA180] =	vst v63  }
0x1d: {  	_ =	swait.ge [sflag:s4], $0xA000  }
0x1e: {  	s12 =	sadd.s32 $0xFFFFFFFF, s31;
	[sflag:s4] =	ssyncset.done $0x0  }
.LBB2_1:
0x1f: {  	p0 =	sne.s32 s12, $0x1;
	s12 =	sadd.s32 $0xFFFFFFFF, s12;
	[sflag:s4] =	ssyncadd.s32 $0xFFFF6000  }
0x20: {  	[tilespmem:s3], [sflag:$0x2] =	stream.linear.gather [hbm4b:s5+s3], $0x140, $0x38;
	[tilespmem:$0xA180] =	vst v63  }
0x21: {  	_ =	swait.ge [sflag:s4], $0x140  }
0x22: {  	[sflag:s4] =	ssyncset.done $0x0  }
0x23: {  	[sflag:s4] =	ssyncadd.s32 $0xFFFFFEC0  }
0x24: {  	[tilespmem:s7], [sflag:$0x1] =	stream.indirect.gather [hbm4b:s2+s6], $0x80, s3, s6, $0xb8;
	[tilespmem:$0xA180] =	vst v63  }
0x25: {  	_ =	swait.ge [sflag:s8], $0xA000  }
0x26: {  	[sflag:s8] =	ssyncset.done $0x0  }
0x27: {  	[sflag:s8] =	ssyncadd.s32 $0xFFFF6000  }
0x28: {  	[hbm4b:s9+s3] =	stream.linear.scatter [tilespmem:s7], [sflag:$0x2], $0xA000, $0x38;
	[tilespmem:$0xA180] =	vst v63  }
0x29: {  	_ =	swait.ge [sflag:s4], $0xA000  }
0x2a: {  	[sflag:s4] =	ssyncset.done $0x0  }
0x2b: {  	[sflag:s4] =	ssyncadd.s32 $0xFFFF6000  }
0x2c: {  	[tilespmem:s3], [sflag:$0x2] =	stream.linear.gather [hbm4b:s10+s3], $0x140, $0x38;
	[tilespmem:$0xA180] =	vst v63  }
0x2d: {  	_ =	swait.ge [sflag:s4], $0x140  }
0x2e: {  	[sflag:s4] =	ssyncset.done $0x0  }
0x2f: {  	[sflag:s4] =	ssyncadd.s32 $0xFFFFFEC0  }
0x30: {  	[tilespmem:s7], [sflag:$0x1] =	stream.indirect.gather [hbm4b:s2+s6], $0x80, s3, s6, $0xb8;
	[tilespmem:$0xA180] =	vst v63  }
0x31: {  	_ =	swait.ge [sflag:s8], $0xA000  }
.Ltmp1:
0x32: {  	[sflag:s8] =	ssyncset.done $0x0;
	(pc) =	sbr.rel @p0 .LBB2_1-.Ltmp1, $4  }
0x33: {  	[sflag:s8] =	ssyncadd.s32 $0xFFFF6000  }
0x34: {  	[hbm4b:s11+s3] =	stream.linear.scatter [tilespmem:s7], [sflag:$0x2], $0xA000, $0x38;
	[tilespmem:$0xA180] =	vst v63  }
0x35: {  	_ =	swait.ge [sflag:s4], $0xA000  }
0x36: {  	[sflag:s4] =	ssyncset.done $0x0  }
.LBB2_2:
0x37: {  	[sflag:s4] =	ssyncadd.s32 $0xFFFF6000  }
0x38: {  	_ =	sfence.sel $0x180000  }
0x39: {  	[bflag:$0x0] =	sbarrier.arrive $0xFFFF  }
0x3a: {  	p0 =	sne.s32 s0, $0x0;
	_ =	strace $0x9000004D  }
0x3b: {  	s0 =	sadd.s32 @!p0 $0x100000, s1;
	[bflag:$0x2] =	sbarrier.arrive $0xFFFF  }
0x3c: {  	[sflag:s0] =	ssyncadd.tile.s32 @!p0 $0x1;
	_ =	shalt  }
.Lfunc_end2:
_tile_overlayer_lowered:
.L_overlay_start_2:
0x3d: {  	(tag) =	ssettag $0x2  }
0x3e: {  	s0 =	rddreg [dreg:$0x0];
	s2 =	stileid.u32  }
0x3f: {  	s1 =	rddreg [dreg:$0x1];
	p0 =	sne.s32 s2, $0x0  }
0x40: {  	s3 =	rddreg [dreg:$0x2];
	[bflag:$0x3] =	sbarrier.arrive $0xFFFF;
	s2 =	simm.s32 @!p0 $0x1C02  }
0x41: {  	[timem:s3], [sflag:s2] =	dma.local @!p0 [hbm:s0], s1  }
0x42: {  	s0 =	simm.s32 @!p0 $0x2  }
0x43: {  	_ =	swait.ge @!p0 [sflag:s0], s1  }
0x44: {  	s1 =	ssub.s32 @!p0 $0x0, s1;
	[sflag:s0] =	ssyncset.done @!p0 $0x0  }
0x45: {  	[sflag:s0] =	ssyncadd.s32 @!p0 s1  }
0x46: {  	[bflag:$0x3] =	sbarrier.arrive $0xFFFF  }
0x47: {  	_ =	shalt  }

// kernel: kernel.27.cloned.1.call-start
scs
__scs_entry_jumppad:
0x0: {  	(pc) =	sbr.rel $0x88, $3  }
0x1: {  	(tag) =	ssettag $0x0;
	lr =	simm.s32 $0x1  }
0x2: {  	[smem:$0x3F8E] =	sst lr;
	_ =	strace $0xD0000000  }
0x3: {  	_ = 	snop  }
0x4: {  	_ = 	snop  }
0x5: {  	_ = 	snop  }
0x6: {  	_ = 	snop  }
0x7: {  	_ = 	snop  }
__scs_overlays_trampoline_lowered:
0x8: {  	[smem:$0x3F9D] =	sst s0  }
0x9: {  	[smem:$0x3F9E] =	sst s1  }
0xa: {  	[smem:$0x3F9F] =	sst s2  }
0xb: {  	[smem:$0x3FA0] =	sst s3  }
0xc: {  	[smem:$0x3FA1] =	sst s4  }
0xd: {  	[smem:$0x3FA2] =	sst s5  }
0xe: {  	[smem:$0x3FA3] =	sst s6  }
0xf: {  	[smem:$0x3FA4] =	sst s7  }
0x10: {  	[smem:$0x3FA5] =	sst s8  }
0x11: {  	[smem:$0x3FA6] =	sst s9;
	s0 =	simm.s32 @!p0 $0x0  }
0x12: {  	s1 =	sld [smem:$0x3F8C];
	s0 =	simm.s32 @p0 $0x1  }
0x13: {  	[smem:$0x3FA7] =	sst s0;
	s0 =	simm.s32 @!p1 $0x0  }
0x14: {  	s2 =	sld [smem:$0x3F8B];
	s0 =	simm.s32 @p1 $0x1  }
0x15: {  	[smem:$0x3FA8] =	sst s0;
	s0 =	simm.s32 @!p2 $0x0  }
0x16: {  	s3 =	sld [smem:$0x3FDB];
	s0 =	simm.s32 @p2 $0x1  }
0x17: {  	s4 =	simm.s32 $0x1BF5;
	[smem:$0x3FAA] =	sst s0  }
0x18: {  	s0 =	sld [smem:$0x3F8D];
	_ =	swait.ge [sflag:s4], $0x0  }
0x19: {  	s7 =	sld [smem:$0x3F8E]  }
0x1a: {  	s8 =	sadd.s32 $0xFFFFE003, lr  }
0x1b: {  	s9 =	sadd.s32 $0xFFFFFEF7, lr;
	s5 =	simm.s32 $0xFFFFFFFF;
	p2 =	slt.u32 s8, $0xFFFFF086  }
0x1c: {  	p1 =	slt.u32 s9, $0xF7A;
	s5 =	simm.s32 @!p2 $0x0  }
0x1d: {  	s5 =	simm.s32 @p1 $0x1;
	p0 =	seq.s32 s7, s2  }
0x1e: {  	s7 =	smul.u32 @!p0 $0xF7A, s2;
	p2 =	seq.s32 @!p0 s5, $0x0  }
0x1f: {  	s9 =	smul.u32 $0xF7A, s1;
	s8 =	simm.s32 @!p0 $0x1BF5;
	p2 =	por !p2, p0  }
0x20: {  	[sflag:s8] =	ssyncset.s32 @!p0 $0xFFFFF086;
	s6 =	sadd.s32 @!p0 s3, s7;
	s7 =	simm.s32 @!p0 $0x108  }
0x21: {  	s3 =	sadd.s32 s3, s9;
	s6 =	sadd.s32 @!p0 $0x88, s6;
	s7 =	simm.s32 @p2 $0x1082  }
0x22: {  	[simem:s7], [sflag:s8] =	dma.local @!p0 [hbm:s6], $0xF7A  }
0x23: {  	s9 =	sor.u32 $0xD0000000, s2;
	s6 =	simm.s32 $0x108;
	_ =	swait.ge @!p0 [sflag:s8], $0x0  }
0x24: {  	s3 =	sadd.s32 $0x88, s3;
	s6 =	simm.s32 @!p1 $0x1082;
	[sflag:s4] =	ssyncset.s32 $0xFFFFF086  }
0x25: {  	[simem:s6], [sflag:s4] =	dma.local [hbm:s3], $0xF7A  }
0x26: {  	[smem:$0x3F8E] =	sst s1;
	(tag) =	ssettag s2;
	_ =	strace s9  }
0x27: {  	s1 =	sld [smem:$0x3F9E]  }
0x28: {  	s2 =	sld [smem:$0x3F9F]  }
0x29: {  	s4 =	sld [smem:$0x3FA1]  }
0x2a: {  	p0 =	seq.s32 s5, $0x0;
	s5 =	sld [smem:$0x3FA2]  }
0x2b: {  	s6 =	sld [smem:$0x3FA3]  }
0x2c: {  	s7 =	sld [smem:$0x3FA4]  }
0x2d: {  	s3 =	simm.s32 $0x108;
	s8 =	sld [smem:$0x3FA5]  }
0x2e: {  	s3 =	simm.s32 @!p0 $0x1082;
	s9 =	sld [smem:$0x3FA6]  }
0x2f: {  	lr =	sadd.s32 s0, s3;
	s0 =	sld [smem:$0x3F9D]  }
0x30: {  	s3 =	sld [smem:$0x3FA0]  }
0x31: {  	[smem:$0x3FA9] =	sst s10  }
0x32: {  	s10 =	sld [smem:$0x3FA7];
	_ =	sdelay $0x3  }
0x33: {  	p0 =	seq.s32 s10, $0x1;
	s10 =	sld [smem:$0x3FA9];
	_ =	sdelay $0x3  }
0x34: {  	[smem:$0x3FA9] =	sst s10  }
0x35: {  	s10 =	sld [smem:$0x3FA8];
	_ =	sdelay $0x3  }
0x36: {  	p1 =	seq.s32 s10, $0x1;
	s10 =	sld [smem:$0x3FA9];
	_ =	sdelay $0x3  }
0x37: {  	[smem:$0x3FA9] =	sst s10  }
0x38: {  	s10 =	sld [smem:$0x3FAA]  }
0x39: {  	_ = 	snop;
	(pc) =	sbr.ind lr, $3  }
0x3a: {  	_ = 	snop  }
0x3b: {  	_ = 	snop  }
0x3c: {  	p2 =	seq.s32 s10, $0x1;
	s10 =	sld [smem:$0x3FA9]  }
0x3d: {  	_ =	shalt  }
0x3e: {  	_ =	shalt  }
0x3f: {  	_ =	shalt  }
0x40: {  	_ =	shalt  }
0x41: {  	_ =	shalt  }
0x42: {  	_ =	shalt  }
0x43: {  	_ =	shalt  }
0x44: {  	_ =	shalt  }
0x45: {  	_ =	shalt  }
0x46: {  	_ =	shalt  }
0x47: {  	_ =	shalt  }
0x48: {  	_ =	shalt  }
0x49: {  	_ =	shalt  }
0x4a: {  	_ =	shalt  }
0x4b: {  	_ =	shalt  }
0x4c: {  	_ =	shalt  }
0x4d: {  	_ =	shalt  }
0x4e: {  	_ =	shalt  }
0x4f: {  	_ =	shalt  }
0x50: {  	_ =	shalt  }
0x51: {  	_ =	shalt  }
0x52: {  	_ =	shalt  }
0x53: {  	_ =	shalt  }
0x54: {  	_ =	shalt  }
0x55: {  	_ =	shalt  }
0x56: {  	_ =	shalt  }
0x57: {  	_ =	shalt  }
0x58: {  	_ =	shalt  }
0x59: {  	_ =	shalt  }
0x5a: {  	_ =	shalt  }
0x5b: {  	_ =	shalt  }
0x5c: {  	_ =	shalt  }
0x5d: {  	_ =	shalt  }
0x5e: {  	_ =	shalt  }
0x5f: {  	_ =	shalt  }
0x60: {  	_ =	shalt  }
0x61: {  	_ =	shalt  }
0x62: {  	_ =	shalt  }
0x63: {  	_ =	shalt  }
0x64: {  	_ =	shalt  }
0x65: {  	_ =	shalt  }
0x66: {  	_ =	shalt  }
0x67: {  	_ =	shalt  }
0x68: {  	_ =	shalt  }
0x69: {  	_ =	shalt  }
0x6a: {  	_ =	shalt  }
0x6b: {  	_ =	shalt  }
0x6c: {  	_ =	shalt  }
0x6d: {  	_ =	shalt  }
0x6e: {  	_ =	shalt  }
0x6f: {  	_ =	shalt  }
0x70: {  	_ =	shalt  }
0x71: {  	_ =	shalt  }
0x72: {  	_ =	shalt  }
0x73: {  	_ =	shalt  }
0x74: {  	_ =	shalt  }
0x75: {  	_ =	shalt  }
0x76: {  	_ =	shalt  }
0x77: {  	_ =	shalt  }
0x78: {  	_ =	shalt  }
0x79: {  	_ =	shalt  }
0x7a: {  	_ =	shalt  }
0x7b: {  	_ =	shalt  }
0x7c: {  	_ =	shalt  }
0x7d: {  	_ =	shalt  }
0x7e: {  	_ =	shalt  }
0x7f: {  	_ =	shalt  }
0x80: {  	_ =	shalt  }
0x81: {  	_ =	shalt  }
0x82: {  	_ =	shalt  }
0x83: {  	_ =	shalt  }
0x84: {  	_ =	shalt  }
0x85: {  	_ =	shalt  }
0x86: {  	_ =	shalt  }
0x87: {  	_ =	shalt  }
.Lfunc_end0:
.L_simem_size_0:
called_computation.3_lowered:
.L_overlay_start_0:
0x88: {  	s2 =	sld [smem:$0x3FD9]  }
0x89: {  	s3 =	sld [smem:$0x3FFE];
	_ =	sdelay $0x1  }
0x8a: {  	s1 =	srdreg.scid  }
0x8b: {  	s0 =	sand.u32 $0x1, s1  }
0x8c: {  	s17 =	sshll.u32 s0, $0xA;
	s2 =	sadd.s32 s3, s2  }
0x8d: {  	s2 =	sadd.s32 s2, s17  }
0x8e: {  	[smem:$0x3FB5] =	sst s2  }
0x8f: {  	_ = 	snop  }
0x90: {  	s18 =	sld [smem:$0x3FC6];
	(tm) =	ssettm $0x1  }
0x91: {  	s19 =	sld [smem:$0x3FFB];
	_ =	sdelay $0x3  }
0x92: {  	_ =	strace s19  }
0x93: {  	s2 =	sld [smem:$0x3FFC];
	_ =	sdelay $0x3  }
0x94: {  	_ =	strace s2  }
0x95: {  	s2 =	sld [smem:$0x3FFD];
	_ =	sdelay $0x3  }
0x96: {  	_ =	strace s2  }
0x97: {  	_ =	strace $0x8FFFFFFF  }
0x98: {  	s20 =	sld [smem:$0x3FDB];
	_ =	sdelay $0x1  }
0x99: {  	s4 =	simm.s32 $_scs_section_size  }
0x9a: {  	s5 =	simm.s32 $_size__tile_overlayer_lowered;
	s6 =	simm.s32 $_tile_overlayer_lowered  }
0x9b: {  	s7 =	simm.s32 $0x1BFF;
	s21 =	sshll.u32 s6, $0x1;
	s4 =	sadd.s32 s4, s20  }
0x9c: {  	s22 =	simm.s32 $0x0;
	s5 =	sshll.u32 s5, $0x1;
	s6 =	sadd.s32 s21, s4  }
0x9d: {  	[timem:s22], [sflag:s7] =	dma.local [hbm:s6], s5  }
0x9e: {  	_ =	swait.ge [sflag:s7], s5  }
0x9f: {  	s5 =	ssub.s32 $0x0, s5;
	[sflag:s7] =	ssyncset.done $0x0  }
0xa0: {  	[sflag:s7] =	ssyncadd.s32 s5;
	_ =	sdelay $0x1  }
0xa1: {  	s23 =	simm.s32 $0x1B8B  }
0xa2: {  	_ =	swait.ge [sflag:s23], $0x1  }
0xa3: {  	[sflag:s23] =	ssyncset.done $0x0  }
0xa4: {  	[sflag:s23] =	ssyncadd.s32 $0xFFFFFFFF  }
0xa5: {  	s5 =	sld [smem:$0x0]  }
0xa6: {  	s6 =	sand.u32 $0xFFFFFFFE, s1  }
0xa7: {  	p0 =	sne.s32 s1, s6  }
0xa8: {  	s6 =	sshll.u32 @p0 s6, $0xE  }
0xa9: {  	s6 =	sadd.s32 @p0 $0x11B8D, s6;
	s7 =	sshll.u32 @p0 s5, $0x11  }
0xaa: {  	s6 =	sor.u32 @p0 s7, s6  }
0xab: {  	[sflag:s6] =	ssyncadd.remote.s32 @p0 $0x1;
	_ =	sdelay $0x1  }
0xac: {  	s6 =	simm.s32 @p0 $0x1B8D  }
0xad: {  	_ =	swait.eq @p0 [sflag:s6], $0x1  }
0xae: {  	[sflag:s6] =	ssyncadd.s32 @p0 $0xFFFFFFFF  }
0xaf: {  	s7 =	sshll.u32 @!p0 s1, $0xE  }
0xb0: {  	s7 =	sor.u32 @!p0 $0x4000, s7;
	s6 =	simm.s32 @!p0 $0x1B8D  }
0xb1: {  	s5 =	sshll.u32 @!p0 s5, $0x11;
	s7 =	sadd.s32 @!p0 $0x11B8D, s7;
	_ =	swait.eq @!p0 [sflag:s6], $0x1  }
0xb2: {  	s5 =	sor.u32 @!p0 s5, s7;
	[sflag:s6] =	ssyncadd.s32 @!p0 $0xFFFFFFFF  }
0xb3: {  	s25 =	simm.s32 $0x1B8E;
	s24 =	sld [smem:$0x3FFE];
	[sflag:s5] =	ssyncadd.remote.s32 @!p0 $0x1  }
0xb4: {  	s26 =	simm.s32 $execute0_lowered;
	[smem:$0x3FD2] =	sst s25  }
0xb5: {  	s6 =	sshll.u32 s26, $0x1;
	_ =	strace $0x8000004F;
	[dreg:$0x1] =	wrdreg $0xFFFFFFFF  }
0xb6: {  	s28 =	simm.s32 $_size_execute0_lowered;
	s4 =	sadd.s32 s4, s6;
	[dreg:$0x0] =	wrdreg $0x0  }
0xb7: {  	s6 =	sshll.u32 s28, $0x1;
	[dreg:$0x2] =	wrdreg s4  }
0xb8: {  	[dreg:$0x3] =	wrdreg s6  }
0xb9: {  	[dreg:$0x4] =	wrdreg $0xC0  }
0xba: {  	_ =	task [dreg:s22], $0x5FFFF  }
0xbb: {  	[dreg:$0x1] =	wrdreg $0xFFFFFFFF  }
0xbc: {  	[dreg:$0x0] =	wrdreg $0x60  }
0xbd: {  	[dreg:$0x2] =	wrdreg s18  }
0xbe: {  	[dreg:$0x3] =	wrdreg s24  }
0xbf: {  	[dreg:$0x4] =	wrdreg $0xA  }
0xc0: {  	_ =	task.clear_ibuf [dreg:s22], $0x5FFFF;
	_ =	strace $0x9000004F  }
0xc1: {  	s29 =	simm.s32 $0xA;
	_ =	strace $0x80000051  }
0xc2: {  	_ =	swait.ge [sflag:s29], $0x1  }
0xc3: {  	[sflag:s29] =	ssyncadd.s32 $0xFFFFFFFF  }
0xc4: {  	_ =	strace $0x90000051  }
0xc5: {  	_ =	sfence  }
0xc6: {  	s30 =	sld [smem:$0x0];
	_ =	sdelay $0x2  }
0xc7: {  	s31 =	sshll.u32 s1, $0xD;
	s1 =	sshrl.u32 s1, $0x2  }
0xc8: {  	s4 =	sand.u32 $0x4000, s31;
	s1 =	sadd.s32 s1, s30  }
0xc9: {  	s0 =	sor.u32 s4, s0;
	s1 =	sshll.u32 s1, $0x11  }
0xca: {  	s0 =	sor.u32 s1, s0  }
0xcb: {  	s0 =	sadd.s32 $0x8F2B, s0  }
0xcc: {  	[sflag:s0] =	ssyncadd.remote.s32 $0x1  }
0xcd: {  	_ =	sfence.sel $0xFFFF  }
0xce: {  	[dreg:$0x0] =	wrdreg $0xFFFFFFFF;
	(pc) =	sbr.abs _section_cstart, $3  }
0xcf: {  	[dreg:$0x1] =	wrdreg $0xFFFFFFFF  }
0xd0: {  	_ =	task.clear_ibuf [dreg:s22], $0x2FFFF;
	_ =	strace $0x9FFFFFFF  }
0xd1: {  	(tm) =	ssettm $0x7FFFFFFF  }
tec
execute0_lowered:
.L_overlay_start_1:
0x0: {  	(tag) =	ssettag $0x1  }
0x1: {  	s1 =	srdreg.scid;
	s0 =	stileid.u32  }
0x2: {  	s11 =	sand.u32 $0x1, s1;
	s26 =	sshll.u32 s0, $0x1  }
0x3: {  	s2 =	rddreg [dreg:$0x0];
	s9 =	sor.u32 s11, s26  }
0x4: {  	s10 =	rddreg [dreg:$0x1];
	s12 =	smul.u32 $0x280, s9  }
0x5: {  	s3 =	simm.s32 $0x0;
	s1 =	rddreg [dreg:$0x2]  }
0x6: {  	[smem:$0x7FF] =	sst s3;
	s13 =	sadd.s32 $0x54800, s10;
	s4 =	sshrl.u32 s12, $0x3  }
0x7: {  	_ =	strace $0x80000050;
	s5 =	sadd.s32 s13, s4;
	s4 =	simm.s32 $0x2  }
0x8: {  	[tilespmem:s3], [sflag:$0x2] =	stream.linear.gather [hbm4b:s5+s3], $0x140, $0x38;
	[tilespmem:$0xA180] =	vst v63  }
0x9: {  	_ =	swait.ge [sflag:s4], $0x140  }
0xa: {  	s6 =	simm.s32 $0x140;
	[sflag:s4] =	ssyncset.done $0x0  }
0xb: {  	s7 =	simm.s32 $0x180;
	s8 =	simm.s32 $0x1;
	[sflag:s4] =	ssyncadd.s32 $0xFFFFFEC0  }
0xc: {  	[tilespmem:s7], [sflag:$0x1] =	stream.indirect.gather [hbm4b:s2+s6], $0x80, s3, s6, $0xb8;
	[tilespmem:$0xA180] =	vst v63  }
0xd: {  	s9 =	smul.u32 $0x2800, s9;
	_ =	swait.ge [sflag:s8], $0xA000  }
0xe: {  	s14 =	sadd.s32 $0x55200, s10;
	[sflag:s8] =	ssyncset.done $0x0  }
0xf: {  	s9 =	sadd.s32 s14, s9;
	[sflag:s8] =	ssyncadd.s32 $0xFFFF6000  }
0x10: {  	[hbm4b:s9+s3] =	stream.linear.scatter [tilespmem:s7], [sflag:$0x2], $0xA000, $0x38;
	[tilespmem:$0xA180] =	vst v63  }
0x11: {  	s12 =	sadd.s32 $0x140, s12;
	_ =	swait.ge [sflag:s4], $0xA000  }
0x12: {  	s28 =	sshrl.u32 s12, $0x3;
	[sflag:s4] =	ssyncset.done $0x0  }
0x13: {  	s11 =	ssub.s32 $0x2, s11;
	s10 =	sadd.s32 s13, s28;
	[sflag:s4] =	ssyncadd.s32 $0xFFFF6000  }
0x14: {  	[tilespmem:s3], [sflag:$0x2] =	stream.linear.gather [hbm4b:s10+s3], $0x140, $0x38;
	[tilespmem:$0xA180] =	vst v63  }
0x15: {  	s29 =	sshrl.u32 s11, $0x1;
	_ =	swait.ge [sflag:s4], $0x140  }
0x16: {  	s13 =	ssub.s32 s11, s29;
	[sflag:s4] =	ssyncset.done $0x0  }
0x17: {  	s31 =	smax.u32 s13, $0x1;
	[sflag:s4] =	ssyncadd.s32 $0xFFFFFEC0  }
0x18: {  	[tilespmem:s7], [sflag:$0x1] =	stream.indirect.gather [hbm4b:s2+s6], $0x80, s3, s6, $0xb8;
	[tilespmem:$0xA180] =	vst v63  }
0x19: {  	p0 =	sne.s32 s31, $0x1;
	_ =	swait.ge [sflag:s8], $0xA000  }
.Ltmp0:
0x1a: {  	s30 =	sshll.u32 s12, $0x4;
	[sflag:s8] =	ssyncset.done $0x0;
	(pc) =	sbr.rel @!p0 .LBB2_2-.Ltmp0, $4  }
0x1b: {  	s11 =	sadd.s32 s14, s30;
	[sflag:s8] =	ssyncadd.s32 $0xFFFF6000  }
0x1c: {  	[hbm4b:s11+s3] =	stream.linear.scatter [tilespmem:s7], [sflag:$0x2], $0xA000, $0x38;
	[tilespmem:$0xA180] =	vst v63  }
0x1d: {  	_ =	swait.ge [sflag:s4], $0xA000  }
0x1e: {  	s12 =	sadd.s32 $0xFFFFFFFF, s31;
	[sflag:s4] =	ssyncset.done $0x0  }
.LBB2_1:
0x1f: {  	p0 =	sne.s32 s12, $0x1;
	s12 =	sadd.s32 $0xFFFFFFFF, s12;
	[sflag:s4] =	ssyncadd.s32 $0xFFFF6000  }
0x20: {  	[tilespmem:s3], [sflag:$0x2] =	stream.linear.gather [hbm4b:s5+s3], $0x140, $0x38;
	[tilespmem:$0xA180] =	vst v63  }
0x21: {  	_ =	swait.ge [sflag:s4], $0x140  }
0x22: {  	[sflag:s4] =	ssyncset.done $0x0  }
0x23: {  	[sflag:s4] =	ssyncadd.s32 $0xFFFFFEC0  }
0x24: {  	[tilespmem:s7], [sflag:$0x1] =	stream.indirect.gather [hbm4b:s2+s6], $0x80, s3, s6, $0xb8;
	[tilespmem:$0xA180] =	vst v63  }
0x25: {  	_ =	swait.ge [sflag:s8], $0xA000  }
0x26: {  	[sflag:s8] =	ssyncset.done $0x0  }
0x27: {  	[sflag:s8] =	ssyncadd.s32 $0xFFFF6000  }
0x28: {  	[hbm4b:s9+s3] =	stream.linear.scatter [tilespmem:s7], [sflag:$0x2], $0xA000, $0x38;
	[tilespmem:$0xA180] =	vst v63  }
0x29: {  	_ =	swait.ge [sflag:s4], $0xA000  }
0x2a: {  	[sflag:s4] =	ssyncset.done $0x0  }
0x2b: {  	[sflag:s4] =	ssyncadd.s32 $0xFFFF6000  }
0x2c: {  	[tilespmem:s3], [sflag:$0x2] =	stream.linear.gather [hbm4b:s10+s3], $0x140, $0x38;
	[tilespmem:$0xA180] =	vst v63  }
0x2d: {  	_ =	swait.ge [sflag:s4], $0x140  }
0x2e: {  	[sflag:s4] =	ssyncset.done $0x0  }
0x2f: {  	[sflag:s4] =	ssyncadd.s32 $0xFFFFFEC0  }
0x30: {  	[tilespmem:s7], [sflag:$0x1] =	stream.indirect.gather [hbm4b:s2+s6], $0x80, s3, s6, $0xb8;
	[tilespmem:$0xA180] =	vst v63  }
0x31: {  	_ =	swait.ge [sflag:s8], $0xA000  }
.Ltmp1:
0x32: {  	[sflag:s8] =	ssyncset.done $0x0;
	(pc) =	sbr.rel @p0 .LBB2_1-.Ltmp1, $4  }
0x33: {  	[sflag:s8] =	ssyncadd.s32 $0xFFFF6000  }
0x34: {  	[hbm4b:s11+s3] =	stream.linear.scatter [tilespmem:s7], [sflag:$0x2], $0xA000, $0x38;
	[tilespmem:$0xA180] =	vst v63  }
0x35: {  	_ =	swait.ge [sflag:s4], $0xA000  }
0x36: {  	[sflag:s4] =	ssyncset.done $0x0  }
.LBB2_2:
0x37: {  	[sflag:s4] =	ssyncadd.s32 $0xFFFF6000  }
0x38: {  	_ =	sfence.sel $0x180000  }
0x39: {  	[bflag:$0x0] =	sbarrier.arrive $0xFFFF  }
0x3a: {  	p0 =	sne.s32 s0, $0x0;
	_ =	strace $0x90000050  }
0x3b: {  	s0 =	sadd.s32 @!p0 $0x100000, s1;
	[bflag:$0x2] =	sbarrier.arrive $0xFFFF  }
0x3c: {  	[sflag:s0] =	ssyncadd.tile.s32 @!p0 $0x1;
	_ =	shalt  }
.Lfunc_end2:
_tile_overlayer_lowered:
.L_overlay_start_2:
0x3d: {  	(tag) =	ssettag $0x2  }
0x3e: {  	s0 =	rddreg [dreg:$0x0];
	s2 =	stileid.u32  }
0x3f: {  	s1 =	rddreg [dreg:$0x1];
	p0 =	sne.s32 s2, $0x0  }
0x40: {  	s3 =	rddreg [dreg:$0x2];
	[bflag:$0x3] =	sbarrier.arrive $0xFFFF;
	s2 =	simm.s32 @!p0 $0x1C02  }
0x41: {  	[timem:s3], [sflag:s2] =	dma.local @!p0 [hbm:s0], s1  }
0x42: {  	s0 =	simm.s32 @!p0 $0x2  }
0x43: {  	_ =	swait.ge @!p0 [sflag:s0], s1  }
0x44: {  	s1 =	ssub.s32 @!p0 $0x0, s1;
	[sflag:s0] =	ssyncset.done @!p0 $0x0  }
0x45: {  	[sflag:s0] =	ssyncadd.s32 @!p0 s1  }
0x46: {  	[bflag:$0x3] =	sbarrier.arrive $0xFFFF  }
0x47: {  	_ =	shalt  }

// kernel: kernel.30.cloned.1.call-start
scs
__scs_entry_jumppad:
0x0: {  	(pc) =	sbr.rel $0x88, $3  }
0x1: {  	(tag) =	ssettag $0x0;
	lr =	simm.s32 $0x1  }
0x2: {  	[smem:$0x3F8E] =	sst lr;
	_ =	strace $0xD0000000  }
0x3: {  	_ = 	snop  }
0x4: {  	_ = 	snop  }
0x5: {  	_ = 	snop  }
0x6: {  	_ = 	snop  }
0x7: {  	_ = 	snop  }
__scs_overlays_trampoline_lowered:
0x8: {  	[smem:$0x3F9D] =	sst s0  }
0x9: {  	[smem:$0x3F9E] =	sst s1  }
0xa: {  	[smem:$0x3F9F] =	sst s2  }
0xb: {  	[smem:$0x3FA0] =	sst s3  }
0xc: {  	[smem:$0x3FA1] =	sst s4  }
0xd: {  	[smem:$0x3FA2] =	sst s5  }
0xe: {  	[smem:$0x3FA3] =	sst s6  }
0xf: {  	[smem:$0x3FA4] =	sst s7  }
0x10: {  	[smem:$0x3FA5] =	sst s8  }
0x11: {  	[smem:$0x3FA6] =	sst s9;
	s0 =	simm.s32 @!p0 $0x0  }
0x12: {  	s1 =	sld [smem:$0x3F8C];
	s0 =	simm.s32 @p0 $0x1  }
0x13: {  	[smem:$0x3FA7] =	sst s0;
	s0 =	simm.s32 @!p1 $0x0  }
0x14: {  	s2 =	sld [smem:$0x3F8B];
	s0 =	simm.s32 @p1 $0x1  }
0x15: {  	[smem:$0x3FA8] =	sst s0;
	s0 =	simm.s32 @!p2 $0x0  }
0x16: {  	s3 =	sld [smem:$0x3FDB];
	s0 =	simm.s32 @p2 $0x1  }
0x17: {  	s4 =	simm.s32 $0x1BF5;
	[smem:$0x3FAA] =	sst s0  }
0x18: {  	s0 =	sld [smem:$0x3F8D];
	_ =	swait.ge [sflag:s4], $0x0  }
0x19: {  	s7 =	sld [smem:$0x3F8E]  }
0x1a: {  	s8 =	sadd.s32 $0xFFFFE003, lr  }
0x1b: {  	s9 =	sadd.s32 $0xFFFFFEF7, lr;
	s5 =	simm.s32 $0xFFFFFFFF;
	p2 =	slt.u32 s8, $0xFFFFF086  }
0x1c: {  	p1 =	slt.u32 s9, $0xF7A;
	s5 =	simm.s32 @!p2 $0x0  }
0x1d: {  	s5 =	simm.s32 @p1 $0x1;
	p0 =	seq.s32 s7, s2  }
0x1e: {  	s7 =	smul.u32 @!p0 $0xF7A, s2;
	p2 =	seq.s32 @!p0 s5, $0x0  }
0x1f: {  	s9 =	smul.u32 $0xF7A, s1;
	s8 =	simm.s32 @!p0 $0x1BF5;
	p2 =	por !p2, p0  }
0x20: {  	[sflag:s8] =	ssyncset.s32 @!p0 $0xFFFFF086;
	s6 =	sadd.s32 @!p0 s3, s7;
	s7 =	simm.s32 @!p0 $0x108  }
0x21: {  	s3 =	sadd.s32 s3, s9;
	s6 =	sadd.s32 @!p0 $0x88, s6;
	s7 =	simm.s32 @p2 $0x1082  }
0x22: {  	[simem:s7], [sflag:s8] =	dma.local @!p0 [hbm:s6], $0xF7A  }
0x23: {  	s9 =	sor.u32 $0xD0000000, s2;
	s6 =	simm.s32 $0x108;
	_ =	swait.ge @!p0 [sflag:s8], $0x0  }
0x24: {  	s3 =	sadd.s32 $0x88, s3;
	s6 =	simm.s32 @!p1 $0x1082;
	[sflag:s4] =	ssyncset.s32 $0xFFFFF086  }
0x25: {  	[simem:s6], [sflag:s4] =	dma.local [hbm:s3], $0xF7A  }
0x26: {  	[smem:$0x3F8E] =	sst s1;
	(tag) =	ssettag s2;
	_ =	strace s9  }
0x27: {  	s1 =	sld [smem:$0x3F9E]  }
0x28: {  	s2 =	sld [smem:$0x3F9F]  }
0x29: {  	s4 =	sld [smem:$0x3FA1]  }
0x2a: {  	p0 =	seq.s32 s5, $0x0;
	s5 =	sld [smem:$0x3FA2]  }
0x2b: {  	s6 =	sld [smem:$0x3FA3]  }
0x2c: {  	s7 =	sld [smem:$0x3FA4]  }
0x2d: {  	s3 =	simm.s32 $0x108;
	s8 =	sld [smem:$0x3FA5]  }
0x2e: {  	s3 =	simm.s32 @!p0 $0x1082;
	s9 =	sld [smem:$0x3FA6]  }
0x2f: {  	lr =	sadd.s32 s0, s3;
	s0 =	sld [smem:$0x3F9D]  }
0x30: {  	s3 =	sld [smem:$0x3FA0]  }
0x31: {  	[smem:$0x3FA9] =	sst s10  }
0x32: {  	s10 =	sld [smem:$0x3FA7];
	_ =	sdelay $0x3  }
0x33: {  	p0 =	seq.s32 s10, $0x1;
	s10 =	sld [smem:$0x3FA9];
	_ =	sdelay $0x3  }
0x34: {  	[smem:$0x3FA9] =	sst s10  }
0x35: {  	s10 =	sld [smem:$0x3FA8];
	_ =	sdelay $0x3  }
0x36: {  	p1 =	seq.s32 s10, $0x1;
	s10 =	sld [smem:$0x3FA9];
	_ =	sdelay $0x3  }
0x37: {  	[smem:$0x3FA9] =	sst s10  }
0x38: {  	s10 =	sld [smem:$0x3FAA]  }
0x39: {  	_ = 	snop;
	(pc) =	sbr.ind lr, $3  }
0x3a: {  	_ = 	snop  }
0x3b: {  	_ = 	snop  }
0x3c: {  	p2 =	seq.s32 s10, $0x1;
	s10 =	sld [smem:$0x3FA9]  }
0x3d: {  	_ =	shalt  }
0x3e: {  	_ =	shalt  }
0x3f: {  	_ =	shalt  }
0x40: {  	_ =	shalt  }
0x41: {  	_ =	shalt  }
0x42: {  	_ =	shalt  }
0x43: {  	_ =	shalt  }
0x44: {  	_ =	shalt  }
0x45: {  	_ =	shalt  }
0x46: {  	_ =	shalt  }
0x47: {  	_ =	shalt  }
0x48: {  	_ =	shalt  }
0x49: {  	_ =	shalt  }
0x4a: {  	_ =	shalt  }
0x4b: {  	_ =	shalt  }
0x4c: {  	_ =	shalt  }
0x4d: {  	_ =	shalt  }
0x4e: {  	_ =	shalt  }
0x4f: {  	_ =	shalt  }
0x50: {  	_ =	shalt  }
0x51: {  	_ =	shalt  }
0x52: {  	_ =	shalt  }
0x53: {  	_ =	shalt  }
0x54: {  	_ =	shalt  }
0x55: {  	_ =	shalt  }
0x56: {  	_ =	shalt  }
0x57: {  	_ =	shalt  }
0x58: {  	_ =	shalt  }
0x59: {  	_ =	shalt  }
0x5a: {  	_ =	shalt  }
0x5b: {  	_ =	shalt  }
0x5c: {  	_ =	shalt  }
0x5d: {  	_ =	shalt  }
0x5e: {  	_ =	shalt  }
0x5f: {  	_ =	shalt  }
0x60: {  	_ =	shalt  }
0x61: {  	_ =	shalt  }
0x62: {  	_ =	shalt  }
0x63: {  	_ =	shalt  }
0x64: {  	_ =	shalt  }
0x65: {  	_ =	shalt  }
0x66: {  	_ =	shalt  }
0x67: {  	_ =	shalt  }
0x68: {  	_ =	shalt  }
0x69: {  	_ =	shalt  }
0x6a: {  	_ =	shalt  }
0x6b: {  	_ =	shalt  }
0x6c: {  	_ =	shalt  }
0x6d: {  	_ =	shalt  }
0x6e: {  	_ =	shalt  }
0x6f: {  	_ =	shalt  }
0x70: {  	_ =	shalt  }
0x71: {  	_ =	shalt  }
0x72: {  	_ =	shalt  }
0x73: {  	_ =	shalt  }
0x74: {  	_ =	shalt  }
0x75: {  	_ =	shalt  }
0x76: {  	_ =	shalt  }
0x77: {  	_ =	shalt  }
0x78: {  	_ =	shalt  }
0x79: {  	_ =	shalt  }
0x7a: {  	_ =	shalt  }
0x7b: {  	_ =	shalt  }
0x7c: {  	_ =	shalt  }
0x7d: {  	_ =	shalt  }
0x7e: {  	_ =	shalt  }
0x7f: {  	_ =	shalt  }
0x80: {  	_ =	shalt  }
0x81: {  	_ =	shalt  }
0x82: {  	_ =	shalt  }
0x83: {  	_ =	shalt  }
0x84: {  	_ =	shalt  }
0x85: {  	_ =	shalt  }
0x86: {  	_ =	shalt  }
0x87: {  	_ =	shalt  }
.Lfunc_end0:
.L_simem_size_0:
called_computation.4_lowered:
.L_overlay_start_0:
0x88: {  	s2 =	sld [smem:$0x3FD9]  }
0x89: {  	s3 =	sld [smem:$0x3FFE];
	_ =	sdelay $0x1  }
0x8a: {  	s1 =	srdreg.scid  }
0x8b: {  	s0 =	sand.u32 $0x1, s1  }
0x8c: {  	s17 =	sshll.u32 s0, $0xA;
	s2 =	sadd.s32 s3, s2  }
0x8d: {  	s2 =	sadd.s32 s2, s17  }
0x8e: {  	[smem:$0x3FB5] =	sst s2  }
0x8f: {  	_ = 	snop  }
0x90: {  	s18 =	sld [smem:$0x3FC6];
	(tm) =	ssettm $0x1  }
0x91: {  	s19 =	sld [smem:$0x3FFB];
	_ =	sdelay $0x3  }
0x92: {  	_ =	strace s19  }
0x93: {  	s2 =	sld [smem:$0x3FFC];
	_ =	sdelay $0x3  }
0x94: {  	_ =	strace s2  }
0x95: {  	s2 =	sld [smem:$0x3FFD];
	_ =	sdelay $0x3  }
0x96: {  	_ =	strace s2  }
0x97: {  	_ =	strace $0x8FFFFFFF  }
0x98: {  	s20 =	sld [smem:$0x3FDB];
	_ =	sdelay $0x1  }
0x99: {  	s4 =	simm.s32 $_scs_section_size  }
0x9a: {  	s5 =	simm.s32 $_size__tile_overlayer_lowered;
	s6 =	simm.s32 $_tile_overlayer_lowered  }
0x9b: {  	s7 =	simm.s32 $0x1BFF;
	s21 =	sshll.u32 s6, $0x1;
	s4 =	sadd.s32 s4, s20  }
0x9c: {  	s22 =	simm.s32 $0x0;
	s5 =	sshll.u32 s5, $0x1;
	s6 =	sadd.s32 s21, s4  }
0x9d: {  	[timem:s22], [sflag:s7] =	dma.local [hbm:s6], s5  }
0x9e: {  	_ =	swait.ge [sflag:s7], s5  }
0x9f: {  	s5 =	ssub.s32 $0x0, s5;
	[sflag:s7] =	ssyncset.done $0x0  }
0xa0: {  	[sflag:s7] =	ssyncadd.s32 s5;
	_ =	sdelay $0x1  }
0xa1: {  	s23 =	simm.s32 $0x1B8B  }
0xa2: {  	_ =	swait.ge [sflag:s23], $0x1  }
0xa3: {  	[sflag:s23] =	ssyncset.done $0x0  }
0xa4: {  	[sflag:s23] =	ssyncadd.s32 $0xFFFFFFFF  }
0xa5: {  	s5 =	sld [smem:$0x0]  }
0xa6: {  	s6 =	sand.u32 $0xFFFFFFFE, s1  }
0xa7: {  	p0 =	sne.s32 s1, s6  }
0xa8: {  	s6 =	sshll.u32 @p0 s6, $0xE  }
0xa9: {  	s6 =	sadd.s32 @p0 $0x11B8D, s6;
	s7 =	sshll.u32 @p0 s5, $0x11  }
0xaa: {  	s6 =	sor.u32 @p0 s7, s6  }
0xab: {  	[sflag:s6] =	ssyncadd.remote.s32 @p0 $0x1;
	_ =	sdelay $0x1  }
0xac: {  	s6 =	simm.s32 @p0 $0x1B8D  }
0xad: {  	_ =	swait.eq @p0 [sflag:s6], $0x1  }
0xae: {  	[sflag:s6] =	ssyncadd.s32 @p0 $0xFFFFFFFF  }
0xaf: {  	s7 =	sshll.u32 @!p0 s1, $0xE  }
0xb0: {  	s7 =	sor.u32 @!p0 $0x4000, s7;
	s6 =	simm.s32 @!p0 $0x1B8D  }
0xb1: {  	s5 =	sshll.u32 @!p0 s5, $0x11;
	s7 =	sadd.s32 @!p0 $0x11B8D, s7;
	_ =	swait.eq @!p0 [sflag:s6], $0x1  }
0xb2: {  	s5 =	sor.u32 @!p0 s5, s7;
	[sflag:s6] =	ssyncadd.s32 @!p0 $0xFFFFFFFF  }
0xb3: {  	s25 =	simm.s32 $0x1B8E;
	s24 =	sld [smem:$0x3FFE];
	[sflag:s5] =	ssyncadd.remote.s32 @!p0 $0x1  }
0xb4: {  	s26 =	simm.s32 $execute0_lowered;
	[smem:$0x3FD2] =	sst s25  }
0xb5: {  	s6 =	sshll.u32 s26, $0x1;
	_ =	strace $0x80000052;
	[dreg:$0x1] =	wrdreg $0xFFFFFFFF  }
0xb6: {  	s28 =	simm.s32 $_size_execute0_lowered;
	s4 =	sadd.s32 s4, s6;
	[dreg:$0x0] =	wrdreg $0x0  }
0xb7: {  	s6 =	sshll.u32 s28, $0x1;
	[dreg:$0x2] =	wrdreg s4  }
0xb8: {  	[dreg:$0x3] =	wrdreg s6  }
0xb9: {  	[dreg:$0x4] =	wrdreg $0xC0  }
0xba: {  	_ =	task [dreg:s22], $0x5FFFF  }
0xbb: {  	[dreg:$0x1] =	wrdreg $0xFFFFFFFF  }
0xbc: {  	[dreg:$0x0] =	wrdreg $0x60  }
0xbd: {  	[dreg:$0x2] =	wrdreg s18  }
0xbe: {  	[dreg:$0x3] =	wrdreg s24  }
0xbf: {  	[dreg:$0x4] =	wrdreg $0xB  }
0xc0: {  	_ =	task.clear_ibuf [dreg:s22], $0x5FFFF;
	_ =	strace $0x90000052  }
0xc1: {  	s29 =	simm.s32 $0xB;
	_ =	strace $0x80000054  }
0xc2: {  	_ =	swait.ge [sflag:s29], $0x1  }
0xc3: {  	[sflag:s29] =	ssyncadd.s32 $0xFFFFFFFF  }
0xc4: {  	_ =	strace $0x90000054  }
0xc5: {  	_ =	sfence  }
0xc6: {  	s30 =	sld [smem:$0x0];
	_ =	sdelay $0x2  }
0xc7: {  	s31 =	sshll.u32 s1, $0xD;
	s1 =	sshrl.u32 s1, $0x2  }
0xc8: {  	s4 =	sand.u32 $0x4000, s31;
	s1 =	sadd.s32 s1, s30  }
0xc9: {  	s0 =	sor.u32 s4, s0;
	s1 =	sshll.u32 s1, $0x11  }
0xca: {  	s0 =	sor.u32 s1, s0  }
0xcb: {  	s0 =	sadd.s32 $0x8F2B, s0  }
0xcc: {  	[sflag:s0] =	ssyncadd.remote.s32 $0x1  }
0xcd: {  	_ =	sfence.sel $0xFFFF  }
0xce: {  	[dreg:$0x0] =	wrdreg $0xFFFFFFFF;
	(pc) =	sbr.abs _section_cstart, $3  }
0xcf: {  	[dreg:$0x1] =	wrdreg $0xFFFFFFFF  }
0xd0: {  	_ =	task.clear_ibuf [dreg:s22], $0x2FFFF;
	_ =	strace $0x9FFFFFFF  }
0xd1: {  	(tm) =	ssettm $0x7FFFFFFF  }
tec
execute0_lowered:
.L_overlay_start_1:
0x0: {  	(tag) =	ssettag $0x1  }
0x1: {  	s1 =	srdreg.scid;
	s0 =	stileid.u32  }
0x2: {  	s11 =	sand.u32 $0x1, s1;
	s26 =	sshll.u32 s0, $0x1  }
0x3: {  	s2 =	rddreg [dreg:$0x0];
	s9 =	sor.u32 s11, s26  }
0x4: {  	s10 =	rddreg [dreg:$0x1];
	s12 =	smul.u32 $0x280, s9  }
0x5: {  	s3 =	simm.s32 $0x0;
	s1 =	rddreg [dreg:$0x2]  }
0x6: {  	[smem:$0x7FF] =	sst s3;
	s13 =	sadd.s32 $0xA5200, s10;
	s4 =	sshrl.u32 s12, $0x3  }
0x7: {  	_ =	strace $0x80000053;
	s5 =	sadd.s32 s13, s4;
	s4 =	simm.s32 $0x2  }
0x8: {  	[tilespmem:s3], [sflag:$0x2] =	stream.linear.gather [hbm4b:s5+s3], $0x140, $0x38;
	[tilespmem:$0xA180] =	vst v63  }
0x9: {  	_ =	swait.ge [sflag:s4], $0x140  }
0xa: {  	s6 =	simm.s32 $0x140;
	[sflag:s4] =	ssyncset.done $0x0  }
0xb: {  	s7 =	simm.s32 $0x180;
	s8 =	simm.s32 $0x1;
	[sflag:s4] =	ssyncadd.s32 $0xFFFFFEC0  }
0xc: {  	[tilespmem:s7], [sflag:$0x1] =	stream.indirect.gather [hbm4b:s2+s6], $0x80, s3, s6, $0xb8;
	[tilespmem:$0xA180] =	vst v63  }
0xd: {  	s9 =	smul.u32 $0x2800, s9;
	_ =	swait.ge [sflag:s8], $0xA000  }
0xe: {  	s14 =	sadd.s32 $0xA5C00, s10;
	[sflag:s8] =	ssyncset.done $0x0  }
0xf: {  	s9 =	sadd.s32 s14, s9;
	[sflag:s8] =	ssyncadd.s32 $0xFFFF6000  }
0x10: {  	[hbm4b:s9+s3] =	stream.linear.scatter [tilespmem:s7], [sflag:$0x2], $0xA000, $0x38;
	[tilespmem:$0xA180] =	vst v63  }
0x11: {  	s12 =	sadd.s32 $0x140, s12;
	_ =	swait.ge [sflag:s4], $0xA000  }
0x12: {  	s28 =	sshrl.u32 s12, $0x3;
	[sflag:s4] =	ssyncset.done $0x0  }
0x13: {  	s11 =	ssub.s32 $0x2, s11;
	s10 =	sadd.s32 s13, s28;
	[sflag:s4] =	ssyncadd.s32 $0xFFFF6000  }
0x14: {  	[tilespmem:s3], [sflag:$0x2] =	stream.linear.gather [hbm4b:s10+s3], $0x140, $0x38;
	[tilespmem:$0xA180] =	vst v63  }
0x15: {  	s29 =	sshrl.u32 s11, $0x1;
	_ =	swait.ge [sflag:s4], $0x140  }
0x16: {  	s13 =	ssub.s32 s11, s29;
	[sflag:s4] =	ssyncset.done $0x0  }
0x17: {  	s31 =	smax.u32 s13, $0x1;
	[sflag:s4] =	ssyncadd.s32 $0xFFFFFEC0  }
0x18: {  	[tilespmem:s7], [sflag:$0x1] =	stream.indirect.gather [hbm4b:s2+s6], $0x80, s3, s6, $0xb8;
	[tilespmem:$0xA180] =	vst v63  }
0x19: {  	p0 =	sne.s32 s31, $0x1;
	_ =	swait.ge [sflag:s8], $0xA000  }
.Ltmp0:
0x1a: {  	s30 =	sshll.u32 s12, $0x4;
	[sflag:s8] =	ssyncset.done $0x0;
	(pc) =	sbr.rel @!p0 .LBB2_2-.Ltmp0, $4  }
0x1b: {  	s11 =	sadd.s32 s14, s30;
	[sflag:s8] =	ssyncadd.s32 $0xFFFF6000  }
0x1c: {  	[hbm4b:s11+s3] =	stream.linear.scatter [tilespmem:s7], [sflag:$0x2], $0xA000, $0x38;
	[tilespmem:$0xA180] =	vst v63  }
0x1d: {  	_ =	swait.ge [sflag:s4], $0xA000  }
0x1e: {  	s12 =	sadd.s32 $0xFFFFFFFF, s31;
	[sflag:s4] =	ssyncset.done $0x0  }
.LBB2_1:
0x1f: {  	p0 =	sne.s32 s12, $0x1;
	s12 =	sadd.s32 $0xFFFFFFFF, s12;
	[sflag:s4] =	ssyncadd.s32 $0xFFFF6000  }
0x20: {  	[tilespmem:s3], [sflag:$0x2] =	stream.linear.gather [hbm4b:s5+s3], $0x140, $0x38;
	[tilespmem:$0xA180] =	vst v63  }
0x21: {  	_ =	swait.ge [sflag:s4], $0x140  }
0x22: {  	[sflag:s4] =	ssyncset.done $0x0  }
0x23: {  	[sflag:s4] =	ssyncadd.s32 $0xFFFFFEC0  }
0x24: {  	[tilespmem:s7], [sflag:$0x1] =	stream.indirect.gather [hbm4b:s2+s6], $0x80, s3, s6, $0xb8;
	[tilespmem:$0xA180] =	vst v63  }
0x25: {  	_ =	swait.ge [sflag:s8], $0xA000  }
0x26: {  	[sflag:s8] =	ssyncset.done $0x0  }
0x27: {  	[sflag:s8] =	ssyncadd.s32 $0xFFFF6000  }
0x28: {  	[hbm4b:s9+s3] =	stream.linear.scatter [tilespmem:s7], [sflag:$0x2], $0xA000, $0x38;
	[tilespmem:$0xA180] =	vst v63  }
0x29: {  	_ =	swait.ge [sflag:s4], $0xA000  }
0x2a: {  	[sflag:s4] =	ssyncset.done $0x0  }
0x2b: {  	[sflag:s4] =	ssyncadd.s32 $0xFFFF6000  }
0x2c: {  	[tilespmem:s3], [sflag:$0x2] =	stream.linear.gather [hbm4b:s10+s3], $0x140, $0x38;
	[tilespmem:$0xA180] =	vst v63  }
0x2d: {  	_ =	swait.ge [sflag:s4], $0x140  }
0x2e: {  	[sflag:s4] =	ssyncset.done $0x0  }
0x2f: {  	[sflag:s4] =	ssyncadd.s32 $0xFFFFFEC0  }
0x30: {  	[tilespmem:s7], [sflag:$0x1] =	stream.indirect.gather [hbm4b:s2+s6], $0x80, s3, s6, $0xb8;
	[tilespmem:$0xA180] =	vst v63  }
0x31: {  	_ =	swait.ge [sflag:s8], $0xA000  }
.Ltmp1:
0x32: {  	[sflag:s8] =	ssyncset.done $0x0;
	(pc) =	sbr.rel @p0 .LBB2_1-.Ltmp1, $4  }
0x33: {  	[sflag:s8] =	ssyncadd.s32 $0xFFFF6000  }
0x34: {  	[hbm4b:s11+s3] =	stream.linear.scatter [tilespmem:s7], [sflag:$0x2], $0xA000, $0x38;
	[tilespmem:$0xA180] =	vst v63  }
0x35: {  	_ =	swait.ge [sflag:s4], $0xA000  }
0x36: {  	[sflag:s4] =	ssyncset.done $0x0  }
.LBB2_2:
0x37: {  	[sflag:s4] =	ssyncadd.s32 $0xFFFF6000  }
0x38: {  	_ =	sfence.sel $0x180000  }
0x39: {  	[bflag:$0x0] =	sbarrier.arrive $0xFFFF  }
0x3a: {  	p0 =	sne.s32 s0, $0x0;
	_ =	strace $0x90000053  }
0x3b: {  	s0 =	sadd.s32 @!p0 $0x100000, s1;
	[bflag:$0x2] =	sbarrier.arrive $0xFFFF  }
0x3c: {  	[sflag:s0] =	ssyncadd.tile.s32 @!p0 $0x1;
	_ =	shalt  }
.Lfunc_end2:
_tile_overlayer_lowered:
.L_overlay_start_2:
0x3d: {  	(tag) =	ssettag $0x2  }
0x3e: {  	s0 =	rddreg [dreg:$0x0];
	s2 =	stileid.u32  }
0x3f: {  	s1 =	rddreg [dreg:$0x1];
	p0 =	sne.s32 s2, $0x0  }
0x40: {  	s3 =	rddreg [dreg:$0x2];
	[bflag:$0x3] =	sbarrier.arrive $0xFFFF;
	s2 =	simm.s32 @!p0 $0x1C02  }
0x41: {  	[timem:s3], [sflag:s2] =	dma.local @!p0 [hbm:s0], s1  }
0x42: {  	s0 =	simm.s32 @!p0 $0x2  }
0x43: {  	_ =	swait.ge @!p0 [sflag:s0], s1  }
0x44: {  	s1 =	ssub.s32 @!p0 $0x0, s1;
	[sflag:s0] =	ssyncset.done @!p0 $0x0  }
0x45: {  	[sflag:s0] =	ssyncadd.s32 @!p0 s1  }
0x46: {  	[bflag:$0x3] =	sbarrier.arrive $0xFFFF  }
0x47: {  	_ =	shalt  }

// kernel: kernel.33.cloned.1.call-start
scs
__scs_entry_jumppad:
0x0: {  	(pc) =	sbr.rel $0x88, $3  }
0x1: {  	(tag) =	ssettag $0x0;
	lr =	simm.s32 $0x1  }
0x2: {  	[smem:$0x3F8E] =	sst lr;
	_ =	strace $0xD0000000  }
0x3: {  	_ = 	snop  }
0x4: {  	_ = 	snop  }
0x5: {  	_ = 	snop  }
0x6: {  	_ = 	snop  }
0x7: {  	_ = 	snop  }
__scs_overlays_trampoline_lowered:
0x8: {  	[smem:$0x3F9D] =	sst s0  }
0x9: {  	[smem:$0x3F9E] =	sst s1  }
0xa: {  	[smem:$0x3F9F] =	sst s2  }
0xb: {  	[smem:$0x3FA0] =	sst s3  }
0xc: {  	[smem:$0x3FA1] =	sst s4  }
0xd: {  	[smem:$0x3FA2] =	sst s5  }
0xe: {  	[smem:$0x3FA3] =	sst s6  }
0xf: {  	[smem:$0x3FA4] =	sst s7  }
0x10: {  	[smem:$0x3FA5] =	sst s8  }
0x11: {  	[smem:$0x3FA6] =	sst s9;
	s0 =	simm.s32 @!p0 $0x0  }
0x12: {  	s1 =	sld [smem:$0x3F8C];
	s0 =	simm.s32 @p0 $0x1  }
0x13: {  	[smem:$0x3FA7] =	sst s0;
	s0 =	simm.s32 @!p1 $0x0  }
0x14: {  	s2 =	sld [smem:$0x3F8B];
	s0 =	simm.s32 @p1 $0x1  }
0x15: {  	[smem:$0x3FA8] =	sst s0;
	s0 =	simm.s32 @!p2 $0x0  }
0x16: {  	s3 =	sld [smem:$0x3FDB];
	s0 =	simm.s32 @p2 $0x1  }
0x17: {  	s4 =	simm.s32 $0x1BF5;
	[smem:$0x3FAA] =	sst s0  }
0x18: {  	s0 =	sld [smem:$0x3F8D];
	_ =	swait.ge [sflag:s4], $0x0  }
0x19: {  	s7 =	sld [smem:$0x3F8E]  }
0x1a: {  	s8 =	sadd.s32 $0xFFFFE003, lr  }
0x1b: {  	s9 =	sadd.s32 $0xFFFFFEF7, lr;
	s5 =	simm.s32 $0xFFFFFFFF;
	p2 =	slt.u32 s8, $0xFFFFF086  }
0x1c: {  	p1 =	slt.u32 s9, $0xF7A;
	s5 =	simm.s32 @!p2 $0x0  }
0x1d: {  	s5 =	simm.s32 @p1 $0x1;
	p0 =	seq.s32 s7, s2  }
0x1e: {  	s7 =	smul.u32 @!p0 $0xF7A, s2;
	p2 =	seq.s32 @!p0 s5, $0x0  }
0x1f: {  	s9 =	smul.u32 $0xF7A, s1;
	s8 =	simm.s32 @!p0 $0x1BF5;
	p2 =	por !p2, p0  }
0x20: {  	[sflag:s8] =	ssyncset.s32 @!p0 $0xFFFFF086;
	s6 =	sadd.s32 @!p0 s3, s7;
	s7 =	simm.s32 @!p0 $0x108  }
0x21: {  	s3 =	sadd.s32 s3, s9;
	s6 =	sadd.s32 @!p0 $0x88, s6;
	s7 =	simm.s32 @p2 $0x1082  }
0x22: {  	[simem:s7], [sflag:s8] =	dma.local @!p0 [hbm:s6], $0xF7A  }
0x23: {  	s9 =	sor.u32 $0xD0000000, s2;
	s6 =	simm.s32 $0x108;
	_ =	swait.ge @!p0 [sflag:s8], $0x0  }
0x24: {  	s3 =	sadd.s32 $0x88, s3;
	s6 =	simm.s32 @!p1 $0x1082;
	[sflag:s4] =	ssyncset.s32 $0xFFFFF086  }
0x25: {  	[simem:s6], [sflag:s4] =	dma.local [hbm:s3], $0xF7A  }
0x26: {  	[smem:$0x3F8E] =	sst s1;
	(tag) =	ssettag s2;
	_ =	strace s9  }
0x27: {  	s1 =	sld [smem:$0x3F9E]  }
0x28: {  	s2 =	sld [smem:$0x3F9F]  }
0x29: {  	s4 =	sld [smem:$0x3FA1]  }
0x2a: {  	p0 =	seq.s32 s5, $0x0;
	s5 =	sld [smem:$0x3FA2]  }
0x2b: {  	s6 =	sld [smem:$0x3FA3]  }
0x2c: {  	s7 =	sld [smem:$0x3FA4]  }
0x2d: {  	s3 =	simm.s32 $0x108;
	s8 =	sld [smem:$0x3FA5]  }
0x2e: {  	s3 =	simm.s32 @!p0 $0x1082;
	s9 =	sld [smem:$0x3FA6]  }
0x2f: {  	lr =	sadd.s32 s0, s3;
	s0 =	sld [smem:$0x3F9D]  }
0x30: {  	s3 =	sld [smem:$0x3FA0]  }
0x31: {  	[smem:$0x3FA9] =	sst s10  }
0x32: {  	s10 =	sld [smem:$0x3FA7];
	_ =	sdelay $0x3  }
0x33: {  	p0 =	seq.s32 s10, $0x1;
	s10 =	sld [smem:$0x3FA9];
	_ =	sdelay $0x3  }
0x34: {  	[smem:$0x3FA9] =	sst s10  }
0x35: {  	s10 =	sld [smem:$0x3FA8];
	_ =	sdelay $0x3  }
0x36: {  	p1 =	seq.s32 s10, $0x1;
	s10 =	sld [smem:$0x3FA9];
	_ =	sdelay $0x3  }
0x37: {  	[smem:$0x3FA9] =	sst s10  }
0x38: {  	s10 =	sld [smem:$0x3FAA]  }
0x39: {  	_ = 	snop;
	(pc) =	sbr.ind lr, $3  }
0x3a: {  	_ = 	snop  }
0x3b: {  	_ = 	snop  }
0x3c: {  	p2 =	seq.s32 s10, $0x1;
	s10 =	sld [smem:$0x3FA9]  }
0x3d: {  	_ =	shalt  }
0x3e: {  	_ =	shalt  }
0x3f: {  	_ =	shalt  }
0x40: {  	_ =	shalt  }
0x41: {  	_ =	shalt  }
0x42: {  	_ =	shalt  }
0x43: {  	_ =	shalt  }
0x44: {  	_ =	shalt  }
0x45: {  	_ =	shalt  }
0x46: {  	_ =	shalt  }
0x47: {  	_ =	shalt  }
0x48: {  	_ =	shalt  }
0x49: {  	_ =	shalt  }
0x4a: {  	_ =	shalt  }
0x4b: {  	_ =	shalt  }
0x4c: {  	_ =	shalt  }
0x4d: {  	_ =	shalt  }
0x4e: {  	_ =	shalt  }
0x4f: {  	_ =	shalt  }
0x50: {  	_ =	shalt  }
0x51: {  	_ =	shalt  }
0x52: {  	_ =	shalt  }
0x53: {  	_ =	shalt  }
0x54: {  	_ =	shalt  }
0x55: {  	_ =	shalt  }
0x56: {  	_ =	shalt  }
0x57: {  	_ =	shalt  }
0x58: {  	_ =	shalt  }
0x59: {  	_ =	shalt  }
0x5a: {  	_ =	shalt  }
0x5b: {  	_ =	shalt  }
0x5c: {  	_ =	shalt  }
0x5d: {  	_ =	shalt  }
0x5e: {  	_ =	shalt  }
0x5f: {  	_ =	shalt  }
0x60: {  	_ =	shalt  }
0x61: {  	_ =	shalt  }
0x62: {  	_ =	shalt  }
0x63: {  	_ =	shalt  }
0x64: {  	_ =	shalt  }
0x65: {  	_ =	shalt  }
0x66: {  	_ =	shalt  }
0x67: {  	_ =	shalt  }
0x68: {  	_ =	shalt  }
0x69: {  	_ =	shalt  }
0x6a: {  	_ =	shalt  }
0x6b: {  	_ =	shalt  }
0x6c: {  	_ =	shalt  }
0x6d: {  	_ =	shalt  }
0x6e: {  	_ =	shalt  }
0x6f: {  	_ =	shalt  }
0x70: {  	_ =	shalt  }
0x71: {  	_ =	shalt  }
0x72: {  	_ =	shalt  }
0x73: {  	_ =	shalt  }
0x74: {  	_ =	shalt  }
0x75: {  	_ =	shalt  }
0x76: {  	_ =	shalt  }
0x77: {  	_ =	shalt  }
0x78: {  	_ =	shalt  }
0x79: {  	_ =	shalt  }
0x7a: {  	_ =	shalt  }
0x7b: {  	_ =	shalt  }
0x7c: {  	_ =	shalt  }
0x7d: {  	_ =	shalt  }
0x7e: {  	_ =	shalt  }
0x7f: {  	_ =	shalt  }
0x80: {  	_ =	shalt  }
0x81: {  	_ =	shalt  }
0x82: {  	_ =	shalt  }
0x83: {  	_ =	shalt  }
0x84: {  	_ =	shalt  }
0x85: {  	_ =	shalt  }
0x86: {  	_ =	shalt  }
0x87: {  	_ =	shalt  }
.Lfunc_end0:
.L_simem_size_0:
called_computation.5_lowered:
.L_overlay_start_0:
0x88: {  	s2 =	sld [smem:$0x3FD9]  }
0x89: {  	s3 =	sld [smem:$0x3FFE];
	_ =	sdelay $0x1  }
0x8a: {  	s1 =	srdreg.scid  }
0x8b: {  	s0 =	sand.u32 $0x1, s1  }
0x8c: {  	s17 =	sshll.u32 s0, $0xA;
	s2 =	sadd.s32 s3, s2  }
0x8d: {  	s2 =	sadd.s32 s2, s17  }
0x8e: {  	[smem:$0x3FB5] =	sst s2  }
0x8f: {  	_ = 	snop  }
0x90: {  	s18 =	sld [smem:$0x3FC6];
	(tm) =	ssettm $0x1  }
0x91: {  	s19 =	sld [smem:$0x3FFB];
	_ =	sdelay $0x3  }
0x92: {  	_ =	strace s19  }
0x93: {  	s2 =	sld [smem:$0x3FFC];
	_ =	sdelay $0x3  }
0x94: {  	_ =	strace s2  }
0x95: {  	s2 =	sld [smem:$0x3FFD];
	_ =	sdelay $0x3  }
0x96: {  	_ =	strace s2  }
0x97: {  	_ =	strace $0x8FFFFFFF  }
0x98: {  	s20 =	sld [smem:$0x3FDB];
	_ =	sdelay $0x1  }
0x99: {  	s4 =	simm.s32 $_scs_section_size  }
0x9a: {  	s5 =	simm.s32 $_size__tile_overlayer_lowered;
	s6 =	simm.s32 $_tile_overlayer_lowered  }
0x9b: {  	s7 =	simm.s32 $0x1BFF;
	s21 =	sshll.u32 s6, $0x1;
	s4 =	sadd.s32 s4, s20  }
0x9c: {  	s22 =	simm.s32 $0x0;
	s5 =	sshll.u32 s5, $0x1;
	s6 =	sadd.s32 s21, s4  }
0x9d: {  	[timem:s22], [sflag:s7] =	dma.local [hbm:s6], s5  }
0x9e: {  	_ =	swait.ge [sflag:s7], s5  }
0x9f: {  	s5 =	ssub.s32 $0x0, s5;
	[sflag:s7] =	ssyncset.done $0x0  }
0xa0: {  	[sflag:s7] =	ssyncadd.s32 s5;
	_ =	sdelay $0x1  }
0xa1: {  	s23 =	simm.s32 $0x1B8B  }
0xa2: {  	_ =	swait.ge [sflag:s23], $0x1  }
0xa3: {  	[sflag:s23] =	ssyncset.done $0x0  }
0xa4: {  	[sflag:s23] =	ssyncadd.s32 $0xFFFFFFFF  }
0xa5: {  	s5 =	sld [smem:$0x0]  }
0xa6: {  	s6 =	sand.u32 $0xFFFFFFFE, s1  }
0xa7: {  	p0 =	sne.s32 s1, s6  }
0xa8: {  	s6 =	sshll.u32 @p0 s6, $0xE  }
0xa9: {  	s6 =	sadd.s32 @p0 $0x11B8D, s6;
	s7 =	sshll.u32 @p0 s5, $0x11  }
0xaa: {  	s6 =	sor.u32 @p0 s7, s6  }
0xab: {  	[sflag:s6] =	ssyncadd.remote.s32 @p0 $0x1;
	_ =	sdelay $0x1  }
0xac: {  	s6 =	simm.s32 @p0 $0x1B8D  }
0xad: {  	_ =	swait.eq @p0 [sflag:s6], $0x1  }
0xae: {  	[sflag:s6] =	ssyncadd.s32 @p0 $0xFFFFFFFF  }
0xaf: {  	s7 =	sshll.u32 @!p0 s1, $0xE  }
0xb0: {  	s7 =	sor.u32 @!p0 $0x4000, s7;
	s6 =	simm.s32 @!p0 $0x1B8D  }
0xb1: {  	s5 =	sshll.u32 @!p0 s5, $0x11;
	s7 =	sadd.s32 @!p0 $0x11B8D, s7;
	_ =	swait.eq @!p0 [sflag:s6], $0x1  }
0xb2: {  	s5 =	sor.u32 @!p0 s5, s7;
	[sflag:s6] =	ssyncadd.s32 @!p0 $0xFFFFFFFF  }
0xb3: {  	s25 =	simm.s32 $0x1B8E;
	s24 =	sld [smem:$0x3FFE];
	[sflag:s5] =	ssyncadd.remote.s32 @!p0 $0x1  }
0xb4: {  	s26 =	simm.s32 $execute0_lowered;
	[smem:$0x3FD2] =	sst s25  }
0xb5: {  	s6 =	sshll.u32 s26, $0x1;
	_ =	strace $0x80000055;
	[dreg:$0x1] =	wrdreg $0xFFFFFFFF  }
0xb6: {  	s28 =	simm.s32 $_size_execute0_lowered;
	s4 =	sadd.s32 s4, s6;
	[dreg:$0x0] =	wrdreg $0x0  }
0xb7: {  	s6 =	sshll.u32 s28, $0x1;
	[dreg:$0x2] =	wrdreg s4  }
0xb8: {  	[dreg:$0x3] =	wrdreg s6  }
0xb9: {  	[dreg:$0x4] =	wrdreg $0xC0  }
0xba: {  	_ =	task [dreg:s22], $0x5FFFF  }
0xbb: {  	[dreg:$0x1] =	wrdreg $0xFFFFFFFF  }
0xbc: {  	[dreg:$0x0] =	wrdreg $0x60  }
0xbd: {  	[dreg:$0x2] =	wrdreg s18  }
0xbe: {  	[dreg:$0x3] =	wrdreg s24  }
0xbf: {  	[dreg:$0x4] =	wrdreg $0xC  }
0xc0: {  	_ =	task.clear_ibuf [dreg:s22], $0x5FFFF;
	_ =	strace $0x90000055  }
0xc1: {  	s29 =	simm.s32 $0xC;
	_ =	strace $0x80000057  }
0xc2: {  	_ =	swait.ge [sflag:s29], $0x1  }
0xc3: {  	[sflag:s29] =	ssyncadd.s32 $0xFFFFFFFF  }
0xc4: {  	_ =	strace $0x90000057  }
0xc5: {  	_ =	sfence  }
0xc6: {  	s30 =	sld [smem:$0x0];
	_ =	sdelay $0x2  }
0xc7: {  	s31 =	sshll.u32 s1, $0xD;
	s1 =	sshrl.u32 s1, $0x2  }
0xc8: {  	s4 =	sand.u32 $0x4000, s31;
	s1 =	sadd.s32 s1, s30  }
0xc9: {  	s0 =	sor.u32 s4, s0;
	s1 =	sshll.u32 s1, $0x11  }
0xca: {  	s0 =	sor.u32 s1, s0  }
0xcb: {  	s0 =	sadd.s32 $0x8F2B, s0  }
0xcc: {  	[sflag:s0] =	ssyncadd.remote.s32 $0x1  }
0xcd: {  	_ =	sfence.sel $0xFFFF  }
0xce: {  	[dreg:$0x0] =	wrdreg $0xFFFFFFFF;
	(pc) =	sbr.abs _section_cstart, $3  }
0xcf: {  	[dreg:$0x1] =	wrdreg $0xFFFFFFFF  }
0xd0: {  	_ =	task.clear_ibuf [dreg:s22], $0x2FFFF;
	_ =	strace $0x9FFFFFFF  }
0xd1: {  	(tm) =	ssettm $0x7FFFFFFF  }
tec
execute0_lowered:
.L_overlay_start_1:
0x0: {  	(tag) =	ssettag $0x1  }
0x1: {  	s1 =	srdreg.scid;
	s0 =	stileid.u32  }
0x2: {  	s11 =	sand.u32 $0x1, s1;
	s26 =	sshll.u32 s0, $0x1  }
0x3: {  	s2 =	rddreg [dreg:$0x0];
	s9 =	sor.u32 s11, s26  }
0x4: {  	s10 =	rddreg [dreg:$0x1];
	s12 =	smul.u32 $0x280, s9  }
0x5: {  	s3 =	simm.s32 $0x0;
	s1 =	rddreg [dreg:$0x2]  }
0x6: {  	[smem:$0x7FF] =	sst s3;
	s13 =	sadd.s32 $0xF5C00, s10;
	s4 =	sshrl.u32 s12, $0x3  }
0x7: {  	_ =	strace $0x80000056;
	s5 =	sadd.s32 s13, s4;
	s4 =	simm.s32 $0x2  }
0x8: {  	[tilespmem:s3], [sflag:$0x2] =	stream.linear.gather [hbm4b:s5+s3], $0x140, $0x38;
	[tilespmem:$0xA180] =	vst v63  }
0x9: {  	_ =	swait.ge [sflag:s4], $0x140  }
0xa: {  	s6 =	simm.s32 $0x140;
	[sflag:s4] =	ssyncset.done $0x0  }
0xb: {  	s7 =	simm.s32 $0x180;
	s8 =	simm.s32 $0x1;
	[sflag:s4] =	ssyncadd.s32 $0xFFFFFEC0  }
0xc: {  	[tilespmem:s7], [sflag:$0x1] =	stream.indirect.gather [hbm4b:s2+s6], $0x80, s3, s6, $0xb8;
	[tilespmem:$0xA180] =	vst v63  }
0xd: {  	s9 =	smul.u32 $0x2800, s9;
	_ =	swait.ge [sflag:s8], $0xA000  }
0xe: {  	s14 =	sadd.s32 $0xF6600, s10;
	[sflag:s8] =	ssyncset.done $0x0  }
0xf: {  	s9 =	sadd.s32 s14, s9;
	[sflag:s8] =	ssyncadd.s32 $0xFFFF6000  }
0x10: {  	[hbm4b:s9+s3] =	stream.linear.scatter [tilespmem:s7], [sflag:$0x2], $0xA000, $0x38;
	[tilespmem:$0xA180] =	vst v63  }
0x11: {  	s12 =	sadd.s32 $0x140, s12;
	_ =	swait.ge [sflag:s4], $0xA000  }
0x12: {  	s28 =	sshrl.u32 s12, $0x3;
	[sflag:s4] =	ssyncset.done $0x0  }
0x13: {  	s11 =	ssub.s32 $0x2, s11;
	s10 =	sadd.s32 s13, s28;
	[sflag:s4] =	ssyncadd.s32 $0xFFFF6000  }
0x14: {  	[tilespmem:s3], [sflag:$0x2] =	stream.linear.gather [hbm4b:s10+s3], $0x140, $0x38;
	[tilespmem:$0xA180] =	vst v63  }
0x15: {  	s29 =	sshrl.u32 s11, $0x1;
	_ =	swait.ge [sflag:s4], $0x140  }
0x16: {  	s13 =	ssub.s32 s11, s29;
	[sflag:s4] =	ssyncset.done $0x0  }
0x17: {  	s31 =	smax.u32 s13, $0x1;
	[sflag:s4] =	ssyncadd.s32 $0xFFFFFEC0  }
0x18: {  	[tilespmem:s7], [sflag:$0x1] =	stream.indirect.gather [hbm4b:s2+s6], $0x80, s3, s6, $0xb8;
	[tilespmem:$0xA180] =	vst v63  }
0x19: {  	p0 =	sne.s32 s31, $0x1;
	_ =	swait.ge [sflag:s8], $0xA000  }
.Ltmp0:
0x1a: {  	s30 =	sshll.u32 s12, $0x4;
	[sflag:s8] =	ssyncset.done $0x0;
	(pc) =	sbr.rel @!p0 .LBB2_2-.Ltmp0, $4  }
0x1b: {  	s11 =	sadd.s32 s14, s30;
	[sflag:s8] =	ssyncadd.s32 $0xFFFF6000  }
0x1c: {  	[hbm4b:s11+s3] =	stream.linear.scatter [tilespmem:s7], [sflag:$0x2], $0xA000, $0x38;
	[tilespmem:$0xA180] =	vst v63  }
0x1d: {  	_ =	swait.ge [sflag:s4], $0xA000  }
0x1e: {  	s12 =	sadd.s32 $0xFFFFFFFF, s31;
	[sflag:s4] =	ssyncset.done $0x0  }
.LBB2_1:
0x1f: {  	p0 =	sne.s32 s12, $0x1;
	s12 =	sadd.s32 $0xFFFFFFFF, s12;
	[sflag:s4] =	ssyncadd.s32 $0xFFFF6000  }
0x20: {  	[tilespmem:s3], [sflag:$0x2] =	stream.linear.gather [hbm4b:s5+s3], $0x140, $0x38;
	[tilespmem:$0xA180] =	vst v63  }
0x21: {  	_ =	swait.ge [sflag:s4], $0x140  }
0x22: {  	[sflag:s4] =	ssyncset.done $0x0  }
0x23: {  	[sflag:s4] =	ssyncadd.s32 $0xFFFFFEC0  }
0x24: {  	[tilespmem:s7], [sflag:$0x1] =	stream.indirect.gather [hbm4b:s2+s6], $0x80, s3, s6, $0xb8;
	[tilespmem:$0xA180] =	vst v63  }
0x25: {  	_ =	swait.ge [sflag:s8], $0xA000  }
0x26: {  	[sflag:s8] =	ssyncset.done $0x0  }
0x27: {  	[sflag:s8] =	ssyncadd.s32 $0xFFFF6000  }
0x28: {  	[hbm4b:s9+s3] =	stream.linear.scatter [tilespmem:s7], [sflag:$0x2], $0xA000, $0x38;
	[tilespmem:$0xA180] =	vst v63  }
0x29: {  	_ =	swait.ge [sflag:s4], $0xA000  }
0x2a: {  	[sflag:s4] =	ssyncset.done $0x0  }
0x2b: {  	[sflag:s4] =	ssyncadd.s32 $0xFFFF6000  }
0x2c: {  	[tilespmem:s3], [sflag:$0x2] =	stream.linear.gather [hbm4b:s10+s3], $0x140, $0x38;
	[tilespmem:$0xA180] =	vst v63  }
0x2d: {  	_ =	swait.ge [sflag:s4], $0x140  }
0x2e: {  	[sflag:s4] =	ssyncset.done $0x0  }
0x2f: {  	[sflag:s4] =	ssyncadd.s32 $0xFFFFFEC0  }
0x30: {  	[tilespmem:s7], [sflag:$0x1] =	stream.indirect.gather [hbm4b:s2+s6], $0x80, s3, s6, $0xb8;
	[tilespmem:$0xA180] =	vst v63  }
0x31: {  	_ =	swait.ge [sflag:s8], $0xA000  }
.Ltmp1:
0x32: {  	[sflag:s8] =	ssyncset.done $0x0;
	(pc) =	sbr.rel @p0 .LBB2_1-.Ltmp1, $4  }
0x33: {  	[sflag:s8] =	ssyncadd.s32 $0xFFFF6000  }
0x34: {  	[hbm4b:s11+s3] =	stream.linear.scatter [tilespmem:s7], [sflag:$0x2], $0xA000, $0x38;
	[tilespmem:$0xA180] =	vst v63  }
0x35: {  	_ =	swait.ge [sflag:s4], $0xA000  }
0x36: {  	[sflag:s4] =	ssyncset.done $0x0  }
.LBB2_2:
0x37: {  	[sflag:s4] =	ssyncadd.s32 $0xFFFF6000  }
0x38: {  	_ =	sfence.sel $0x180000  }
0x39: {  	[bflag:$0x0] =	sbarrier.arrive $0xFFFF  }
0x3a: {  	p0 =	sne.s32 s0, $0x0;
	_ =	strace $0x90000056  }
0x3b: {  	s0 =	sadd.s32 @!p0 $0x100000, s1;
	[bflag:$0x2] =	sbarrier.arrive $0xFFFF  }
0x3c: {  	[sflag:s0] =	ssyncadd.tile.s32 @!p0 $0x1;
	_ =	shalt  }
.Lfunc_end2:
_tile_overlayer_lowered:
.L_overlay_start_2:
0x3d: {  	(tag) =	ssettag $0x2  }
0x3e: {  	s0 =	rddreg [dreg:$0x0];
	s2 =	stileid.u32  }
0x3f: {  	s1 =	rddreg [dreg:$0x1];
	p0 =	sne.s32 s2, $0x0  }
0x40: {  	s3 =	rddreg [dreg:$0x2];
	[bflag:$0x3] =	sbarrier.arrive $0xFFFF;
	s2 =	simm.s32 @!p0 $0x1C02  }
0x41: {  	[timem:s3], [sflag:s2] =	dma.local @!p0 [hbm:s0], s1  }
0x42: {  	s0 =	simm.s32 @!p0 $0x2  }
0x43: {  	_ =	swait.ge @!p0 [sflag:s0], s1  }
0x44: {  	s1 =	ssub.s32 @!p0 $0x0, s1;
	[sflag:s0] =	ssyncset.done @!p0 $0x0  }
0x45: {  	[sflag:s0] =	ssyncadd.s32 @!p0 s1  }
0x46: {  	[bflag:$0x3] =	sbarrier.arrive $0xFFFF  }
0x47: {  	_ =	shalt  }

// kernel: kernel.36.cloned.1.call-start
scs
__scs_entry_jumppad:
0x0: {  	(pc) =	sbr.rel $0x88, $3  }
0x1: {  	(tag) =	ssettag $0x0;
	lr =	simm.s32 $0x1  }
0x2: {  	[smem:$0x3F8E] =	sst lr;
	_ =	strace $0xD0000000  }
0x3: {  	_ = 	snop  }
0x4: {  	_ = 	snop  }
0x5: {  	_ = 	snop  }
0x6: {  	_ = 	snop  }
0x7: {  	_ = 	snop  }
__scs_overlays_trampoline_lowered:
0x8: {  	[smem:$0x3F9D] =	sst s0  }
0x9: {  	[smem:$0x3F9E] =	sst s1  }
0xa: {  	[smem:$0x3F9F] =	sst s2  }
0xb: {  	[smem:$0x3FA0] =	sst s3  }
0xc: {  	[smem:$0x3FA1] =	sst s4  }
0xd: {  	[smem:$0x3FA2] =	sst s5  }
0xe: {  	[smem:$0x3FA3] =	sst s6  }
0xf: {  	[smem:$0x3FA4] =	sst s7  }
0x10: {  	[smem:$0x3FA5] =	sst s8  }
0x11: {  	[smem:$0x3FA6] =	sst s9;
	s0 =	simm.s32 @!p0 $0x0  }
0x12: {  	s1 =	sld [smem:$0x3F8C];
	s0 =	simm.s32 @p0 $0x1  }
0x13: {  	[smem:$0x3FA7] =	sst s0;
	s0 =	simm.s32 @!p1 $0x0  }
0x14: {  	s2 =	sld [smem:$0x3F8B];
	s0 =	simm.s32 @p1 $0x1  }
0x15: {  	[smem:$0x3FA8] =	sst s0;
	s0 =	simm.s32 @!p2 $0x0  }
0x16: {  	s3 =	sld [smem:$0x3FDB];
	s0 =	simm.s32 @p2 $0x1  }
0x17: {  	s4 =	simm.s32 $0x1BF5;
	[smem:$0x3FAA] =	sst s0  }
0x18: {  	s0 =	sld [smem:$0x3F8D];
	_ =	swait.ge [sflag:s4], $0x0  }
0x19: {  	s7 =	sld [smem:$0x3F8E]  }
0x1a: {  	s8 =	sadd.s32 $0xFFFFE003, lr  }
0x1b: {  	s9 =	sadd.s32 $0xFFFFFEF7, lr;
	s5 =	simm.s32 $0xFFFFFFFF;
	p2 =	slt.u32 s8, $0xFFFFF086  }
0x1c: {  	p1 =	slt.u32 s9, $0xF7A;
	s5 =	simm.s32 @!p2 $0x0  }
0x1d: {  	s5 =	simm.s32 @p1 $0x1;
	p0 =	seq.s32 s7, s2  }
0x1e: {  	s7 =	smul.u32 @!p0 $0xF7A, s2;
	p2 =	seq.s32 @!p0 s5, $0x0  }
0x1f: {  	s9 =	smul.u32 $0xF7A, s1;
	s8 =	simm.s32 @!p0 $0x1BF5;
	p2 =	por !p2, p0  }
0x20: {  	[sflag:s8] =	ssyncset.s32 @!p0 $0xFFFFF086;
	s6 =	sadd.s32 @!p0 s3, s7;
	s7 =	simm.s32 @!p0 $0x108  }
0x21: {  	s3 =	sadd.s32 s3, s9;
	s6 =	sadd.s32 @!p0 $0x88, s6;
	s7 =	simm.s32 @p2 $0x1082  }
0x22: {  	[simem:s7], [sflag:s8] =	dma.local @!p0 [hbm:s6], $0xF7A  }
0x23: {  	s9 =	sor.u32 $0xD0000000, s2;
	s6 =	simm.s32 $0x108;
	_ =	swait.ge @!p0 [sflag:s8], $0x0  }
0x24: {  	s3 =	sadd.s32 $0x88, s3;
	s6 =	simm.s32 @!p1 $0x1082;
	[sflag:s4] =	ssyncset.s32 $0xFFFFF086  }
0x25: {  	[simem:s6], [sflag:s4] =	dma.local [hbm:s3], $0xF7A  }
0x26: {  	[smem:$0x3F8E] =	sst s1;
	(tag) =	ssettag s2;
	_ =	strace s9  }
0x27: {  	s1 =	sld [smem:$0x3F9E]  }
0x28: {  	s2 =	sld [smem:$0x3F9F]  }
0x29: {  	s4 =	sld [smem:$0x3FA1]  }
0x2a: {  	p0 =	seq.s32 s5, $0x0;
	s5 =	sld [smem:$0x3FA2]  }
0x2b: {  	s6 =	sld [smem:$0x3FA3]  }
0x2c: {  	s7 =	sld [smem:$0x3FA4]  }
0x2d: {  	s3 =	simm.s32 $0x108;
	s8 =	sld [smem:$0x3FA5]  }
0x2e: {  	s3 =	simm.s32 @!p0 $0x1082;
	s9 =	sld [smem:$0x3FA6]  }
0x2f: {  	lr =	sadd.s32 s0, s3;
	s0 =	sld [smem:$0x3F9D]  }
0x30: {  	s3 =	sld [smem:$0x3FA0]  }
0x31: {  	[smem:$0x3FA9] =	sst s10  }
0x32: {  	s10 =	sld [smem:$0x3FA7];
	_ =	sdelay $0x3  }
0x33: {  	p0 =	seq.s32 s10, $0x1;
	s10 =	sld [smem:$0x3FA9];
	_ =	sdelay $0x3  }
0x34: {  	[smem:$0x3FA9] =	sst s10  }
0x35: {  	s10 =	sld [smem:$0x3FA8];
	_ =	sdelay $0x3  }
0x36: {  	p1 =	seq.s32 s10, $0x1;
	s10 =	sld [smem:$0x3FA9];
	_ =	sdelay $0x3  }
0x37: {  	[smem:$0x3FA9] =	sst s10  }
0x38: {  	s10 =	sld [smem:$0x3FAA]  }
0x39: {  	_ = 	snop;
	(pc) =	sbr.ind lr, $3  }
0x3a: {  	_ = 	snop  }
0x3b: {  	_ = 	snop  }
0x3c: {  	p2 =	seq.s32 s10, $0x1;
	s10 =	sld [smem:$0x3FA9]  }
0x3d: {  	_ =	shalt  }
0x3e: {  	_ =	shalt  }
0x3f: {  	_ =	shalt  }
0x40: {  	_ =	shalt  }
0x41: {  	_ =	shalt  }
0x42: {  	_ =	shalt  }
0x43: {  	_ =	shalt  }
0x44: {  	_ =	shalt  }
0x45: {  	_ =	shalt  }
0x46: {  	_ =	shalt  }
0x47: {  	_ =	shalt  }
0x48: {  	_ =	shalt  }
0x49: {  	_ =	shalt  }
0x4a: {  	_ =	shalt  }
0x4b: {  	_ =	shalt  }
0x4c: {  	_ =	shalt  }
0x4d: {  	_ =	shalt  }
0x4e: {  	_ =	shalt  }
0x4f: {  	_ =	shalt  }
0x50: {  	_ =	shalt  }
0x51: {  	_ =	shalt  }
0x52: {  	_ =	shalt  }
0x53: {  	_ =	shalt  }
0x54: {  	_ =	shalt  }
0x55: {  	_ =	shalt  }
0x56: {  	_ =	shalt  }
0x57: {  	_ =	shalt  }
0x58: {  	_ =	shalt  }
0x59: {  	_ =	shalt  }
0x5a: {  	_ =	shalt  }
0x5b: {  	_ =	shalt  }
0x5c: {  	_ =	shalt  }
0x5d: {  	_ =	shalt  }
0x5e: {  	_ =	shalt  }
0x5f: {  	_ =	shalt  }
0x60: {  	_ =	shalt  }
0x61: {  	_ =	shalt  }
0x62: {  	_ =	shalt  }
0x63: {  	_ =	shalt  }
0x64: {  	_ =	shalt  }
0x65: {  	_ =	shalt  }
0x66: {  	_ =	shalt  }
0x67: {  	_ =	shalt  }
0x68: {  	_ =	shalt  }
0x69: {  	_ =	shalt  }
0x6a: {  	_ =	shalt  }
0x6b: {  	_ =	shalt  }
0x6c: {  	_ =	shalt  }
0x6d: {  	_ =	shalt  }
0x6e: {  	_ =	shalt  }
0x6f: {  	_ =	shalt  }
0x70: {  	_ =	shalt  }
0x71: {  	_ =	shalt  }
0x72: {  	_ =	shalt  }
0x73: {  	_ =	shalt  }
0x74: {  	_ =	shalt  }
0x75: {  	_ =	shalt  }
0x76: {  	_ =	shalt  }
0x77: {  	_ =	shalt  }
0x78: {  	_ =	shalt  }
0x79: {  	_ =	shalt  }
0x7a: {  	_ =	shalt  }
0x7b: {  	_ =	shalt  }
0x7c: {  	_ =	shalt  }
0x7d: {  	_ =	shalt  }
0x7e: {  	_ =	shalt  }
0x7f: {  	_ =	shalt  }
0x80: {  	_ =	shalt  }
0x81: {  	_ =	shalt  }
0x82: {  	_ =	shalt  }
0x83: {  	_ =	shalt  }
0x84: {  	_ =	shalt  }
0x85: {  	_ =	shalt  }
0x86: {  	_ =	shalt  }
0x87: {  	_ =	shalt  }
.Lfunc_end0:
.L_simem_size_0:
called_computation.6_lowered:
.L_overlay_start_0:
0x88: {  	s2 =	sld [smem:$0x3FD9]  }
0x89: {  	s3 =	sld [smem:$0x3FFE];
	_ =	sdelay $0x1  }
0x8a: {  	s1 =	srdreg.scid  }
0x8b: {  	s0 =	sand.u32 $0x1, s1  }
0x8c: {  	s17 =	sshll.u32 s0, $0xA;
	s2 =	sadd.s32 s3, s2  }
0x8d: {  	s2 =	sadd.s32 s2, s17  }
0x8e: {  	[smem:$0x3FB5] =	sst s2  }
0x8f: {  	_ = 	snop  }
0x90: {  	s2 =	sld [smem:$0x3FD0];
	(tm) =	ssettm $0x1  }
0x91: {  	s18 =	sld [smem:$0x3FFB];
	_ =	sdelay $0x3  }
0x92: {  	_ =	strace s18  }
0x93: {  	s3 =	sld [smem:$0x3FFC];
	_ =	sdelay $0x3  }
0x94: {  	_ =	strace s3  }
0x95: {  	s3 =	sld [smem:$0x3FFD];
	_ =	sdelay $0x3  }
0x96: {  	_ =	strace s3  }
0x97: {  	_ =	strace $0x8FFFFFFF  }
0x98: {  	s19 =	sld [smem:$0x3FDB];
	_ =	sdelay $0x1  }
0x99: {  	s4 =	simm.s32 $_scs_section_size  }
0x9a: {  	s5 =	simm.s32 $_size__tile_overlayer_lowered;
	s6 =	simm.s32 $_tile_overlayer_lowered  }
0x9b: {  	s22 =	simm.s32 $0x1BFF;
	s21 =	sshll.u32 s6, $0x1;
	s3 =	sadd.s32 s4, s19  }
0x9c: {  	s7 =	simm.s32 $0x0;
	s20 =	sshll.u32 s5, $0x1;
	s5 =	sadd.s32 s21, s3  }
0x9d: {  	[timem:s7], [sflag:s22] =	dma.local [hbm:s5], s20  }
0x9e: {  	_ =	swait.ge [sflag:s22], s20  }
0x9f: {  	s4 =	ssub.s32 $0x0, s20;
	[sflag:s22] =	ssyncset.done $0x0  }
0xa0: {  	[sflag:s22] =	ssyncadd.s32 s4;
	_ =	sdelay $0x1  }
0xa1: {  	s23 =	simm.s32 $0x1B8B  }
0xa2: {  	_ =	swait.ge [sflag:s23], $0x1  }
0xa3: {  	[sflag:s23] =	ssyncset.done $0x0  }
0xa4: {  	s25 =	simm.s32 $0x1B8E;
	s24 =	sld [smem:$0x3FFE];
	[sflag:s23] =	ssyncadd.s32 $0xFFFFFFFF  }
0xa5: {  	s26 =	simm.s32 $execute0_lowered;
	[smem:$0x3FD2] =	sst s25  }
0xa6: {  	s5 =	sshll.u32 s26, $0x1;
	_ =	strace $0x80000058;
	[dreg:$0x1] =	wrdreg $0xFFFFFFFF  }
0xa7: {  	s28 =	simm.s32 $_size_execute0_lowered;
	s3 =	sadd.s32 s3, s5;
	[dreg:$0x0] =	wrdreg $0x0  }
0xa8: {  	s5 =	sshll.u32 s28, $0x1;
	[dreg:$0x2] =	wrdreg s3  }
0xa9: {  	[dreg:$0x3] =	wrdreg s5  }
0xaa: {  	[dreg:$0x4] =	wrdreg $0xC0  }
0xab: {  	_ =	task [dreg:s7], $0x5FFFF  }
0xac: {  	[dreg:$0x1] =	wrdreg $0xFFFFFFFF  }
0xad: {  	[dreg:$0x0] =	wrdreg $0x60  }
0xae: {  	[dreg:$0x2] =	wrdreg s24  }
0xaf: {  	[dreg:$0x3] =	wrdreg s2  }
0xb0: {  	[dreg:$0x4] =	wrdreg $0x9  }
0xb1: {  	_ =	task.clear_ibuf [dreg:s7], $0x5FFFF;
	_ =	strace $0x90000058  }
0xb2: {  	s29 =	simm.s32 $0x9;
	_ =	strace $0x8000005A  }
0xb3: {  	_ =	swait.ge [sflag:s29], $0x1  }
0xb4: {  	[sflag:s29] =	ssyncadd.s32 $0xFFFFFFFF  }
0xb5: {  	_ =	strace $0x9000005A  }
0xb6: {  	_ =	sfence  }
0xb7: {  	s30 =	sld [smem:$0x0];
	_ =	sdelay $0x2  }
0xb8: {  	s31 =	sshll.u32 s1, $0xD;
	s1 =	sshrl.u32 s1, $0x2  }
0xb9: {  	s3 =	sand.u32 $0x4000, s31;
	s1 =	sadd.s32 s1, s30  }
0xba: {  	s0 =	sor.u32 s3, s0;
	s1 =	sshll.u32 s1, $0x11  }
0xbb: {  	s0 =	sor.u32 s1, s0  }
0xbc: {  	s0 =	sadd.s32 $0x8F2B, s0  }
0xbd: {  	[sflag:s0] =	ssyncadd.remote.s32 $0x1  }
0xbe: {  	_ =	sfence.sel $0xFFFF  }
0xbf: {  	[dreg:$0x0] =	wrdreg $0xFFFFFFFF;
	(pc) =	sbr.abs _section_cstart, $3  }
0xc0: {  	[dreg:$0x1] =	wrdreg $0xFFFFFFFF  }
0xc1: {  	_ =	task.clear_ibuf [dreg:s7], $0x2FFFF;
	_ =	strace $0x9FFFFFFF  }
0xc2: {  	(tm) =	ssettm $0x7FFFFFFF  }
0xc3: {  	_ =	shalt  }
tec
execute0_lowered:
.L_overlay_start_1:
0x0: {  	(tag) =	ssettag $0x1  }
0x1: {  	s1 =	srdreg.scid  }
0x2: {  	s0 =	stileid.u32;
	s9 =	rddreg [dreg:$0x0]  }
0x3: {  	s3 =	rddreg [dreg:$0x1];
	s6 =	sand.u32 $0x1, s1;
	s30 =	sshll.u32 s0, $0x1  }
0x4: {  	s2 =	simm.s32 $0x0;
	s1 =	rddreg [dreg:$0x2];
	s7 =	sor.u32 s6, s30  }
0x5: {  	s8 =	simm.s32 $0x1;
	[smem:$0x7FF] =	sst s2;
	s4 =	smul.u32 $0x14, s7  }
0x6: {  	s5 =	sadd.s32 $0x3E00, s9;
	_ =	strace $0x80000059;
	s11 =	ssub.s32 $0x2, s6  }
0x7: {  	s6 =	simm.s32 $0xA0;
	s4 =	sadd.s32 s3, s4;
	s3 =	simm.s32 $0x2  }
0x8: {  	[tilespmem:s2], [sflag:$0x2] =	stream.linear.gather [hbm4b:s4+s2], $0xA0, $0x38;
	[tilespmem:$0x5100] =	vst v63  }
0x9: {  	s10 =	smul.u32 $0xA00, s7;
	s12 =	sshrl.u32 s11, $0x1;
	_ =	swait.ge [sflag:s3], $0xA0  }
0xa: {  	s7 =	simm.s32 $0x100;
	s31 =	ssub.s32 s11, s12;
	[sflag:s3] =	ssyncset.done $0x0  }
0xb: {  	s9 =	sadd.s32 s10, s9;
	s10 =	smax.u32 s31, $0x1;
	[sflag:s3] =	ssyncadd.s32 $0xFFFFFF60  }
0xc: {  	[tilespmem:s7], [sflag:$0x1] =	stream.indirect.gather [hbm4b:s5+s6], $0x80, s2, s6, $0xb8;
	[tilespmem:$0x5100] =	vst v63  }
0xd: {  	p0 =	sne.s32 s10, $0x1;
	_ =	swait.ge [sflag:s8], $0x5000  }
.Ltmp0:
0xe: {  	[sflag:s8] =	ssyncset.done $0x0;
	(pc) =	sbr.rel @!p0 .LBB2_2-.Ltmp0, $4  }
0xf: {  	s9 =	sadd.s32 $0x17E00, s9;
	[sflag:s8] =	ssyncadd.s32 $0xFFFFB000  }
0x10: {  	[hbm4b:s9+s2] =	stream.linear.scatter [tilespmem:s7], [sflag:$0x2], $0x5000, $0x38;
	[tilespmem:$0x5100] =	vst v63  }
0x11: {  	_ =	swait.ge [sflag:s3], $0x5000  }
0x12: {  	s10 =	sadd.s32 $0xFFFFFFFF, s10;
	[sflag:s3] =	ssyncset.done $0x0  }
.LBB2_1:
0x13: {  	p0 =	sne.s32 s10, $0x1;
	s10 =	sadd.s32 $0xFFFFFFFF, s10;
	[sflag:s3] =	ssyncadd.s32 $0xFFFFB000  }
0x14: {  	[tilespmem:s2], [sflag:$0x2] =	stream.linear.gather [hbm4b:s4+s2], $0xA0, $0x38;
	[tilespmem:$0x5100] =	vst v63  }
0x15: {  	_ =	swait.ge [sflag:s3], $0xA0  }
0x16: {  	[sflag:s3] =	ssyncset.done $0x0  }
0x17: {  	[sflag:s3] =	ssyncadd.s32 $0xFFFFFF60  }
0x18: {  	[tilespmem:s7], [sflag:$0x1] =	stream.indirect.gather [hbm4b:s5+s6], $0x80, s2, s6, $0xb8;
	[tilespmem:$0x5100] =	vst v63  }
0x19: {  	_ =	swait.ge [sflag:s8], $0x5000  }
.Ltmp1:
0x1a: {  	[sflag:s8] =	ssyncset.done $0x0;
	(pc) =	sbr.rel @p0 .LBB2_1-.Ltmp1, $4  }
0x1b: {  	[sflag:s8] =	ssyncadd.s32 $0xFFFFB000  }
0x1c: {  	[hbm4b:s9+s2] =	stream.linear.scatter [tilespmem:s7], [sflag:$0x2], $0x5000, $0x38;
	[tilespmem:$0x5100] =	vst v63  }
0x1d: {  	_ =	swait.ge [sflag:s3], $0x5000  }
0x1e: {  	[sflag:s3] =	ssyncset.done $0x0  }
.LBB2_2:
0x1f: {  	[sflag:s3] =	ssyncadd.s32 $0xFFFFB000  }
0x20: {  	_ =	sfence.sel $0x180000  }
0x21: {  	[bflag:$0x0] =	sbarrier.arrive $0xFFFF  }
0x22: {  	p0 =	sne.s32 s0, $0x0;
	_ =	strace $0x90000059  }
0x23: {  	s0 =	sadd.s32 @!p0 $0x100000, s1;
	[bflag:$0x2] =	sbarrier.arrive $0xFFFF  }
0x24: {  	[sflag:s0] =	ssyncadd.tile.s32 @!p0 $0x1;
	_ =	shalt  }
.Lfunc_end2:
_tile_overlayer_lowered:
.L_overlay_start_2:
0x25: {  	(tag) =	ssettag $0x2  }
0x26: {  	s0 =	rddreg [dreg:$0x0];
	s2 =	stileid.u32  }
0x27: {  	s1 =	rddreg [dreg:$0x1];
	p0 =	sne.s32 s2, $0x0  }
0x28: {  	s3 =	rddreg [dreg:$0x2];
	[bflag:$0x3] =	sbarrier.arrive $0xFFFF;
	s2 =	simm.s32 @!p0 $0x1C02  }
0x29: {  	[timem:s3], [sflag:s2] =	dma.local @!p0 [hbm:s0], s1  }
0x2a: {  	s0 =	simm.s32 @!p0 $0x2  }
0x2b: {  	_ =	swait.ge @!p0 [sflag:s0], s1  }
0x2c: {  	s1 =	ssub.s32 @!p0 $0x0, s1;
	[sflag:s0] =	ssyncset.done @!p0 $0x0  }
0x2d: {  	[sflag:s0] =	ssyncadd.s32 @!p0 s1  }
0x2e: {  	[bflag:$0x3] =	sbarrier.arrive $0xFFFF  }
0x2f: {  	_ =	shalt  }

</sc_bundles>
